<compile_context>
chip_gen: v7x
topology: tpu7x:2x2x1
jax: 0.10.2.dev20260603
libtpu: 0.0.44.dev20260713+nightly
codegen_flags: <defaults>
</compile_context>

<pallas_src>
import functools

import jax
import jax.numpy as jnp
from jax import lax
from jax.experimental import pallas as pl
from jax.experimental.pallas import tpu as pltpu
from jax.experimental.pallas import tpu_sc as plsc

_NUM_CORES = 2
_NUM_SUBCORES = 16
_NUM_WORKERS = _NUM_CORES * _NUM_SUBCORES

_VOCAB = 1_000_000
_D = 64
_CHUNK = 128
_NSUB = _CHUNK // 128
_MESH = plsc.VectorSubcoreMesh(core_axis_name="c", subcore_axis_name="s")
_PARAMS = pltpu.CompilerParams(
    use_tc_tiling_on_sc=True, needs_layout_passes=False
)


def _make_gather(n_seq, n_tok):
    n_chunks_per_seq = n_tok // _CHUNK
    n_tasks = n_seq * n_chunks_per_seq
    n_my = n_tasks // _NUM_WORKERS

    @functools.partial(
        pl.kernel,
        mesh=_MESH,
        out_type=jax.ShapeDtypeStruct((n_seq, n_tok, _D), jnp.float32),
        scratch_types=[
            pltpu.VMEM((2, _NSUB, 128), jnp.int32),
            pltpu.VMEM((2, _CHUNK, 2 * _D), jnp.float32),
            pltpu.VMEM((2, _CHUNK, _D), jnp.float32),
            pltpu.SemaphoreType.DMA,
            pltpu.SemaphoreType.DMA,
            pltpu.SemaphoreType.DMA,
            pltpu.SemaphoreType.DMA,
            pltpu.SemaphoreType.DMA,
            pltpu.SemaphoreType.DMA,
        ],
        compiler_params=_PARAMS,
    )
    def _gather(
        td_hbm, xt_hbm, out_hbm, idxb, rows, outb,
        ix0, ix1, g0, g1, w0, w1,
    ):
        wid = _worker_id()
        ixsems = (ix0, ix1)
        gsems = (g0, g1)
        wsems = (w0, w1)

        def ji(t):
            c = wid * n_my + t
            return c // n_chunks_per_seq, (c % n_chunks_per_seq) * _CHUNK

        def fire_idx(t, slot):
            j, i0 = ji(t)
            for h in range(_NSUB):
                pltpu.async_copy(
                    xt_hbm.at[j, pl.ds(i0 + h * 128, 128)],
                    idxb.at[slot, h],
                    ixsems[slot],
                )
        def wait_idx(slot):
            for h in range(_NSUB):
                pltpu.make_async_copy(
                    xt_hbm.at[0, pl.ds(0, 128)],
                    idxb.at[slot, h],
                    ixsems[slot],
                ).wait()

        def fire_gather(slot):
            for h in range(_NSUB):
                pltpu.async_copy(
                    td_hbm.at[idxb.at[slot, h]],
                    rows.at[slot, pl.ds(h * 128, 128)],
                    gsems[slot],
                )

        def wait_gather(slot):
            for h in range(_NSUB):
                pltpu.make_async_copy(
                    td_hbm.at[idxb.at[slot, h]],
                    rows.at[slot, pl.ds(h * 128, 128)],
                    gsems[slot],
                ).wait()

        def fire_out(t, slot):
            j, i0 = ji(t)
            pltpu.async_copy(
                outb.at[slot],
                out_hbm.at[j, pl.ds(i0, _CHUNK)],
                wsems[slot],
            )

        def wait_out(slot):
            pltpu.make_async_copy(
                outb.at[slot], out_hbm.at[0, pl.ds(0, _CHUNK)], wsems[slot]
            ).wait()

        def select(slot):
            @plsc.parallel_loop(0, _CHUNK // 16, unroll=2)
            def grp(g):
                h = g // (128 // 16)
                v16 = idxb[slot, h, pl.ds(lax.rem(g, 128 // 16) * 16, 16)]
                s16 = lax.mul(lax.bitwise_and(v16, 1), _D)
                for cc in range(16):
                    c = g * 16 + cc
                    s = s16[cc]
                    for k in range(_D // 16):
                        outb[slot, c, pl.ds(k * 16, 16)] = rows[
                            slot, c, pl.ds(s + k * 16, 16)
                        ]

        fire_idx(0, 0)
        fire_idx(1, 1)
        wait_idx(0)
        fire_gather(0)

        def step(g, _):
            for slot in (0, 1):
                t = 2 * g + slot
                nxt = 1 - slot

                @pl.when(t + 1 < n_my)
                def _():
                    wait_idx(nxt)
                    fire_gather(nxt)

                wait_gather(slot)

                @pl.when(t >= 2)
                def _():
                    wait_out(slot)

                select(slot)
                fire_out(t, slot)

                @pl.when(t + 2 < n_my)
                def _():
                    fire_idx(t + 2, slot)

            return 0

        lax.fori_loop(0, n_my // 2, step, 0)
        wait_out(0)
        wait_out(1)

    return _gather


def _worker_id():
    return lax.axis_index("s") * _NUM_CORES + lax.axis_index("c")


@jax.jit
def _embed(x, table):
    n_tok, n_seq = x.shape
    tdup = jnp.concatenate([table, table], axis=1)
    xt = x.T.astype(jnp.int32)
    p = _make_gather(n_seq, n_tok)(tdup, xt)
    return p.transpose(1, 0, 2)


def kernel(x, table):
    return _embed(x, table)

# --- scband reference (transcript-rebuilt; emitter-appended) ---
"""Pipeline reference for scband-inputembedding-20650202759686 (READ-ONLY COPY).

The authoritative reference and input builder live on the scoring server;
editing this copy changes nothing except your own understanding.
"""

import jax, jax.numpy as jnp
import numpy as np

VOCAB = 1000000
EMB_DIM = 64

def setup_inputs(seed: int = 0) -> dict:
    key = jax.random.key(seed)
    k_idx, k_tab = jax.random.split(key)
    x = jax.random.randint(k_idx, (4096, 200), 0, VOCAB, dtype=jnp.int64)
    # nn.Embedding default init: N(0, 1)
    table = jax.random.normal(k_tab, (VOCAB, EMB_DIM), dtype=jnp.float32)
    return {"x": x, "table": table}

def reference(x, table):
    # Inputembedding.forward: self.embed(x) -> gather rows of the embedding table
    return jnp.take(table, x, axis=0)

if __name__ == "__main__":
    import jax
    _d = setup_inputs()
    print(jax.jit(kernel)(*tuple(_d.values())))

</pallas_src>

<mosaic_0001>
#map = affine_map<(d0, d1) -> (0, 0)>
#map1 = affine_map<(d0, d1) -> (0, 0, 0)>
module attributes {stable_mosaic.version = 14 : i64} {
  func.func @_gather(%arg0: i32, %arg1: i32, %arg2: memref<1000000x128xf32, #tpu.memory_space<hbm>>, %arg3: memref<200x4096xi32, #tpu.memory_space<hbm>>, %arg4: memref<200x4096x64xf32, #tpu.memory_space<hbm>>, %arg5: memref<2x1x128xi32, #tpu.memory_space<vmem>>, %arg6: memref<2x128x128xf32, #tpu.memory_space<vmem>>, %arg7: memref<2x128x64xf32, #tpu.memory_space<vmem>>, %arg8: memref<!tpu.dma_semaphore, #tpu.memory_space<semaphore_mem>>, %arg9: memref<!tpu.dma_semaphore, #tpu.memory_space<semaphore_mem>>, %arg10: memref<!tpu.dma_semaphore, #tpu.memory_space<semaphore_mem>>, %arg11: memref<!tpu.dma_semaphore, #tpu.memory_space<semaphore_mem>>, %arg12: memref<!tpu.dma_semaphore, #tpu.memory_space<semaphore_mem>>, %arg13: memref<!tpu.dma_semaphore, #tpu.memory_space<semaphore_mem>>) attributes {dimension_semantics = [#tpu.dimension_semantics<core_parallel>, #tpu.dimension_semantics<subcore_parallel>], iteration_bounds = array<i64: 2, 16>, scalar_prefetch = 0 : i64, scratch_operands = 9 : i64, tpu.core_type = #tpu.core_type<sc_vector_subcore>, window_params = [{transform_indices = #map}, {transform_indices = #map}, {transform_indices = #map1}]} {
    %mul3A = arith.constant 2 : i32
    %mul3A_0 = arith.muli %arg1, %mul3A : i32
    %add3A = arith.addi %mul3A_0, %arg0 : i32
    %mul3A_1 = arith.constant 200 : i32
    %mul3A_2 = arith.muli %add3A, %mul3A_1 : i32
    %add3A_3 = arith.constant 0 : i32
    %add3A_4 = arith.addi %mul3A_2, %add3A_3 : i32
    %jit3A = arith.constant 32 : i32
    %div3A = arith.divsi %add3A_4, %jit3A : i32
    %sign3A = arith.constant 0 : i32
    %sign3A_5 = arith.cmpi sgt, %add3A_4, %sign3A : i32
    %sign3A_6 = arith.extui %sign3A_5 : i1 to i32
    %sign3A_7 = arith.constant 0 : i32
    %sign3A_8 = arith.cmpi slt, %add3A_4, %sign3A_7 : i32
    %sign3A_9 = arith.extui %sign3A_8 : i1 to i32
    %sign3A_10 = arith.subi %sign3A_6, %sign3A_9 : i32
    %sign3A_11 = arith.constant 0 : i32
    %sign3A_12 = arith.cmpi sgt, %jit3A, %sign3A_11 : i32
    %sign3A_13 = arith.extui %sign3A_12 : i1 to i32
    %sign3A_14 = arith.constant 0 : i32
    %sign3A_15 = arith.cmpi slt, %jit3A, %sign3A_14 : i32
    %sign3A_16 = arith.extui %sign3A_15 : i1 to i32
    %sign3A_17 = arith.subi %sign3A_13, %sign3A_16 : i32
    %ne3A = arith.cmpi ne, %sign3A_10, %sign3A_17 : i32
    %rem3A = arith.remsi %add3A_4, %jit3A : i32
    %ne3A_18 = arith.constant 0 : i32
    %ne3A_19 = arith.cmpi ne, %rem3A, %ne3A_18 : i32
    %and3A = arith.andi %ne3A, %ne3A_19 : i1
    %sub3A = arith.constant 1 : i32
    %sub3A_20 = arith.subi %div3A, %sub3A : i32
    %select_n3A = arith.select %and3A, %sub3A_20, %div3A : i32
    %jit3A_21 = arith.constant 32 : i32
    %eq3A = arith.constant 0 : i32
    %eq3A_22 = arith.cmpi eq, %jit3A_21, %eq3A : i32
    %jit3A_23 = arith.constant 1 : i32
    %select_n3A_24 = arith.select %eq3A_22, %jit3A_23, %jit3A_21 : i32
    %rem3A_25 = arith.remsi %add3A_4, %select_n3A_24 : i32
    %ne3A_26 = arith.constant 0 : i32
    %ne3A_27 = arith.cmpi ne, %rem3A_25, %ne3A_26 : i32
    %lt3A = arith.constant 0 : i32
    %lt3A_28 = arith.cmpi slt, %rem3A_25, %lt3A : i32
    %lt3A_29 = arith.constant 0 : i32
    %lt3A_30 = arith.cmpi slt, %select_n3A_24, %lt3A_29 : i32
    %ne3A_31 = arith.xori %lt3A_28, %lt3A_30 : i1
    %and3A_32 = arith.andi %ne3A_31, %ne3A_27 : i1
    %add3A_33 = arith.addi %rem3A_25, %select_n3A_24 : i32
    %select_n3A_34 = arith.select %and3A_32, %add3A_33, %rem3A_25 : i32
    %mul3A_35 = arith.constant 128 : i32
    %mul3A_36 = arith.muli %select_n3A_34, %mul3A_35 : i32
    %add3A_37 = arith.constant 0 : i32
    %add3A_38 = arith.addi %mul3A_36, %add3A_37 : i32
    %dma_start3A = arith.constant 0 : i32
    %dma_start3A_39 = arith.constant 0 : i32
    %dma_start3A_40 = arith.constant 0 : i32
    %dma_start3A_41 = tpu.memref_slice %arg5[%dma_start3A, %dma_start3A_39, %dma_start3A_40] : memref<2x1x128xi32, #tpu.memory_space<vmem>> -> memref<1x1x128xi32, #tpu.memory_space<vmem>>
    %dma_start3A_42 = tpu.memref_squeeze %dma_start3A_41 : memref<1x1x128xi32, #tpu.memory_space<vmem>> -> memref<128xi32, #tpu.memory_space<vmem>>
    %dma_start3A_43 = tpu.memref_slice %arg3[%select_n3A, %add3A_38] : memref<200x4096xi32, #tpu.memory_space<hbm>> -> memref<1x128xi32, #tpu.memory_space<hbm>>
    %dma_start3A_44 = tpu.memref_squeeze %dma_start3A_43 : memref<1x128xi32, #tpu.memory_space<hbm>> -> memref<128xi32, #tpu.memory_space<hbm>>
    %dma_start3A_45 = arith.constant 0 : i32
    %dma_start3A_46 = tpu.memref_slice %arg5[%dma_start3A, %dma_start3A_39, %dma_start3A_45] : memref<2x1x128xi32, #tpu.memory_space<vmem>> -> memref<1x1x128xi32, #tpu.memory_space<vmem>>
    %dma_start3A_47 = tpu.memref_squeeze %dma_start3A_46 : memref<1x1x128xi32, #tpu.memory_space<vmem>> -> memref<128xi32, #tpu.memory_space<vmem>>
    %dma_start3A_48 = tpu.memref_slice %arg3[%select_n3A, %add3A_38] : memref<200x4096xi32, #tpu.memory_space<hbm>> -> memref<1x128xi32, #tpu.memory_space<hbm>>
    %dma_start3A_49 = tpu.memref_squeeze %dma_start3A_48 : memref<1x128xi32, #tpu.memory_space<hbm>> -> memref<128xi32, #tpu.memory_space<hbm>>
    tpu.enqueue_dma source(%dma_start3A_49 : memref<128xi32, #tpu.memory_space<hbm>>) target(%dma_start3A_47 : memref<128xi32, #tpu.memory_space<vmem>>) target_semaphore(%arg8 : memref<!tpu.dma_semaphore, #tpu.memory_space<semaphore_mem>>)
    %mul3A_50 = arith.constant 200 : i32
    %mul3A_51 = arith.muli %add3A, %mul3A_50 : i32
    %add3A_52 = arith.constant 1 : i32
    %add3A_53 = arith.addi %mul3A_51, %add3A_52 : i32
    %jit3A_54 = arith.constant 32 : i32
    %div3A_55 = arith.divsi %add3A_53, %jit3A_54 : i32
    %sign3A_56 = arith.constant 0 : i32
    %sign3A_57 = arith.cmpi sgt, %add3A_53, %sign3A_56 : i32
    %sign3A_58 = arith.extui %sign3A_57 : i1 to i32
    %sign3A_59 = arith.constant 0 : i32
    %sign3A_60 = arith.cmpi slt, %add3A_53, %sign3A_59 : i32
    %sign3A_61 = arith.extui %sign3A_60 : i1 to i32
    %sign3A_62 = arith.subi %sign3A_58, %sign3A_61 : i32
    %sign3A_63 = arith.constant 0 : i32
    %sign3A_64 = arith.cmpi sgt, %jit3A_54, %sign3A_63 : i32
    %sign3A_65 = arith.extui %sign3A_64 : i1 to i32
    %sign3A_66 = arith.constant 0 : i32
    %sign3A_67 = arith.cmpi slt, %jit3A_54, %sign3A_66 : i32
    %sign3A_68 = arith.extui %sign3A_67 : i1 to i32
    %sign3A_69 = arith.subi %sign3A_65, %sign3A_68 : i32
    %ne3A_70 = arith.cmpi ne, %sign3A_62, %sign3A_69 : i32
    %rem3A_71 = arith.remsi %add3A_53, %jit3A_54 : i32
    %ne3A_72 = arith.constant 0 : i32
    %ne3A_73 = arith.cmpi ne, %rem3A_71, %ne3A_72 : i32
    %and3A_74 = arith.andi %ne3A_70, %ne3A_73 : i1
    %sub3A_75 = arith.constant 1 : i32
    %sub3A_76 = arith.subi %div3A_55, %sub3A_75 : i32
    %select_n3A_77 = arith.select %and3A_74, %sub3A_76, %div3A_55 : i32
    %jit3A_78 = arith.constant 32 : i32
    %eq3A_79 = arith.constant 0 : i32
    %eq3A_80 = arith.cmpi eq, %jit3A_78, %eq3A_79 : i32
    %jit3A_81 = arith.constant 1 : i32
    %select_n3A_82 = arith.select %eq3A_80, %jit3A_81, %jit3A_78 : i32
    %rem3A_83 = arith.remsi %add3A_53, %select_n3A_82 : i32
    %ne3A_84 = arith.constant 0 : i32
    %ne3A_85 = arith.cmpi ne, %rem3A_83, %ne3A_84 : i32
    %lt3A_86 = arith.constant 0 : i32
    %lt3A_87 = arith.cmpi slt, %rem3A_83, %lt3A_86 : i32
    %lt3A_88 = arith.constant 0 : i32
    %lt3A_89 = arith.cmpi slt, %select_n3A_82, %lt3A_88 : i32
    %ne3A_90 = arith.xori %lt3A_87, %lt3A_89 : i1
    %and3A_91 = arith.andi %ne3A_90, %ne3A_85 : i1
    %add3A_92 = arith.addi %rem3A_83, %select_n3A_82 : i32
    %select_n3A_93 = arith.select %and3A_91, %add3A_92, %rem3A_83 : i32
    %mul3A_94 = arith.constant 128 : i32
    %mul3A_95 = arith.muli %select_n3A_93, %mul3A_94 : i32
    %add3A_96 = arith.constant 0 : i32
    %add3A_97 = arith.addi %mul3A_95, %add3A_96 : i32
    %dma_start3A_98 = arith.constant 1 : i32
    %dma_start3A_99 = arith.constant 0 : i32
    %dma_start3A_100 = arith.constant 0 : i32
    %dma_start3A_101 = tpu.memref_slice %arg5[%dma_start3A_98, %dma_start3A_99, %dma_start3A_100] : memref<2x1x128xi32, #tpu.memory_space<vmem>> -> memref<1x1x128xi32, #tpu.memory_space<vmem>>
    %dma_start3A_102 = tpu.memref_squeeze %dma_start3A_101 : memref<1x1x128xi32, #tpu.memory_space<vmem>> -> memref<128xi32, #tpu.memory_space<vmem>>
    %dma_start3A_103 = tpu.memref_slice %arg3[%select_n3A_77, %add3A_97] : memref<200x4096xi32, #tpu.memory_space<hbm>> -> memref<1x128xi32, #tpu.memory_space<hbm>>
    %dma_start3A_104 = tpu.memref_squeeze %dma_start3A_103 : memref<1x128xi32, #tpu.memory_space<hbm>> -> memref<128xi32, #tpu.memory_space<hbm>>
    %dma_start3A_105 = arith.constant 0 : i32
    %dma_start3A_106 = tpu.memref_slice %arg5[%dma_start3A_98, %dma_start3A_99, %dma_start3A_105] : memref<2x1x128xi32, #tpu.memory_space<vmem>> -> memref<1x1x128xi32, #tpu.memory_space<vmem>>
    %dma_start3A_107 = tpu.memref_squeeze %dma_start3A_106 : memref<1x1x128xi32, #tpu.memory_space<vmem>> -> memref<128xi32, #tpu.memory_space<vmem>>
    %dma_start3A_108 = tpu.memref_slice %arg3[%select_n3A_77, %add3A_97] : memref<200x4096xi32, #tpu.memory_space<hbm>> -> memref<1x128xi32, #tpu.memory_space<hbm>>
    %dma_start3A_109 = tpu.memref_squeeze %dma_start3A_108 : memref<1x128xi32, #tpu.memory_space<hbm>> -> memref<128xi32, #tpu.memory_space<hbm>>
    tpu.enqueue_dma source(%dma_start3A_109 : memref<128xi32, #tpu.memory_space<hbm>>) target(%dma_start3A_107 : memref<128xi32, #tpu.memory_space<vmem>>) target_semaphore(%arg9 : memref<!tpu.dma_semaphore, #tpu.memory_space<semaphore_mem>>)
    %dma_wait3A = arith.constant 0 : i32
    %dma_wait3A_110 = arith.constant 0 : i32
    %dma_wait3A_111 = arith.constant 0 : i32
    %dma_wait3A_112 = arith.constant 0 : i32
    %dma_wait3A_113 = tpu.memref_slice %arg5[%dma_wait3A_110, %dma_wait3A_111, %dma_wait3A_112] : memref<2x1x128xi32, #tpu.memory_space<vmem>> -> memref<1x1x128xi32, #tpu.memory_space<vmem>>
    %dma_wait3A_114 = tpu.memref_squeeze %dma_wait3A_113 : memref<1x1x128xi32, #tpu.memory_space<vmem>> -> memref<128xi32, #tpu.memory_space<vmem>>
    %dma_wait3A_115 = arith.constant 0 : i32
    %dma_wait3A_116 = tpu.memref_slice %arg3[%dma_wait3A, %dma_wait3A_115] : memref<200x4096xi32, #tpu.memory_space<hbm>> -> memref<1x128xi32, #tpu.memory_space<hbm>>
    %dma_wait3A_117 = tpu.memref_squeeze %dma_wait3A_116 : memref<1x128xi32, #tpu.memory_space<hbm>> -> memref<128xi32, #tpu.memory_space<hbm>>
    %dma_wait3A_118 = arith.constant 0 : i32
    %dma_wait3A_119 = tpu.memref_slice %arg5[%dma_wait3A_110, %dma_wait3A_111, %dma_wait3A_118] : memref<2x1x128xi32, #tpu.memory_space<vmem>> -> memref<1x1x128xi32, #tpu.memory_space<vmem>>
    %dma_wait3A_120 = tpu.memref_squeeze %dma_wait3A_119 : memref<1x1x128xi32, #tpu.memory_space<vmem>> -> memref<128xi32, #tpu.memory_space<vmem>>
    %dma_wait3A_121 = arith.constant 0 : i32
    %dma_wait3A_122 = tpu.memref_slice %arg3[%dma_wait3A, %dma_wait3A_121] : memref<200x4096xi32, #tpu.memory_space<hbm>> -> memref<1x128xi32, #tpu.memory_space<hbm>>
    %dma_wait3A_123 = tpu.memref_squeeze %dma_wait3A_122 : memref<1x128xi32, #tpu.memory_space<hbm>> -> memref<128xi32, #tpu.memory_space<hbm>>
    tpu.wait_dma2 semaphore(%arg8 : memref<!tpu.dma_semaphore, #tpu.memory_space<semaphore_mem>>) src(%dma_wait3A_123 : memref<128xi32, #tpu.memory_space<hbm>>) dst(%dma_wait3A_120 : memref<128xi32, #tpu.memory_space<vmem>>)
    %dma_start3A_124 = arith.constant 0 : i32
    %dma_start3A_125 = arith.constant 0 : i32
    %dma_start3A_126 = arith.constant 0 : i32
    %dma_start3A_127 = arith.constant 0 : i32
    %dma_start3A_128 = arith.constant 0 : i32
    %dma_start3A_129 = tpu.memref_slice %arg6[%dma_start3A_126, %dma_start3A_127, %dma_start3A_128] : memref<2x128x128xf32, #tpu.memory_space<vmem>> -> memref<1x128x128xf32, #tpu.memory_space<vmem>>
    %dma_start3A_130 = tpu.memref_squeeze %dma_start3A_129 : memref<1x128x128xf32, #tpu.memory_space<vmem>> -> memref<128x128xf32, #tpu.memory_space<vmem>>
    %dma_start3A_131 = arith.constant 0 : i32
    %dma_start3A_132 = tpu.memref_slice %arg5[%dma_start3A_124, %dma_start3A_125, %dma_start3A_131] : memref<2x1x128xi32, #tpu.memory_space<vmem>> -> memref<1x1x128xi32, #tpu.memory_space<vmem>>
    %dma_start3A_133 = tpu.memref_squeeze %dma_start3A_132 : memref<1x1x128xi32, #tpu.memory_space<vmem>> -> memref<128xi32, #tpu.memory_space<vmem>>
    %dma_start3A_134 = arith.constant 0 : i32
    %dma_start3A_135 = arith.constant 0 : i32
    %dma_start3A_136 = tpu.memref_slice %arg2[%dma_start3A_134, %dma_start3A_135] : memref<1000000x128xf32, #tpu.memory_space<hbm>> -> memref<1000000x128xf32, #tpu.memory_space<hbm>>
    tpu.enqueue_indirect_dma source(%dma_start3A_136 : memref<1000000x128xf32, #tpu.memory_space<hbm>>) target(%dma_start3A_130 : memref<128x128xf32, #tpu.memory_space<vmem>>) offsets(%dma_start3A_133 : memref<128xi32, #tpu.memory_space<vmem>>) semaphore(%arg10 : memref<!tpu.dma_semaphore, #tpu.memory_space<semaphore_mem>>)
    %scan3A = arith.constant 0 : i32
    %scan3A_137 = arith.constant 0 : i32
    %scan3A_138 = arith.constant 100 : i32
    %scan3A_139 = arith.addi %scan3A_137, %scan3A_138 : i32
    %scan3A_140 = arith.constant 1 : i32
    %scan3A_141 = scf.for %scan3A_179 = %scan3A_137 to %scan3A_139 step %scan3A_140 iter_args(%scan3A_180 = %scan3A) -> (i32)  : i32 {
      %mul3A_181 = arith.constant 2 : i32
      %mul3A_182 = arith.muli %mul3A_181, %scan3A_179 : i32
      %add3A_183 = arith.constant 0 : i32
      %add3A_184 = arith.addi %mul3A_182, %add3A_183 : i32
      %add3A_185 = arith.constant 1 : i32
      %add3A_186 = arith.addi %add3A_184, %add3A_185 : i32
      %lt3A_187 = arith.constant 200 : i32
      %lt3A_188 = arith.cmpi slt, %add3A_186, %lt3A_187 : i32
      %convert_element_type3A = arith.extui %lt3A_188 : i1 to i32
      %cond3A = arith.constant 0 : i32
      %cond3A_189 = arith.cmpi ne, %convert_element_type3A, %cond3A : i32
      scf.if %cond3A_189 {
        %dma_wait3A_376 = arith.constant 0 : i32
        %dma_wait3A_377 = arith.constant 1 : i32
        %dma_wait3A_378 = arith.constant 0 : i32
        %dma_wait3A_379 = arith.constant 0 : i32
        %dma_wait3A_380 = tpu.memref_slice %arg5[%dma_wait3A_377, %dma_wait3A_378, %dma_wait3A_379] : memref<2x1x128xi32, #tpu.memory_space<vmem>> -> memref<1x1x128xi32, #tpu.memory_space<vmem>>
        %dma_wait3A_381 = tpu.memref_squeeze %dma_wait3A_380 : memref<1x1x128xi32, #tpu.memory_space<vmem>> -> memref<128xi32, #tpu.memory_space<vmem>>
        %dma_wait3A_382 = arith.constant 0 : i32
        %dma_wait3A_383 = tpu.memref_slice %arg3[%dma_wait3A_376, %dma_wait3A_382] : memref<200x4096xi32, #tpu.memory_space<hbm>> -> memref<1x128xi32, #tpu.memory_space<hbm>>
        %dma_wait3A_384 = tpu.memref_squeeze %dma_wait3A_383 : memref<1x128xi32, #tpu.memory_space<hbm>> -> memref<128xi32, #tpu.memory_space<hbm>>
        %dma_wait3A_385 = arith.constant 0 : i32
        %dma_wait3A_386 = tpu.memref_slice %arg5[%dma_wait3A_377, %dma_wait3A_378, %dma_wait3A_385] : memref<2x1x128xi32, #tpu.memory_space<vmem>> -> memref<1x1x128xi32, #tpu.memory_space<vmem>>
        %dma_wait3A_387 = tpu.memref_squeeze %dma_wait3A_386 : memref<1x1x128xi32, #tpu.memory_space<vmem>> -> memref<128xi32, #tpu.memory_space<vmem>>
        %dma_wait3A_388 = arith.constant 0 : i32
        %dma_wait3A_389 = tpu.memref_slice %arg3[%dma_wait3A_376, %dma_wait3A_388] : memref<200x4096xi32, #tpu.memory_space<hbm>> -> memref<1x128xi32, #tpu.memory_space<hbm>>
        %dma_wait3A_390 = tpu.memref_squeeze %dma_wait3A_389 : memref<1x128xi32, #tpu.memory_space<hbm>> -> memref<128xi32, #tpu.memory_space<hbm>>
        tpu.wait_dma2 semaphore(%arg9 : memref<!tpu.dma_semaphore, #tpu.memory_space<semaphore_mem>>) src(%dma_wait3A_390 : memref<128xi32, #tpu.memory_space<hbm>>) dst(%dma_wait3A_387 : memref<128xi32, #tpu.memory_space<vmem>>)
        %dma_start3A_391 = arith.constant 1 : i32
        %dma_start3A_392 = arith.constant 0 : i32
        %dma_start3A_393 = arith.constant 1 : i32
        %dma_start3A_394 = arith.constant 0 : i32
        %dma_start3A_395 = arith.constant 0 : i32
        %dma_start3A_396 = tpu.memref_slice %arg6[%dma_start3A_393, %dma_start3A_394, %dma_start3A_395] : memref<2x128x128xf32, #tpu.memory_space<vmem>> -> memref<1x128x128xf32, #tpu.memory_space<vmem>>
        %dma_start3A_397 = tpu.memref_squeeze %dma_start3A_396 : memref<1x128x128xf32, #tpu.memory_space<vmem>> -> memref<128x128xf32, #tpu.memory_space<vmem>>
        %dma_start3A_398 = arith.constant 0 : i32
        %dma_start3A_399 = tpu.memref_slice %arg5[%dma_start3A_391, %dma_start3A_392, %dma_start3A_398] : memref<2x1x128xi32, #tpu.memory_space<vmem>> -> memref<1x1x128xi32, #tpu.memory_space<vmem>>
        %dma_start3A_400 = tpu.memref_squeeze %dma_start3A_399 : memref<1x1x128xi32, #tpu.memory_space<vmem>> -> memref<128xi32, #tpu.memory_space<vmem>>
        %dma_start3A_401 = arith.constant 0 : i32
        %dma_start3A_402 = arith.constant 0 : i32
        %dma_start3A_403 = tpu.memref_slice %arg2[%dma_start3A_401, %dma_start3A_402] : memref<1000000x128xf32, #tpu.memory_space<hbm>> -> memref<1000000x128xf32, #tpu.memory_space<hbm>>
        tpu.enqueue_indirect_dma source(%dma_start3A_403 : memref<1000000x128xf32, #tpu.memory_space<hbm>>) target(%dma_start3A_397 : memref<128x128xf32, #tpu.memory_space<vmem>>) offsets(%dma_start3A_400 : memref<128xi32, #tpu.memory_space<vmem>>) semaphore(%arg11 : memref<!tpu.dma_semaphore, #tpu.memory_space<semaphore_mem>>)
      } else {
      }
      %dma_wait3A_190 = arith.constant 0 : i32
      %dma_wait3A_191 = arith.constant 0 : i32
      %dma_wait3A_192 = arith.constant 0 : i32
      %dma_wait3A_193 = arith.constant 0 : i32
      %dma_wait3A_194 = arith.constant 0 : i32
      %dma_wait3A_195 = tpu.memref_slice %arg6[%dma_wait3A_192, %dma_wait3A_193, %dma_wait3A_194] : memref<2x128x128xf32, #tpu.memory_space<vmem>> -> memref<1x128x128xf32, #tpu.memory_space<vmem>>
      %dma_wait3A_196 = tpu.memref_squeeze %dma_wait3A_195 : memref<1x128x128xf32, #tpu.memory_space<vmem>> -> memref<128x128xf32, #tpu.memory_space<vmem>>
      %dma_wait3A_197 = arith.constant 0 : i32
      %dma_wait3A_198 = tpu.memref_slice %arg5[%dma_wait3A_190, %dma_wait3A_191, %dma_wait3A_197] : memref<2x1x128xi32, #tpu.memory_space<vmem>> -> memref<1x1x128xi32, #tpu.memory_space<vmem>>
      %dma_wait3A_199 = tpu.memref_squeeze %dma_wait3A_198 : memref<1x1x128xi32, #tpu.memory_space<vmem>> -> memref<128xi32, #tpu.memory_space<vmem>>
      %dma_wait3A_200 = arith.constant 0 : i32
      %dma_wait3A_201 = arith.constant 0 : i32
      %dma_wait3A_202 = tpu.memref_slice %arg2[%dma_wait3A_200, %dma_wait3A_201] : memref<1000000x128xf32, #tpu.memory_space<hbm>> -> memref<1000000x128xf32, #tpu.memory_space<hbm>>
      tpu.wait_indirect_dma semaphore(%arg10 : memref<!tpu.dma_semaphore, #tpu.memory_space<semaphore_mem>>) src(%dma_wait3A_202 : memref<1000000x128xf32, #tpu.memory_space<hbm>>) dst(%dma_wait3A_196 : memref<128x128xf32, #tpu.memory_space<vmem>>)
      %ge3A = arith.constant 2 : i32
      %ge3A_203 = arith.cmpi sge, %add3A_184, %ge3A : i32
      %convert_element_type3A_204 = arith.extui %ge3A_203 : i1 to i32
      %cond3A_205 = arith.constant 0 : i32
      %cond3A_206 = arith.cmpi ne, %convert_element_type3A_204, %cond3A_205 : i32
      scf.if %cond3A_206 {
        %dma_wait3A_376 = arith.constant 0 : i32
        %dma_wait3A_377 = arith.constant 0 : i32
        %dma_wait3A_378 = arith.constant 0 : i32
        %dma_wait3A_379 = arith.constant 0 : i32
        %dma_wait3A_380 = tpu.memref_slice %arg7[%dma_wait3A_376, %dma_wait3A_378, %dma_wait3A_379] : memref<2x128x64xf32, #tpu.memory_space<vmem>> -> memref<1x128x64xf32, #tpu.memory_space<vmem>>
        %dma_wait3A_381 = tpu.memref_squeeze %dma_wait3A_380 : memref<1x128x64xf32, #tpu.memory_space<vmem>> -> memref<128x64xf32, #tpu.memory_space<vmem>>
        %dma_wait3A_382 = arith.constant 0 : i32
        %dma_wait3A_383 = arith.constant 0 : i32
        %dma_wait3A_384 = tpu.memref_slice %arg4[%dma_wait3A_377, %dma_wait3A_382, %dma_wait3A_383] : memref<200x4096x64xf32, #tpu.memory_space<hbm>> -> memref<1x128x64xf32, #tpu.memory_space<hbm>>
        %dma_wait3A_385 = tpu.memref_squeeze %dma_wait3A_384 : memref<1x128x64xf32, #tpu.memory_space<hbm>> -> memref<128x64xf32, #tpu.memory_space<hbm>>
        %dma_wait3A_386 = arith.constant 0 : i32
        %dma_wait3A_387 = arith.constant 0 : i32
        %dma_wait3A_388 = tpu.memref_slice %arg4[%dma_wait3A_377, %dma_wait3A_386, %dma_wait3A_387] : memref<200x4096x64xf32, #tpu.memory_space<hbm>> -> memref<1x128x64xf32, #tpu.memory_space<hbm>>
        %dma_wait3A_389 = tpu.memref_squeeze %dma_wait3A_388 : memref<1x128x64xf32, #tpu.memory_space<hbm>> -> memref<128x64xf32, #tpu.memory_space<hbm>>
        %dma_wait3A_390 = arith.constant 0 : i32
        %dma_wait3A_391 = arith.constant 0 : i32
        %dma_wait3A_392 = tpu.memref_slice %arg7[%dma_wait3A_376, %dma_wait3A_390, %dma_wait3A_391] : memref<2x128x64xf32, #tpu.memory_space<vmem>> -> memref<1x128x64xf32, #tpu.memory_space<vmem>>
        %dma_wait3A_393 = tpu.memref_squeeze %dma_wait3A_392 : memref<1x128x64xf32, #tpu.memory_space<vmem>> -> memref<128x64xf32, #tpu.memory_space<vmem>>
        tpu.wait_dma2 semaphore(%arg12 : memref<!tpu.dma_semaphore, #tpu.memory_space<semaphore_mem>>) src(%dma_wait3A_393 : memref<128x64xf32, #tpu.memory_space<vmem>>) dst(%dma_wait3A_389 : memref<128x64xf32, #tpu.memory_space<hbm>>)
      } else {
      }
      %parallel_loop3A = arith.constant 0 : i32
      %parallel_loop3A_207 = arith.constant 8 : i32
      %parallel_loop3A_208 = arith.constant 1 : i32
      scf.for %parallel_loop3A_376 = %parallel_loop3A to %parallel_loop3A_207 step %parallel_loop3A_208  : i32 {
        %parallel_loop3A_377 = arith.constant 8 : i32
        %parallel_loop3A_378 = arith.divsi %parallel_loop3A_376, %parallel_loop3A_377 : i32
        %parallel_loop3A_379 = arith.constant 0 : i32
        %parallel_loop3A_380 = arith.cmpi sgt, %parallel_loop3A_376, %parallel_loop3A_379 : i32
        %parallel_loop3A_381 = arith.extui %parallel_loop3A_380 : i1 to i32
        %parallel_loop3A_382 = arith.constant 0 : i32
        %parallel_loop3A_383 = arith.cmpi slt, %parallel_loop3A_376, %parallel_loop3A_382 : i32
        %parallel_loop3A_384 = arith.extui %parallel_loop3A_383 : i1 to i32
        %parallel_loop3A_385 = arith.subi %parallel_loop3A_381, %parallel_loop3A_384 : i32
        %parallel_loop3A_386 = arith.constant 0 : i32
        %parallel_loop3A_387 = arith.cmpi sgt, %parallel_loop3A_377, %parallel_loop3A_386 : i32
        %parallel_loop3A_388 = arith.extui %parallel_loop3A_387 : i1 to i32
        %parallel_loop3A_389 = arith.constant 0 : i32
        %parallel_loop3A_390 = arith.cmpi slt, %parallel_loop3A_377, %parallel_loop3A_389 : i32
        %parallel_loop3A_391 = arith.extui %parallel_loop3A_390 : i1 to i32
        %parallel_loop3A_392 = arith.subi %parallel_loop3A_388, %parallel_loop3A_391 : i32
        %parallel_loop3A_393 = arith.cmpi ne, %parallel_loop3A_385, %parallel_loop3A_392 : i32
        %parallel_loop3A_394 = arith.remsi %parallel_loop3A_376, %parallel_loop3A_377 : i32
        %parallel_loop3A_395 = arith.constant 0 : i32
        %parallel_loop3A_396 = arith.cmpi ne, %parallel_loop3A_394, %parallel_loop3A_395 : i32
        %parallel_loop3A_397 = arith.andi %parallel_loop3A_393, %parallel_loop3A_396 : i1
        %parallel_loop3A_398 = arith.constant 1 : i32
        %parallel_loop3A_399 = arith.subi %parallel_loop3A_378, %parallel_loop3A_398 : i32
        %parallel_loop3A_400 = arith.select %parallel_loop3A_397, %parallel_loop3A_399, %parallel_loop3A_378 : i32
        %parallel_loop3A_401 = arith.constant 8 : i32
        %parallel_loop3A_402 = arith.remsi %parallel_loop3A_376, %parallel_loop3A_401 : i32
        %parallel_loop3A_403 = arith.constant 16 : i32
        %parallel_loop3A_404 = arith.muli %parallel_loop3A_402, %parallel_loop3A_403 : i32
        %parallel_loop3A_405 = arith.constant 0 : i32
        %parallel_loop3A_406 = arith.index_cast %parallel_loop3A_405 : i32 to index
        %parallel_loop3A_407 = arith.index_cast %parallel_loop3A_400 : i32 to index
        %parallel_loop3A_408 = arith.index_cast %parallel_loop3A_404 : i32 to index
        %parallel_loop3A_409 = tpu.vector_load %arg5[%parallel_loop3A_406, %parallel_loop3A_407, %parallel_loop3A_408] {strides = array<i32>} : memref<2x1x128xi32, #tpu.memory_space<vmem>>, vector<16xi32>,
        %parallel_loop3A_410 = arith.constant 1 : i32
        %parallel_loop3A_411 = vector.broadcast %parallel_loop3A_410 : i32 to vector<16xi32>
        %parallel_loop3A_412 = arith.andi %parallel_loop3A_409, %parallel_loop3A_411 : vector<16xi32>
        %parallel_loop3A_413 = arith.constant 64 : i32
        %parallel_loop3A_414 = vector.broadcast %parallel_loop3A_413 : i32 to vector<16xi32>
        %parallel_loop3A_415 = arith.muli %parallel_loop3A_412, %parallel_loop3A_414 : vector<16xi32>
        %parallel_loop3A_416 = arith.constant 16 : i32
        %parallel_loop3A_417 = arith.muli %parallel_loop3A_376, %parallel_loop3A_416 : i32
        %parallel_loop3A_418 = arith.constant 0 : i32
        %parallel_loop3A_419 = arith.addi %parallel_loop3A_417, %parallel_loop3A_418 : i32
        %parallel_loop3A_420 = vector.extract_strided_slice %parallel_loop3A_415 {offsets = [0], sizes = [1], strides = [1]} : vector<16xi32> to vector<1xi32>
        %parallel_loop3A_421 = vector.extract %parallel_loop3A_420[0] : i32 from vector<1xi32>
        %parallel_loop3A_422 = arith.constant 0 : i32
        %parallel_loop3A_423 = arith.addi %parallel_loop3A_421, %parallel_loop3A_422 : i32
        %parallel_loop3A_424 = arith.constant 0 : i32
        %parallel_loop3A_425 = arith.index_cast %parallel_loop3A_424 : i32 to index
        %parallel_loop3A_426 = arith.index_cast %parallel_loop3A_419 : i32 to index
        %parallel_loop3A_427 = arith.index_cast %parallel_loop3A_423 : i32 to index
        %parallel_loop3A_428 = tpu.vector_load %arg6[%parallel_loop3A_425, %parallel_loop3A_426, %parallel_loop3A_427] {strides = array<i32>} : memref<2x128x128xf32, #tpu.memory_space<vmem>>, vector<16xf32>,
        %parallel_loop3A_429 = arith.constant 0 : i32
        %parallel_loop3A_430 = arith.index_cast %parallel_loop3A_429 : i32 to index
        %parallel_loop3A_431 = arith.index_cast %parallel_loop3A_419 : i32 to index
        %parallel_loop3A_432 = arith.constant 0 : index
        %parallel_loop3A_433 = tpu.vector_load %arg7[%parallel_loop3A_430, %parallel_loop3A_431, %parallel_loop3A_432] {strides = array<i32>} : memref<2x128x64xf32, #tpu.memory_space<vmem>>, vector<16xf32>,
        tpu.vector_store %arg7[%parallel_loop3A_430, %parallel_loop3A_431, %parallel_loop3A_432], %parallel_loop3A_428 {strides = array<i32>} : memref<2x128x64xf32, #tpu.memory_space<vmem>>, vector<16xf32>,
        %parallel_loop3A_434 = arith.constant 16 : i32
        %parallel_loop3A_435 = arith.addi %parallel_loop3A_421, %parallel_loop3A_434 : i32
        %parallel_loop3A_436 = arith.constant 0 : i32
        %parallel_loop3A_437 = arith.index_cast %parallel_loop3A_436 : i32 to index
        %parallel_loop3A_438 = arith.index_cast %parallel_loop3A_419 : i32 to index
        %parallel_loop3A_439 = arith.index_cast %parallel_loop3A_435 : i32 to index
        %parallel_loop3A_440 = tpu.vector_load %arg6[%parallel_loop3A_437, %parallel_loop3A_438, %parallel_loop3A_439] {strides = array<i32>} : memref<2x128x128xf32, #tpu.memory_space<vmem>>, vector<16xf32>,
        %parallel_loop3A_441 = arith.constant 0 : i32
        %parallel_loop3A_442 = arith.index_cast %parallel_loop3A_441 : i32 to index
        %parallel_loop3A_443 = arith.index_cast %parallel_loop3A_419 : i32 to index
        %parallel_loop3A_444 = arith.constant 16 : index
        %parallel_loop3A_445 = tpu.vector_load %arg7[%parallel_loop3A_442, %parallel_loop3A_443, %parallel_loop3A_444] {strides = array<i32>} : memref<2x128x64xf32, #tpu.memory_space<vmem>>, vector<16xf32>,
        tpu.vector_store %arg7[%parallel_loop3A_442, %parallel_loop3A_443, %parallel_loop3A_444], %parallel_loop3A_440 {strides = array<i32>} : memref<2x128x64xf32, #tpu.memory_space<vmem>>, vector<16xf32>,
        %parallel_loop3A_446 = arith.constant 32 : i32
        %parallel_loop3A_447 = arith.addi %parallel_loop3A_421, %parallel_loop3A_446 : i32
        %parallel_loop3A_448 = arith.constant 0 : i32
        %parallel_loop3A_449 = arith.index_cast %parallel_loop3A_448 : i32 to index
        %parallel_loop3A_450 = arith.index_cast %parallel_loop3A_419 : i32 to index
        %parallel_loop3A_451 = arith.index_cast %parallel_loop3A_447 : i32 to index
        %parallel_loop3A_452 = tpu.vector_load %arg6[%parallel_loop3A_449, %parallel_loop3A_450, %parallel_loop3A_451] {strides = array<i32>} : memref<2x128x128xf32, #tpu.memory_space<vmem>>, vector<16xf32>,
        %parallel_loop3A_453 = arith.constant 0 : i32
        %parallel_loop3A_454 = arith.index_cast %parallel_loop3A_453 : i32 to index
        %parallel_loop3A_455 = arith.index_cast %parallel_loop3A_419 : i32 to index
        %parallel_loop3A_456 = arith.constant 32 : index
        %parallel_loop3A_457 = tpu.vector_load %arg7[%parallel_loop3A_454, %parallel_loop3A_455, %parallel_loop3A_456] {strides = array<i32>} : memref<2x128x64xf32, #tpu.memory_space<vmem>>, vector<16xf32>,
        tpu.vector_store %arg7[%parallel_loop3A_454, %parallel_loop3A_455, %parallel_loop3A_456], %parallel_loop3A_452 {strides = array<i32>} : memref<2x128x64xf32, #tpu.memory_space<vmem>>, vector<16xf32>,
        %parallel_loop3A_458 = arith.constant 48 : i32
        %parallel_loop3A_459 = arith.addi %parallel_loop3A_421, %parallel_loop3A_458 : i32
        %parallel_loop3A_460 = arith.constant 0 : i32
        %parallel_loop3A_461 = arith.index_cast %parallel_loop3A_460 : i32 to index
        %parallel_loop3A_462 = arith.index_cast %parallel_loop3A_419 : i32 to index
        %parallel_loop3A_463 = arith.index_cast %parallel_loop3A_459 : i32 to index
        %parallel_loop3A_464 = tpu.vector_load %arg6[%parallel_loop3A_461, %parallel_loop3A_462, %parallel_loop3A_463] {strides = array<i32>} : memref<2x128x128xf32, #tpu.memory_space<vmem>>, vector<16xf32>,
        %parallel_loop3A_465 = arith.constant 0 : i32
        %parallel_loop3A_466 = arith.index_cast %parallel_loop3A_465 : i32 to index
        %parallel_loop3A_467 = arith.index_cast %parallel_loop3A_419 : i32 to index
        %parallel_loop3A_468 = arith.constant 48 : index
        %parallel_loop3A_469 = tpu.vector_load %arg7[%parallel_loop3A_466, %parallel_loop3A_467, %parallel_loop3A_468] {strides = array<i32>} : memref<2x128x64xf32, #tpu.memory_space<vmem>>, vector<16xf32>,
        tpu.vector_store %arg7[%parallel_loop3A_466, %parallel_loop3A_467, %parallel_loop3A_468], %parallel_loop3A_464 {strides = array<i32>} : memref<2x128x64xf32, #tpu.memory_space<vmem>>, vector<16xf32>,
        %parallel_loop3A_470 = arith.constant 16 : i32
        %parallel_loop3A_471 = arith.muli %parallel_loop3A_376, %parallel_loop3A_470 : i32
        %parallel_loop3A_472 = arith.constant 1 : i32
        %parallel_loop3A_473 = arith.addi %parallel_loop3A_471, %parallel_loop3A_472 : i32
        %parallel_loop3A_474 = vector.extract_strided_slice %parallel_loop3A_415 {offsets = [1], sizes = [1], strides = [1]} : vector<16xi32> to vector<1xi32>
        %parallel_loop3A_475 = vector.extract %parallel_loop3A_474[0] : i32 from vector<1xi32>
        %parallel_loop3A_476 = arith.constant 0 : i32
        %parallel_loop3A_477 = arith.addi %parallel_loop3A_475, %parallel_loop3A_476 : i32
        %parallel_loop3A_478 = arith.constant 0 : i32
        %parallel_loop3A_479 = arith.index_cast %parallel_loop3A_478 : i32 to index
        %parallel_loop3A_480 = arith.index_cast %parallel_loop3A_473 : i32 to index
        %parallel_loop3A_481 = arith.index_cast %parallel_loop3A_477 : i32 to index
        %parallel_loop3A_482 = tpu.vector_load %arg6[%parallel_loop3A_479, %parallel_loop3A_480, %parallel_loop3A_481] {strides = array<i32>} : memref<2x128x128xf32, #tpu.memory_space<vmem>>, vector<16xf32>,
        %parallel_loop3A_483 = arith.constant 0 : i32
        %parallel_loop3A_484 = arith.index_cast %parallel_loop3A_483 : i32 to index
        %parallel_loop3A_485 = arith.index_cast %parallel_loop3A_473 : i32 to index
        %parallel_loop3A_486 = arith.constant 0 : index
        %parallel_loop3A_487 = tpu.vector_load %arg7[%parallel_loop3A_484, %parallel_loop3A_485, %parallel_loop3A_486] {strides = array<i32>} : memref<2x128x64xf32, #tpu.memory_space<vmem>>, vector<16xf32>,
        tpu.vector_store %arg7[%parallel_loop3A_484, %parallel_loop3A_485, %parallel_loop3A_486], %parallel_loop3A_482 {strides = array<i32>} : memref<2x128x64xf32, #tpu.memory_space<vmem>>, vector<16xf32>,
        %parallel_loop3A_488 = arith.constant 16 : i32
        %parallel_loop3A_489 = arith.addi %parallel_loop3A_475, %parallel_loop3A_488 : i32
        %parallel_loop3A_490 = arith.constant 0 : i32
        %parallel_loop3A_491 = arith.index_cast %parallel_loop3A_490 : i32 to index
        %parallel_loop3A_492 = arith.index_cast %parallel_loop3A_473 : i32 to index
        %parallel_loop3A_493 = arith.index_cast %parallel_loop3A_489 : i32 to index
        %parallel_loop3A_494 = tpu.vector_load %arg6[%parallel_loop3A_491, %parallel_loop3A_492, %parallel_loop3A_493] {strides = array<i32>} : memref<2x128x128xf32, #tpu.memory_space<vmem>>, vector<16xf32>,
        %parallel_loop3A_495 = arith.constant 0 : i32
        %parallel_loop3A_496 = arith.index_cast %parallel_loop3A_495 : i32 to index
        %parallel_loop3A_497 = arith.index_cast %parallel_loop3A_473 : i32 to index
        %parallel_loop3A_498 = arith.constant 16 : index
        %parallel_loop3A_499 = tpu.vector_load %arg7[%parallel_loop3A_496, %parallel_loop3A_497, %parallel_loop3A_498] {strides = array<i32>} : memref<2x128x64xf32, #tpu.memory_space<vmem>>, vector<16xf32>,
        tpu.vector_store %arg7[%parallel_loop3A_496, %parallel_loop3A_497, %parallel_loop3A_498], %parallel_loop3A_494 {strides = array<i32>} : memref<2x128x64xf32, #tpu.memory_space<vmem>>, vector<16xf32>,
        %parallel_loop3A_500 = arith.constant 32 : i32
        %parallel_loop3A_501 = arith.addi %parallel_loop3A_475, %parallel_loop3A_500 : i32
        %parallel_loop3A_502 = arith.constant 0 : i32
        %parallel_loop3A_503 = arith.index_cast %parallel_loop3A_502 : i32 to index
        %parallel_loop3A_504 = arith.index_cast %parallel_loop3A_473 : i32 to index
        %parallel_loop3A_505 = arith.index_cast %parallel_loop3A_501 : i32 to index
        %parallel_loop3A_506 = tpu.vector_load %arg6[%parallel_loop3A_503, %parallel_loop3A_504, %parallel_loop3A_505] {strides = array<i32>} : memref<2x128x128xf32, #tpu.memory_space<vmem>>, vector<16xf32>,
        %parallel_loop3A_507 = arith.constant 0 : i32
        %parallel_loop3A_508 = arith.index_cast %parallel_loop3A_507 : i32 to index
        %parallel_loop3A_509 = arith.index_cast %parallel_loop3A_473 : i32 to index
        %parallel_loop3A_510 = arith.constant 32 : index
        %parallel_loop3A_511 = tpu.vector_load %arg7[%parallel_loop3A_508, %parallel_loop3A_509, %parallel_loop3A_510] {strides = array<i32>} : memref<2x128x64xf32, #tpu.memory_space<vmem>>, vector<16xf32>,
        tpu.vector_store %arg7[%parallel_loop3A_508, %parallel_loop3A_509, %parallel_loop3A_510], %parallel_loop3A_506 {strides = array<i32>} : memref<2x128x64xf32, #tpu.memory_space<vmem>>, vector<16xf32>,
        %parallel_loop3A_512 = arith.constant 48 : i32
        %parallel_loop3A_513 = arith.addi %parallel_loop3A_475, %parallel_loop3A_512 : i32
        %parallel_loop3A_514 = arith.constant 0 : i32
        %parallel_loop3A_515 = arith.index_cast %parallel_loop3A_514 : i32 to index
        %parallel_loop3A_516 = arith.index_cast %parallel_loop3A_473 : i32 to index
        %parallel_loop3A_517 = arith.index_cast %parallel_loop3A_513 : i32 to index
        %parallel_loop3A_518 = tpu.vector_load %arg6[%parallel_loop3A_515, %parallel_loop3A_516, %parallel_loop3A_517] {strides = array<i32>} : memref<2x128x128xf32, #tpu.memory_space<vmem>>, vector<16xf32>,
        %parallel_loop3A_519 = arith.constant 0 : i32
        %parallel_loop3A_520 = arith.index_cast %parallel_loop3A_519 : i32 to index
        %parallel_loop3A_521 = arith.index_cast %parallel_loop3A_473 : i32 to index
        %parallel_loop3A_522 = arith.constant 48 : index
        %parallel_loop3A_523 = tpu.vector_load %arg7[%parallel_loop3A_520, %parallel_loop3A_521, %parallel_loop3A_522] {strides = array<i32>} : memref<2x128x64xf32, #tpu.memory_space<vmem>>, vector<16xf32>,
        tpu.vector_store %arg7[%parallel_loop3A_520, %parallel_loop3A_521, %parallel_loop3A_522], %parallel_loop3A_518 {strides = array<i32>} : memref<2x128x64xf32, #tpu.memory_space<vmem>>, vector<16xf32>,
        %parallel_loop3A_524 = arith.constant 16 : i32
        %parallel_loop3A_525 = arith.muli %parallel_loop3A_376, %parallel_loop3A_524 : i32
        %parallel_loop3A_526 = arith.constant 2 : i32
        %parallel_loop3A_527 = arith.addi %parallel_loop3A_525, %parallel_loop3A_526 : i32
        %parallel_loop3A_528 = vector.extract_strided_slice %parallel_loop3A_415 {offsets = [2], sizes = [1], strides = [1]} : vector<16xi32> to vector<1xi32>
        %parallel_loop3A_529 = vector.extract %parallel_loop3A_528[0] : i32 from vector<1xi32>
        %parallel_loop3A_530 = arith.constant 0 : i32
        %parallel_loop3A_531 = arith.addi %parallel_loop3A_529, %parallel_loop3A_530 : i32
        %parallel_loop3A_532 = arith.constant 0 : i32
        %parallel_loop3A_533 = arith.index_cast %parallel_loop3A_532 : i32 to index
        %parallel_loop3A_534 = arith.index_cast %parallel_loop3A_527 : i32 to index
        %parallel_loop3A_535 = arith.index_cast %parallel_loop3A_531 : i32 to index
        %parallel_loop3A_536 = tpu.vector_load %arg6[%parallel_loop3A_533, %parallel_loop3A_534, %parallel_loop3A_535] {strides = array<i32>} : memref<2x128x128xf32, #tpu.memory_space<vmem>>, vector<16xf32>,
        %parallel_loop3A_537 = arith.constant 0 : i32
        %parallel_loop3A_538 = arith.index_cast %parallel_loop3A_537 : i32 to index
        %parallel_loop3A_539 = arith.index_cast %parallel_loop3A_527 : i32 to index
        %parallel_loop3A_540 = arith.constant 0 : index
        %parallel_loop3A_541 = tpu.vector_load %arg7[%parallel_loop3A_538, %parallel_loop3A_539, %parallel_loop3A_540] {strides = array<i32>} : memref<2x128x64xf32, #tpu.memory_space<vmem>>, vector<16xf32>,
        tpu.vector_store %arg7[%parallel_loop3A_538, %parallel_loop3A_539, %parallel_loop3A_540], %parallel_loop3A_536 {strides = array<i32>} : memref<2x128x64xf32, #tpu.memory_space<vmem>>, vector<16xf32>,
        %parallel_loop3A_542 = arith.constant 16 : i32
        %parallel_loop3A_543 = arith.addi %parallel_loop3A_529, %parallel_loop3A_542 : i32
        %parallel_loop3A_544 = arith.constant 0 : i32
        %parallel_loop3A_545 = arith.index_cast %parallel_loop3A_544 : i32 to index
        %parallel_loop3A_546 = arith.index_cast %parallel_loop3A_527 : i32 to index
        %parallel_loop3A_547 = arith.index_cast %parallel_loop3A_543 : i32 to index
        %parallel_loop3A_548 = tpu.vector_load %arg6[%parallel_loop3A_545, %parallel_loop3A_546, %parallel_loop3A_547] {strides = array<i32>} : memref<2x128x128xf32, #tpu.memory_space<vmem>>, vector<16xf32>,
        %parallel_loop3A_549 = arith.constant 0 : i32
        %parallel_loop3A_550 = arith.index_cast %parallel_loop3A_549 : i32 to index
        %parallel_loop3A_551 = arith.index_cast %parallel_loop3A_527 : i32 to index
        %parallel_loop3A_552 = arith.constant 16 : index
        %parallel_loop3A_553 = tpu.vector_load %arg7[%parallel_loop3A_550, %parallel_loop3A_551, %parallel_loop3A_552] {strides = array<i32>} : memref<2x128x64xf32, #tpu.memory_space<vmem>>, vector<16xf32>,
        tpu.vector_store %arg7[%parallel_loop3A_550, %parallel_loop3A_551, %parallel_loop3A_552], %parallel_loop3A_548 {strides = array<i32>} : memref<2x128x64xf32, #tpu.memory_space<vmem>>, vector<16xf32>,
        %parallel_loop3A_554 = arith.constant 32 : i32
        %parallel_loop3A_555 = arith.addi %parallel_loop3A_529, %parallel_loop3A_554 : i32
        %parallel_loop3A_556 = arith.constant 0 : i32
        %parallel_loop3A_557 = arith.index_cast %parallel_loop3A_556 : i32 to index
        %parallel_loop3A_558 = arith.index_cast %parallel_loop3A_527 : i32 to index
        %parallel_loop3A_559 = arith.index_cast %parallel_loop3A_555 : i32 to index
        %parallel_loop3A_560 = tpu.vector_load %arg6[%parallel_loop3A_557, %parallel_loop3A_558, %parallel_loop3A_559] {strides = array<i32>} : memref<2x128x128xf32, #tpu.memory_space<vmem>>, vector<16xf32>,
        %parallel_loop3A_561 = arith.constant 0 : i32
        %parallel_loop3A_562 = arith.index_cast %parallel_loop3A_561 : i32 to index
        %parallel_loop3A_563 = arith.index_cast %parallel_loop3A_527 : i32 to index
        %parallel_loop3A_564 = arith.constant 32 : index
        %parallel_loop3A_565 = tpu.vector_load %arg7[%parallel_loop3A_562, %parallel_loop3A_563, %parallel_loop3A_564] {strides = array<i32>} : memref<2x128x64xf32, #tpu.memory_space<vmem>>, vector<16xf32>,
        tpu.vector_store %arg7[%parallel_loop3A_562, %parallel_loop3A_563, %parallel_loop3A_564], %parallel_loop3A_560 {strides = array<i32>} : memref<2x128x64xf32, #tpu.memory_space<vmem>>, vector<16xf32>,
        %parallel_loop3A_566 = arith.constant 48 : i32
        %parallel_loop3A_567 = arith.addi %parallel_loop3A_529, %parallel_loop3A_566 : i32
        %parallel_loop3A_568 = arith.constant 0 : i32
        %parallel_loop3A_569 = arith.index_cast %parallel_loop3A_568 : i32 to index
        %parallel_loop3A_570 = arith.index_cast %parallel_loop3A_527 : i32 to index
        %parallel_loop3A_571 = arith.index_cast %parallel_loop3A_567 : i32 to index
        %parallel_loop3A_572 = tpu.vector_load %arg6[%parallel_loop3A_569, %parallel_loop3A_570, %parallel_loop3A_571] {strides = array<i32>} : memref<2x128x128xf32, #tpu.memory_space<vmem>>, vector<16xf32>,
        %parallel_loop3A_573 = arith.constant 0 : i32
        %parallel_loop3A_574 = arith.index_cast %parallel_loop3A_573 : i32 to index
        %parallel_loop3A_575 = arith.index_cast %parallel_loop3A_527 : i32 to index
        %parallel_loop3A_576 = arith.constant 48 : index
        %parallel_loop3A_577 = tpu.vector_load %arg7[%parallel_loop3A_574, %parallel_loop3A_575, %parallel_loop3A_576] {strides = array<i32>} : memref<2x128x64xf32, #tpu.memory_space<vmem>>, vector<16xf32>,
        tpu.vector_store %arg7[%parallel_loop3A_574, %parallel_loop3A_575, %parallel_loop3A_576], %parallel_loop3A_572 {strides = array<i32>} : memref<2x128x64xf32, #tpu.memory_space<vmem>>, vector<16xf32>,
        %parallel_loop3A_578 = arith.constant 16 : i32
        %parallel_loop3A_579 = arith.muli %parallel_loop3A_376, %parallel_loop3A_578 : i32
        %parallel_loop3A_580 = arith.constant 3 : i32
        %parallel_loop3A_581 = arith.addi %parallel_loop3A_579, %parallel_loop3A_580 : i32
        %parallel_loop3A_582 = vector.extract_strided_slice %parallel_loop3A_415 {offsets = [3], sizes = [1], strides = [1]} : vector<16xi32> to vector<1xi32>
        %parallel_loop3A_583 = vector.extract %parallel_loop3A_582[0] : i32 from vector<1xi32>
        %parallel_loop3A_584 = arith.constant 0 : i32
        %parallel_loop3A_585 = arith.addi %parallel_loop3A_583, %parallel_loop3A_584 : i32
        %parallel_loop3A_586 = arith.constant 0 : i32
        %parallel_loop3A_587 = arith.index_cast %parallel_loop3A_586 : i32 to index
        %parallel_loop3A_588 = arith.index_cast %parallel_loop3A_581 : i32 to index
        %parallel_loop3A_589 = arith.index_cast %parallel_loop3A_585 : i32 to index
        %parallel_loop3A_590 = tpu.vector_load %arg6[%parallel_loop3A_587, %parallel_loop3A_588, %parallel_loop3A_589] {strides = array<i32>} : memref<2x128x128xf32, #tpu.memory_space<vmem>>, vector<16xf32>,
        %parallel_loop3A_591 = arith.constant 0 : i32
        %parallel_loop3A_592 = arith.index_cast %parallel_loop3A_591 : i32 to index
        %parallel_loop3A_593 = arith.index_cast %parallel_loop3A_581 : i32 to index
        %parallel_loop3A_594 = arith.constant 0 : index
        %parallel_loop3A_595 = tpu.vector_load %arg7[%parallel_loop3A_592, %parallel_loop3A_593, %parallel_loop3A_594] {strides = array<i32>} : memref<2x128x64xf32, #tpu.memory_space<vmem>>, vector<16xf32>,
        tpu.vector_store %arg7[%parallel_loop3A_592, %parallel_loop3A_593, %parallel_loop3A_594], %parallel_loop3A_590 {strides = array<i32>} : memref<2x128x64xf32, #tpu.memory_space<vmem>>, vector<16xf32>,
        %parallel_loop3A_596 = arith.constant 16 : i32
        %parallel_loop3A_597 = arith.addi %parallel_loop3A_583, %parallel_loop3A_596 : i32
        %parallel_loop3A_598 = arith.constant 0 : i32
        %parallel_loop3A_599 = arith.index_cast %parallel_loop3A_598 : i32 to index
        %parallel_loop3A_600 = arith.index_cast %parallel_loop3A_581 : i32 to index
        %parallel_loop3A_601 = arith.index_cast %parallel_loop3A_597 : i32 to index
        %parallel_loop3A_602 = tpu.vector_load %arg6[%parallel_loop3A_599, %parallel_loop3A_600, %parallel_loop3A_601] {strides = array<i32>} : memref<2x128x128xf32, #tpu.memory_space<vmem>>, vector<16xf32>,
        %parallel_loop3A_603 = arith.constant 0 : i32
        %parallel_loop3A_604 = arith.index_cast %parallel_loop3A_603 : i32 to index
        %parallel_loop3A_605 = arith.index_cast %parallel_loop3A_581 : i32 to index
        %parallel_loop3A_606 = arith.constant 16 : index
        %parallel_loop3A_607 = tpu.vector_load %arg7[%parallel_loop3A_604, %parallel_loop3A_605, %parallel_loop3A_606] {strides = array<i32>} : memref<2x128x64xf32, #tpu.memory_space<vmem>>, vector<16xf32>,
        tpu.vector_store %arg7[%parallel_loop3A_604, %parallel_loop3A_605, %parallel_loop3A_606], %parallel_loop3A_602 {strides = array<i32>} : memref<2x128x64xf32, #tpu.memory_space<vmem>>, vector<16xf32>,
        %parallel_loop3A_608 = arith.constant 32 : i32
        %parallel_loop3A_609 = arith.addi %parallel_loop3A_583, %parallel_loop3A_608 : i32
        %parallel_loop3A_610 = arith.constant 0 : i32
        %parallel_loop3A_611 = arith.index_cast %parallel_loop3A_610 : i32 to index
        %parallel_loop3A_612 = arith.index_cast %parallel_loop3A_581 : i32 to index
        %parallel_loop3A_613 = arith.index_cast %parallel_loop3A_609 : i32 to index
        %parallel_loop3A_614 = tpu.vector_load %arg6[%parallel_loop3A_611, %parallel_loop3A_612, %parallel_loop3A_613] {strides = array<i32>} : memref<2x128x128xf32, #tpu.memory_space<vmem>>, vector<16xf32>,
        %parallel_loop3A_615 = arith.constant 0 : i32
        %parallel_loop3A_616 = arith.index_cast %parallel_loop3A_615 : i32 to index
        %parallel_loop3A_617 = arith.index_cast %parallel_loop3A_581 : i32 to index
        %parallel_loop3A_618 = arith.constant 32 : index
        %parallel_loop3A_619 = tpu.vector_load %arg7[%parallel_loop3A_616, %parallel_loop3A_617, %parallel_loop3A_618] {strides = array<i32>} : memref<2x128x64xf32, #tpu.memory_space<vmem>>, vector<16xf32>,
        tpu.vector_store %arg7[%parallel_loop3A_616, %parallel_loop3A_617, %parallel_loop3A_618], %parallel_loop3A_614 {strides = array<i32>} : memref<2x128x64xf32, #tpu.memory_space<vmem>>, vector<16xf32>,
        %parallel_loop3A_620 = arith.constant 48 : i32
        %parallel_loop3A_621 = arith.addi %parallel_loop3A_583, %parallel_loop3A_620 : i32
        %parallel_loop3A_622 = arith.constant 0 : i32
        %parallel_loop3A_623 = arith.index_cast %parallel_loop3A_622 : i32 to index
        %parallel_loop3A_624 = arith.index_cast %parallel_loop3A_581 : i32 to index
        %parallel_loop3A_625 = arith.index_cast %parallel_loop3A_621 : i32 to index
        %parallel_loop3A_626 = tpu.vector_load %arg6[%parallel_loop3A_623, %parallel_loop3A_624, %parallel_loop3A_625] {strides = array<i32>} : memref<2x128x128xf32, #tpu.memory_space<vmem>>, vector<16xf32>,
        %parallel_loop3A_627 = arith.constant 0 : i32
        %parallel_loop3A_628 = arith.index_cast %parallel_loop3A_627 : i32 to index
        %parallel_loop3A_629 = arith.index_cast %parallel_loop3A_581 : i32 to index
        %parallel_loop3A_630 = arith.constant 48 : index
        %parallel_loop3A_631 = tpu.vector_load %arg7[%parallel_loop3A_628, %parallel_loop3A_629, %parallel_loop3A_630] {strides = array<i32>} : memref<2x128x64xf32, #tpu.memory_space<vmem>>, vector<16xf32>,
        tpu.vector_store %arg7[%parallel_loop3A_628, %parallel_loop3A_629, %parallel_loop3A_630], %parallel_loop3A_626 {strides = array<i32>} : memref<2x128x64xf32, #tpu.memory_space<vmem>>, vector<16xf32>,
        %parallel_loop3A_632 = arith.constant 16 : i32
        %parallel_loop3A_633 = arith.muli %parallel_loop3A_376, %parallel_loop3A_632 : i32
        %parallel_loop3A_634 = arith.constant 4 : i32
        %parallel_loop3A_635 = arith.addi %parallel_loop3A_633, %parallel_loop3A_634 : i32
        %parallel_loop3A_636 = vector.extract_strided_slice %parallel_loop3A_415 {offsets = [4], sizes = [1], strides = [1]} : vector<16xi32> to vector<1xi32>
        %parallel_loop3A_637 = vector.extract %parallel_loop3A_636[0] : i32 from vector<1xi32>
        %parallel_loop3A_638 = arith.constant 0 : i32
        %parallel_loop3A_639 = arith.addi %parallel_loop3A_637, %parallel_loop3A_638 : i32
        %parallel_loop3A_640 = arith.constant 0 : i32
        %parallel_loop3A_641 = arith.index_cast %parallel_loop3A_640 : i32 to index
        %parallel_loop3A_642 = arith.index_cast %parallel_loop3A_635 : i32 to index
        %parallel_loop3A_643 = arith.index_cast %parallel_loop3A_639 : i32 to index
        %parallel_loop3A_644 = tpu.vector_load %arg6[%parallel_loop3A_641, %parallel_loop3A_642, %parallel_loop3A_643] {strides = array<i32>} : memref<2x128x128xf32, #tpu.memory_space<vmem>>, vector<16xf32>,
        %parallel_loop3A_645 = arith.constant 0 : i32
        %parallel_loop3A_646 = arith.index_cast %parallel_loop3A_645 : i32 to index
        %parallel_loop3A_647 = arith.index_cast %parallel_loop3A_635 : i32 to index
        %parallel_loop3A_648 = arith.constant 0 : index
        %parallel_loop3A_649 = tpu.vector_load %arg7[%parallel_loop3A_646, %parallel_loop3A_647, %parallel_loop3A_648] {strides = array<i32>} : memref<2x128x64xf32, #tpu.memory_space<vmem>>, vector<16xf32>,
        tpu.vector_store %arg7[%parallel_loop3A_646, %parallel_loop3A_647, %parallel_loop3A_648], %parallel_loop3A_644 {strides = array<i32>} : memref<2x128x64xf32, #tpu.memory_space<vmem>>, vector<16xf32>,
        %parallel_loop3A_650 = arith.constant 16 : i32
        %parallel_loop3A_651 = arith.addi %parallel_loop3A_637, %parallel_loop3A_650 : i32
        %parallel_loop3A_652 = arith.constant 0 : i32
        %parallel_loop3A_653 = arith.index_cast %parallel_loop3A_652 : i32 to index
        %parallel_loop3A_654 = arith.index_cast %parallel_loop3A_635 : i32 to index
        %parallel_loop3A_655 = arith.index_cast %parallel_loop3A_651 : i32 to index
        %parallel_loop3A_656 = tpu.vector_load %arg6[%parallel_loop3A_653, %parallel_loop3A_654, %parallel_loop3A_655] {strides = array<i32>} : memref<2x128x128xf32, #tpu.memory_space<vmem>>, vector<16xf32>,
        %parallel_loop3A_657 = arith.constant 0 : i32
        %parallel_loop3A_658 = arith.index_cast %parallel_loop3A_657 : i32 to index
        %parallel_loop3A_659 = arith.index_cast %parallel_loop3A_635 : i32 to index
        %parallel_loop3A_660 = arith.constant 16 : index
        %parallel_loop3A_661 = tpu.vector_load %arg7[%parallel_loop3A_658, %parallel_loop3A_659, %parallel_loop3A_660] {strides = array<i32>} : memref<2x128x64xf32, #tpu.memory_space<vmem>>, vector<16xf32>,
        tpu.vector_store %arg7[%parallel_loop3A_658, %parallel_loop3A_659, %parallel_loop3A_660], %parallel_loop3A_656 {strides = array<i32>} : memref<2x128x64xf32, #tpu.memory_space<vmem>>, vector<16xf32>,
        %parallel_loop3A_662 = arith.constant 32 : i32
        %parallel_loop3A_663 = arith.addi %parallel_loop3A_637, %parallel_loop3A_662 : i32
        %parallel_loop3A_664 = arith.constant 0 : i32
        %parallel_loop3A_665 = arith.index_cast %parallel_loop3A_664 : i32 to index
        %parallel_loop3A_666 = arith.index_cast %parallel_loop3A_635 : i32 to index
        %parallel_loop3A_667 = arith.index_cast %parallel_loop3A_663 : i32 to index
        %parallel_loop3A_668 = tpu.vector_load %arg6[%parallel_loop3A_665, %parallel_loop3A_666, %parallel_loop3A_667] {strides = array<i32>} : memref<2x128x128xf32, #tpu.memory_space<vmem>>, vector<16xf32>,
        %parallel_loop3A_669 = arith.constant 0 : i32
        %parallel_loop3A_670 = arith.index_cast %parallel_loop3A_669 : i32 to index
        %parallel_loop3A_671 = arith.index_cast %parallel_loop3A_635 : i32 to index
        %parallel_loop3A_672 = arith.constant 32 : index
        %parallel_loop3A_673 = tpu.vector_load %arg7[%parallel_loop3A_670, %parallel_loop3A_671, %parallel_loop3A_672] {strides = array<i32>} : memref<2x128x64xf32, #tpu.memory_space<vmem>>, vector<16xf32>,
        tpu.vector_store %arg7[%parallel_loop3A_670, %parallel_loop3A_671, %parallel_loop3A_672], %parallel_loop3A_668 {strides = array<i32>} : memref<2x128x64xf32, #tpu.memory_space<vmem>>, vector<16xf32>,
        %parallel_loop3A_674 = arith.constant 48 : i32
        %parallel_loop3A_675 = arith.addi %parallel_loop3A_637, %parallel_loop3A_674 : i32
        %parallel_loop3A_676 = arith.constant 0 : i32
        %parallel_loop3A_677 = arith.index_cast %parallel_loop3A_676 : i32 to index
        %parallel_loop3A_678 = arith.index_cast %parallel_loop3A_635 : i32 to index
        %parallel_loop3A_679 = arith.index_cast %parallel_loop3A_675 : i32 to index
        %parallel_loop3A_680 = tpu.vector_load %arg6[%parallel_loop3A_677, %parallel_loop3A_678, %parallel_loop3A_679] {strides = array<i32>} : memref<2x128x128xf32, #tpu.memory_space<vmem>>, vector<16xf32>,
        %parallel_loop3A_681 = arith.constant 0 : i32
        %parallel_loop3A_682 = arith.index_cast %parallel_loop3A_681 : i32 to index
        %parallel_loop3A_683 = arith.index_cast %parallel_loop3A_635 : i32 to index
        %parallel_loop3A_684 = arith.constant 48 : index
        %parallel_loop3A_685 = tpu.vector_load %arg7[%parallel_loop3A_682, %parallel_loop3A_683, %parallel_loop3A_684] {strides = array<i32>} : memref<2x128x64xf32, #tpu.memory_space<vmem>>, vector<16xf32>,
        tpu.vector_store %arg7[%parallel_loop3A_682, %parallel_loop3A_683, %parallel_loop3A_684], %parallel_loop3A_680 {strides = array<i32>} : memref<2x128x64xf32, #tpu.memory_space<vmem>>, vector<16xf32>,
        %parallel_loop3A_686 = arith.constant 16 : i32
        %parallel_loop3A_687 = arith.muli %parallel_loop3A_376, %parallel_loop3A_686 : i32
        %parallel_loop3A_688 = arith.constant 5 : i32
        %parallel_loop3A_689 = arith.addi %parallel_loop3A_687, %parallel_loop3A_688 : i32
        %parallel_loop3A_690 = vector.extract_strided_slice %parallel_loop3A_415 {offsets = [5], sizes = [1], strides = [1]} : vector<16xi32> to vector<1xi32>
        %parallel_loop3A_691 = vector.extract %parallel_loop3A_690[0] : i32 from vector<1xi32>
        %parallel_loop3A_692 = arith.constant 0 : i32
        %parallel_loop3A_693 = arith.addi %parallel_loop3A_691, %parallel_loop3A_692 : i32
        %parallel_loop3A_694 = arith.constant 0 : i32
        %parallel_loop3A_695 = arith.index_cast %parallel_loop3A_694 : i32 to index
        %parallel_loop3A_696 = arith.index_cast %parallel_loop3A_689 : i32 to index
        %parallel_loop3A_697 = arith.index_cast %parallel_loop3A_693 : i32 to index
        %parallel_loop3A_698 = tpu.vector_load %arg6[%parallel_loop3A_695, %parallel_loop3A_696, %parallel_loop3A_697] {strides = array<i32>} : memref<2x128x128xf32, #tpu.memory_space<vmem>>, vector<16xf32>,
        %parallel_loop3A_699 = arith.constant 0 : i32
        %parallel_loop3A_700 = arith.index_cast %parallel_loop3A_699 : i32 to index
        %parallel_loop3A_701 = arith.index_cast %parallel_loop3A_689 : i32 to index
        %parallel_loop3A_702 = arith.constant 0 : index
        %parallel_loop3A_703 = tpu.vector_load %arg7[%parallel_loop3A_700, %parallel_loop3A_701, %parallel_loop3A_702] {strides = array<i32>} : memref<2x128x64xf32, #tpu.memory_space<vmem>>, vector<16xf32>,
        tpu.vector_store %arg7[%parallel_loop3A_700, %parallel_loop3A_701, %parallel_loop3A_702], %parallel_loop3A_698 {strides = array<i32>} : memref<2x128x64xf32, #tpu.memory_space<vmem>>, vector<16xf32>,
        %parallel_loop3A_704 = arith.constant 16 : i32
        %parallel_loop3A_705 = arith.addi %parallel_loop3A_691, %parallel_loop3A_704 : i32
        %parallel_loop3A_706 = arith.constant 0 : i32
        %parallel_loop3A_707 = arith.index_cast %parallel_loop3A_706 : i32 to index
        %parallel_loop3A_708 = arith.index_cast %parallel_loop3A_689 : i32 to index
        %parallel_loop3A_709 = arith.index_cast %parallel_loop3A_705 : i32 to index
        %parallel_loop3A_710 = tpu.vector_load %arg6[%parallel_loop3A_707, %parallel_loop3A_708, %parallel_loop3A_709] {strides = array<i32>} : memref<2x128x128xf32, #tpu.memory_space<vmem>>, vector<16xf32>,
        %parallel_loop3A_711 = arith.constant 0 : i32
        %parallel_loop3A_712 = arith.index_cast %parallel_loop3A_711 : i32 to index
        %parallel_loop3A_713 = arith.index_cast %parallel_loop3A_689 : i32 to index
        %parallel_loop3A_714 = arith.constant 16 : index
        %parallel_loop3A_715 = tpu.vector_load %arg7[%parallel_loop3A_712, %parallel_loop3A_713, %parallel_loop3A_714] {strides = array<i32>} : memref<2x128x64xf32, #tpu.memory_space<vmem>>, vector<16xf32>,
        tpu.vector_store %arg7[%parallel_loop3A_712, %parallel_loop3A_713, %parallel_loop3A_714], %parallel_loop3A_710 {strides = array<i32>} : memref<2x128x64xf32, #tpu.memory_space<vmem>>, vector<16xf32>,
        %parallel_loop3A_716 = arith.constant 32 : i32
        %parallel_loop3A_717 = arith.addi %parallel_loop3A_691, %parallel_loop3A_716 : i32
        %parallel_loop3A_718 = arith.constant 0 : i32
        %parallel_loop3A_719 = arith.index_cast %parallel_loop3A_718 : i32 to index
        %parallel_loop3A_720 = arith.index_cast %parallel_loop3A_689 : i32 to index
        %parallel_loop3A_721 = arith.index_cast %parallel_loop3A_717 : i32 to index
        %parallel_loop3A_722 = tpu.vector_load %arg6[%parallel_loop3A_719, %parallel_loop3A_720, %parallel_loop3A_721] {strides = array<i32>} : memref<2x128x128xf32, #tpu.memory_space<vmem>>, vector<16xf32>,
        %parallel_loop3A_723 = arith.constant 0 : i32
        %parallel_loop3A_724 = arith.index_cast %parallel_loop3A_723 : i32 to index
        %parallel_loop3A_725 = arith.index_cast %parallel_loop3A_689 : i32 to index
        %parallel_loop3A_726 = arith.constant 32 : index
        %parallel_loop3A_727 = tpu.vector_load %arg7[%parallel_loop3A_724, %parallel_loop3A_725, %parallel_loop3A_726] {strides = array<i32>} : memref<2x128x64xf32, #tpu.memory_space<vmem>>, vector<16xf32>,
        tpu.vector_store %arg7[%parallel_loop3A_724, %parallel_loop3A_725, %parallel_loop3A_726], %parallel_loop3A_722 {strides = array<i32>} : memref<2x128x64xf32, #tpu.memory_space<vmem>>, vector<16xf32>,
        %parallel_loop3A_728 = arith.constant 48 : i32
        %parallel_loop3A_729 = arith.addi %parallel_loop3A_691, %parallel_loop3A_728 : i32
        %parallel_loop3A_730 = arith.constant 0 : i32
        %parallel_loop3A_731 = arith.index_cast %parallel_loop3A_730 : i32 to index
        %parallel_loop3A_732 = arith.index_cast %parallel_loop3A_689 : i32 to index
        %parallel_loop3A_733 = arith.index_cast %parallel_loop3A_729 : i32 to index
        %parallel_loop3A_734 = tpu.vector_load %arg6[%parallel_loop3A_731, %parallel_loop3A_732, %parallel_loop3A_733] {strides = array<i32>} : memref<2x128x128xf32, #tpu.memory_space<vmem>>, vector<16xf32>,
        %parallel_loop3A_735 = arith.constant 0 : i32
        %parallel_loop3A_736 = arith.index_cast %parallel_loop3A_735 : i32 to index
        %parallel_loop3A_737 = arith.index_cast %parallel_loop3A_689 : i32 to index
        %parallel_loop3A_738 = arith.constant 48 : index
        %parallel_loop3A_739 = tpu.vector_load %arg7[%parallel_loop3A_736, %parallel_loop3A_737, %parallel_loop3A_738] {strides = array<i32>} : memref<2x128x64xf32, #tpu.memory_space<vmem>>, vector<16xf32>,
        tpu.vector_store %arg7[%parallel_loop3A_736, %parallel_loop3A_737, %parallel_loop3A_738], %parallel_loop3A_734 {strides = array<i32>} : memref<2x128x64xf32, #tpu.memory_space<vmem>>, vector<16xf32>,
        %parallel_loop3A_740 = arith.constant 16 : i32
        %parallel_loop3A_741 = arith.muli %parallel_loop3A_376, %parallel_loop3A_740 : i32
        %parallel_loop3A_742 = arith.constant 6 : i32
        %parallel_loop3A_743 = arith.addi %parallel_loop3A_741, %parallel_loop3A_742 : i32
        %parallel_loop3A_744 = vector.extract_strided_slice %parallel_loop3A_415 {offsets = [6], sizes = [1], strides = [1]} : vector<16xi32> to vector<1xi32>
        %parallel_loop3A_745 = vector.extract %parallel_loop3A_744[0] : i32 from vector<1xi32>
        %parallel_loop3A_746 = arith.constant 0 : i32
        %parallel_loop3A_747 = arith.addi %parallel_loop3A_745, %parallel_loop3A_746 : i32
        %parallel_loop3A_748 = arith.constant 0 : i32
        %parallel_loop3A_749 = arith.index_cast %parallel_loop3A_748 : i32 to index
        %parallel_loop3A_750 = arith.index_cast %parallel_loop3A_743 : i32 to index
        %parallel_loop3A_751 = arith.index_cast %parallel_loop3A_747 : i32 to index
        %parallel_loop3A_752 = tpu.vector_load %arg6[%parallel_loop3A_749, %parallel_loop3A_750, %parallel_loop3A_751] {strides = array<i32>} : memref<2x128x128xf32, #tpu.memory_space<vmem>>, vector<16xf32>,
        %parallel_loop3A_753 = arith.constant 0 : i32
        %parallel_loop3A_754 = arith.index_cast %parallel_loop3A_753 : i32 to index
        %parallel_loop3A_755 = arith.index_cast %parallel_loop3A_743 : i32 to index
        %parallel_loop3A_756 = arith.constant 0 : index
        %parallel_loop3A_757 = tpu.vector_load %arg7[%parallel_loop3A_754, %parallel_loop3A_755, %parallel_loop3A_756] {strides = array<i32>} : memref<2x128x64xf32, #tpu.memory_space<vmem>>, vector<16xf32>,
        tpu.vector_store %arg7[%parallel_loop3A_754, %parallel_loop3A_755, %parallel_loop3A_756], %parallel_loop3A_752 {strides = array<i32>} : memref<2x128x64xf32, #tpu.memory_space<vmem>>, vector<16xf32>,
        %parallel_loop3A_758 = arith.constant 16 : i32
        %parallel_loop3A_759 = arith.addi %parallel_loop3A_745, %parallel_loop3A_758 : i32
        %parallel_loop3A_760 = arith.constant 0 : i32
        %parallel_loop3A_761 = arith.index_cast %parallel_loop3A_760 : i32 to index
        %parallel_loop3A_762 = arith.index_cast %parallel_loop3A_743 : i32 to index
        %parallel_loop3A_763 = arith.index_cast %parallel_loop3A_759 : i32 to index
        %parallel_loop3A_764 = tpu.vector_load %arg6[%parallel_loop3A_761, %parallel_loop3A_762, %parallel_loop3A_763] {strides = array<i32>} : memref<2x128x128xf32, #tpu.memory_space<vmem>>, vector<16xf32>,
        %parallel_loop3A_765 = arith.constant 0 : i32
        %parallel_loop3A_766 = arith.index_cast %parallel_loop3A_765 : i32 to index
        %parallel_loop3A_767 = arith.index_cast %parallel_loop3A_743 : i32 to index
        %parallel_loop3A_768 = arith.constant 16 : index
        %parallel_loop3A_769 = tpu.vector_load %arg7[%parallel_loop3A_766, %parallel_loop3A_767, %parallel_loop3A_768] {strides = array<i32>} : memref<2x128x64xf32, #tpu.memory_space<vmem>>, vector<16xf32>,
        tpu.vector_store %arg7[%parallel_loop3A_766, %parallel_loop3A_767, %parallel_loop3A_768], %parallel_loop3A_764 {strides = array<i32>} : memref<2x128x64xf32, #tpu.memory_space<vmem>>, vector<16xf32>,
        %parallel_loop3A_770 = arith.constant 32 : i32
        %parallel_loop3A_771 = arith.addi %parallel_loop3A_745, %parallel_loop3A_770 : i32
        %parallel_loop3A_772 = arith.constant 0 : i32
        %parallel_loop3A_773 = arith.index_cast %parallel_loop3A_772 : i32 to index
        %parallel_loop3A_774 = arith.index_cast %parallel_loop3A_743 : i32 to index
        %parallel_loop3A_775 = arith.index_cast %parallel_loop3A_771 : i32 to index
        %parallel_loop3A_776 = tpu.vector_load %arg6[%parallel_loop3A_773, %parallel_loop3A_774, %parallel_loop3A_775] {strides = array<i32>} : memref<2x128x128xf32, #tpu.memory_space<vmem>>, vector<16xf32>,
        %parallel_loop3A_777 = arith.constant 0 : i32
        %parallel_loop3A_778 = arith.index_cast %parallel_loop3A_777 : i32 to index
        %parallel_loop3A_779 = arith.index_cast %parallel_loop3A_743 : i32 to index
        %parallel_loop3A_780 = arith.constant 32 : index
        %parallel_loop3A_781 = tpu.vector_load %arg7[%parallel_loop3A_778, %parallel_loop3A_779, %parallel_loop3A_780] {strides = array<i32>} : memref<2x128x64xf32, #tpu.memory_space<vmem>>, vector<16xf32>,
        tpu.vector_store %arg7[%parallel_loop3A_778, %parallel_loop3A_779, %parallel_loop3A_780], %parallel_loop3A_776 {strides = array<i32>} : memref<2x128x64xf32, #tpu.memory_space<vmem>>, vector<16xf32>,
        %parallel_loop3A_782 = arith.constant 48 : i32
        %parallel_loop3A_783 = arith.addi %parallel_loop3A_745, %parallel_loop3A_782 : i32
        %parallel_loop3A_784 = arith.constant 0 : i32
        %parallel_loop3A_785 = arith.index_cast %parallel_loop3A_784 : i32 to index
        %parallel_loop3A_786 = arith.index_cast %parallel_loop3A_743 : i32 to index
        %parallel_loop3A_787 = arith.index_cast %parallel_loop3A_783 : i32 to index
        %parallel_loop3A_788 = tpu.vector_load %arg6[%parallel_loop3A_785, %parallel_loop3A_786, %parallel_loop3A_787] {strides = array<i32>} : memref<2x128x128xf32, #tpu.memory_space<vmem>>, vector<16xf32>,
        %parallel_loop3A_789 = arith.constant 0 : i32
        %parallel_loop3A_790 = arith.index_cast %parallel_loop3A_789 : i32 to index
        %parallel_loop3A_791 = arith.index_cast %parallel_loop3A_743 : i32 to index
        %parallel_loop3A_792 = arith.constant 48 : index
        %parallel_loop3A_793 = tpu.vector_load %arg7[%parallel_loop3A_790, %parallel_loop3A_791, %parallel_loop3A_792] {strides = array<i32>} : memref<2x128x64xf32, #tpu.memory_space<vmem>>, vector<16xf32>,
        tpu.vector_store %arg7[%parallel_loop3A_790, %parallel_loop3A_791, %parallel_loop3A_792], %parallel_loop3A_788 {strides = array<i32>} : memref<2x128x64xf32, #tpu.memory_space<vmem>>, vector<16xf32>,
        %parallel_loop3A_794 = arith.constant 16 : i32
        %parallel_loop3A_795 = arith.muli %parallel_loop3A_376, %parallel_loop3A_794 : i32
        %parallel_loop3A_796 = arith.constant 7 : i32
        %parallel_loop3A_797 = arith.addi %parallel_loop3A_795, %parallel_loop3A_796 : i32
        %parallel_loop3A_798 = vector.extract_strided_slice %parallel_loop3A_415 {offsets = [7], sizes = [1], strides = [1]} : vector<16xi32> to vector<1xi32>
        %parallel_loop3A_799 = vector.extract %parallel_loop3A_798[0] : i32 from vector<1xi32>
        %parallel_loop3A_800 = arith.constant 0 : i32
        %parallel_loop3A_801 = arith.addi %parallel_loop3A_799, %parallel_loop3A_800 : i32
        %parallel_loop3A_802 = arith.constant 0 : i32
        %parallel_loop3A_803 = arith.index_cast %parallel_loop3A_802 : i32 to index
        %parallel_loop3A_804 = arith.index_cast %parallel_loop3A_797 : i32 to index
        %parallel_loop3A_805 = arith.index_cast %parallel_loop3A_801 : i32 to index
        %parallel_loop3A_806 = tpu.vector_load %arg6[%parallel_loop3A_803, %parallel_loop3A_804, %parallel_loop3A_805] {strides = array<i32>} : memref<2x128x128xf32, #tpu.memory_space<vmem>>, vector<16xf32>,
        %parallel_loop3A_807 = arith.constant 0 : i32
        %parallel_loop3A_808 = arith.index_cast %parallel_loop3A_807 : i32 to index
        %parallel_loop3A_809 = arith.index_cast %parallel_loop3A_797 : i32 to index
        %parallel_loop3A_810 = arith.constant 0 : index
        %parallel_loop3A_811 = tpu.vector_load %arg7[%parallel_loop3A_808, %parallel_loop3A_809, %parallel_loop3A_810] {strides = array<i32>} : memref<2x128x64xf32, #tpu.memory_space<vmem>>, vector<16xf32>,
        tpu.vector_store %arg7[%parallel_loop3A_808, %parallel_loop3A_809, %parallel_loop3A_810], %parallel_loop3A_806 {strides = array<i32>} : memref<2x128x64xf32, #tpu.memory_space<vmem>>, vector<16xf32>,
        %parallel_loop3A_812 = arith.constant 16 : i32
        %parallel_loop3A_813 = arith.addi %parallel_loop3A_799, %parallel_loop3A_812 : i32
        %parallel_loop3A_814 = arith.constant 0 : i32
        %parallel_loop3A_815 = arith.index_cast %parallel_loop3A_814 : i32 to index
        %parallel_loop3A_816 = arith.index_cast %parallel_loop3A_797 : i32 to index
        %parallel_loop3A_817 = arith.index_cast %parallel_loop3A_813 : i32 to index
        %parallel_loop3A_818 = tpu.vector_load %arg6[%parallel_loop3A_815, %parallel_loop3A_816, %parallel_loop3A_817] {strides = array<i32>} : memref<2x128x128xf32, #tpu.memory_space<vmem>>, vector<16xf32>,
        %parallel_loop3A_819 = arith.constant 0 : i32
        %parallel_loop3A_820 = arith.index_cast %parallel_loop3A_819 : i32 to index
        %parallel_loop3A_821 = arith.index_cast %parallel_loop3A_797 : i32 to index
        %parallel_loop3A_822 = arith.constant 16 : index
        %parallel_loop3A_823 = tpu.vector_load %arg7[%parallel_loop3A_820, %parallel_loop3A_821, %parallel_loop3A_822] {strides = array<i32>} : memref<2x128x64xf32, #tpu.memory_space<vmem>>, vector<16xf32>,
        tpu.vector_store %arg7[%parallel_loop3A_820, %parallel_loop3A_821, %parallel_loop3A_822], %parallel_loop3A_818 {strides = array<i32>} : memref<2x128x64xf32, #tpu.memory_space<vmem>>, vector<16xf32>,
        %parallel_loop3A_824 = arith.constant 32 : i32
        %parallel_loop3A_825 = arith.addi %parallel_loop3A_799, %parallel_loop3A_824 : i32
        %parallel_loop3A_826 = arith.constant 0 : i32
        %parallel_loop3A_827 = arith.index_cast %parallel_loop3A_826 : i32 to index
        %parallel_loop3A_828 = arith.index_cast %parallel_loop3A_797 : i32 to index
        %parallel_loop3A_829 = arith.index_cast %parallel_loop3A_825 : i32 to index
        %parallel_loop3A_830 = tpu.vector_load %arg6[%parallel_loop3A_827, %parallel_loop3A_828, %parallel_loop3A_829] {strides = array<i32>} : memref<2x128x128xf32, #tpu.memory_space<vmem>>, vector<16xf32>,
        %parallel_loop3A_831 = arith.constant 0 : i32
        %parallel_loop3A_832 = arith.index_cast %parallel_loop3A_831 : i32 to index
        %parallel_loop3A_833 = arith.index_cast %parallel_loop3A_797 : i32 to index
        %parallel_loop3A_834 = arith.constant 32 : index
        %parallel_loop3A_835 = tpu.vector_load %arg7[%parallel_loop3A_832, %parallel_loop3A_833, %parallel_loop3A_834] {strides = array<i32>} : memref<2x128x64xf32, #tpu.memory_space<vmem>>, vector<16xf32>,
        tpu.vector_store %arg7[%parallel_loop3A_832, %parallel_loop3A_833, %parallel_loop3A_834], %parallel_loop3A_830 {strides = array<i32>} : memref<2x128x64xf32, #tpu.memory_space<vmem>>, vector<16xf32>,
        %parallel_loop3A_836 = arith.constant 48 : i32
        %parallel_loop3A_837 = arith.addi %parallel_loop3A_799, %parallel_loop3A_836 : i32
        %parallel_loop3A_838 = arith.constant 0 : i32
        %parallel_loop3A_839 = arith.index_cast %parallel_loop3A_838 : i32 to index
        %parallel_loop3A_840 = arith.index_cast %parallel_loop3A_797 : i32 to index
        %parallel_loop3A_841 = arith.index_cast %parallel_loop3A_837 : i32 to index
        %parallel_loop3A_842 = tpu.vector_load %arg6[%parallel_loop3A_839, %parallel_loop3A_840, %parallel_loop3A_841] {strides = array<i32>} : memref<2x128x128xf32, #tpu.memory_space<vmem>>, vector<16xf32>,
        %parallel_loop3A_843 = arith.constant 0 : i32
        %parallel_loop3A_844 = arith.index_cast %parallel_loop3A_843 : i32 to index
        %parallel_loop3A_845 = arith.index_cast %parallel_loop3A_797 : i32 to index
        %parallel_loop3A_846 = arith.constant 48 : index
        %parallel_loop3A_847 = tpu.vector_load %arg7[%parallel_loop3A_844, %parallel_loop3A_845, %parallel_loop3A_846] {strides = array<i32>} : memref<2x128x64xf32, #tpu.memory_space<vmem>>, vector<16xf32>,
        tpu.vector_store %arg7[%parallel_loop3A_844, %parallel_loop3A_845, %parallel_loop3A_846], %parallel_loop3A_842 {strides = array<i32>} : memref<2x128x64xf32, #tpu.memory_space<vmem>>, vector<16xf32>,
        %parallel_loop3A_848 = arith.constant 16 : i32
        %parallel_loop3A_849 = arith.muli %parallel_loop3A_376, %parallel_loop3A_848 : i32
        %parallel_loop3A_850 = arith.constant 8 : i32
        %parallel_loop3A_851 = arith.addi %parallel_loop3A_849, %parallel_loop3A_850 : i32
        %parallel_loop3A_852 = vector.extract_strided_slice %parallel_loop3A_415 {offsets = [8], sizes = [1], strides = [1]} : vector<16xi32> to vector<1xi32>
        %parallel_loop3A_853 = vector.extract %parallel_loop3A_852[0] : i32 from vector<1xi32>
        %parallel_loop3A_854 = arith.constant 0 : i32
        %parallel_loop3A_855 = arith.addi %parallel_loop3A_853, %parallel_loop3A_854 : i32
        %parallel_loop3A_856 = arith.constant 0 : i32
        %parallel_loop3A_857 = arith.index_cast %parallel_loop3A_856 : i32 to index
        %parallel_loop3A_858 = arith.index_cast %parallel_loop3A_851 : i32 to index
        %parallel_loop3A_859 = arith.index_cast %parallel_loop3A_855 : i32 to index
        %parallel_loop3A_860 = tpu.vector_load %arg6[%parallel_loop3A_857, %parallel_loop3A_858, %parallel_loop3A_859] {strides = array<i32>} : memref<2x128x128xf32, #tpu.memory_space<vmem>>, vector<16xf32>,
        %parallel_loop3A_861 = arith.constant 0 : i32
        %parallel_loop3A_862 = arith.index_cast %parallel_loop3A_861 : i32 to index
        %parallel_loop3A_863 = arith.index_cast %parallel_loop3A_851 : i32 to index
        %parallel_loop3A_864 = arith.constant 0 : index
        %parallel_loop3A_865 = tpu.vector_load %arg7[%parallel_loop3A_862, %parallel_loop3A_863, %parallel_loop3A_864] {strides = array<i32>} : memref<2x128x64xf32, #tpu.memory_space<vmem>>, vector<16xf32>,
        tpu.vector_store %arg7[%parallel_loop3A_862, %parallel_loop3A_863, %parallel_loop3A_864], %parallel_loop3A_860 {strides = array<i32>} : memref<2x128x64xf32, #tpu.memory_space<vmem>>, vector<16xf32>,
        %parallel_loop3A_866 = arith.constant 16 : i32
        %parallel_loop3A_867 = arith.addi %parallel_loop3A_853, %parallel_loop3A_866 : i32
        %parallel_loop3A_868 = arith.constant 0 : i32
        %parallel_loop3A_869 = arith.index_cast %parallel_loop3A_868 : i32 to index
        %parallel_loop3A_870 = arith.index_cast %parallel_loop3A_851 : i32 to index
        %parallel_loop3A_871 = arith.index_cast %parallel_loop3A_867 : i32 to index
        %parallel_loop3A_872 = tpu.vector_load %arg6[%parallel_loop3A_869, %parallel_loop3A_870, %parallel_loop3A_871] {strides = array<i32>} : memref<2x128x128xf32, #tpu.memory_space<vmem>>, vector<16xf32>,
        %parallel_loop3A_873 = arith.constant 0 : i32
        %parallel_loop3A_874 = arith.index_cast %parallel_loop3A_873 : i32 to index
        %parallel_loop3A_875 = arith.index_cast %parallel_loop3A_851 : i32 to index
        %parallel_loop3A_876 = arith.constant 16 : index
        %parallel_loop3A_877 = tpu.vector_load %arg7[%parallel_loop3A_874, %parallel_loop3A_875, %parallel_loop3A_876] {strides = array<i32>} : memref<2x128x64xf32, #tpu.memory_space<vmem>>, vector<16xf32>,
        tpu.vector_store %arg7[%parallel_loop3A_874, %parallel_loop3A_875, %parallel_loop3A_876], %parallel_loop3A_872 {strides = array<i32>} : memref<2x128x64xf32, #tpu.memory_space<vmem>>, vector<16xf32>,
        %parallel_loop3A_878 = arith.constant 32 : i32
        %parallel_loop3A_879 = arith.addi %parallel_loop3A_853, %parallel_loop3A_878 : i32
        %parallel_loop3A_880 = arith.constant 0 : i32
        %parallel_loop3A_881 = arith.index_cast %parallel_loop3A_880 : i32 to index
        %parallel_loop3A_882 = arith.index_cast %parallel_loop3A_851 : i32 to index
        %parallel_loop3A_883 = arith.index_cast %parallel_loop3A_879 : i32 to index
        %parallel_loop3A_884 = tpu.vector_load %arg6[%parallel_loop3A_881, %parallel_loop3A_882, %parallel_loop3A_883] {strides = array<i32>} : memref<2x128x128xf32, #tpu.memory_space<vmem>>, vector<16xf32>,
        %parallel_loop3A_885 = arith.constant 0 : i32
        %parallel_loop3A_886 = arith.index_cast %parallel_loop3A_885 : i32 to index
        %parallel_loop3A_887 = arith.index_cast %parallel_loop3A_851 : i32 to index
        %parallel_loop3A_888 = arith.constant 32 : index
        %parallel_loop3A_889 = tpu.vector_load %arg7[%parallel_loop3A_886, %parallel_loop3A_887, %parallel_loop3A_888] {strides = array<i32>} : memref<2x128x64xf32, #tpu.memory_space<vmem>>, vector<16xf32>,
        tpu.vector_store %arg7[%parallel_loop3A_886, %parallel_loop3A_887, %parallel_loop3A_888], %parallel_loop3A_884 {strides = array<i32>} : memref<2x128x64xf32, #tpu.memory_space<vmem>>, vector<16xf32>,
        %parallel_loop3A_890 = arith.constant 48 : i32
        %parallel_loop3A_891 = arith.addi %parallel_loop3A_853, %parallel_loop3A_890 : i32
        %parallel_loop3A_892 = arith.constant 0 : i32
        %parallel_loop3A_893 = arith.index_cast %parallel_loop3A_892 : i32 to index
        %parallel_loop3A_894 = arith.index_cast %parallel_loop3A_851 : i32 to index
        %parallel_loop3A_895 = arith.index_cast %parallel_loop3A_891 : i32 to index
        %parallel_loop3A_896 = tpu.vector_load %arg6[%parallel_loop3A_893, %parallel_loop3A_894, %parallel_loop3A_895] {strides = array<i32>} : memref<2x128x128xf32, #tpu.memory_space<vmem>>, vector<16xf32>,
        %parallel_loop3A_897 = arith.constant 0 : i32
        %parallel_loop3A_898 = arith.index_cast %parallel_loop3A_897 : i32 to index
        %parallel_loop3A_899 = arith.index_cast %parallel_loop3A_851 : i32 to index
        %parallel_loop3A_900 = arith.constant 48 : index
        %parallel_loop3A_901 = tpu.vector_load %arg7[%parallel_loop3A_898, %parallel_loop3A_899, %parallel_loop3A_900] {strides = array<i32>} : memref<2x128x64xf32, #tpu.memory_space<vmem>>, vector<16xf32>,
        tpu.vector_store %arg7[%parallel_loop3A_898, %parallel_loop3A_899, %parallel_loop3A_900], %parallel_loop3A_896 {strides = array<i32>} : memref<2x128x64xf32, #tpu.memory_space<vmem>>, vector<16xf32>,
        %parallel_loop3A_902 = arith.constant 16 : i32
        %parallel_loop3A_903 = arith.muli %parallel_loop3A_376, %parallel_loop3A_902 : i32
        %parallel_loop3A_904 = arith.constant 9 : i32
        %parallel_loop3A_905 = arith.addi %parallel_loop3A_903, %parallel_loop3A_904 : i32
        %parallel_loop3A_906 = vector.extract_strided_slice %parallel_loop3A_415 {offsets = [9], sizes = [1], strides = [1]} : vector<16xi32> to vector<1xi32>
        %parallel_loop3A_907 = vector.extract %parallel_loop3A_906[0] : i32 from vector<1xi32>
        %parallel_loop3A_908 = arith.constant 0 : i32
        %parallel_loop3A_909 = arith.addi %parallel_loop3A_907, %parallel_loop3A_908 : i32
        %parallel_loop3A_910 = arith.constant 0 : i32
        %parallel_loop3A_911 = arith.index_cast %parallel_loop3A_910 : i32 to index
        %parallel_loop3A_912 = arith.index_cast %parallel_loop3A_905 : i32 to index
        %parallel_loop3A_913 = arith.index_cast %parallel_loop3A_909 : i32 to index
        %parallel_loop3A_914 = tpu.vector_load %arg6[%parallel_loop3A_911, %parallel_loop3A_912, %parallel_loop3A_913] {strides = array<i32>} : memref<2x128x128xf32, #tpu.memory_space<vmem>>, vector<16xf32>,
        %parallel_loop3A_915 = arith.constant 0 : i32
        %parallel_loop3A_916 = arith.index_cast %parallel_loop3A_915 : i32 to index
        %parallel_loop3A_917 = arith.index_cast %parallel_loop3A_905 : i32 to index
        %parallel_loop3A_918 = arith.constant 0 : index
        %parallel_loop3A_919 = tpu.vector_load %arg7[%parallel_loop3A_916, %parallel_loop3A_917, %parallel_loop3A_918] {strides = array<i32>} : memref<2x128x64xf32, #tpu.memory_space<vmem>>, vector<16xf32>,
        tpu.vector_store %arg7[%parallel_loop3A_916, %parallel_loop3A_917, %parallel_loop3A_918], %parallel_loop3A_914 {strides = array<i32>} : memref<2x128x64xf32, #tpu.memory_space<vmem>>, vector<16xf32>,
        %parallel_loop3A_920 = arith.constant 16 : i32
        %parallel_loop3A_921 = arith.addi %parallel_loop3A_907, %parallel_loop3A_920 : i32
        %parallel_loop3A_922 = arith.constant 0 : i32
        %parallel_loop3A_923 = arith.index_cast %parallel_loop3A_922 : i32 to index
        %parallel_loop3A_924 = arith.index_cast %parallel_loop3A_905 : i32 to index
        %parallel_loop3A_925 = arith.index_cast %parallel_loop3A_921 : i32 to index
        %parallel_loop3A_926 = tpu.vector_load %arg6[%parallel_loop3A_923, %parallel_loop3A_924, %parallel_loop3A_925] {strides = array<i32>} : memref<2x128x128xf32, #tpu.memory_space<vmem>>, vector<16xf32>,
        %parallel_loop3A_927 = arith.constant 0 : i32
        %parallel_loop3A_928 = arith.index_cast %parallel_loop3A_927 : i32 to index
        %parallel_loop3A_929 = arith.index_cast %parallel_loop3A_905 : i32 to index
        %parallel_loop3A_930 = arith.constant 16 : index
        %parallel_loop3A_931 = tpu.vector_load %arg7[%parallel_loop3A_928, %parallel_loop3A_929, %parallel_loop3A_930] {strides = array<i32>} : memref<2x128x64xf32, #tpu.memory_space<vmem>>, vector<16xf32>,
        tpu.vector_store %arg7[%parallel_loop3A_928, %parallel_loop3A_929, %parallel_loop3A_930], %parallel_loop3A_926 {strides = array<i32>} : memref<2x128x64xf32, #tpu.memory_space<vmem>>, vector<16xf32>,
        %parallel_loop3A_932 = arith.constant 32 : i32
        %parallel_loop3A_933 = arith.addi %parallel_loop3A_907, %parallel_loop3A_932 : i32
        %parallel_loop3A_934 = arith.constant 0 : i32
        %parallel_loop3A_935 = arith.index_cast %parallel_loop3A_934 : i32 to index
        %parallel_loop3A_936 = arith.index_cast %parallel_loop3A_905 : i32 to index
        %parallel_loop3A_937 = arith.index_cast %parallel_loop3A_933 : i32 to index
        %parallel_loop3A_938 = tpu.vector_load %arg6[%parallel_loop3A_935, %parallel_loop3A_936, %parallel_loop3A_937] {strides = array<i32>} : memref<2x128x128xf32, #tpu.memory_space<vmem>>, vector<16xf32>,
        %parallel_loop3A_939 = arith.constant 0 : i32
        %parallel_loop3A_940 = arith.index_cast %parallel_loop3A_939 : i32 to index
        %parallel_loop3A_941 = arith.index_cast %parallel_loop3A_905 : i32 to index
        %parallel_loop3A_942 = arith.constant 32 : index
        %parallel_loop3A_943 = tpu.vector_load %arg7[%parallel_loop3A_940, %parallel_loop3A_941, %parallel_loop3A_942] {strides = array<i32>} : memref<2x128x64xf32, #tpu.memory_space<vmem>>, vector<16xf32>,
        tpu.vector_store %arg7[%parallel_loop3A_940, %parallel_loop3A_941, %parallel_loop3A_942], %parallel_loop3A_938 {strides = array<i32>} : memref<2x128x64xf32, #tpu.memory_space<vmem>>, vector<16xf32>,
        %parallel_loop3A_944 = arith.constant 48 : i32
        %parallel_loop3A_945 = arith.addi %parallel_loop3A_907, %parallel_loop3A_944 : i32
        %parallel_loop3A_946 = arith.constant 0 : i32
        %parallel_loop3A_947 = arith.index_cast %parallel_loop3A_946 : i32 to index
        %parallel_loop3A_948 = arith.index_cast %parallel_loop3A_905 : i32 to index
        %parallel_loop3A_949 = arith.index_cast %parallel_loop3A_945 : i32 to index
        %parallel_loop3A_950 = tpu.vector_load %arg6[%parallel_loop3A_947, %parallel_loop3A_948, %parallel_loop3A_949] {strides = array<i32>} : memref<2x128x128xf32, #tpu.memory_space<vmem>>, vector<16xf32>,
        %parallel_loop3A_951 = arith.constant 0 : i32
        %parallel_loop3A_952 = arith.index_cast %parallel_loop3A_951 : i32 to index
        %parallel_loop3A_953 = arith.index_cast %parallel_loop3A_905 : i32 to index
        %parallel_loop3A_954 = arith.constant 48 : index
        %parallel_loop3A_955 = tpu.vector_load %arg7[%parallel_loop3A_952, %parallel_loop3A_953, %parallel_loop3A_954] {strides = array<i32>} : memref<2x128x64xf32, #tpu.memory_space<vmem>>, vector<16xf32>,
        tpu.vector_store %arg7[%parallel_loop3A_952, %parallel_loop3A_953, %parallel_loop3A_954], %parallel_loop3A_950 {strides = array<i32>} : memref<2x128x64xf32, #tpu.memory_space<vmem>>, vector<16xf32>,
        %parallel_loop3A_956 = arith.constant 16 : i32
        %parallel_loop3A_957 = arith.muli %parallel_loop3A_376, %parallel_loop3A_956 : i32
        %parallel_loop3A_958 = arith.constant 10 : i32
        %parallel_loop3A_959 = arith.addi %parallel_loop3A_957, %parallel_loop3A_958 : i32
        %parallel_loop3A_960 = vector.extract_strided_slice %parallel_loop3A_415 {offsets = [10], sizes = [1], strides = [1]} : vector<16xi32> to vector<1xi32>
        %parallel_loop3A_961 = vector.extract %parallel_loop3A_960[0] : i32 from vector<1xi32>
        %parallel_loop3A_962 = arith.constant 0 : i32
        %parallel_loop3A_963 = arith.addi %parallel_loop3A_961, %parallel_loop3A_962 : i32
        %parallel_loop3A_964 = arith.constant 0 : i32
        %parallel_loop3A_965 = arith.index_cast %parallel_loop3A_964 : i32 to index
        %parallel_loop3A_966 = arith.index_cast %parallel_loop3A_959 : i32 to index
        %parallel_loop3A_967 = arith.index_cast %parallel_loop3A_963 : i32 to index
        %parallel_loop3A_968 = tpu.vector_load %arg6[%parallel_loop3A_965, %parallel_loop3A_966, %parallel_loop3A_967] {strides = array<i32>} : memref<2x128x128xf32, #tpu.memory_space<vmem>>, vector<16xf32>,
        %parallel_loop3A_969 = arith.constant 0 : i32
        %parallel_loop3A_970 = arith.index_cast %parallel_loop3A_969 : i32 to index
        %parallel_loop3A_971 = arith.index_cast %parallel_loop3A_959 : i32 to index
        %parallel_loop3A_972 = arith.constant 0 : index
        %parallel_loop3A_973 = tpu.vector_load %arg7[%parallel_loop3A_970, %parallel_loop3A_971, %parallel_loop3A_972] {strides = array<i32>} : memref<2x128x64xf32, #tpu.memory_space<vmem>>, vector<16xf32>,
        tpu.vector_store %arg7[%parallel_loop3A_970, %parallel_loop3A_971, %parallel_loop3A_972], %parallel_loop3A_968 {strides = array<i32>} : memref<2x128x64xf32, #tpu.memory_space<vmem>>, vector<16xf32>,
        %parallel_loop3A_974 = arith.constant 16 : i32
        %parallel_loop3A_975 = arith.addi %parallel_loop3A_961, %parallel_loop3A_974 : i32
        %parallel_loop3A_976 = arith.constant 0 : i32
        %parallel_loop3A_977 = arith.index_cast %parallel_loop3A_976 : i32 to index
        %parallel_loop3A_978 = arith.index_cast %parallel_loop3A_959 : i32 to index
        %parallel_loop3A_979 = arith.index_cast %parallel_loop3A_975 : i32 to index
        %parallel_loop3A_980 = tpu.vector_load %arg6[%parallel_loop3A_977, %parallel_loop3A_978, %parallel_loop3A_979] {strides = array<i32>} : memref<2x128x128xf32, #tpu.memory_space<vmem>>, vector<16xf32>,
        %parallel_loop3A_981 = arith.constant 0 : i32
        %parallel_loop3A_982 = arith.index_cast %parallel_loop3A_981 : i32 to index
        %parallel_loop3A_983 = arith.index_cast %parallel_loop3A_959 : i32 to index
        %parallel_loop3A_984 = arith.constant 16 : index
        %parallel_loop3A_985 = tpu.vector_load %arg7[%parallel_loop3A_982, %parallel_loop3A_983, %parallel_loop3A_984] {strides = array<i32>} : memref<2x128x64xf32, #tpu.memory_space<vmem>>, vector<16xf32>,
        tpu.vector_store %arg7[%parallel_loop3A_982, %parallel_loop3A_983, %parallel_loop3A_984], %parallel_loop3A_980 {strides = array<i32>} : memref<2x128x64xf32, #tpu.memory_space<vmem>>, vector<16xf32>,
        %parallel_loop3A_986 = arith.constant 32 : i32
        %parallel_loop3A_987 = arith.addi %parallel_loop3A_961, %parallel_loop3A_986 : i32
        %parallel_loop3A_988 = arith.constant 0 : i32
        %parallel_loop3A_989 = arith.index_cast %parallel_loop3A_988 : i32 to index
        %parallel_loop3A_990 = arith.index_cast %parallel_loop3A_959 : i32 to index
        %parallel_loop3A_991 = arith.index_cast %parallel_loop3A_987 : i32 to index
        %parallel_loop3A_992 = tpu.vector_load %arg6[%parallel_loop3A_989, %parallel_loop3A_990, %parallel_loop3A_991] {strides = array<i32>} : memref<2x128x128xf32, #tpu.memory_space<vmem>>, vector<16xf32>,
        %parallel_loop3A_993 = arith.constant 0 : i32
        %parallel_loop3A_994 = arith.index_cast %parallel_loop3A_993 : i32 to index
        %parallel_loop3A_995 = arith.index_cast %parallel_loop3A_959 : i32 to index
        %parallel_loop3A_996 = arith.constant 32 : index
        %parallel_loop3A_997 = tpu.vector_load %arg7[%parallel_loop3A_994, %parallel_loop3A_995, %parallel_loop3A_996] {strides = array<i32>} : memref<2x128x64xf32, #tpu.memory_space<vmem>>, vector<16xf32>,
        tpu.vector_store %arg7[%parallel_loop3A_994, %parallel_loop3A_995, %parallel_loop3A_996], %parallel_loop3A_992 {strides = array<i32>} : memref<2x128x64xf32, #tpu.memory_space<vmem>>, vector<16xf32>,
        %parallel_loop3A_998 = arith.constant 48 : i32
        %parallel_loop3A_999 = arith.addi %parallel_loop3A_961, %parallel_loop3A_998 : i32
        %parallel_loop3A_1000 = arith.constant 0 : i32
        %parallel_loop3A_1001 = arith.index_cast %parallel_loop3A_1000 : i32 to index
        %parallel_loop3A_1002 = arith.index_cast %parallel_loop3A_959 : i32 to index
        %parallel_loop3A_1003 = arith.index_cast %parallel_loop3A_999 : i32 to index
        %parallel_loop3A_1004 = tpu.vector_load %arg6[%parallel_loop3A_1001, %parallel_loop3A_1002, %parallel_loop3A_1003] {strides = array<i32>} : memref<2x128x128xf32, #tpu.memory_space<vmem>>, vector<16xf32>,
        %parallel_loop3A_1005 = arith.constant 0 : i32
        %parallel_loop3A_1006 = arith.index_cast %parallel_loop3A_1005 : i32 to index
        %parallel_loop3A_1007 = arith.index_cast %parallel_loop3A_959 : i32 to index
        %parallel_loop3A_1008 = arith.constant 48 : index
        %parallel_loop3A_1009 = tpu.vector_load %arg7[%parallel_loop3A_1006, %parallel_loop3A_1007, %parallel_loop3A_1008] {strides = array<i32>} : memref<2x128x64xf32, #tpu.memory_space<vmem>>, vector<16xf32>,
        tpu.vector_store %arg7[%parallel_loop3A_1006, %parallel_loop3A_1007, %parallel_loop3A_1008], %parallel_loop3A_1004 {strides = array<i32>} : memref<2x128x64xf32, #tpu.memory_space<vmem>>, vector<16xf32>,
        %parallel_loop3A_1010 = arith.constant 16 : i32
        %parallel_loop3A_1011 = arith.muli %parallel_loop3A_376, %parallel_loop3A_1010 : i32
        %parallel_loop3A_1012 = arith.constant 11 : i32
        %parallel_loop3A_1013 = arith.addi %parallel_loop3A_1011, %parallel_loop3A_1012 : i32
        %parallel_loop3A_1014 = vector.extract_strided_slice %parallel_loop3A_415 {offsets = [11], sizes = [1], strides = [1]} : vector<16xi32> to vector<1xi32>
        %parallel_loop3A_1015 = vector.extract %parallel_loop3A_1014[0] : i32 from vector<1xi32>
        %parallel_loop3A_1016 = arith.constant 0 : i32
        %parallel_loop3A_1017 = arith.addi %parallel_loop3A_1015, %parallel_loop3A_1016 : i32
        %parallel_loop3A_1018 = arith.constant 0 : i32
        %parallel_loop3A_1019 = arith.index_cast %parallel_loop3A_1018 : i32 to index
        %parallel_loop3A_1020 = arith.index_cast %parallel_loop3A_1013 : i32 to index
        %parallel_loop3A_1021 = arith.index_cast %parallel_loop3A_1017 : i32 to index
        %parallel_loop3A_1022 = tpu.vector_load %arg6[%parallel_loop3A_1019, %parallel_loop3A_1020, %parallel_loop3A_1021] {strides = array<i32>} : memref<2x128x128xf32, #tpu.memory_space<vmem>>, vector<16xf32>,
        %parallel_loop3A_1023 = arith.constant 0 : i32
        %parallel_loop3A_1024 = arith.index_cast %parallel_loop3A_1023 : i32 to index
        %parallel_loop3A_1025 = arith.index_cast %parallel_loop3A_1013 : i32 to index
        %parallel_loop3A_1026 = arith.constant 0 : index
        %parallel_loop3A_1027 = tpu.vector_load %arg7[%parallel_loop3A_1024, %parallel_loop3A_1025, %parallel_loop3A_1026] {strides = array<i32>} : memref<2x128x64xf32, #tpu.memory_space<vmem>>, vector<16xf32>,
        tpu.vector_store %arg7[%parallel_loop3A_1024, %parallel_loop3A_1025, %parallel_loop3A_1026], %parallel_loop3A_1022 {strides = array<i32>} : memref<2x128x64xf32, #tpu.memory_space<vmem>>, vector<16xf32>,
        %parallel_loop3A_1028 = arith.constant 16 : i32
        %parallel_loop3A_1029 = arith.addi %parallel_loop3A_1015, %parallel_loop3A_1028 : i32
        %parallel_loop3A_1030 = arith.constant 0 : i32
        %parallel_loop3A_1031 = arith.index_cast %parallel_loop3A_1030 : i32 to index
        %parallel_loop3A_1032 = arith.index_cast %parallel_loop3A_1013 : i32 to index
        %parallel_loop3A_1033 = arith.index_cast %parallel_loop3A_1029 : i32 to index
        %parallel_loop3A_1034 = tpu.vector_load %arg6[%parallel_loop3A_1031, %parallel_loop3A_1032, %parallel_loop3A_1033] {strides = array<i32>} : memref<2x128x128xf32, #tpu.memory_space<vmem>>, vector<16xf32>,
        %parallel_loop3A_1035 = arith.constant 0 : i32
        %parallel_loop3A_1036 = arith.index_cast %parallel_loop3A_1035 : i32 to index
        %parallel_loop3A_1037 = arith.index_cast %parallel_loop3A_1013 : i32 to index
        %parallel_loop3A_1038 = arith.constant 16 : index
        %parallel_loop3A_1039 = tpu.vector_load %arg7[%parallel_loop3A_1036, %parallel_loop3A_1037, %parallel_loop3A_1038] {strides = array<i32>} : memref<2x128x64xf32, #tpu.memory_space<vmem>>, vector<16xf32>,
        tpu.vector_store %arg7[%parallel_loop3A_1036, %parallel_loop3A_1037, %parallel_loop3A_1038], %parallel_loop3A_1034 {strides = array<i32>} : memref<2x128x64xf32, #tpu.memory_space<vmem>>, vector<16xf32>,
        %parallel_loop3A_1040 = arith.constant 32 : i32
        %parallel_loop3A_1041 = arith.addi %parallel_loop3A_1015, %parallel_loop3A_1040 : i32
        %parallel_loop3A_1042 = arith.constant 0 : i32
        %parallel_loop3A_1043 = arith.index_cast %parallel_loop3A_1042 : i32 to index
        %parallel_loop3A_1044 = arith.index_cast %parallel_loop3A_1013 : i32 to index
        %parallel_loop3A_1045 = arith.index_cast %parallel_loop3A_1041 : i32 to index
        %parallel_loop3A_1046 = tpu.vector_load %arg6[%parallel_loop3A_1043, %parallel_loop3A_1044, %parallel_loop3A_1045] {strides = array<i32>} : memref<2x128x128xf32, #tpu.memory_space<vmem>>, vector<16xf32>,
        %parallel_loop3A_1047 = arith.constant 0 : i32
        %parallel_loop3A_1048 = arith.index_cast %parallel_loop3A_1047 : i32 to index
        %parallel_loop3A_1049 = arith.index_cast %parallel_loop3A_1013 : i32 to index
        %parallel_loop3A_1050 = arith.constant 32 : index
        %parallel_loop3A_1051 = tpu.vector_load %arg7[%parallel_loop3A_1048, %parallel_loop3A_1049, %parallel_loop3A_1050] {strides = array<i32>} : memref<2x128x64xf32, #tpu.memory_space<vmem>>, vector<16xf32>,
        tpu.vector_store %arg7[%parallel_loop3A_1048, %parallel_loop3A_1049, %parallel_loop3A_1050], %parallel_loop3A_1046 {strides = array<i32>} : memref<2x128x64xf32, #tpu.memory_space<vmem>>, vector<16xf32>,
        %parallel_loop3A_1052 = arith.constant 48 : i32
        %parallel_loop3A_1053 = arith.addi %parallel_loop3A_1015, %parallel_loop3A_1052 : i32
        %parallel_loop3A_1054 = arith.constant 0 : i32
        %parallel_loop3A_1055 = arith.index_cast %parallel_loop3A_1054 : i32 to index
        %parallel_loop3A_1056 = arith.index_cast %parallel_loop3A_1013 : i32 to index
        %parallel_loop3A_1057 = arith.index_cast %parallel_loop3A_1053 : i32 to index
        %parallel_loop3A_1058 = tpu.vector_load %arg6[%parallel_loop3A_1055, %parallel_loop3A_1056, %parallel_loop3A_1057] {strides = array<i32>} : memref<2x128x128xf32, #tpu.memory_space<vmem>>, vector<16xf32>,
        %parallel_loop3A_1059 = arith.constant 0 : i32
        %parallel_loop3A_1060 = arith.index_cast %parallel_loop3A_1059 : i32 to index
        %parallel_loop3A_1061 = arith.index_cast %parallel_loop3A_1013 : i32 to index
        %parallel_loop3A_1062 = arith.constant 48 : index
        %parallel_loop3A_1063 = tpu.vector_load %arg7[%parallel_loop3A_1060, %parallel_loop3A_1061, %parallel_loop3A_1062] {strides = array<i32>} : memref<2x128x64xf32, #tpu.memory_space<vmem>>, vector<16xf32>,
        tpu.vector_store %arg7[%parallel_loop3A_1060, %parallel_loop3A_1061, %parallel_loop3A_1062], %parallel_loop3A_1058 {strides = array<i32>} : memref<2x128x64xf32, #tpu.memory_space<vmem>>, vector<16xf32>,
        %parallel_loop3A_1064 = arith.constant 16 : i32
        %parallel_loop3A_1065 = arith.muli %parallel_loop3A_376, %parallel_loop3A_1064 : i32
        %parallel_loop3A_1066 = arith.constant 12 : i32
        %parallel_loop3A_1067 = arith.addi %parallel_loop3A_1065, %parallel_loop3A_1066 : i32
        %parallel_loop3A_1068 = vector.extract_strided_slice %parallel_loop3A_415 {offsets = [12], sizes = [1], strides = [1]} : vector<16xi32> to vector<1xi32>
        %parallel_loop3A_1069 = vector.extract %parallel_loop3A_1068[0] : i32 from vector<1xi32>
        %parallel_loop3A_1070 = arith.constant 0 : i32
        %parallel_loop3A_1071 = arith.addi %parallel_loop3A_1069, %parallel_loop3A_1070 : i32
        %parallel_loop3A_1072 = arith.constant 0 : i32
        %parallel_loop3A_1073 = arith.index_cast %parallel_loop3A_1072 : i32 to index
        %parallel_loop3A_1074 = arith.index_cast %parallel_loop3A_1067 : i32 to index
        %parallel_loop3A_1075 = arith.index_cast %parallel_loop3A_1071 : i32 to index
        %parallel_loop3A_1076 = tpu.vector_load %arg6[%parallel_loop3A_1073, %parallel_loop3A_1074, %parallel_loop3A_1075] {strides = array<i32>} : memref<2x128x128xf32, #tpu.memory_space<vmem>>, vector<16xf32>,
        %parallel_loop3A_1077 = arith.constant 0 : i32
        %parallel_loop3A_1078 = arith.index_cast %parallel_loop3A_1077 : i32 to index
        %parallel_loop3A_1079 = arith.index_cast %parallel_loop3A_1067 : i32 to index
        %parallel_loop3A_1080 = arith.constant 0 : index
        %parallel_loop3A_1081 = tpu.vector_load %arg7[%parallel_loop3A_1078, %parallel_loop3A_1079, %parallel_loop3A_1080] {strides = array<i32>} : memref<2x128x64xf32, #tpu.memory_space<vmem>>, vector<16xf32>,
        tpu.vector_store %arg7[%parallel_loop3A_1078, %parallel_loop3A_1079, %parallel_loop3A_1080], %parallel_loop3A_1076 {strides = array<i32>} : memref<2x128x64xf32, #tpu.memory_space<vmem>>, vector<16xf32>,
        %parallel_loop3A_1082 = arith.constant 16 : i32
        %parallel_loop3A_1083 = arith.addi %parallel_loop3A_1069, %parallel_loop3A_1082 : i32
        %parallel_loop3A_1084 = arith.constant 0 : i32
        %parallel_loop3A_1085 = arith.index_cast %parallel_loop3A_1084 : i32 to index
        %parallel_loop3A_1086 = arith.index_cast %parallel_loop3A_1067 : i32 to index
        %parallel_loop3A_1087 = arith.index_cast %parallel_loop3A_1083 : i32 to index
        %parallel_loop3A_1088 = tpu.vector_load %arg6[%parallel_loop3A_1085, %parallel_loop3A_1086, %parallel_loop3A_1087] {strides = array<i32>} : memref<2x128x128xf32, #tpu.memory_space<vmem>>, vector<16xf32>,
        %parallel_loop3A_1089 = arith.constant 0 : i32
        %parallel_loop3A_1090 = arith.index_cast %parallel_loop3A_1089 : i32 to index
        %parallel_loop3A_1091 = arith.index_cast %parallel_loop3A_1067 : i32 to index
        %parallel_loop3A_1092 = arith.constant 16 : index
        %parallel_loop3A_1093 = tpu.vector_load %arg7[%parallel_loop3A_1090, %parallel_loop3A_1091, %parallel_loop3A_1092] {strides = array<i32>} : memref<2x128x64xf32, #tpu.memory_space<vmem>>, vector<16xf32>,
        tpu.vector_store %arg7[%parallel_loop3A_1090, %parallel_loop3A_1091, %parallel_loop3A_1092], %parallel_loop3A_1088 {strides = array<i32>} : memref<2x128x64xf32, #tpu.memory_space<vmem>>, vector<16xf32>,
        %parallel_loop3A_1094 = arith.constant 32 : i32
        %parallel_loop3A_1095 = arith.addi %parallel_loop3A_1069, %parallel_loop3A_1094 : i32
        %parallel_loop3A_1096 = arith.constant 0 : i32
        %parallel_loop3A_1097 = arith.index_cast %parallel_loop3A_1096 : i32 to index
        %parallel_loop3A_1098 = arith.index_cast %parallel_loop3A_1067 : i32 to index
        %parallel_loop3A_1099 = arith.index_cast %parallel_loop3A_1095 : i32 to index
        %parallel_loop3A_1100 = tpu.vector_load %arg6[%parallel_loop3A_1097, %parallel_loop3A_1098, %parallel_loop3A_1099] {strides = array<i32>} : memref<2x128x128xf32, #tpu.memory_space<vmem>>, vector<16xf32>,
        %parallel_loop3A_1101 = arith.constant 0 : i32
        %parallel_loop3A_1102 = arith.index_cast %parallel_loop3A_1101 : i32 to index
        %parallel_loop3A_1103 = arith.index_cast %parallel_loop3A_1067 : i32 to index
        %parallel_loop3A_1104 = arith.constant 32 : index
        %parallel_loop3A_1105 = tpu.vector_load %arg7[%parallel_loop3A_1102, %parallel_loop3A_1103, %parallel_loop3A_1104] {strides = array<i32>} : memref<2x128x64xf32, #tpu.memory_space<vmem>>, vector<16xf32>,
        tpu.vector_store %arg7[%parallel_loop3A_1102, %parallel_loop3A_1103, %parallel_loop3A_1104], %parallel_loop3A_1100 {strides = array<i32>} : memref<2x128x64xf32, #tpu.memory_space<vmem>>, vector<16xf32>,
        %parallel_loop3A_1106 = arith.constant 48 : i32
        %parallel_loop3A_1107 = arith.addi %parallel_loop3A_1069, %parallel_loop3A_1106 : i32
        %parallel_loop3A_1108 = arith.constant 0 : i32
        %parallel_loop3A_1109 = arith.index_cast %parallel_loop3A_1108 : i32 to index
        %parallel_loop3A_1110 = arith.index_cast %parallel_loop3A_1067 : i32 to index
        %parallel_loop3A_1111 = arith.index_cast %parallel_loop3A_1107 : i32 to index
        %parallel_loop3A_1112 = tpu.vector_load %arg6[%parallel_loop3A_1109, %parallel_loop3A_1110, %parallel_loop3A_1111] {strides = array<i32>} : memref<2x128x128xf32, #tpu.memory_space<vmem>>, vector<16xf32>,
        %parallel_loop3A_1113 = arith.constant 0 : i32
        %parallel_loop3A_1114 = arith.index_cast %parallel_loop3A_1113 : i32 to index
        %parallel_loop3A_1115 = arith.index_cast %parallel_loop3A_1067 : i32 to index
        %parallel_loop3A_1116 = arith.constant 48 : index
        %parallel_loop3A_1117 = tpu.vector_load %arg7[%parallel_loop3A_1114, %parallel_loop3A_1115, %parallel_loop3A_1116] {strides = array<i32>} : memref<2x128x64xf32, #tpu.memory_space<vmem>>, vector<16xf32>,
        tpu.vector_store %arg7[%parallel_loop3A_1114, %parallel_loop3A_1115, %parallel_loop3A_1116], %parallel_loop3A_1112 {strides = array<i32>} : memref<2x128x64xf32, #tpu.memory_space<vmem>>, vector<16xf32>,
        %parallel_loop3A_1118 = arith.constant 16 : i32
        %parallel_loop3A_1119 = arith.muli %parallel_loop3A_376, %parallel_loop3A_1118 : i32
        %parallel_loop3A_1120 = arith.constant 13 : i32
        %parallel_loop3A_1121 = arith.addi %parallel_loop3A_1119, %parallel_loop3A_1120 : i32
        %parallel_loop3A_1122 = vector.extract_strided_slice %parallel_loop3A_415 {offsets = [13], sizes = [1], strides = [1]} : vector<16xi32> to vector<1xi32>
        %parallel_loop3A_1123 = vector.extract %parallel_loop3A_1122[0] : i32 from vector<1xi32>
        %parallel_loop3A_1124 = arith.constant 0 : i32
        %parallel_loop3A_1125 = arith.addi %parallel_loop3A_1123, %parallel_loop3A_1124 : i32
        %parallel_loop3A_1126 = arith.constant 0 : i32
        %parallel_loop3A_1127 = arith.index_cast %parallel_loop3A_1126 : i32 to index
        %parallel_loop3A_1128 = arith.index_cast %parallel_loop3A_1121 : i32 to index
        %parallel_loop3A_1129 = arith.index_cast %parallel_loop3A_1125 : i32 to index
        %parallel_loop3A_1130 = tpu.vector_load %arg6[%parallel_loop3A_1127, %parallel_loop3A_1128, %parallel_loop3A_1129] {strides = array<i32>} : memref<2x128x128xf32, #tpu.memory_space<vmem>>, vector<16xf32>,
        %parallel_loop3A_1131 = arith.constant 0 : i32
        %parallel_loop3A_1132 = arith.index_cast %parallel_loop3A_1131 : i32 to index
        %parallel_loop3A_1133 = arith.index_cast %parallel_loop3A_1121 : i32 to index
        %parallel_loop3A_1134 = arith.constant 0 : index
        %parallel_loop3A_1135 = tpu.vector_load %arg7[%parallel_loop3A_1132, %parallel_loop3A_1133, %parallel_loop3A_1134] {strides = array<i32>} : memref<2x128x64xf32, #tpu.memory_space<vmem>>, vector<16xf32>,
        tpu.vector_store %arg7[%parallel_loop3A_1132, %parallel_loop3A_1133, %parallel_loop3A_1134], %parallel_loop3A_1130 {strides = array<i32>} : memref<2x128x64xf32, #tpu.memory_space<vmem>>, vector<16xf32>,
        %parallel_loop3A_1136 = arith.constant 16 : i32
        %parallel_loop3A_1137 = arith.addi %parallel_loop3A_1123, %parallel_loop3A_1136 : i32
        %parallel_loop3A_1138 = arith.constant 0 : i32
        %parallel_loop3A_1139 = arith.index_cast %parallel_loop3A_1138 : i32 to index
        %parallel_loop3A_1140 = arith.index_cast %parallel_loop3A_1121 : i32 to index
        %parallel_loop3A_1141 = arith.index_cast %parallel_loop3A_1137 : i32 to index
        %parallel_loop3A_1142 = tpu.vector_load %arg6[%parallel_loop3A_1139, %parallel_loop3A_1140, %parallel_loop3A_1141] {strides = array<i32>} : memref<2x128x128xf32, #tpu.memory_space<vmem>>, vector<16xf32>,
        %parallel_loop3A_1143 = arith.constant 0 : i32
        %parallel_loop3A_1144 = arith.index_cast %parallel_loop3A_1143 : i32 to index
        %parallel_loop3A_1145 = arith.index_cast %parallel_loop3A_1121 : i32 to index
        %parallel_loop3A_1146 = arith.constant 16 : index
        %parallel_loop3A_1147 = tpu.vector_load %arg7[%parallel_loop3A_1144, %parallel_loop3A_1145, %parallel_loop3A_1146] {strides = array<i32>} : memref<2x128x64xf32, #tpu.memory_space<vmem>>, vector<16xf32>,
        tpu.vector_store %arg7[%parallel_loop3A_1144, %parallel_loop3A_1145, %parallel_loop3A_1146], %parallel_loop3A_1142 {strides = array<i32>} : memref<2x128x64xf32, #tpu.memory_space<vmem>>, vector<16xf32>,
        %parallel_loop3A_1148 = arith.constant 32 : i32
        %parallel_loop3A_1149 = arith.addi %parallel_loop3A_1123, %parallel_loop3A_1148 : i32
        %parallel_loop3A_1150 = arith.constant 0 : i32
        %parallel_loop3A_1151 = arith.index_cast %parallel_loop3A_1150 : i32 to index
        %parallel_loop3A_1152 = arith.index_cast %parallel_loop3A_1121 : i32 to index
        %parallel_loop3A_1153 = arith.index_cast %parallel_loop3A_1149 : i32 to index
        %parallel_loop3A_1154 = tpu.vector_load %arg6[%parallel_loop3A_1151, %parallel_loop3A_1152, %parallel_loop3A_1153] {strides = array<i32>} : memref<2x128x128xf32, #tpu.memory_space<vmem>>, vector<16xf32>,
        %parallel_loop3A_1155 = arith.constant 0 : i32
        %parallel_loop3A_1156 = arith.index_cast %parallel_loop3A_1155 : i32 to index
        %parallel_loop3A_1157 = arith.index_cast %parallel_loop3A_1121 : i32 to index
        %parallel_loop3A_1158 = arith.constant 32 : index
        %parallel_loop3A_1159 = tpu.vector_load %arg7[%parallel_loop3A_1156, %parallel_loop3A_1157, %parallel_loop3A_1158] {strides = array<i32>} : memref<2x128x64xf32, #tpu.memory_space<vmem>>, vector<16xf32>,
        tpu.vector_store %arg7[%parallel_loop3A_1156, %parallel_loop3A_1157, %parallel_loop3A_1158], %parallel_loop3A_1154 {strides = array<i32>} : memref<2x128x64xf32, #tpu.memory_space<vmem>>, vector<16xf32>,
        %parallel_loop3A_1160 = arith.constant 48 : i32
        %parallel_loop3A_1161 = arith.addi %parallel_loop3A_1123, %parallel_loop3A_1160 : i32
        %parallel_loop3A_1162 = arith.constant 0 : i32
        %parallel_loop3A_1163 = arith.index_cast %parallel_loop3A_1162 : i32 to index
        %parallel_loop3A_1164 = arith.index_cast %parallel_loop3A_1121 : i32 to index
        %parallel_loop3A_1165 = arith.index_cast %parallel_loop3A_1161 : i32 to index
        %parallel_loop3A_1166 = tpu.vector_load %arg6[%parallel_loop3A_1163, %parallel_loop3A_1164, %parallel_loop3A_1165] {strides = array<i32>} : memref<2x128x128xf32, #tpu.memory_space<vmem>>, vector<16xf32>,
        %parallel_loop3A_1167 = arith.constant 0 : i32
        %parallel_loop3A_1168 = arith.index_cast %parallel_loop3A_1167 : i32 to index
        %parallel_loop3A_1169 = arith.index_cast %parallel_loop3A_1121 : i32 to index
        %parallel_loop3A_1170 = arith.constant 48 : index
        %parallel_loop3A_1171 = tpu.vector_load %arg7[%parallel_loop3A_1168, %parallel_loop3A_1169, %parallel_loop3A_1170] {strides = array<i32>} : memref<2x128x64xf32, #tpu.memory_space<vmem>>, vector<16xf32>,
        tpu.vector_store %arg7[%parallel_loop3A_1168, %parallel_loop3A_1169, %parallel_loop3A_1170], %parallel_loop3A_1166 {strides = array<i32>} : memref<2x128x64xf32, #tpu.memory_space<vmem>>, vector<16xf32>,
        %parallel_loop3A_1172 = arith.constant 16 : i32
        %parallel_loop3A_1173 = arith.muli %parallel_loop3A_376, %parallel_loop3A_1172 : i32
        %parallel_loop3A_1174 = arith.constant 14 : i32
        %parallel_loop3A_1175 = arith.addi %parallel_loop3A_1173, %parallel_loop3A_1174 : i32
        %parallel_loop3A_1176 = vector.extract_strided_slice %parallel_loop3A_415 {offsets = [14], sizes = [1], strides = [1]} : vector<16xi32> to vector<1xi32>
        %parallel_loop3A_1177 = vector.extract %parallel_loop3A_1176[0] : i32 from vector<1xi32>
        %parallel_loop3A_1178 = arith.constant 0 : i32
        %parallel_loop3A_1179 = arith.addi %parallel_loop3A_1177, %parallel_loop3A_1178 : i32
        %parallel_loop3A_1180 = arith.constant 0 : i32
        %parallel_loop3A_1181 = arith.index_cast %parallel_loop3A_1180 : i32 to index
        %parallel_loop3A_1182 = arith.index_cast %parallel_loop3A_1175 : i32 to index
        %parallel_loop3A_1183 = arith.index_cast %parallel_loop3A_1179 : i32 to index
        %parallel_loop3A_1184 = tpu.vector_load %arg6[%parallel_loop3A_1181, %parallel_loop3A_1182, %parallel_loop3A_1183] {strides = array<i32>} : memref<2x128x128xf32, #tpu.memory_space<vmem>>, vector<16xf32>,
        %parallel_loop3A_1185 = arith.constant 0 : i32
        %parallel_loop3A_1186 = arith.index_cast %parallel_loop3A_1185 : i32 to index
        %parallel_loop3A_1187 = arith.index_cast %parallel_loop3A_1175 : i32 to index
        %parallel_loop3A_1188 = arith.constant 0 : index
        %parallel_loop3A_1189 = tpu.vector_load %arg7[%parallel_loop3A_1186, %parallel_loop3A_1187, %parallel_loop3A_1188] {strides = array<i32>} : memref<2x128x64xf32, #tpu.memory_space<vmem>>, vector<16xf32>,
        tpu.vector_store %arg7[%parallel_loop3A_1186, %parallel_loop3A_1187, %parallel_loop3A_1188], %parallel_loop3A_1184 {strides = array<i32>} : memref<2x128x64xf32, #tpu.memory_space<vmem>>, vector<16xf32>,
        %parallel_loop3A_1190 = arith.constant 16 : i32
        %parallel_loop3A_1191 = arith.addi %parallel_loop3A_1177, %parallel_loop3A_1190 : i32
        %parallel_loop3A_1192 = arith.constant 0 : i32
        %parallel_loop3A_1193 = arith.index_cast %parallel_loop3A_1192 : i32 to index
        %parallel_loop3A_1194 = arith.index_cast %parallel_loop3A_1175 : i32 to index
        %parallel_loop3A_1195 = arith.index_cast %parallel_loop3A_1191 : i32 to index
        %parallel_loop3A_1196 = tpu.vector_load %arg6[%parallel_loop3A_1193, %parallel_loop3A_1194, %parallel_loop3A_1195] {strides = array<i32>} : memref<2x128x128xf32, #tpu.memory_space<vmem>>, vector<16xf32>,
        %parallel_loop3A_1197 = arith.constant 0 : i32
        %parallel_loop3A_1198 = arith.index_cast %parallel_loop3A_1197 : i32 to index
        %parallel_loop3A_1199 = arith.index_cast %parallel_loop3A_1175 : i32 to index
        %parallel_loop3A_1200 = arith.constant 16 : index
        %parallel_loop3A_1201 = tpu.vector_load %arg7[%parallel_loop3A_1198, %parallel_loop3A_1199, %parallel_loop3A_1200] {strides = array<i32>} : memref<2x128x64xf32, #tpu.memory_space<vmem>>, vector<16xf32>,
        tpu.vector_store %arg7[%parallel_loop3A_1198, %parallel_loop3A_1199, %parallel_loop3A_1200], %parallel_loop3A_1196 {strides = array<i32>} : memref<2x128x64xf32, #tpu.memory_space<vmem>>, vector<16xf32>,
        %parallel_loop3A_1202 = arith.constant 32 : i32
        %parallel_loop3A_1203 = arith.addi %parallel_loop3A_1177, %parallel_loop3A_1202 : i32
        %parallel_loop3A_1204 = arith.constant 0 : i32
        %parallel_loop3A_1205 = arith.index_cast %parallel_loop3A_1204 : i32 to index
        %parallel_loop3A_1206 = arith.index_cast %parallel_loop3A_1175 : i32 to index
        %parallel_loop3A_1207 = arith.index_cast %parallel_loop3A_1203 : i32 to index
        %parallel_loop3A_1208 = tpu.vector_load %arg6[%parallel_loop3A_1205, %parallel_loop3A_1206, %parallel_loop3A_1207] {strides = array<i32>} : memref<2x128x128xf32, #tpu.memory_space<vmem>>, vector<16xf32>,
        %parallel_loop3A_1209 = arith.constant 0 : i32
        %parallel_loop3A_1210 = arith.index_cast %parallel_loop3A_1209 : i32 to index
        %parallel_loop3A_1211 = arith.index_cast %parallel_loop3A_1175 : i32 to index
        %parallel_loop3A_1212 = arith.constant 32 : index
        %parallel_loop3A_1213 = tpu.vector_load %arg7[%parallel_loop3A_1210, %parallel_loop3A_1211, %parallel_loop3A_1212] {strides = array<i32>} : memref<2x128x64xf32, #tpu.memory_space<vmem>>, vector<16xf32>,
        tpu.vector_store %arg7[%parallel_loop3A_1210, %parallel_loop3A_1211, %parallel_loop3A_1212], %parallel_loop3A_1208 {strides = array<i32>} : memref<2x128x64xf32, #tpu.memory_space<vmem>>, vector<16xf32>,
        %parallel_loop3A_1214 = arith.constant 48 : i32
        %parallel_loop3A_1215 = arith.addi %parallel_loop3A_1177, %parallel_loop3A_1214 : i32
        %parallel_loop3A_1216 = arith.constant 0 : i32
        %parallel_loop3A_1217 = arith.index_cast %parallel_loop3A_1216 : i32 to index
        %parallel_loop3A_1218 = arith.index_cast %parallel_loop3A_1175 : i32 to index
        %parallel_loop3A_1219 = arith.index_cast %parallel_loop3A_1215 : i32 to index
        %parallel_loop3A_1220 = tpu.vector_load %arg6[%parallel_loop3A_1217, %parallel_loop3A_1218, %parallel_loop3A_1219] {strides = array<i32>} : memref<2x128x128xf32, #tpu.memory_space<vmem>>, vector<16xf32>,
        %parallel_loop3A_1221 = arith.constant 0 : i32
        %parallel_loop3A_1222 = arith.index_cast %parallel_loop3A_1221 : i32 to index
        %parallel_loop3A_1223 = arith.index_cast %parallel_loop3A_1175 : i32 to index
        %parallel_loop3A_1224 = arith.constant 48 : index
        %parallel_loop3A_1225 = tpu.vector_load %arg7[%parallel_loop3A_1222, %parallel_loop3A_1223, %parallel_loop3A_1224] {strides = array<i32>} : memref<2x128x64xf32, #tpu.memory_space<vmem>>, vector<16xf32>,
        tpu.vector_store %arg7[%parallel_loop3A_1222, %parallel_loop3A_1223, %parallel_loop3A_1224], %parallel_loop3A_1220 {strides = array<i32>} : memref<2x128x64xf32, #tpu.memory_space<vmem>>, vector<16xf32>,
        %parallel_loop3A_1226 = arith.constant 16 : i32
        %parallel_loop3A_1227 = arith.muli %parallel_loop3A_376, %parallel_loop3A_1226 : i32
        %parallel_loop3A_1228 = arith.constant 15 : i32
        %parallel_loop3A_1229 = arith.addi %parallel_loop3A_1227, %parallel_loop3A_1228 : i32
        %parallel_loop3A_1230 = vector.extract_strided_slice %parallel_loop3A_415 {offsets = [15], sizes = [1], strides = [1]} : vector<16xi32> to vector<1xi32>
        %parallel_loop3A_1231 = vector.extract %parallel_loop3A_1230[0] : i32 from vector<1xi32>
        %parallel_loop3A_1232 = arith.constant 0 : i32
        %parallel_loop3A_1233 = arith.addi %parallel_loop3A_1231, %parallel_loop3A_1232 : i32
        %parallel_loop3A_1234 = arith.constant 0 : i32
        %parallel_loop3A_1235 = arith.index_cast %parallel_loop3A_1234 : i32 to index
        %parallel_loop3A_1236 = arith.index_cast %parallel_loop3A_1229 : i32 to index
        %parallel_loop3A_1237 = arith.index_cast %parallel_loop3A_1233 : i32 to index
        %parallel_loop3A_1238 = tpu.vector_load %arg6[%parallel_loop3A_1235, %parallel_loop3A_1236, %parallel_loop3A_1237] {strides = array<i32>} : memref<2x128x128xf32, #tpu.memory_space<vmem>>, vector<16xf32>,
        %parallel_loop3A_1239 = arith.constant 0 : i32
        %parallel_loop3A_1240 = arith.index_cast %parallel_loop3A_1239 : i32 to index
        %parallel_loop3A_1241 = arith.index_cast %parallel_loop3A_1229 : i32 to index
        %parallel_loop3A_1242 = arith.constant 0 : index
        %parallel_loop3A_1243 = tpu.vector_load %arg7[%parallel_loop3A_1240, %parallel_loop3A_1241, %parallel_loop3A_1242] {strides = array<i32>} : memref<2x128x64xf32, #tpu.memory_space<vmem>>, vector<16xf32>,
        tpu.vector_store %arg7[%parallel_loop3A_1240, %parallel_loop3A_1241, %parallel_loop3A_1242], %parallel_loop3A_1238 {strides = array<i32>} : memref<2x128x64xf32, #tpu.memory_space<vmem>>, vector<16xf32>,
        %parallel_loop3A_1244 = arith.constant 16 : i32
        %parallel_loop3A_1245 = arith.addi %parallel_loop3A_1231, %parallel_loop3A_1244 : i32
        %parallel_loop3A_1246 = arith.constant 0 : i32
        %parallel_loop3A_1247 = arith.index_cast %parallel_loop3A_1246 : i32 to index
        %parallel_loop3A_1248 = arith.index_cast %parallel_loop3A_1229 : i32 to index
        %parallel_loop3A_1249 = arith.index_cast %parallel_loop3A_1245 : i32 to index
        %parallel_loop3A_1250 = tpu.vector_load %arg6[%parallel_loop3A_1247, %parallel_loop3A_1248, %parallel_loop3A_1249] {strides = array<i32>} : memref<2x128x128xf32, #tpu.memory_space<vmem>>, vector<16xf32>,
        %parallel_loop3A_1251 = arith.constant 0 : i32
        %parallel_loop3A_1252 = arith.index_cast %parallel_loop3A_1251 : i32 to index
        %parallel_loop3A_1253 = arith.index_cast %parallel_loop3A_1229 : i32 to index
        %parallel_loop3A_1254 = arith.constant 16 : index
        %parallel_loop3A_1255 = tpu.vector_load %arg7[%parallel_loop3A_1252, %parallel_loop3A_1253, %parallel_loop3A_1254] {strides = array<i32>} : memref<2x128x64xf32, #tpu.memory_space<vmem>>, vector<16xf32>,
        tpu.vector_store %arg7[%parallel_loop3A_1252, %parallel_loop3A_1253, %parallel_loop3A_1254], %parallel_loop3A_1250 {strides = array<i32>} : memref<2x128x64xf32, #tpu.memory_space<vmem>>, vector<16xf32>,
        %parallel_loop3A_1256 = arith.constant 32 : i32
        %parallel_loop3A_1257 = arith.addi %parallel_loop3A_1231, %parallel_loop3A_1256 : i32
        %parallel_loop3A_1258 = arith.constant 0 : i32
        %parallel_loop3A_1259 = arith.index_cast %parallel_loop3A_1258 : i32 to index
        %parallel_loop3A_1260 = arith.index_cast %parallel_loop3A_1229 : i32 to index
        %parallel_loop3A_1261 = arith.index_cast %parallel_loop3A_1257 : i32 to index
        %parallel_loop3A_1262 = tpu.vector_load %arg6[%parallel_loop3A_1259, %parallel_loop3A_1260, %parallel_loop3A_1261] {strides = array<i32>} : memref<2x128x128xf32, #tpu.memory_space<vmem>>, vector<16xf32>,
        %parallel_loop3A_1263 = arith.constant 0 : i32
        %parallel_loop3A_1264 = arith.index_cast %parallel_loop3A_1263 : i32 to index
        %parallel_loop3A_1265 = arith.index_cast %parallel_loop3A_1229 : i32 to index
        %parallel_loop3A_1266 = arith.constant 32 : index
        %parallel_loop3A_1267 = tpu.vector_load %arg7[%parallel_loop3A_1264, %parallel_loop3A_1265, %parallel_loop3A_1266] {strides = array<i32>} : memref<2x128x64xf32, #tpu.memory_space<vmem>>, vector<16xf32>,
        tpu.vector_store %arg7[%parallel_loop3A_1264, %parallel_loop3A_1265, %parallel_loop3A_1266], %parallel_loop3A_1262 {strides = array<i32>} : memref<2x128x64xf32, #tpu.memory_space<vmem>>, vector<16xf32>,
        %parallel_loop3A_1268 = arith.constant 48 : i32
        %parallel_loop3A_1269 = arith.addi %parallel_loop3A_1231, %parallel_loop3A_1268 : i32
        %parallel_loop3A_1270 = arith.constant 0 : i32
        %parallel_loop3A_1271 = arith.index_cast %parallel_loop3A_1270 : i32 to index
        %parallel_loop3A_1272 = arith.index_cast %parallel_loop3A_1229 : i32 to index
        %parallel_loop3A_1273 = arith.index_cast %parallel_loop3A_1269 : i32 to index
        %parallel_loop3A_1274 = tpu.vector_load %arg6[%parallel_loop3A_1271, %parallel_loop3A_1272, %parallel_loop3A_1273] {strides = array<i32>} : memref<2x128x128xf32, #tpu.memory_space<vmem>>, vector<16xf32>,
        %parallel_loop3A_1275 = arith.constant 0 : i32
        %parallel_loop3A_1276 = arith.index_cast %parallel_loop3A_1275 : i32 to index
        %parallel_loop3A_1277 = arith.index_cast %parallel_loop3A_1229 : i32 to index
        %parallel_loop3A_1278 = arith.constant 48 : index
        %parallel_loop3A_1279 = tpu.vector_load %arg7[%parallel_loop3A_1276, %parallel_loop3A_1277, %parallel_loop3A_1278] {strides = array<i32>} : memref<2x128x64xf32, #tpu.memory_space<vmem>>, vector<16xf32>,
        tpu.vector_store %arg7[%parallel_loop3A_1276, %parallel_loop3A_1277, %parallel_loop3A_1278], %parallel_loop3A_1274 {strides = array<i32>} : memref<2x128x64xf32, #tpu.memory_space<vmem>>, vector<16xf32>,
      } {sc.loop_unroll_factor = 2 : i64, sc.parallel_access}
      %mul3A_209 = arith.constant 200 : i32
      %mul3A_210 = arith.muli %add3A, %mul3A_209 : i32
      %add3A_211 = arith.addi %mul3A_210, %add3A_184 : i32
      %jit3A_212 = arith.constant 32 : i32
      %div3A_213 = arith.divsi %add3A_211, %jit3A_212 : i32
      %sign3A_214 = arith.constant 0 : i32
      %sign3A_215 = arith.cmpi sgt, %add3A_211, %sign3A_214 : i32
      %sign3A_216 = arith.extui %sign3A_215 : i1 to i32
      %sign3A_217 = arith.constant 0 : i32
      %sign3A_218 = arith.cmpi slt, %add3A_211, %sign3A_217 : i32
      %sign3A_219 = arith.extui %sign3A_218 : i1 to i32
      %sign3A_220 = arith.subi %sign3A_216, %sign3A_219 : i32
      %sign3A_221 = arith.constant 0 : i32
      %sign3A_222 = arith.cmpi sgt, %jit3A_212, %sign3A_221 : i32
      %sign3A_223 = arith.extui %sign3A_222 : i1 to i32
      %sign3A_224 = arith.constant 0 : i32
      %sign3A_225 = arith.cmpi slt, %jit3A_212, %sign3A_224 : i32
      %sign3A_226 = arith.extui %sign3A_225 : i1 to i32
      %sign3A_227 = arith.subi %sign3A_223, %sign3A_226 : i32
      %ne3A_228 = arith.cmpi ne, %sign3A_220, %sign3A_227 : i32
      %rem3A_229 = arith.remsi %add3A_211, %jit3A_212 : i32
      %ne3A_230 = arith.constant 0 : i32
      %ne3A_231 = arith.cmpi ne, %rem3A_229, %ne3A_230 : i32
      %and3A_232 = arith.andi %ne3A_228, %ne3A_231 : i1
      %sub3A_233 = arith.constant 1 : i32
      %sub3A_234 = arith.subi %div3A_213, %sub3A_233 : i32
      %select_n3A_235 = arith.select %and3A_232, %sub3A_234, %div3A_213 : i32
      %jit3A_236 = arith.constant 32 : i32
      %eq3A_237 = arith.constant 0 : i32
      %eq3A_238 = arith.cmpi eq, %jit3A_236, %eq3A_237 : i32
      %jit3A_239 = arith.constant 1 : i32
      %select_n3A_240 = arith.select %eq3A_238, %jit3A_239, %jit3A_236 : i32
      %rem3A_241 = arith.remsi %add3A_211, %select_n3A_240 : i32
      %ne3A_242 = arith.constant 0 : i32
      %ne3A_243 = arith.cmpi ne, %rem3A_241, %ne3A_242 : i32
      %lt3A_244 = arith.constant 0 : i32
      %lt3A_245 = arith.cmpi slt, %rem3A_241, %lt3A_244 : i32
      %lt3A_246 = arith.constant 0 : i32
      %lt3A_247 = arith.cmpi slt, %select_n3A_240, %lt3A_246 : i32
      %ne3A_248 = arith.xori %lt3A_245, %lt3A_247 : i1
      %and3A_249 = arith.andi %ne3A_248, %ne3A_243 : i1
      %add3A_250 = arith.addi %rem3A_241, %select_n3A_240 : i32
      %select_n3A_251 = arith.select %and3A_249, %add3A_250, %rem3A_241 : i32
      %mul3A_252 = arith.constant 128 : i32
      %mul3A_253 = arith.muli %select_n3A_251, %mul3A_252 : i32
      %dma_start3A_254 = arith.constant 0 : i32
      %dma_start3A_255 = arith.constant 0 : i32
      %dma_start3A_256 = arith.constant 0 : i32
      %dma_start3A_257 = tpu.memref_slice %arg7[%dma_start3A_254, %dma_start3A_255, %dma_start3A_256] : memref<2x128x64xf32, #tpu.memory_space<vmem>> -> memref<1x128x64xf32, #tpu.memory_space<vmem>>
      %dma_start3A_258 = tpu.memref_squeeze %dma_start3A_257 : memref<1x128x64xf32, #tpu.memory_space<vmem>> -> memref<128x64xf32, #tpu.memory_space<vmem>>
      %dma_start3A_259 = arith.constant 0 : i32
      %dma_start3A_260 = tpu.memref_slice %arg4[%select_n3A_235, %mul3A_253, %dma_start3A_259] : memref<200x4096x64xf32, #tpu.memory_space<hbm>> -> memref<1x128x64xf32, #tpu.memory_space<hbm>>
      %dma_start3A_261 = tpu.memref_squeeze %dma_start3A_260 : memref<1x128x64xf32, #tpu.memory_space<hbm>> -> memref<128x64xf32, #tpu.memory_space<hbm>>
      %dma_start3A_262 = arith.constant 0 : i32
      %dma_start3A_263 = tpu.memref_slice %arg4[%select_n3A_235, %mul3A_253, %dma_start3A_262] : memref<200x4096x64xf32, #tpu.memory_space<hbm>> -> memref<1x128x64xf32, #tpu.memory_space<hbm>>
      %dma_start3A_264 = tpu.memref_squeeze %dma_start3A_263 : memref<1x128x64xf32, #tpu.memory_space<hbm>> -> memref<128x64xf32, #tpu.memory_space<hbm>>
      %dma_start3A_265 = arith.constant 0 : i32
      %dma_start3A_266 = arith.constant 0 : i32
      %dma_start3A_267 = tpu.memref_slice %arg7[%dma_start3A_254, %dma_start3A_265, %dma_start3A_266] : memref<2x128x64xf32, #tpu.memory_space<vmem>> -> memref<1x128x64xf32, #tpu.memory_space<vmem>>
      %dma_start3A_268 = tpu.memref_squeeze %dma_start3A_267 : memref<1x128x64xf32, #tpu.memory_space<vmem>> -> memref<128x64xf32, #tpu.memory_space<vmem>>
      tpu.enqueue_dma source(%dma_start3A_268 : memref<128x64xf32, #tpu.memory_space<vmem>>) target(%dma_start3A_264 : memref<128x64xf32, #tpu.memory_space<hbm>>) target_semaphore(%arg12 : memref<!tpu.dma_semaphore, #tpu.memory_space<semaphore_mem>>)
      %add3A_269 = arith.constant 2 : i32
      %add3A_270 = arith.addi %add3A_184, %add3A_269 : i32
      %lt3A_271 = arith.constant 200 : i32
      %lt3A_272 = arith.cmpi slt, %add3A_270, %lt3A_271 : i32
      %convert_element_type3A_273 = arith.extui %lt3A_272 : i1 to i32
      %cond3A_274 = arith.constant 0 : i32
      %cond3A_275 = arith.cmpi ne, %convert_element_type3A_273, %cond3A_274 : i32
      scf.if %cond3A_275 {
        %add3A_376 = arith.constant 2 : i32
        %add3A_377 = arith.addi %add3A_184, %add3A_376 : i32
        %mul3A_378 = arith.constant 200 : i32
        %mul3A_379 = arith.muli %add3A, %mul3A_378 : i32
        %add3A_380 = arith.addi %mul3A_379, %add3A_377 : i32
        %jit3A_381 = arith.constant 32 : i32
        %div3A_382 = arith.divsi %add3A_380, %jit3A_381 : i32
        %sign3A_383 = arith.constant 0 : i32
        %sign3A_384 = arith.cmpi sgt, %add3A_380, %sign3A_383 : i32
        %sign3A_385 = arith.extui %sign3A_384 : i1 to i32
        %sign3A_386 = arith.constant 0 : i32
        %sign3A_387 = arith.cmpi slt, %add3A_380, %sign3A_386 : i32
        %sign3A_388 = arith.extui %sign3A_387 : i1 to i32
        %sign3A_389 = arith.subi %sign3A_385, %sign3A_388 : i32
        %sign3A_390 = arith.constant 0 : i32
        %sign3A_391 = arith.cmpi sgt, %jit3A_381, %sign3A_390 : i32
        %sign3A_392 = arith.extui %sign3A_391 : i1 to i32
        %sign3A_393 = arith.constant 0 : i32
        %sign3A_394 = arith.cmpi slt, %jit3A_381, %sign3A_393 : i32
        %sign3A_395 = arith.extui %sign3A_394 : i1 to i32
        %sign3A_396 = arith.subi %sign3A_392, %sign3A_395 : i32
        %ne3A_397 = arith.cmpi ne, %sign3A_389, %sign3A_396 : i32
        %rem3A_398 = arith.remsi %add3A_380, %jit3A_381 : i32
        %ne3A_399 = arith.constant 0 : i32
        %ne3A_400 = arith.cmpi ne, %rem3A_398, %ne3A_399 : i32
        %and3A_401 = arith.andi %ne3A_397, %ne3A_400 : i1
        %sub3A_402 = arith.constant 1 : i32
        %sub3A_403 = arith.subi %div3A_382, %sub3A_402 : i32
        %select_n3A_404 = arith.select %and3A_401, %sub3A_403, %div3A_382 : i32
        %jit3A_405 = arith.constant 32 : i32
        %eq3A_406 = arith.constant 0 : i32
        %eq3A_407 = arith.cmpi eq, %jit3A_405, %eq3A_406 : i32
        %jit3A_408 = arith.constant 1 : i32
        %select_n3A_409 = arith.select %eq3A_407, %jit3A_408, %jit3A_405 : i32
        %rem3A_410 = arith.remsi %add3A_380, %select_n3A_409 : i32
        %ne3A_411 = arith.constant 0 : i32
        %ne3A_412 = arith.cmpi ne, %rem3A_410, %ne3A_411 : i32
        %lt3A_413 = arith.constant 0 : i32
        %lt3A_414 = arith.cmpi slt, %rem3A_410, %lt3A_413 : i32
        %lt3A_415 = arith.constant 0 : i32
        %lt3A_416 = arith.cmpi slt, %select_n3A_409, %lt3A_415 : i32
        %ne3A_417 = arith.xori %lt3A_414, %lt3A_416 : i1
        %and3A_418 = arith.andi %ne3A_417, %ne3A_412 : i1
        %add3A_419 = arith.addi %rem3A_410, %select_n3A_409 : i32
        %select_n3A_420 = arith.select %and3A_418, %add3A_419, %rem3A_410 : i32
        %mul3A_421 = arith.constant 128 : i32
        %mul3A_422 = arith.muli %select_n3A_420, %mul3A_421 : i32
        %add3A_423 = arith.constant 0 : i32
        %add3A_424 = arith.addi %mul3A_422, %add3A_423 : i32
        %dma_start3A_425 = arith.constant 0 : i32
        %dma_start3A_426 = arith.constant 0 : i32
        %dma_start3A_427 = arith.constant 0 : i32
        %dma_start3A_428 = tpu.memref_slice %arg5[%dma_start3A_425, %dma_start3A_426, %dma_start3A_427] : memref<2x1x128xi32, #tpu.memory_space<vmem>> -> memref<1x1x128xi32, #tpu.memory_space<vmem>>
        %dma_start3A_429 = tpu.memref_squeeze %dma_start3A_428 : memref<1x1x128xi32, #tpu.memory_space<vmem>> -> memref<128xi32, #tpu.memory_space<vmem>>
        %dma_start3A_430 = tpu.memref_slice %arg3[%select_n3A_404, %add3A_424] : memref<200x4096xi32, #tpu.memory_space<hbm>> -> memref<1x128xi32, #tpu.memory_space<hbm>>
        %dma_start3A_431 = tpu.memref_squeeze %dma_start3A_430 : memref<1x128xi32, #tpu.memory_space<hbm>> -> memref<128xi32, #tpu.memory_space<hbm>>
        %dma_start3A_432 = arith.constant 0 : i32
        %dma_start3A_433 = tpu.memref_slice %arg5[%dma_start3A_425, %dma_start3A_426, %dma_start3A_432] : memref<2x1x128xi32, #tpu.memory_space<vmem>> -> memref<1x1x128xi32, #tpu.memory_space<vmem>>
        %dma_start3A_434 = tpu.memref_squeeze %dma_start3A_433 : memref<1x1x128xi32, #tpu.memory_space<vmem>> -> memref<128xi32, #tpu.memory_space<vmem>>
        %dma_start3A_435 = tpu.memref_slice %arg3[%select_n3A_404, %add3A_424] : memref<200x4096xi32, #tpu.memory_space<hbm>> -> memref<1x128xi32, #tpu.memory_space<hbm>>
        %dma_start3A_436 = tpu.memref_squeeze %dma_start3A_435 : memref<1x128xi32, #tpu.memory_space<hbm>> -> memref<128xi32, #tpu.memory_space<hbm>>
        tpu.enqueue_dma source(%dma_start3A_436 : memref<128xi32, #tpu.memory_space<hbm>>) target(%dma_start3A_434 : memref<128xi32, #tpu.memory_space<vmem>>) target_semaphore(%arg8 : memref<!tpu.dma_semaphore, #tpu.memory_space<semaphore_mem>>)
      } else {
      }
      %mul3A_276 = arith.constant 2 : i32
      %mul3A_277 = arith.muli %mul3A_276, %scan3A_179 : i32
      %add3A_278 = arith.constant 1 : i32
      %add3A_279 = arith.addi %mul3A_277, %add3A_278 : i32
      %add3A_280 = arith.constant 1 : i32
      %add3A_281 = arith.addi %add3A_279, %add3A_280 : i32
      %lt3A_282 = arith.constant 200 : i32
      %lt3A_283 = arith.cmpi slt, %add3A_281, %lt3A_282 : i32
      %convert_element_type3A_284 = arith.extui %lt3A_283 : i1 to i32
      %cond3A_285 = arith.constant 0 : i32
      %cond3A_286 = arith.cmpi ne, %convert_element_type3A_284, %cond3A_285 : i32
      scf.if %cond3A_286 {
        %dma_wait3A_376 = arith.constant 0 : i32
        %dma_wait3A_377 = arith.constant 0 : i32
        %dma_wait3A_378 = arith.constant 0 : i32
        %dma_wait3A_379 = arith.constant 0 : i32
        %dma_wait3A_380 = tpu.memref_slice %arg5[%dma_wait3A_377, %dma_wait3A_378, %dma_wait3A_379] : memref<2x1x128xi32, #tpu.memory_space<vmem>> -> memref<1x1x128xi32, #tpu.memory_space<vmem>>
        %dma_wait3A_381 = tpu.memref_squeeze %dma_wait3A_380 : memref<1x1x128xi32, #tpu.memory_space<vmem>> -> memref<128xi32, #tpu.memory_space<vmem>>
        %dma_wait3A_382 = arith.constant 0 : i32
        %dma_wait3A_383 = tpu.memref_slice %arg3[%dma_wait3A_376, %dma_wait3A_382] : memref<200x4096xi32, #tpu.memory_space<hbm>> -> memref<1x128xi32, #tpu.memory_space<hbm>>
        %dma_wait3A_384 = tpu.memref_squeeze %dma_wait3A_383 : memref<1x128xi32, #tpu.memory_space<hbm>> -> memref<128xi32, #tpu.memory_space<hbm>>
        %dma_wait3A_385 = arith.constant 0 : i32
        %dma_wait3A_386 = tpu.memref_slice %arg5[%dma_wait3A_377, %dma_wait3A_378, %dma_wait3A_385] : memref<2x1x128xi32, #tpu.memory_space<vmem>> -> memref<1x1x128xi32, #tpu.memory_space<vmem>>
        %dma_wait3A_387 = tpu.memref_squeeze %dma_wait3A_386 : memref<1x1x128xi32, #tpu.memory_space<vmem>> -> memref<128xi32, #tpu.memory_space<vmem>>
        %dma_wait3A_388 = arith.constant 0 : i32
        %dma_wait3A_389 = tpu.memref_slice %arg3[%dma_wait3A_376, %dma_wait3A_388] : memref<200x4096xi32, #tpu.memory_space<hbm>> -> memref<1x128xi32, #tpu.memory_space<hbm>>
        %dma_wait3A_390 = tpu.memref_squeeze %dma_wait3A_389 : memref<1x128xi32, #tpu.memory_space<hbm>> -> memref<128xi32, #tpu.memory_space<hbm>>
        tpu.wait_dma2 semaphore(%arg8 : memref<!tpu.dma_semaphore, #tpu.memory_space<semaphore_mem>>) src(%dma_wait3A_390 : memref<128xi32, #tpu.memory_space<hbm>>) dst(%dma_wait3A_387 : memref<128xi32, #tpu.memory_space<vmem>>)
        %dma_start3A_391 = arith.constant 0 : i32
        %dma_start3A_392 = arith.constant 0 : i32
        %dma_start3A_393 = arith.constant 0 : i32
        %dma_start3A_394 = arith.constant 0 : i32
        %dma_start3A_395 = arith.constant 0 : i32
        %dma_start3A_396 = tpu.memref_slice %arg6[%dma_start3A_393, %dma_start3A_394, %dma_start3A_395] : memref<2x128x128xf32, #tpu.memory_space<vmem>> -> memref<1x128x128xf32, #tpu.memory_space<vmem>>
        %dma_start3A_397 = tpu.memref_squeeze %dma_start3A_396 : memref<1x128x128xf32, #tpu.memory_space<vmem>> -> memref<128x128xf32, #tpu.memory_space<vmem>>
        %dma_start3A_398 = arith.constant 0 : i32
        %dma_start3A_399 = tpu.memref_slice %arg5[%dma_start3A_391, %dma_start3A_392, %dma_start3A_398] : memref<2x1x128xi32, #tpu.memory_space<vmem>> -> memref<1x1x128xi32, #tpu.memory_space<vmem>>
        %dma_start3A_400 = tpu.memref_squeeze %dma_start3A_399 : memref<1x1x128xi32, #tpu.memory_space<vmem>> -> memref<128xi32, #tpu.memory_space<vmem>>
        %dma_start3A_401 = arith.constant 0 : i32
        %dma_start3A_402 = arith.constant 0 : i32
        %dma_start3A_403 = tpu.memref_slice %arg2[%dma_start3A_401, %dma_start3A_402] : memref<1000000x128xf32, #tpu.memory_space<hbm>> -> memref<1000000x128xf32, #tpu.memory_space<hbm>>
        tpu.enqueue_indirect_dma source(%dma_start3A_403 : memref<1000000x128xf32, #tpu.memory_space<hbm>>) target(%dma_start3A_397 : memref<128x128xf32, #tpu.memory_space<vmem>>) offsets(%dma_start3A_400 : memref<128xi32, #tpu.memory_space<vmem>>) semaphore(%arg10 : memref<!tpu.dma_semaphore, #tpu.memory_space<semaphore_mem>>)
      } else {
      }
      %dma_wait3A_287 = arith.constant 1 : i32
      %dma_wait3A_288 = arith.constant 0 : i32
      %dma_wait3A_289 = arith.constant 1 : i32
      %dma_wait3A_290 = arith.constant 0 : i32
      %dma_wait3A_291 = arith.constant 0 : i32
      %dma_wait3A_292 = tpu.memref_slice %arg6[%dma_wait3A_289, %dma_wait3A_290, %dma_wait3A_291] : memref<2x128x128xf32, #tpu.memory_space<vmem>> -> memref<1x128x128xf32, #tpu.memory_space<vmem>>
      %dma_wait3A_293 = tpu.memref_squeeze %dma_wait3A_292 : memref<1x128x128xf32, #tpu.memory_space<vmem>> -> memref<128x128xf32, #tpu.memory_space<vmem>>
      %dma_wait3A_294 = arith.constant 0 : i32
      %dma_wait3A_295 = tpu.memref_slice %arg5[%dma_wait3A_287, %dma_wait3A_288, %dma_wait3A_294] : memref<2x1x128xi32, #tpu.memory_space<vmem>> -> memref<1x1x128xi32, #tpu.memory_space<vmem>>
      %dma_wait3A_296 = tpu.memref_squeeze %dma_wait3A_295 : memref<1x1x128xi32, #tpu.memory_space<vmem>> -> memref<128xi32, #tpu.memory_space<vmem>>
      %dma_wait3A_297 = arith.constant 0 : i32
      %dma_wait3A_298 = arith.constant 0 : i32
      %dma_wait3A_299 = tpu.memref_slice %arg2[%dma_wait3A_297, %dma_wait3A_298] : memref<1000000x128xf32, #tpu.memory_space<hbm>> -> memref<1000000x128xf32, #tpu.memory_space<hbm>>
      tpu.wait_indirect_dma semaphore(%arg11 : memref<!tpu.dma_semaphore, #tpu.memory_space<semaphore_mem>>) src(%dma_wait3A_299 : memref<1000000x128xf32, #tpu.memory_space<hbm>>) dst(%dma_wait3A_293 : memref<128x128xf32, #tpu.memory_space<vmem>>)
      %ge3A_300 = arith.constant 2 : i32
      %ge3A_301 = arith.cmpi sge, %add3A_279, %ge3A_300 : i32
      %convert_element_type3A_302 = arith.extui %ge3A_301 : i1 to i32
      %cond3A_303 = arith.constant 0 : i32
      %cond3A_304 = arith.cmpi ne, %convert_element_type3A_302, %cond3A_303 : i32
      scf.if %cond3A_304 {
        %dma_wait3A_376 = arith.constant 1 : i32
        %dma_wait3A_377 = arith.constant 0 : i32
        %dma_wait3A_378 = arith.constant 0 : i32
        %dma_wait3A_379 = arith.constant 0 : i32
        %dma_wait3A_380 = tpu.memref_slice %arg7[%dma_wait3A_376, %dma_wait3A_378, %dma_wait3A_379] : memref<2x128x64xf32, #tpu.memory_space<vmem>> -> memref<1x128x64xf32, #tpu.memory_space<vmem>>
        %dma_wait3A_381 = tpu.memref_squeeze %dma_wait3A_380 : memref<1x128x64xf32, #tpu.memory_space<vmem>> -> memref<128x64xf32, #tpu.memory_space<vmem>>
        %dma_wait3A_382 = arith.constant 0 : i32
        %dma_wait3A_383 = arith.constant 0 : i32
        %dma_wait3A_384 = tpu.memref_slice %arg4[%dma_wait3A_377, %dma_wait3A_382, %dma_wait3A_383] : memref<200x4096x64xf32, #tpu.memory_space<hbm>> -> memref<1x128x64xf32, #tpu.memory_space<hbm>>
        %dma_wait3A_385 = tpu.memref_squeeze %dma_wait3A_384 : memref<1x128x64xf32, #tpu.memory_space<hbm>> -> memref<128x64xf32, #tpu.memory_space<hbm>>
        %dma_wait3A_386 = arith.constant 0 : i32
        %dma_wait3A_387 = arith.constant 0 : i32
        %dma_wait3A_388 = tpu.memref_slice %arg4[%dma_wait3A_377, %dma_wait3A_386, %dma_wait3A_387] : memref<200x4096x64xf32, #tpu.memory_space<hbm>> -> memref<1x128x64xf32, #tpu.memory_space<hbm>>
        %dma_wait3A_389 = tpu.memref_squeeze %dma_wait3A_388 : memref<1x128x64xf32, #tpu.memory_space<hbm>> -> memref<128x64xf32, #tpu.memory_space<hbm>>
        %dma_wait3A_390 = arith.constant 0 : i32
        %dma_wait3A_391 = arith.constant 0 : i32
        %dma_wait3A_392 = tpu.memref_slice %arg7[%dma_wait3A_376, %dma_wait3A_390, %dma_wait3A_391] : memref<2x128x64xf32, #tpu.memory_space<vmem>> -> memref<1x128x64xf32, #tpu.memory_space<vmem>>
        %dma_wait3A_393 = tpu.memref_squeeze %dma_wait3A_392 : memref<1x128x64xf32, #tpu.memory_space<vmem>> -> memref<128x64xf32, #tpu.memory_space<vmem>>
        tpu.wait_dma2 semaphore(%arg13 : memref<!tpu.dma_semaphore, #tpu.memory_space<semaphore_mem>>) src(%dma_wait3A_393 : memref<128x64xf32, #tpu.memory_space<vmem>>) dst(%dma_wait3A_389 : memref<128x64xf32, #tpu.memory_space<hbm>>)
      } else {
      }
      %parallel_loop3A_305 = arith.constant 0 : i32
      %parallel_loop3A_306 = arith.constant 8 : i32
      %parallel_loop3A_307 = arith.constant 1 : i32
      scf.for %parallel_loop3A_376 = %parallel_loop3A_305 to %parallel_loop3A_306 step %parallel_loop3A_307  : i32 {
        %parallel_loop3A_377 = arith.constant 8 : i32
        %parallel_loop3A_378 = arith.divsi %parallel_loop3A_376, %parallel_loop3A_377 : i32
        %parallel_loop3A_379 = arith.constant 0 : i32
        %parallel_loop3A_380 = arith.cmpi sgt, %parallel_loop3A_376, %parallel_loop3A_379 : i32
        %parallel_loop3A_381 = arith.extui %parallel_loop3A_380 : i1 to i32
        %parallel_loop3A_382 = arith.constant 0 : i32
        %parallel_loop3A_383 = arith.cmpi slt, %parallel_loop3A_376, %parallel_loop3A_382 : i32
        %parallel_loop3A_384 = arith.extui %parallel_loop3A_383 : i1 to i32
        %parallel_loop3A_385 = arith.subi %parallel_loop3A_381, %parallel_loop3A_384 : i32
        %parallel_loop3A_386 = arith.constant 0 : i32
        %parallel_loop3A_387 = arith.cmpi sgt, %parallel_loop3A_377, %parallel_loop3A_386 : i32
        %parallel_loop3A_388 = arith.extui %parallel_loop3A_387 : i1 to i32
        %parallel_loop3A_389 = arith.constant 0 : i32
        %parallel_loop3A_390 = arith.cmpi slt, %parallel_loop3A_377, %parallel_loop3A_389 : i32
        %parallel_loop3A_391 = arith.extui %parallel_loop3A_390 : i1 to i32
        %parallel_loop3A_392 = arith.subi %parallel_loop3A_388, %parallel_loop3A_391 : i32
        %parallel_loop3A_393 = arith.cmpi ne, %parallel_loop3A_385, %parallel_loop3A_392 : i32
        %parallel_loop3A_394 = arith.remsi %parallel_loop3A_376, %parallel_loop3A_377 : i32
        %parallel_loop3A_395 = arith.constant 0 : i32
        %parallel_loop3A_396 = arith.cmpi ne, %parallel_loop3A_394, %parallel_loop3A_395 : i32
        %parallel_loop3A_397 = arith.andi %parallel_loop3A_393, %parallel_loop3A_396 : i1
        %parallel_loop3A_398 = arith.constant 1 : i32
        %parallel_loop3A_399 = arith.subi %parallel_loop3A_378, %parallel_loop3A_398 : i32
        %parallel_loop3A_400 = arith.select %parallel_loop3A_397, %parallel_loop3A_399, %parallel_loop3A_378 : i32
        %parallel_loop3A_401 = arith.constant 8 : i32
        %parallel_loop3A_402 = arith.remsi %parallel_loop3A_376, %parallel_loop3A_401 : i32
        %parallel_loop3A_403 = arith.constant 16 : i32
        %parallel_loop3A_404 = arith.muli %parallel_loop3A_402, %parallel_loop3A_403 : i32
        %parallel_loop3A_405 = arith.constant 1 : i32
        %parallel_loop3A_406 = arith.index_cast %parallel_loop3A_405 : i32 to index
        %parallel_loop3A_407 = arith.index_cast %parallel_loop3A_400 : i32 to index
        %parallel_loop3A_408 = arith.index_cast %parallel_loop3A_404 : i32 to index
        %parallel_loop3A_409 = tpu.vector_load %arg5[%parallel_loop3A_406, %parallel_loop3A_407, %parallel_loop3A_408] {strides = array<i32>} : memref<2x1x128xi32, #tpu.memory_space<vmem>>, vector<16xi32>,
        %parallel_loop3A_410 = arith.constant 1 : i32
        %parallel_loop3A_411 = vector.broadcast %parallel_loop3A_410 : i32 to vector<16xi32>
        %parallel_loop3A_412 = arith.andi %parallel_loop3A_409, %parallel_loop3A_411 : vector<16xi32>
        %parallel_loop3A_413 = arith.constant 64 : i32
        %parallel_loop3A_414 = vector.broadcast %parallel_loop3A_413 : i32 to vector<16xi32>
        %parallel_loop3A_415 = arith.muli %parallel_loop3A_412, %parallel_loop3A_414 : vector<16xi32>
        %parallel_loop3A_416 = arith.constant 16 : i32
        %parallel_loop3A_417 = arith.muli %parallel_loop3A_376, %parallel_loop3A_416 : i32
        %parallel_loop3A_418 = arith.constant 0 : i32
        %parallel_loop3A_419 = arith.addi %parallel_loop3A_417, %parallel_loop3A_418 : i32
        %parallel_loop3A_420 = vector.extract_strided_slice %parallel_loop3A_415 {offsets = [0], sizes = [1], strides = [1]} : vector<16xi32> to vector<1xi32>
        %parallel_loop3A_421 = vector.extract %parallel_loop3A_420[0] : i32 from vector<1xi32>
        %parallel_loop3A_422 = arith.constant 0 : i32
        %parallel_loop3A_423 = arith.addi %parallel_loop3A_421, %parallel_loop3A_422 : i32
        %parallel_loop3A_424 = arith.constant 1 : i32
        %parallel_loop3A_425 = arith.index_cast %parallel_loop3A_424 : i32 to index
        %parallel_loop3A_426 = arith.index_cast %parallel_loop3A_419 : i32 to index
        %parallel_loop3A_427 = arith.index_cast %parallel_loop3A_423 : i32 to index
        %parallel_loop3A_428 = tpu.vector_load %arg6[%parallel_loop3A_425, %parallel_loop3A_426, %parallel_loop3A_427] {strides = array<i32>} : memref<2x128x128xf32, #tpu.memory_space<vmem>>, vector<16xf32>,
        %parallel_loop3A_429 = arith.constant 1 : i32
        %parallel_loop3A_430 = arith.index_cast %parallel_loop3A_429 : i32 to index
        %parallel_loop3A_431 = arith.index_cast %parallel_loop3A_419 : i32 to index
        %parallel_loop3A_432 = arith.constant 0 : index
        %parallel_loop3A_433 = tpu.vector_load %arg7[%parallel_loop3A_430, %parallel_loop3A_431, %parallel_loop3A_432] {strides = array<i32>} : memref<2x128x64xf32, #tpu.memory_space<vmem>>, vector<16xf32>,
        tpu.vector_store %arg7[%parallel_loop3A_430, %parallel_loop3A_431, %parallel_loop3A_432], %parallel_loop3A_428 {strides = array<i32>} : memref<2x128x64xf32, #tpu.memory_space<vmem>>, vector<16xf32>,
        %parallel_loop3A_434 = arith.constant 16 : i32
        %parallel_loop3A_435 = arith.addi %parallel_loop3A_421, %parallel_loop3A_434 : i32
        %parallel_loop3A_436 = arith.constant 1 : i32
        %parallel_loop3A_437 = arith.index_cast %parallel_loop3A_436 : i32 to index
        %parallel_loop3A_438 = arith.index_cast %parallel_loop3A_419 : i32 to index
        %parallel_loop3A_439 = arith.index_cast %parallel_loop3A_435 : i32 to index
        %parallel_loop3A_440 = tpu.vector_load %arg6[%parallel_loop3A_437, %parallel_loop3A_438, %parallel_loop3A_439] {strides = array<i32>} : memref<2x128x128xf32, #tpu.memory_space<vmem>>, vector<16xf32>,
        %parallel_loop3A_441 = arith.constant 1 : i32
        %parallel_loop3A_442 = arith.index_cast %parallel_loop3A_441 : i32 to index
        %parallel_loop3A_443 = arith.index_cast %parallel_loop3A_419 : i32 to index
        %parallel_loop3A_444 = arith.constant 16 : index
        %parallel_loop3A_445 = tpu.vector_load %arg7[%parallel_loop3A_442, %parallel_loop3A_443, %parallel_loop3A_444] {strides = array<i32>} : memref<2x128x64xf32, #tpu.memory_space<vmem>>, vector<16xf32>,
        tpu.vector_store %arg7[%parallel_loop3A_442, %parallel_loop3A_443, %parallel_loop3A_444], %parallel_loop3A_440 {strides = array<i32>} : memref<2x128x64xf32, #tpu.memory_space<vmem>>, vector<16xf32>,
        %parallel_loop3A_446 = arith.constant 32 : i32
        %parallel_loop3A_447 = arith.addi %parallel_loop3A_421, %parallel_loop3A_446 : i32
        %parallel_loop3A_448 = arith.constant 1 : i32
        %parallel_loop3A_449 = arith.index_cast %parallel_loop3A_448 : i32 to index
        %parallel_loop3A_450 = arith.index_cast %parallel_loop3A_419 : i32 to index
        %parallel_loop3A_451 = arith.index_cast %parallel_loop3A_447 : i32 to index
        %parallel_loop3A_452 = tpu.vector_load %arg6[%parallel_loop3A_449, %parallel_loop3A_450, %parallel_loop3A_451] {strides = array<i32>} : memref<2x128x128xf32, #tpu.memory_space<vmem>>, vector<16xf32>,
        %parallel_loop3A_453 = arith.constant 1 : i32
        %parallel_loop3A_454 = arith.index_cast %parallel_loop3A_453 : i32 to index
        %parallel_loop3A_455 = arith.index_cast %parallel_loop3A_419 : i32 to index
        %parallel_loop3A_456 = arith.constant 32 : index
        %parallel_loop3A_457 = tpu.vector_load %arg7[%parallel_loop3A_454, %parallel_loop3A_455, %parallel_loop3A_456] {strides = array<i32>} : memref<2x128x64xf32, #tpu.memory_space<vmem>>, vector<16xf32>,
        tpu.vector_store %arg7[%parallel_loop3A_454, %parallel_loop3A_455, %parallel_loop3A_456], %parallel_loop3A_452 {strides = array<i32>} : memref<2x128x64xf32, #tpu.memory_space<vmem>>, vector<16xf32>,
        %parallel_loop3A_458 = arith.constant 48 : i32
        %parallel_loop3A_459 = arith.addi %parallel_loop3A_421, %parallel_loop3A_458 : i32
        %parallel_loop3A_460 = arith.constant 1 : i32
        %parallel_loop3A_461 = arith.index_cast %parallel_loop3A_460 : i32 to index
        %parallel_loop3A_462 = arith.index_cast %parallel_loop3A_419 : i32 to index
        %parallel_loop3A_463 = arith.index_cast %parallel_loop3A_459 : i32 to index
        %parallel_loop3A_464 = tpu.vector_load %arg6[%parallel_loop3A_461, %parallel_loop3A_462, %parallel_loop3A_463] {strides = array<i32>} : memref<2x128x128xf32, #tpu.memory_space<vmem>>, vector<16xf32>,
        %parallel_loop3A_465 = arith.constant 1 : i32
        %parallel_loop3A_466 = arith.index_cast %parallel_loop3A_465 : i32 to index
        %parallel_loop3A_467 = arith.index_cast %parallel_loop3A_419 : i32 to index
        %parallel_loop3A_468 = arith.constant 48 : index
        %parallel_loop3A_469 = tpu.vector_load %arg7[%parallel_loop3A_466, %parallel_loop3A_467, %parallel_loop3A_468] {strides = array<i32>} : memref<2x128x64xf32, #tpu.memory_space<vmem>>, vector<16xf32>,
        tpu.vector_store %arg7[%parallel_loop3A_466, %parallel_loop3A_467, %parallel_loop3A_468], %parallel_loop3A_464 {strides = array<i32>} : memref<2x128x64xf32, #tpu.memory_space<vmem>>, vector<16xf32>,
        %parallel_loop3A_470 = arith.constant 16 : i32
        %parallel_loop3A_471 = arith.muli %parallel_loop3A_376, %parallel_loop3A_470 : i32
        %parallel_loop3A_472 = arith.constant 1 : i32
        %parallel_loop3A_473 = arith.addi %parallel_loop3A_471, %parallel_loop3A_472 : i32
        %parallel_loop3A_474 = vector.extract_strided_slice %parallel_loop3A_415 {offsets = [1], sizes = [1], strides = [1]} : vector<16xi32> to vector<1xi32>
        %parallel_loop3A_475 = vector.extract %parallel_loop3A_474[0] : i32 from vector<1xi32>
        %parallel_loop3A_476 = arith.constant 0 : i32
        %parallel_loop3A_477 = arith.addi %parallel_loop3A_475, %parallel_loop3A_476 : i32
        %parallel_loop3A_478 = arith.constant 1 : i32
        %parallel_loop3A_479 = arith.index_cast %parallel_loop3A_478 : i32 to index
        %parallel_loop3A_480 = arith.index_cast %parallel_loop3A_473 : i32 to index
        %parallel_loop3A_481 = arith.index_cast %parallel_loop3A_477 : i32 to index
        %parallel_loop3A_482 = tpu.vector_load %arg6[%parallel_loop3A_479, %parallel_loop3A_480, %parallel_loop3A_481] {strides = array<i32>} : memref<2x128x128xf32, #tpu.memory_space<vmem>>, vector<16xf32>,
        %parallel_loop3A_483 = arith.constant 1 : i32
        %parallel_loop3A_484 = arith.index_cast %parallel_loop3A_483 : i32 to index
        %parallel_loop3A_485 = arith.index_cast %parallel_loop3A_473 : i32 to index
        %parallel_loop3A_486 = arith.constant 0 : index
        %parallel_loop3A_487 = tpu.vector_load %arg7[%parallel_loop3A_484, %parallel_loop3A_485, %parallel_loop3A_486] {strides = array<i32>} : memref<2x128x64xf32, #tpu.memory_space<vmem>>, vector<16xf32>,
        tpu.vector_store %arg7[%parallel_loop3A_484, %parallel_loop3A_485, %parallel_loop3A_486], %parallel_loop3A_482 {strides = array<i32>} : memref<2x128x64xf32, #tpu.memory_space<vmem>>, vector<16xf32>,
        %parallel_loop3A_488 = arith.constant 16 : i32
        %parallel_loop3A_489 = arith.addi %parallel_loop3A_475, %parallel_loop3A_488 : i32
        %parallel_loop3A_490 = arith.constant 1 : i32
        %parallel_loop3A_491 = arith.index_cast %parallel_loop3A_490 : i32 to index
        %parallel_loop3A_492 = arith.index_cast %parallel_loop3A_473 : i32 to index
        %parallel_loop3A_493 = arith.index_cast %parallel_loop3A_489 : i32 to index
        %parallel_loop3A_494 = tpu.vector_load %arg6[%parallel_loop3A_491, %parallel_loop3A_492, %parallel_loop3A_493] {strides = array<i32>} : memref<2x128x128xf32, #tpu.memory_space<vmem>>, vector<16xf32>,
        %parallel_loop3A_495 = arith.constant 1 : i32
        %parallel_loop3A_496 = arith.index_cast %parallel_loop3A_495 : i32 to index
        %parallel_loop3A_497 = arith.index_cast %parallel_loop3A_473 : i32 to index
        %parallel_loop3A_498 = arith.constant 16 : index
        %parallel_loop3A_499 = tpu.vector_load %arg7[%parallel_loop3A_496, %parallel_loop3A_497, %parallel_loop3A_498] {strides = array<i32>} : memref<2x128x64xf32, #tpu.memory_space<vmem>>, vector<16xf32>,
        tpu.vector_store %arg7[%parallel_loop3A_496, %parallel_loop3A_497, %parallel_loop3A_498], %parallel_loop3A_494 {strides = array<i32>} : memref<2x128x64xf32, #tpu.memory_space<vmem>>, vector<16xf32>,
        %parallel_loop3A_500 = arith.constant 32 : i32
        %parallel_loop3A_501 = arith.addi %parallel_loop3A_475, %parallel_loop3A_500 : i32
        %parallel_loop3A_502 = arith.constant 1 : i32
        %parallel_loop3A_503 = arith.index_cast %parallel_loop3A_502 : i32 to index
        %parallel_loop3A_504 = arith.index_cast %parallel_loop3A_473 : i32 to index
        %parallel_loop3A_505 = arith.index_cast %parallel_loop3A_501 : i32 to index
        %parallel_loop3A_506 = tpu.vector_load %arg6[%parallel_loop3A_503, %parallel_loop3A_504, %parallel_loop3A_505] {strides = array<i32>} : memref<2x128x128xf32, #tpu.memory_space<vmem>>, vector<16xf32>,
        %parallel_loop3A_507 = arith.constant 1 : i32
        %parallel_loop3A_508 = arith.index_cast %parallel_loop3A_507 : i32 to index
        %parallel_loop3A_509 = arith.index_cast %parallel_loop3A_473 : i32 to index
        %parallel_loop3A_510 = arith.constant 32 : index
        %parallel_loop3A_511 = tpu.vector_load %arg7[%parallel_loop3A_508, %parallel_loop3A_509, %parallel_loop3A_510] {strides = array<i32>} : memref<2x128x64xf32, #tpu.memory_space<vmem>>, vector<16xf32>,
        tpu.vector_store %arg7[%parallel_loop3A_508, %parallel_loop3A_509, %parallel_loop3A_510], %parallel_loop3A_506 {strides = array<i32>} : memref<2x128x64xf32, #tpu.memory_space<vmem>>, vector<16xf32>,
        %parallel_loop3A_512 = arith.constant 48 : i32
        %parallel_loop3A_513 = arith.addi %parallel_loop3A_475, %parallel_loop3A_512 : i32
        %parallel_loop3A_514 = arith.constant 1 : i32
        %parallel_loop3A_515 = arith.index_cast %parallel_loop3A_514 : i32 to index
        %parallel_loop3A_516 = arith.index_cast %parallel_loop3A_473 : i32 to index
        %parallel_loop3A_517 = arith.index_cast %parallel_loop3A_513 : i32 to index
        %parallel_loop3A_518 = tpu.vector_load %arg6[%parallel_loop3A_515, %parallel_loop3A_516, %parallel_loop3A_517] {strides = array<i32>} : memref<2x128x128xf32, #tpu.memory_space<vmem>>, vector<16xf32>,
        %parallel_loop3A_519 = arith.constant 1 : i32
        %parallel_loop3A_520 = arith.index_cast %parallel_loop3A_519 : i32 to index
        %parallel_loop3A_521 = arith.index_cast %parallel_loop3A_473 : i32 to index
        %parallel_loop3A_522 = arith.constant 48 : index
        %parallel_loop3A_523 = tpu.vector_load %arg7[%parallel_loop3A_520, %parallel_loop3A_521, %parallel_loop3A_522] {strides = array<i32>} : memref<2x128x64xf32, #tpu.memory_space<vmem>>, vector<16xf32>,
        tpu.vector_store %arg7[%parallel_loop3A_520, %parallel_loop3A_521, %parallel_loop3A_522], %parallel_loop3A_518 {strides = array<i32>} : memref<2x128x64xf32, #tpu.memory_space<vmem>>, vector<16xf32>,
        %parallel_loop3A_524 = arith.constant 16 : i32
        %parallel_loop3A_525 = arith.muli %parallel_loop3A_376, %parallel_loop3A_524 : i32
        %parallel_loop3A_526 = arith.constant 2 : i32
        %parallel_loop3A_527 = arith.addi %parallel_loop3A_525, %parallel_loop3A_526 : i32
        %parallel_loop3A_528 = vector.extract_strided_slice %parallel_loop3A_415 {offsets = [2], sizes = [1], strides = [1]} : vector<16xi32> to vector<1xi32>
        %parallel_loop3A_529 = vector.extract %parallel_loop3A_528[0] : i32 from vector<1xi32>
        %parallel_loop3A_530 = arith.constant 0 : i32
        %parallel_loop3A_531 = arith.addi %parallel_loop3A_529, %parallel_loop3A_530 : i32
        %parallel_loop3A_532 = arith.constant 1 : i32
        %parallel_loop3A_533 = arith.index_cast %parallel_loop3A_532 : i32 to index
        %parallel_loop3A_534 = arith.index_cast %parallel_loop3A_527 : i32 to index
        %parallel_loop3A_535 = arith.index_cast %parallel_loop3A_531 : i32 to index
        %parallel_loop3A_536 = tpu.vector_load %arg6[%parallel_loop3A_533, %parallel_loop3A_534, %parallel_loop3A_535] {strides = array<i32>} : memref<2x128x128xf32, #tpu.memory_space<vmem>>, vector<16xf32>,
        %parallel_loop3A_537 = arith.constant 1 : i32
        %parallel_loop3A_538 = arith.index_cast %parallel_loop3A_537 : i32 to index
        %parallel_loop3A_539 = arith.index_cast %parallel_loop3A_527 : i32 to index
        %parallel_loop3A_540 = arith.constant 0 : index
        %parallel_loop3A_541 = tpu.vector_load %arg7[%parallel_loop3A_538, %parallel_loop3A_539, %parallel_loop3A_540] {strides = array<i32>} : memref<2x128x64xf32, #tpu.memory_space<vmem>>, vector<16xf32>,
        tpu.vector_store %arg7[%parallel_loop3A_538, %parallel_loop3A_539, %parallel_loop3A_540], %parallel_loop3A_536 {strides = array<i32>} : memref<2x128x64xf32, #tpu.memory_space<vmem>>, vector<16xf32>,
        %parallel_loop3A_542 = arith.constant 16 : i32
        %parallel_loop3A_543 = arith.addi %parallel_loop3A_529, %parallel_loop3A_542 : i32
        %parallel_loop3A_544 = arith.constant 1 : i32
        %parallel_loop3A_545 = arith.index_cast %parallel_loop3A_544 : i32 to index
        %parallel_loop3A_546 = arith.index_cast %parallel_loop3A_527 : i32 to index
        %parallel_loop3A_547 = arith.index_cast %parallel_loop3A_543 : i32 to index
        %parallel_loop3A_548 = tpu.vector_load %arg6[%parallel_loop3A_545, %parallel_loop3A_546, %parallel_loop3A_547] {strides = array<i32>} : memref<2x128x128xf32, #tpu.memory_space<vmem>>, vector<16xf32>,
        %parallel_loop3A_549 = arith.constant 1 : i32
        %parallel_loop3A_550 = arith.index_cast %parallel_loop3A_549 : i32 to index
        %parallel_loop3A_551 = arith.index_cast %parallel_loop3A_527 : i32 to index
        %parallel_loop3A_552 = arith.constant 16 : index
        %parallel_loop3A_553 = tpu.vector_load %arg7[%parallel_loop3A_550, %parallel_loop3A_551, %parallel_loop3A_552] {strides = array<i32>} : memref<2x128x64xf32, #tpu.memory_space<vmem>>, vector<16xf32>,
        tpu.vector_store %arg7[%parallel_loop3A_550, %parallel_loop3A_551, %parallel_loop3A_552], %parallel_loop3A_548 {strides = array<i32>} : memref<2x128x64xf32, #tpu.memory_space<vmem>>, vector<16xf32>,
        %parallel_loop3A_554 = arith.constant 32 : i32
        %parallel_loop3A_555 = arith.addi %parallel_loop3A_529, %parallel_loop3A_554 : i32
        %parallel_loop3A_556 = arith.constant 1 : i32
        %parallel_loop3A_557 = arith.index_cast %parallel_loop3A_556 : i32 to index
        %parallel_loop3A_558 = arith.index_cast %parallel_loop3A_527 : i32 to index
        %parallel_loop3A_559 = arith.index_cast %parallel_loop3A_555 : i32 to index
        %parallel_loop3A_560 = tpu.vector_load %arg6[%parallel_loop3A_557, %parallel_loop3A_558, %parallel_loop3A_559] {strides = array<i32>} : memref<2x128x128xf32, #tpu.memory_space<vmem>>, vector<16xf32>,
        %parallel_loop3A_561 = arith.constant 1 : i32
        %parallel_loop3A_562 = arith.index_cast %parallel_loop3A_561 : i32 to index
        %parallel_loop3A_563 = arith.index_cast %parallel_loop3A_527 : i32 to index
        %parallel_loop3A_564 = arith.constant 32 : index
        %parallel_loop3A_565 = tpu.vector_load %arg7[%parallel_loop3A_562, %parallel_loop3A_563, %parallel_loop3A_564] {strides = array<i32>} : memref<2x128x64xf32, #tpu.memory_space<vmem>>, vector<16xf32>,
        tpu.vector_store %arg7[%parallel_loop3A_562, %parallel_loop3A_563, %parallel_loop3A_564], %parallel_loop3A_560 {strides = array<i32>} : memref<2x128x64xf32, #tpu.memory_space<vmem>>, vector<16xf32>,
        %parallel_loop3A_566 = arith.constant 48 : i32
        %parallel_loop3A_567 = arith.addi %parallel_loop3A_529, %parallel_loop3A_566 : i32
        %parallel_loop3A_568 = arith.constant 1 : i32
        %parallel_loop3A_569 = arith.index_cast %parallel_loop3A_568 : i32 to index
        %parallel_loop3A_570 = arith.index_cast %parallel_loop3A_527 : i32 to index
        %parallel_loop3A_571 = arith.index_cast %parallel_loop3A_567 : i32 to index
        %parallel_loop3A_572 = tpu.vector_load %arg6[%parallel_loop3A_569, %parallel_loop3A_570, %parallel_loop3A_571] {strides = array<i32>} : memref<2x128x128xf32, #tpu.memory_space<vmem>>, vector<16xf32>,
        %parallel_loop3A_573 = arith.constant 1 : i32
        %parallel_loop3A_574 = arith.index_cast %parallel_loop3A_573 : i32 to index
        %parallel_loop3A_575 = arith.index_cast %parallel_loop3A_527 : i32 to index
        %parallel_loop3A_576 = arith.constant 48 : index
        %parallel_loop3A_577 = tpu.vector_load %arg7[%parallel_loop3A_574, %parallel_loop3A_575, %parallel_loop3A_576] {strides = array<i32>} : memref<2x128x64xf32, #tpu.memory_space<vmem>>, vector<16xf32>,
        tpu.vector_store %arg7[%parallel_loop3A_574, %parallel_loop3A_575, %parallel_loop3A_576], %parallel_loop3A_572 {strides = array<i32>} : memref<2x128x64xf32, #tpu.memory_space<vmem>>, vector<16xf32>,
        %parallel_loop3A_578 = arith.constant 16 : i32
        %parallel_loop3A_579 = arith.muli %parallel_loop3A_376, %parallel_loop3A_578 : i32
        %parallel_loop3A_580 = arith.constant 3 : i32
        %parallel_loop3A_581 = arith.addi %parallel_loop3A_579, %parallel_loop3A_580 : i32
        %parallel_loop3A_582 = vector.extract_strided_slice %parallel_loop3A_415 {offsets = [3], sizes = [1], strides = [1]} : vector<16xi32> to vector<1xi32>
        %parallel_loop3A_583 = vector.extract %parallel_loop3A_582[0] : i32 from vector<1xi32>
        %parallel_loop3A_584 = arith.constant 0 : i32
        %parallel_loop3A_585 = arith.addi %parallel_loop3A_583, %parallel_loop3A_584 : i32
        %parallel_loop3A_586 = arith.constant 1 : i32
        %parallel_loop3A_587 = arith.index_cast %parallel_loop3A_586 : i32 to index
        %parallel_loop3A_588 = arith.index_cast %parallel_loop3A_581 : i32 to index
        %parallel_loop3A_589 = arith.index_cast %parallel_loop3A_585 : i32 to index
        %parallel_loop3A_590 = tpu.vector_load %arg6[%parallel_loop3A_587, %parallel_loop3A_588, %parallel_loop3A_589] {strides = array<i32>} : memref<2x128x128xf32, #tpu.memory_space<vmem>>, vector<16xf32>,
        %parallel_loop3A_591 = arith.constant 1 : i32
        %parallel_loop3A_592 = arith.index_cast %parallel_loop3A_591 : i32 to index
        %parallel_loop3A_593 = arith.index_cast %parallel_loop3A_581 : i32 to index
        %parallel_loop3A_594 = arith.constant 0 : index
        %parallel_loop3A_595 = tpu.vector_load %arg7[%parallel_loop3A_592, %parallel_loop3A_593, %parallel_loop3A_594] {strides = array<i32>} : memref<2x128x64xf32, #tpu.memory_space<vmem>>, vector<16xf32>,
        tpu.vector_store %arg7[%parallel_loop3A_592, %parallel_loop3A_593, %parallel_loop3A_594], %parallel_loop3A_590 {strides = array<i32>} : memref<2x128x64xf32, #tpu.memory_space<vmem>>, vector<16xf32>,
        %parallel_loop3A_596 = arith.constant 16 : i32
        %parallel_loop3A_597 = arith.addi %parallel_loop3A_583, %parallel_loop3A_596 : i32
        %parallel_loop3A_598 = arith.constant 1 : i32
        %parallel_loop3A_599 = arith.index_cast %parallel_loop3A_598 : i32 to index
        %parallel_loop3A_600 = arith.index_cast %parallel_loop3A_581 : i32 to index
        %parallel_loop3A_601 = arith.index_cast %parallel_loop3A_597 : i32 to index
        %parallel_loop3A_602 = tpu.vector_load %arg6[%parallel_loop3A_599, %parallel_loop3A_600, %parallel_loop3A_601] {strides = array<i32>} : memref<2x128x128xf32, #tpu.memory_space<vmem>>, vector<16xf32>,
        %parallel_loop3A_603 = arith.constant 1 : i32
        %parallel_loop3A_604 = arith.index_cast %parallel_loop3A_603 : i32 to index
        %parallel_loop3A_605 = arith.index_cast %parallel_loop3A_581 : i32 to index
        %parallel_loop3A_606 = arith.constant 16 : index
        %parallel_loop3A_607 = tpu.vector_load %arg7[%parallel_loop3A_604, %parallel_loop3A_605, %parallel_loop3A_606] {strides = array<i32>} : memref<2x128x64xf32, #tpu.memory_space<vmem>>, vector<16xf32>,
        tpu.vector_store %arg7[%parallel_loop3A_604, %parallel_loop3A_605, %parallel_loop3A_606], %parallel_loop3A_602 {strides = array<i32>} : memref<2x128x64xf32, #tpu.memory_space<vmem>>, vector<16xf32>,
        %parallel_loop3A_608 = arith.constant 32 : i32
        %parallel_loop3A_609 = arith.addi %parallel_loop3A_583, %parallel_loop3A_608 : i32
        %parallel_loop3A_610 = arith.constant 1 : i32
        %parallel_loop3A_611 = arith.index_cast %parallel_loop3A_610 : i32 to index
        %parallel_loop3A_612 = arith.index_cast %parallel_loop3A_581 : i32 to index
        %parallel_loop3A_613 = arith.index_cast %parallel_loop3A_609 : i32 to index
        %parallel_loop3A_614 = tpu.vector_load %arg6[%parallel_loop3A_611, %parallel_loop3A_612, %parallel_loop3A_613] {strides = array<i32>} : memref<2x128x128xf32, #tpu.memory_space<vmem>>, vector<16xf32>,
        %parallel_loop3A_615 = arith.constant 1 : i32
        %parallel_loop3A_616 = arith.index_cast %parallel_loop3A_615 : i32 to index
        %parallel_loop3A_617 = arith.index_cast %parallel_loop3A_581 : i32 to index
        %parallel_loop3A_618 = arith.constant 32 : index
        %parallel_loop3A_619 = tpu.vector_load %arg7[%parallel_loop3A_616, %parallel_loop3A_617, %parallel_loop3A_618] {strides = array<i32>} : memref<2x128x64xf32, #tpu.memory_space<vmem>>, vector<16xf32>,
        tpu.vector_store %arg7[%parallel_loop3A_616, %parallel_loop3A_617, %parallel_loop3A_618], %parallel_loop3A_614 {strides = array<i32>} : memref<2x128x64xf32, #tpu.memory_space<vmem>>, vector<16xf32>,
        %parallel_loop3A_620 = arith.constant 48 : i32
        %parallel_loop3A_621 = arith.addi %parallel_loop3A_583, %parallel_loop3A_620 : i32
        %parallel_loop3A_622 = arith.constant 1 : i32
        %parallel_loop3A_623 = arith.index_cast %parallel_loop3A_622 : i32 to index
        %parallel_loop3A_624 = arith.index_cast %parallel_loop3A_581 : i32 to index
        %parallel_loop3A_625 = arith.index_cast %parallel_loop3A_621 : i32 to index
        %parallel_loop3A_626 = tpu.vector_load %arg6[%parallel_loop3A_623, %parallel_loop3A_624, %parallel_loop3A_625] {strides = array<i32>} : memref<2x128x128xf32, #tpu.memory_space<vmem>>, vector<16xf32>,
        %parallel_loop3A_627 = arith.constant 1 : i32
        %parallel_loop3A_628 = arith.index_cast %parallel_loop3A_627 : i32 to index
        %parallel_loop3A_629 = arith.index_cast %parallel_loop3A_581 : i32 to index
        %parallel_loop3A_630 = arith.constant 48 : index
        %parallel_loop3A_631 = tpu.vector_load %arg7[%parallel_loop3A_628, %parallel_loop3A_629, %parallel_loop3A_630] {strides = array<i32>} : memref<2x128x64xf32, #tpu.memory_space<vmem>>, vector<16xf32>,
        tpu.vector_store %arg7[%parallel_loop3A_628, %parallel_loop3A_629, %parallel_loop3A_630], %parallel_loop3A_626 {strides = array<i32>} : memref<2x128x64xf32, #tpu.memory_space<vmem>>, vector<16xf32>,
        %parallel_loop3A_632 = arith.constant 16 : i32
        %parallel_loop3A_633 = arith.muli %parallel_loop3A_376, %parallel_loop3A_632 : i32
        %parallel_loop3A_634 = arith.constant 4 : i32
        %parallel_loop3A_635 = arith.addi %parallel_loop3A_633, %parallel_loop3A_634 : i32
        %parallel_loop3A_636 = vector.extract_strided_slice %parallel_loop3A_415 {offsets = [4], sizes = [1], strides = [1]} : vector<16xi32> to vector<1xi32>
        %parallel_loop3A_637 = vector.extract %parallel_loop3A_636[0] : i32 from vector<1xi32>
        %parallel_loop3A_638 = arith.constant 0 : i32
        %parallel_loop3A_639 = arith.addi %parallel_loop3A_637, %parallel_loop3A_638 : i32
        %parallel_loop3A_640 = arith.constant 1 : i32
        %parallel_loop3A_641 = arith.index_cast %parallel_loop3A_640 : i32 to index
        %parallel_loop3A_642 = arith.index_cast %parallel_loop3A_635 : i32 to index
        %parallel_loop3A_643 = arith.index_cast %parallel_loop3A_639 : i32 to index
        %parallel_loop3A_644 = tpu.vector_load %arg6[%parallel_loop3A_641, %parallel_loop3A_642, %parallel_loop3A_643] {strides = array<i32>} : memref<2x128x128xf32, #tpu.memory_space<vmem>>, vector<16xf32>,
        %parallel_loop3A_645 = arith.constant 1 : i32
        %parallel_loop3A_646 = arith.index_cast %parallel_loop3A_645 : i32 to index
        %parallel_loop3A_647 = arith.index_cast %parallel_loop3A_635 : i32 to index
        %parallel_loop3A_648 = arith.constant 0 : index
        %parallel_loop3A_649 = tpu.vector_load %arg7[%parallel_loop3A_646, %parallel_loop3A_647, %parallel_loop3A_648] {strides = array<i32>} : memref<2x128x64xf32, #tpu.memory_space<vmem>>, vector<16xf32>,
        tpu.vector_store %arg7[%parallel_loop3A_646, %parallel_loop3A_647, %parallel_loop3A_648], %parallel_loop3A_644 {strides = array<i32>} : memref<2x128x64xf32, #tpu.memory_space<vmem>>, vector<16xf32>,
        %parallel_loop3A_650 = arith.constant 16 : i32
        %parallel_loop3A_651 = arith.addi %parallel_loop3A_637, %parallel_loop3A_650 : i32
        %parallel_loop3A_652 = arith.constant 1 : i32
        %parallel_loop3A_653 = arith.index_cast %parallel_loop3A_652 : i32 to index
        %parallel_loop3A_654 = arith.index_cast %parallel_loop3A_635 : i32 to index
        %parallel_loop3A_655 = arith.index_cast %parallel_loop3A_651 : i32 to index
        %parallel_loop3A_656 = tpu.vector_load %arg6[%parallel_loop3A_653, %parallel_loop3A_654, %parallel_loop3A_655] {strides = array<i32>} : memref<2x128x128xf32, #tpu.memory_space<vmem>>, vector<16xf32>,
        %parallel_loop3A_657 = arith.constant 1 : i32
        %parallel_loop3A_658 = arith.index_cast %parallel_loop3A_657 : i32 to index
        %parallel_loop3A_659 = arith.index_cast %parallel_loop3A_635 : i32 to index
        %parallel_loop3A_660 = arith.constant 16 : index
        %parallel_loop3A_661 = tpu.vector_load %arg7[%parallel_loop3A_658, %parallel_loop3A_659, %parallel_loop3A_660] {strides = array<i32>} : memref<2x128x64xf32, #tpu.memory_space<vmem>>, vector<16xf32>,
        tpu.vector_store %arg7[%parallel_loop3A_658, %parallel_loop3A_659, %parallel_loop3A_660], %parallel_loop3A_656 {strides = array<i32>} : memref<2x128x64xf32, #tpu.memory_space<vmem>>, vector<16xf32>,
        %parallel_loop3A_662 = arith.constant 32 : i32
        %parallel_loop3A_663 = arith.addi %parallel_loop3A_637, %parallel_loop3A_662 : i32
        %parallel_loop3A_664 = arith.constant 1 : i32
        %parallel_loop3A_665 = arith.index_cast %parallel_loop3A_664 : i32 to index
        %parallel_loop3A_666 = arith.index_cast %parallel_loop3A_635 : i32 to index
        %parallel_loop3A_667 = arith.index_cast %parallel_loop3A_663 : i32 to index
        %parallel_loop3A_668 = tpu.vector_load %arg6[%parallel_loop3A_665, %parallel_loop3A_666, %parallel_loop3A_667] {strides = array<i32>} : memref<2x128x128xf32, #tpu.memory_space<vmem>>, vector<16xf32>,
        %parallel_loop3A_669 = arith.constant 1 : i32
        %parallel_loop3A_670 = arith.index_cast %parallel_loop3A_669 : i32 to index
        %parallel_loop3A_671 = arith.index_cast %parallel_loop3A_635 : i32 to index
        %parallel_loop3A_672 = arith.constant 32 : index
        %parallel_loop3A_673 = tpu.vector_load %arg7[%parallel_loop3A_670, %parallel_loop3A_671, %parallel_loop3A_672] {strides = array<i32>} : memref<2x128x64xf32, #tpu.memory_space<vmem>>, vector<16xf32>,
        tpu.vector_store %arg7[%parallel_loop3A_670, %parallel_loop3A_671, %parallel_loop3A_672], %parallel_loop3A_668 {strides = array<i32>} : memref<2x128x64xf32, #tpu.memory_space<vmem>>, vector<16xf32>,
        %parallel_loop3A_674 = arith.constant 48 : i32
        %parallel_loop3A_675 = arith.addi %parallel_loop3A_637, %parallel_loop3A_674 : i32
        %parallel_loop3A_676 = arith.constant 1 : i32
        %parallel_loop3A_677 = arith.index_cast %parallel_loop3A_676 : i32 to index
        %parallel_loop3A_678 = arith.index_cast %parallel_loop3A_635 : i32 to index
        %parallel_loop3A_679 = arith.index_cast %parallel_loop3A_675 : i32 to index
        %parallel_loop3A_680 = tpu.vector_load %arg6[%parallel_loop3A_677, %parallel_loop3A_678, %parallel_loop3A_679] {strides = array<i32>} : memref<2x128x128xf32, #tpu.memory_space<vmem>>, vector<16xf32>,
        %parallel_loop3A_681 = arith.constant 1 : i32
        %parallel_loop3A_682 = arith.index_cast %parallel_loop3A_681 : i32 to index
        %parallel_loop3A_683 = arith.index_cast %parallel_loop3A_635 : i32 to index
        %parallel_loop3A_684 = arith.constant 48 : index
        %parallel_loop3A_685 = tpu.vector_load %arg7[%parallel_loop3A_682, %parallel_loop3A_683, %parallel_loop3A_684] {strides = array<i32>} : memref<2x128x64xf32, #tpu.memory_space<vmem>>, vector<16xf32>,
        tpu.vector_store %arg7[%parallel_loop3A_682, %parallel_loop3A_683, %parallel_loop3A_684], %parallel_loop3A_680 {strides = array<i32>} : memref<2x128x64xf32, #tpu.memory_space<vmem>>, vector<16xf32>,
        %parallel_loop3A_686 = arith.constant 16 : i32
        %parallel_loop3A_687 = arith.muli %parallel_loop3A_376, %parallel_loop3A_686 : i32
        %parallel_loop3A_688 = arith.constant 5 : i32
        %parallel_loop3A_689 = arith.addi %parallel_loop3A_687, %parallel_loop3A_688 : i32
        %parallel_loop3A_690 = vector.extract_strided_slice %parallel_loop3A_415 {offsets = [5], sizes = [1], strides = [1]} : vector<16xi32> to vector<1xi32>
        %parallel_loop3A_691 = vector.extract %parallel_loop3A_690[0] : i32 from vector<1xi32>
        %parallel_loop3A_692 = arith.constant 0 : i32
        %parallel_loop3A_693 = arith.addi %parallel_loop3A_691, %parallel_loop3A_692 : i32
        %parallel_loop3A_694 = arith.constant 1 : i32
        %parallel_loop3A_695 = arith.index_cast %parallel_loop3A_694 : i32 to index
        %parallel_loop3A_696 = arith.index_cast %parallel_loop3A_689 : i32 to index
        %parallel_loop3A_697 = arith.index_cast %parallel_loop3A_693 : i32 to index
        %parallel_loop3A_698 = tpu.vector_load %arg6[%parallel_loop3A_695, %parallel_loop3A_696, %parallel_loop3A_697] {strides = array<i32>} : memref<2x128x128xf32, #tpu.memory_space<vmem>>, vector<16xf32>,
        %parallel_loop3A_699 = arith.constant 1 : i32
        %parallel_loop3A_700 = arith.index_cast %parallel_loop3A_699 : i32 to index
        %parallel_loop3A_701 = arith.index_cast %parallel_loop3A_689 : i32 to index
        %parallel_loop3A_702 = arith.constant 0 : index
        %parallel_loop3A_703 = tpu.vector_load %arg7[%parallel_loop3A_700, %parallel_loop3A_701, %parallel_loop3A_702] {strides = array<i32>} : memref<2x128x64xf32, #tpu.memory_space<vmem>>, vector<16xf32>,
        tpu.vector_store %arg7[%parallel_loop3A_700, %parallel_loop3A_701, %parallel_loop3A_702], %parallel_loop3A_698 {strides = array<i32>} : memref<2x128x64xf32, #tpu.memory_space<vmem>>, vector<16xf32>,
        %parallel_loop3A_704 = arith.constant 16 : i32
        %parallel_loop3A_705 = arith.addi %parallel_loop3A_691, %parallel_loop3A_704 : i32
        %parallel_loop3A_706 = arith.constant 1 : i32
        %parallel_loop3A_707 = arith.index_cast %parallel_loop3A_706 : i32 to index
        %parallel_loop3A_708 = arith.index_cast %parallel_loop3A_689 : i32 to index
        %parallel_loop3A_709 = arith.index_cast %parallel_loop3A_705 : i32 to index
        %parallel_loop3A_710 = tpu.vector_load %arg6[%parallel_loop3A_707, %parallel_loop3A_708, %parallel_loop3A_709] {strides = array<i32>} : memref<2x128x128xf32, #tpu.memory_space<vmem>>, vector<16xf32>,
        %parallel_loop3A_711 = arith.constant 1 : i32
        %parallel_loop3A_712 = arith.index_cast %parallel_loop3A_711 : i32 to index
        %parallel_loop3A_713 = arith.index_cast %parallel_loop3A_689 : i32 to index
        %parallel_loop3A_714 = arith.constant 16 : index
        %parallel_loop3A_715 = tpu.vector_load %arg7[%parallel_loop3A_712, %parallel_loop3A_713, %parallel_loop3A_714] {strides = array<i32>} : memref<2x128x64xf32, #tpu.memory_space<vmem>>, vector<16xf32>,
        tpu.vector_store %arg7[%parallel_loop3A_712, %parallel_loop3A_713, %parallel_loop3A_714], %parallel_loop3A_710 {strides = array<i32>} : memref<2x128x64xf32, #tpu.memory_space<vmem>>, vector<16xf32>,
        %parallel_loop3A_716 = arith.constant 32 : i32
        %parallel_loop3A_717 = arith.addi %parallel_loop3A_691, %parallel_loop3A_716 : i32
        %parallel_loop3A_718 = arith.constant 1 : i32
        %parallel_loop3A_719 = arith.index_cast %parallel_loop3A_718 : i32 to index
        %parallel_loop3A_720 = arith.index_cast %parallel_loop3A_689 : i32 to index
        %parallel_loop3A_721 = arith.index_cast %parallel_loop3A_717 : i32 to index
        %parallel_loop3A_722 = tpu.vector_load %arg6[%parallel_loop3A_719, %parallel_loop3A_720, %parallel_loop3A_721] {strides = array<i32>} : memref<2x128x128xf32, #tpu.memory_space<vmem>>, vector<16xf32>,
        %parallel_loop3A_723 = arith.constant 1 : i32
        %parallel_loop3A_724 = arith.index_cast %parallel_loop3A_723 : i32 to index
        %parallel_loop3A_725 = arith.index_cast %parallel_loop3A_689 : i32 to index
        %parallel_loop3A_726 = arith.constant 32 : index
        %parallel_loop3A_727 = tpu.vector_load %arg7[%parallel_loop3A_724, %parallel_loop3A_725, %parallel_loop3A_726] {strides = array<i32>} : memref<2x128x64xf32, #tpu.memory_space<vmem>>, vector<16xf32>,
        tpu.vector_store %arg7[%parallel_loop3A_724, %parallel_loop3A_725, %parallel_loop3A_726], %parallel_loop3A_722 {strides = array<i32>} : memref<2x128x64xf32, #tpu.memory_space<vmem>>, vector<16xf32>,
        %parallel_loop3A_728 = arith.constant 48 : i32
        %parallel_loop3A_729 = arith.addi %parallel_loop3A_691, %parallel_loop3A_728 : i32
        %parallel_loop3A_730 = arith.constant 1 : i32
        %parallel_loop3A_731 = arith.index_cast %parallel_loop3A_730 : i32 to index
        %parallel_loop3A_732 = arith.index_cast %parallel_loop3A_689 : i32 to index
        %parallel_loop3A_733 = arith.index_cast %parallel_loop3A_729 : i32 to index
        %parallel_loop3A_734 = tpu.vector_load %arg6[%parallel_loop3A_731, %parallel_loop3A_732, %parallel_loop3A_733] {strides = array<i32>} : memref<2x128x128xf32, #tpu.memory_space<vmem>>, vector<16xf32>,
        %parallel_loop3A_735 = arith.constant 1 : i32
        %parallel_loop3A_736 = arith.index_cast %parallel_loop3A_735 : i32 to index
        %parallel_loop3A_737 = arith.index_cast %parallel_loop3A_689 : i32 to index
        %parallel_loop3A_738 = arith.constant 48 : index
        %parallel_loop3A_739 = tpu.vector_load %arg7[%parallel_loop3A_736, %parallel_loop3A_737, %parallel_loop3A_738] {strides = array<i32>} : memref<2x128x64xf32, #tpu.memory_space<vmem>>, vector<16xf32>,
        tpu.vector_store %arg7[%parallel_loop3A_736, %parallel_loop3A_737, %parallel_loop3A_738], %parallel_loop3A_734 {strides = array<i32>} : memref<2x128x64xf32, #tpu.memory_space<vmem>>, vector<16xf32>,
        %parallel_loop3A_740 = arith.constant 16 : i32
        %parallel_loop3A_741 = arith.muli %parallel_loop3A_376, %parallel_loop3A_740 : i32
        %parallel_loop3A_742 = arith.constant 6 : i32
        %parallel_loop3A_743 = arith.addi %parallel_loop3A_741, %parallel_loop3A_742 : i32
        %parallel_loop3A_744 = vector.extract_strided_slice %parallel_loop3A_415 {offsets = [6], sizes = [1], strides = [1]} : vector<16xi32> to vector<1xi32>
        %parallel_loop3A_745 = vector.extract %parallel_loop3A_744[0] : i32 from vector<1xi32>
        %parallel_loop3A_746 = arith.constant 0 : i32
        %parallel_loop3A_747 = arith.addi %parallel_loop3A_745, %parallel_loop3A_746 : i32
        %parallel_loop3A_748 = arith.constant 1 : i32
        %parallel_loop3A_749 = arith.index_cast %parallel_loop3A_748 : i32 to index
        %parallel_loop3A_750 = arith.index_cast %parallel_loop3A_743 : i32 to index
        %parallel_loop3A_751 = arith.index_cast %parallel_loop3A_747 : i32 to index
        %parallel_loop3A_752 = tpu.vector_load %arg6[%parallel_loop3A_749, %parallel_loop3A_750, %parallel_loop3A_751] {strides = array<i32>} : memref<2x128x128xf32, #tpu.memory_space<vmem>>, vector<16xf32>,
        %parallel_loop3A_753 = arith.constant 1 : i32
        %parallel_loop3A_754 = arith.index_cast %parallel_loop3A_753 : i32 to index
        %parallel_loop3A_755 = arith.index_cast %parallel_loop3A_743 : i32 to index
        %parallel_loop3A_756 = arith.constant 0 : index
        %parallel_loop3A_757 = tpu.vector_load %arg7[%parallel_loop3A_754, %parallel_loop3A_755, %parallel_loop3A_756] {strides = array<i32>} : memref<2x128x64xf32, #tpu.memory_space<vmem>>, vector<16xf32>,
        tpu.vector_store %arg7[%parallel_loop3A_754, %parallel_loop3A_755, %parallel_loop3A_756], %parallel_loop3A_752 {strides = array<i32>} : memref<2x128x64xf32, #tpu.memory_space<vmem>>, vector<16xf32>,
        %parallel_loop3A_758 = arith.constant 16 : i32
        %parallel_loop3A_759 = arith.addi %parallel_loop3A_745, %parallel_loop3A_758 : i32
        %parallel_loop3A_760 = arith.constant 1 : i32
        %parallel_loop3A_761 = arith.index_cast %parallel_loop3A_760 : i32 to index
        %parallel_loop3A_762 = arith.index_cast %parallel_loop3A_743 : i32 to index
        %parallel_loop3A_763 = arith.index_cast %parallel_loop3A_759 : i32 to index
        %parallel_loop3A_764 = tpu.vector_load %arg6[%parallel_loop3A_761, %parallel_loop3A_762, %parallel_loop3A_763] {strides = array<i32>} : memref<2x128x128xf32, #tpu.memory_space<vmem>>, vector<16xf32>,
        %parallel_loop3A_765 = arith.constant 1 : i32
        %parallel_loop3A_766 = arith.index_cast %parallel_loop3A_765 : i32 to index
        %parallel_loop3A_767 = arith.index_cast %parallel_loop3A_743 : i32 to index
        %parallel_loop3A_768 = arith.constant 16 : index
        %parallel_loop3A_769 = tpu.vector_load %arg7[%parallel_loop3A_766, %parallel_loop3A_767, %parallel_loop3A_768] {strides = array<i32>} : memref<2x128x64xf32, #tpu.memory_space<vmem>>, vector<16xf32>,
        tpu.vector_store %arg7[%parallel_loop3A_766, %parallel_loop3A_767, %parallel_loop3A_768], %parallel_loop3A_764 {strides = array<i32>} : memref<2x128x64xf32, #tpu.memory_space<vmem>>, vector<16xf32>,
        %parallel_loop3A_770 = arith.constant 32 : i32
        %parallel_loop3A_771 = arith.addi %parallel_loop3A_745, %parallel_loop3A_770 : i32
        %parallel_loop3A_772 = arith.constant 1 : i32
        %parallel_loop3A_773 = arith.index_cast %parallel_loop3A_772 : i32 to index
        %parallel_loop3A_774 = arith.index_cast %parallel_loop3A_743 : i32 to index
        %parallel_loop3A_775 = arith.index_cast %parallel_loop3A_771 : i32 to index
        %parallel_loop3A_776 = tpu.vector_load %arg6[%parallel_loop3A_773, %parallel_loop3A_774, %parallel_loop3A_775] {strides = array<i32>} : memref<2x128x128xf32, #tpu.memory_space<vmem>>, vector<16xf32>,
        %parallel_loop3A_777 = arith.constant 1 : i32
        %parallel_loop3A_778 = arith.index_cast %parallel_loop3A_777 : i32 to index
        %parallel_loop3A_779 = arith.index_cast %parallel_loop3A_743 : i32 to index
        %parallel_loop3A_780 = arith.constant 32 : index
        %parallel_loop3A_781 = tpu.vector_load %arg7[%parallel_loop3A_778, %parallel_loop3A_779, %parallel_loop3A_780] {strides = array<i32>} : memref<2x128x64xf32, #tpu.memory_space<vmem>>, vector<16xf32>,
        tpu.vector_store %arg7[%parallel_loop3A_778, %parallel_loop3A_779, %parallel_loop3A_780], %parallel_loop3A_776 {strides = array<i32>} : memref<2x128x64xf32, #tpu.memory_space<vmem>>, vector<16xf32>,
        %parallel_loop3A_782 = arith.constant 48 : i32
        %parallel_loop3A_783 = arith.addi %parallel_loop3A_745, %parallel_loop3A_782 : i32
        %parallel_loop3A_784 = arith.constant 1 : i32
        %parallel_loop3A_785 = arith.index_cast %parallel_loop3A_784 : i32 to index
        %parallel_loop3A_786 = arith.index_cast %parallel_loop3A_743 : i32 to index
        %parallel_loop3A_787 = arith.index_cast %parallel_loop3A_783 : i32 to index
        %parallel_loop3A_788 = tpu.vector_load %arg6[%parallel_loop3A_785, %parallel_loop3A_786, %parallel_loop3A_787] {strides = array<i32>} : memref<2x128x128xf32, #tpu.memory_space<vmem>>, vector<16xf32>,
        %parallel_loop3A_789 = arith.constant 1 : i32
        %parallel_loop3A_790 = arith.index_cast %parallel_loop3A_789 : i32 to index
        %parallel_loop3A_791 = arith.index_cast %parallel_loop3A_743 : i32 to index
        %parallel_loop3A_792 = arith.constant 48 : index
        %parallel_loop3A_793 = tpu.vector_load %arg7[%parallel_loop3A_790, %parallel_loop3A_791, %parallel_loop3A_792] {strides = array<i32>} : memref<2x128x64xf32, #tpu.memory_space<vmem>>, vector<16xf32>,
        tpu.vector_store %arg7[%parallel_loop3A_790, %parallel_loop3A_791, %parallel_loop3A_792], %parallel_loop3A_788 {strides = array<i32>} : memref<2x128x64xf32, #tpu.memory_space<vmem>>, vector<16xf32>,
        %parallel_loop3A_794 = arith.constant 16 : i32
        %parallel_loop3A_795 = arith.muli %parallel_loop3A_376, %parallel_loop3A_794 : i32
        %parallel_loop3A_796 = arith.constant 7 : i32
        %parallel_loop3A_797 = arith.addi %parallel_loop3A_795, %parallel_loop3A_796 : i32
        %parallel_loop3A_798 = vector.extract_strided_slice %parallel_loop3A_415 {offsets = [7], sizes = [1], strides = [1]} : vector<16xi32> to vector<1xi32>
        %parallel_loop3A_799 = vector.extract %parallel_loop3A_798[0] : i32 from vector<1xi32>
        %parallel_loop3A_800 = arith.constant 0 : i32
        %parallel_loop3A_801 = arith.addi %parallel_loop3A_799, %parallel_loop3A_800 : i32
        %parallel_loop3A_802 = arith.constant 1 : i32
        %parallel_loop3A_803 = arith.index_cast %parallel_loop3A_802 : i32 to index
        %parallel_loop3A_804 = arith.index_cast %parallel_loop3A_797 : i32 to index
        %parallel_loop3A_805 = arith.index_cast %parallel_loop3A_801 : i32 to index
        %parallel_loop3A_806 = tpu.vector_load %arg6[%parallel_loop3A_803, %parallel_loop3A_804, %parallel_loop3A_805] {strides = array<i32>} : memref<2x128x128xf32, #tpu.memory_space<vmem>>, vector<16xf32>,
        %parallel_loop3A_807 = arith.constant 1 : i32
        %parallel_loop3A_808 = arith.index_cast %parallel_loop3A_807 : i32 to index
        %parallel_loop3A_809 = arith.index_cast %parallel_loop3A_797 : i32 to index
        %parallel_loop3A_810 = arith.constant 0 : index
        %parallel_loop3A_811 = tpu.vector_load %arg7[%parallel_loop3A_808, %parallel_loop3A_809, %parallel_loop3A_810] {strides = array<i32>} : memref<2x128x64xf32, #tpu.memory_space<vmem>>, vector<16xf32>,
        tpu.vector_store %arg7[%parallel_loop3A_808, %parallel_loop3A_809, %parallel_loop3A_810], %parallel_loop3A_806 {strides = array<i32>} : memref<2x128x64xf32, #tpu.memory_space<vmem>>, vector<16xf32>,
        %parallel_loop3A_812 = arith.constant 16 : i32
        %parallel_loop3A_813 = arith.addi %parallel_loop3A_799, %parallel_loop3A_812 : i32
        %parallel_loop3A_814 = arith.constant 1 : i32
        %parallel_loop3A_815 = arith.index_cast %parallel_loop3A_814 : i32 to index
        %parallel_loop3A_816 = arith.index_cast %parallel_loop3A_797 : i32 to index
        %parallel_loop3A_817 = arith.index_cast %parallel_loop3A_813 : i32 to index
        %parallel_loop3A_818 = tpu.vector_load %arg6[%parallel_loop3A_815, %parallel_loop3A_816, %parallel_loop3A_817] {strides = array<i32>} : memref<2x128x128xf32, #tpu.memory_space<vmem>>, vector<16xf32>,
        %parallel_loop3A_819 = arith.constant 1 : i32
        %parallel_loop3A_820 = arith.index_cast %parallel_loop3A_819 : i32 to index
        %parallel_loop3A_821 = arith.index_cast %parallel_loop3A_797 : i32 to index
        %parallel_loop3A_822 = arith.constant 16 : index
        %parallel_loop3A_823 = tpu.vector_load %arg7[%parallel_loop3A_820, %parallel_loop3A_821, %parallel_loop3A_822] {strides = array<i32>} : memref<2x128x64xf32, #tpu.memory_space<vmem>>, vector<16xf32>,
        tpu.vector_store %arg7[%parallel_loop3A_820, %parallel_loop3A_821, %parallel_loop3A_822], %parallel_loop3A_818 {strides = array<i32>} : memref<2x128x64xf32, #tpu.memory_space<vmem>>, vector<16xf32>,
        %parallel_loop3A_824 = arith.constant 32 : i32
        %parallel_loop3A_825 = arith.addi %parallel_loop3A_799, %parallel_loop3A_824 : i32
        %parallel_loop3A_826 = arith.constant 1 : i32
        %parallel_loop3A_827 = arith.index_cast %parallel_loop3A_826 : i32 to index
        %parallel_loop3A_828 = arith.index_cast %parallel_loop3A_797 : i32 to index
        %parallel_loop3A_829 = arith.index_cast %parallel_loop3A_825 : i32 to index
        %parallel_loop3A_830 = tpu.vector_load %arg6[%parallel_loop3A_827, %parallel_loop3A_828, %parallel_loop3A_829] {strides = array<i32>} : memref<2x128x128xf32, #tpu.memory_space<vmem>>, vector<16xf32>,
        %parallel_loop3A_831 = arith.constant 1 : i32
        %parallel_loop3A_832 = arith.index_cast %parallel_loop3A_831 : i32 to index
        %parallel_loop3A_833 = arith.index_cast %parallel_loop3A_797 : i32 to index
        %parallel_loop3A_834 = arith.constant 32 : index
        %parallel_loop3A_835 = tpu.vector_load %arg7[%parallel_loop3A_832, %parallel_loop3A_833, %parallel_loop3A_834] {strides = array<i32>} : memref<2x128x64xf32, #tpu.memory_space<vmem>>, vector<16xf32>,
        tpu.vector_store %arg7[%parallel_loop3A_832, %parallel_loop3A_833, %parallel_loop3A_834], %parallel_loop3A_830 {strides = array<i32>} : memref<2x128x64xf32, #tpu.memory_space<vmem>>, vector<16xf32>,
        %parallel_loop3A_836 = arith.constant 48 : i32
        %parallel_loop3A_837 = arith.addi %parallel_loop3A_799, %parallel_loop3A_836 : i32
        %parallel_loop3A_838 = arith.constant 1 : i32
        %parallel_loop3A_839 = arith.index_cast %parallel_loop3A_838 : i32 to index
        %parallel_loop3A_840 = arith.index_cast %parallel_loop3A_797 : i32 to index
        %parallel_loop3A_841 = arith.index_cast %parallel_loop3A_837 : i32 to index
        %parallel_loop3A_842 = tpu.vector_load %arg6[%parallel_loop3A_839, %parallel_loop3A_840, %parallel_loop3A_841] {strides = array<i32>} : memref<2x128x128xf32, #tpu.memory_space<vmem>>, vector<16xf32>,
        %parallel_loop3A_843 = arith.constant 1 : i32
        %parallel_loop3A_844 = arith.index_cast %parallel_loop3A_843 : i32 to index
        %parallel_loop3A_845 = arith.index_cast %parallel_loop3A_797 : i32 to index
        %parallel_loop3A_846 = arith.constant 48 : index
        %parallel_loop3A_847 = tpu.vector_load %arg7[%parallel_loop3A_844, %parallel_loop3A_845, %parallel_loop3A_846] {strides = array<i32>} : memref<2x128x64xf32, #tpu.memory_space<vmem>>, vector<16xf32>,
        tpu.vector_store %arg7[%parallel_loop3A_844, %parallel_loop3A_845, %parallel_loop3A_846], %parallel_loop3A_842 {strides = array<i32>} : memref<2x128x64xf32, #tpu.memory_space<vmem>>, vector<16xf32>,
        %parallel_loop3A_848 = arith.constant 16 : i32
        %parallel_loop3A_849 = arith.muli %parallel_loop3A_376, %parallel_loop3A_848 : i32
        %parallel_loop3A_850 = arith.constant 8 : i32
        %parallel_loop3A_851 = arith.addi %parallel_loop3A_849, %parallel_loop3A_850 : i32
        %parallel_loop3A_852 = vector.extract_strided_slice %parallel_loop3A_415 {offsets = [8], sizes = [1], strides = [1]} : vector<16xi32> to vector<1xi32>
        %parallel_loop3A_853 = vector.extract %parallel_loop3A_852[0] : i32 from vector<1xi32>
        %parallel_loop3A_854 = arith.constant 0 : i32
        %parallel_loop3A_855 = arith.addi %parallel_loop3A_853, %parallel_loop3A_854 : i32
        %parallel_loop3A_856 = arith.constant 1 : i32
        %parallel_loop3A_857 = arith.index_cast %parallel_loop3A_856 : i32 to index
        %parallel_loop3A_858 = arith.index_cast %parallel_loop3A_851 : i32 to index
        %parallel_loop3A_859 = arith.index_cast %parallel_loop3A_855 : i32 to index
        %parallel_loop3A_860 = tpu.vector_load %arg6[%parallel_loop3A_857, %parallel_loop3A_858, %parallel_loop3A_859] {strides = array<i32>} : memref<2x128x128xf32, #tpu.memory_space<vmem>>, vector<16xf32>,
        %parallel_loop3A_861 = arith.constant 1 : i32
        %parallel_loop3A_862 = arith.index_cast %parallel_loop3A_861 : i32 to index
        %parallel_loop3A_863 = arith.index_cast %parallel_loop3A_851 : i32 to index
        %parallel_loop3A_864 = arith.constant 0 : index
        %parallel_loop3A_865 = tpu.vector_load %arg7[%parallel_loop3A_862, %parallel_loop3A_863, %parallel_loop3A_864] {strides = array<i32>} : memref<2x128x64xf32, #tpu.memory_space<vmem>>, vector<16xf32>,
        tpu.vector_store %arg7[%parallel_loop3A_862, %parallel_loop3A_863, %parallel_loop3A_864], %parallel_loop3A_860 {strides = array<i32>} : memref<2x128x64xf32, #tpu.memory_space<vmem>>, vector<16xf32>,
        %parallel_loop3A_866 = arith.constant 16 : i32
        %parallel_loop3A_867 = arith.addi %parallel_loop3A_853, %parallel_loop3A_866 : i32
        %parallel_loop3A_868 = arith.constant 1 : i32
        %parallel_loop3A_869 = arith.index_cast %parallel_loop3A_868 : i32 to index
        %parallel_loop3A_870 = arith.index_cast %parallel_loop3A_851 : i32 to index
        %parallel_loop3A_871 = arith.index_cast %parallel_loop3A_867 : i32 to index
        %parallel_loop3A_872 = tpu.vector_load %arg6[%parallel_loop3A_869, %parallel_loop3A_870, %parallel_loop3A_871] {strides = array<i32>} : memref<2x128x128xf32, #tpu.memory_space<vmem>>, vector<16xf32>,
        %parallel_loop3A_873 = arith.constant 1 : i32
        %parallel_loop3A_874 = arith.index_cast %parallel_loop3A_873 : i32 to index
        %parallel_loop3A_875 = arith.index_cast %parallel_loop3A_851 : i32 to index
        %parallel_loop3A_876 = arith.constant 16 : index
        %parallel_loop3A_877 = tpu.vector_load %arg7[%parallel_loop3A_874, %parallel_loop3A_875, %parallel_loop3A_876] {strides = array<i32>} : memref<2x128x64xf32, #tpu.memory_space<vmem>>, vector<16xf32>,
        tpu.vector_store %arg7[%parallel_loop3A_874, %parallel_loop3A_875, %parallel_loop3A_876], %parallel_loop3A_872 {strides = array<i32>} : memref<2x128x64xf32, #tpu.memory_space<vmem>>, vector<16xf32>,
        %parallel_loop3A_878 = arith.constant 32 : i32
        %parallel_loop3A_879 = arith.addi %parallel_loop3A_853, %parallel_loop3A_878 : i32
        %parallel_loop3A_880 = arith.constant 1 : i32
        %parallel_loop3A_881 = arith.index_cast %parallel_loop3A_880 : i32 to index
        %parallel_loop3A_882 = arith.index_cast %parallel_loop3A_851 : i32 to index
        %parallel_loop3A_883 = arith.index_cast %parallel_loop3A_879 : i32 to index
        %parallel_loop3A_884 = tpu.vector_load %arg6[%parallel_loop3A_881, %parallel_loop3A_882, %parallel_loop3A_883] {strides = array<i32>} : memref<2x128x128xf32, #tpu.memory_space<vmem>>, vector<16xf32>,
        %parallel_loop3A_885 = arith.constant 1 : i32
        %parallel_loop3A_886 = arith.index_cast %parallel_loop3A_885 : i32 to index
        %parallel_loop3A_887 = arith.index_cast %parallel_loop3A_851 : i32 to index
        %parallel_loop3A_888 = arith.constant 32 : index
        %parallel_loop3A_889 = tpu.vector_load %arg7[%parallel_loop3A_886, %parallel_loop3A_887, %parallel_loop3A_888] {strides = array<i32>} : memref<2x128x64xf32, #tpu.memory_space<vmem>>, vector<16xf32>,
        tpu.vector_store %arg7[%parallel_loop3A_886, %parallel_loop3A_887, %parallel_loop3A_888], %parallel_loop3A_884 {strides = array<i32>} : memref<2x128x64xf32, #tpu.memory_space<vmem>>, vector<16xf32>,
        %parallel_loop3A_890 = arith.constant 48 : i32
        %parallel_loop3A_891 = arith.addi %parallel_loop3A_853, %parallel_loop3A_890 : i32
        %parallel_loop3A_892 = arith.constant 1 : i32
        %parallel_loop3A_893 = arith.index_cast %parallel_loop3A_892 : i32 to index
        %parallel_loop3A_894 = arith.index_cast %parallel_loop3A_851 : i32 to index
        %parallel_loop3A_895 = arith.index_cast %parallel_loop3A_891 : i32 to index
        %parallel_loop3A_896 = tpu.vector_load %arg6[%parallel_loop3A_893, %parallel_loop3A_894, %parallel_loop3A_895] {strides = array<i32>} : memref<2x128x128xf32, #tpu.memory_space<vmem>>, vector<16xf32>,
        %parallel_loop3A_897 = arith.constant 1 : i32
        %parallel_loop3A_898 = arith.index_cast %parallel_loop3A_897 : i32 to index
        %parallel_loop3A_899 = arith.index_cast %parallel_loop3A_851 : i32 to index
        %parallel_loop3A_900 = arith.constant 48 : index
        %parallel_loop3A_901 = tpu.vector_load %arg7[%parallel_loop3A_898, %parallel_loop3A_899, %parallel_loop3A_900] {strides = array<i32>} : memref<2x128x64xf32, #tpu.memory_space<vmem>>, vector<16xf32>,
        tpu.vector_store %arg7[%parallel_loop3A_898, %parallel_loop3A_899, %parallel_loop3A_900], %parallel_loop3A_896 {strides = array<i32>} : memref<2x128x64xf32, #tpu.memory_space<vmem>>, vector<16xf32>,
        %parallel_loop3A_902 = arith.constant 16 : i32
        %parallel_loop3A_903 = arith.muli %parallel_loop3A_376, %parallel_loop3A_902 : i32
        %parallel_loop3A_904 = arith.constant 9 : i32
        %parallel_loop3A_905 = arith.addi %parallel_loop3A_903, %parallel_loop3A_904 : i32
        %parallel_loop3A_906 = vector.extract_strided_slice %parallel_loop3A_415 {offsets = [9], sizes = [1], strides = [1]} : vector<16xi32> to vector<1xi32>
        %parallel_loop3A_907 = vector.extract %parallel_loop3A_906[0] : i32 from vector<1xi32>
        %parallel_loop3A_908 = arith.constant 0 : i32
        %parallel_loop3A_909 = arith.addi %parallel_loop3A_907, %parallel_loop3A_908 : i32
        %parallel_loop3A_910 = arith.constant 1 : i32
        %parallel_loop3A_911 = arith.index_cast %parallel_loop3A_910 : i32 to index
        %parallel_loop3A_912 = arith.index_cast %parallel_loop3A_905 : i32 to index
        %parallel_loop3A_913 = arith.index_cast %parallel_loop3A_909 : i32 to index
        %parallel_loop3A_914 = tpu.vector_load %arg6[%parallel_loop3A_911, %parallel_loop3A_912, %parallel_loop3A_913] {strides = array<i32>} : memref<2x128x128xf32, #tpu.memory_space<vmem>>, vector<16xf32>,
        %parallel_loop3A_915 = arith.constant 1 : i32
        %parallel_loop3A_916 = arith.index_cast %parallel_loop3A_915 : i32 to index
        %parallel_loop3A_917 = arith.index_cast %parallel_loop3A_905 : i32 to index
        %parallel_loop3A_918 = arith.constant 0 : index
        %parallel_loop3A_919 = tpu.vector_load %arg7[%parallel_loop3A_916, %parallel_loop3A_917, %parallel_loop3A_918] {strides = array<i32>} : memref<2x128x64xf32, #tpu.memory_space<vmem>>, vector<16xf32>,
        tpu.vector_store %arg7[%parallel_loop3A_916, %parallel_loop3A_917, %parallel_loop3A_918], %parallel_loop3A_914 {strides = array<i32>} : memref<2x128x64xf32, #tpu.memory_space<vmem>>, vector<16xf32>,
        %parallel_loop3A_920 = arith.constant 16 : i32
        %parallel_loop3A_921 = arith.addi %parallel_loop3A_907, %parallel_loop3A_920 : i32
        %parallel_loop3A_922 = arith.constant 1 : i32
        %parallel_loop3A_923 = arith.index_cast %parallel_loop3A_922 : i32 to index
        %parallel_loop3A_924 = arith.index_cast %parallel_loop3A_905 : i32 to index
        %parallel_loop3A_925 = arith.index_cast %parallel_loop3A_921 : i32 to index
        %parallel_loop3A_926 = tpu.vector_load %arg6[%parallel_loop3A_923, %parallel_loop3A_924, %parallel_loop3A_925] {strides = array<i32>} : memref<2x128x128xf32, #tpu.memory_space<vmem>>, vector<16xf32>,
        %parallel_loop3A_927 = arith.constant 1 : i32
        %parallel_loop3A_928 = arith.index_cast %parallel_loop3A_927 : i32 to index
        %parallel_loop3A_929 = arith.index_cast %parallel_loop3A_905 : i32 to index
        %parallel_loop3A_930 = arith.constant 16 : index
        %parallel_loop3A_931 = tpu.vector_load %arg7[%parallel_loop3A_928, %parallel_loop3A_929, %parallel_loop3A_930] {strides = array<i32>} : memref<2x128x64xf32, #tpu.memory_space<vmem>>, vector<16xf32>,
        tpu.vector_store %arg7[%parallel_loop3A_928, %parallel_loop3A_929, %parallel_loop3A_930], %parallel_loop3A_926 {strides = array<i32>} : memref<2x128x64xf32, #tpu.memory_space<vmem>>, vector<16xf32>,
        %parallel_loop3A_932 = arith.constant 32 : i32
        %parallel_loop3A_933 = arith.addi %parallel_loop3A_907, %parallel_loop3A_932 : i32
        %parallel_loop3A_934 = arith.constant 1 : i32
        %parallel_loop3A_935 = arith.index_cast %parallel_loop3A_934 : i32 to index
        %parallel_loop3A_936 = arith.index_cast %parallel_loop3A_905 : i32 to index
        %parallel_loop3A_937 = arith.index_cast %parallel_loop3A_933 : i32 to index
        %parallel_loop3A_938 = tpu.vector_load %arg6[%parallel_loop3A_935, %parallel_loop3A_936, %parallel_loop3A_937] {strides = array<i32>} : memref<2x128x128xf32, #tpu.memory_space<vmem>>, vector<16xf32>,
        %parallel_loop3A_939 = arith.constant 1 : i32
        %parallel_loop3A_940 = arith.index_cast %parallel_loop3A_939 : i32 to index
        %parallel_loop3A_941 = arith.index_cast %parallel_loop3A_905 : i32 to index
        %parallel_loop3A_942 = arith.constant 32 : index
        %parallel_loop3A_943 = tpu.vector_load %arg7[%parallel_loop3A_940, %parallel_loop3A_941, %parallel_loop3A_942] {strides = array<i32>} : memref<2x128x64xf32, #tpu.memory_space<vmem>>, vector<16xf32>,
        tpu.vector_store %arg7[%parallel_loop3A_940, %parallel_loop3A_941, %parallel_loop3A_942], %parallel_loop3A_938 {strides = array<i32>} : memref<2x128x64xf32, #tpu.memory_space<vmem>>, vector<16xf32>,
        %parallel_loop3A_944 = arith.constant 48 : i32
        %parallel_loop3A_945 = arith.addi %parallel_loop3A_907, %parallel_loop3A_944 : i32
        %parallel_loop3A_946 = arith.constant 1 : i32
        %parallel_loop3A_947 = arith.index_cast %parallel_loop3A_946 : i32 to index
        %parallel_loop3A_948 = arith.index_cast %parallel_loop3A_905 : i32 to index
        %parallel_loop3A_949 = arith.index_cast %parallel_loop3A_945 : i32 to index
        %parallel_loop3A_950 = tpu.vector_load %arg6[%parallel_loop3A_947, %parallel_loop3A_948, %parallel_loop3A_949] {strides = array<i32>} : memref<2x128x128xf32, #tpu.memory_space<vmem>>, vector<16xf32>,
        %parallel_loop3A_951 = arith.constant 1 : i32
        %parallel_loop3A_952 = arith.index_cast %parallel_loop3A_951 : i32 to index
        %parallel_loop3A_953 = arith.index_cast %parallel_loop3A_905 : i32 to index
        %parallel_loop3A_954 = arith.constant 48 : index
        %parallel_loop3A_955 = tpu.vector_load %arg7[%parallel_loop3A_952, %parallel_loop3A_953, %parallel_loop3A_954] {strides = array<i32>} : memref<2x128x64xf32, #tpu.memory_space<vmem>>, vector<16xf32>,
        tpu.vector_store %arg7[%parallel_loop3A_952, %parallel_loop3A_953, %parallel_loop3A_954], %parallel_loop3A_950 {strides = array<i32>} : memref<2x128x64xf32, #tpu.memory_space<vmem>>, vector<16xf32>,
        %parallel_loop3A_956 = arith.constant 16 : i32
        %parallel_loop3A_957 = arith.muli %parallel_loop3A_376, %parallel_loop3A_956 : i32
        %parallel_loop3A_958 = arith.constant 10 : i32
        %parallel_loop3A_959 = arith.addi %parallel_loop3A_957, %parallel_loop3A_958 : i32
        %parallel_loop3A_960 = vector.extract_strided_slice %parallel_loop3A_415 {offsets = [10], sizes = [1], strides = [1]} : vector<16xi32> to vector<1xi32>
        %parallel_loop3A_961 = vector.extract %parallel_loop3A_960[0] : i32 from vector<1xi32>
        %parallel_loop3A_962 = arith.constant 0 : i32
        %parallel_loop3A_963 = arith.addi %parallel_loop3A_961, %parallel_loop3A_962 : i32
        %parallel_loop3A_964 = arith.constant 1 : i32
        %parallel_loop3A_965 = arith.index_cast %parallel_loop3A_964 : i32 to index
        %parallel_loop3A_966 = arith.index_cast %parallel_loop3A_959 : i32 to index
        %parallel_loop3A_967 = arith.index_cast %parallel_loop3A_963 : i32 to index
        %parallel_loop3A_968 = tpu.vector_load %arg6[%parallel_loop3A_965, %parallel_loop3A_966, %parallel_loop3A_967] {strides = array<i32>} : memref<2x128x128xf32, #tpu.memory_space<vmem>>, vector<16xf32>,
        %parallel_loop3A_969 = arith.constant 1 : i32
        %parallel_loop3A_970 = arith.index_cast %parallel_loop3A_969 : i32 to index
        %parallel_loop3A_971 = arith.index_cast %parallel_loop3A_959 : i32 to index
        %parallel_loop3A_972 = arith.constant 0 : index
        %parallel_loop3A_973 = tpu.vector_load %arg7[%parallel_loop3A_970, %parallel_loop3A_971, %parallel_loop3A_972] {strides = array<i32>} : memref<2x128x64xf32, #tpu.memory_space<vmem>>, vector<16xf32>,
        tpu.vector_store %arg7[%parallel_loop3A_970, %parallel_loop3A_971, %parallel_loop3A_972], %parallel_loop3A_968 {strides = array<i32>} : memref<2x128x64xf32, #tpu.memory_space<vmem>>, vector<16xf32>,
        %parallel_loop3A_974 = arith.constant 16 : i32
        %parallel_loop3A_975 = arith.addi %parallel_loop3A_961, %parallel_loop3A_974 : i32
        %parallel_loop3A_976 = arith.constant 1 : i32
        %parallel_loop3A_977 = arith.index_cast %parallel_loop3A_976 : i32 to index
        %parallel_loop3A_978 = arith.index_cast %parallel_loop3A_959 : i32 to index
        %parallel_loop3A_979 = arith.index_cast %parallel_loop3A_975 : i32 to index
        %parallel_loop3A_980 = tpu.vector_load %arg6[%parallel_loop3A_977, %parallel_loop3A_978, %parallel_loop3A_979] {strides = array<i32>} : memref<2x128x128xf32, #tpu.memory_space<vmem>>, vector<16xf32>,
        %parallel_loop3A_981 = arith.constant 1 : i32
        %parallel_loop3A_982 = arith.index_cast %parallel_loop3A_981 : i32 to index
        %parallel_loop3A_983 = arith.index_cast %parallel_loop3A_959 : i32 to index
        %parallel_loop3A_984 = arith.constant 16 : index
        %parallel_loop3A_985 = tpu.vector_load %arg7[%parallel_loop3A_982, %parallel_loop3A_983, %parallel_loop3A_984] {strides = array<i32>} : memref<2x128x64xf32, #tpu.memory_space<vmem>>, vector<16xf32>,
        tpu.vector_store %arg7[%parallel_loop3A_982, %parallel_loop3A_983, %parallel_loop3A_984], %parallel_loop3A_980 {strides = array<i32>} : memref<2x128x64xf32, #tpu.memory_space<vmem>>, vector<16xf32>,
        %parallel_loop3A_986 = arith.constant 32 : i32
        %parallel_loop3A_987 = arith.addi %parallel_loop3A_961, %parallel_loop3A_986 : i32
        %parallel_loop3A_988 = arith.constant 1 : i32
        %parallel_loop3A_989 = arith.index_cast %parallel_loop3A_988 : i32 to index
        %parallel_loop3A_990 = arith.index_cast %parallel_loop3A_959 : i32 to index
        %parallel_loop3A_991 = arith.index_cast %parallel_loop3A_987 : i32 to index
        %parallel_loop3A_992 = tpu.vector_load %arg6[%parallel_loop3A_989, %parallel_loop3A_990, %parallel_loop3A_991] {strides = array<i32>} : memref<2x128x128xf32, #tpu.memory_space<vmem>>, vector<16xf32>,
        %parallel_loop3A_993 = arith.constant 1 : i32
        %parallel_loop3A_994 = arith.index_cast %parallel_loop3A_993 : i32 to index
        %parallel_loop3A_995 = arith.index_cast %parallel_loop3A_959 : i32 to index
        %parallel_loop3A_996 = arith.constant 32 : index
        %parallel_loop3A_997 = tpu.vector_load %arg7[%parallel_loop3A_994, %parallel_loop3A_995, %parallel_loop3A_996] {strides = array<i32>} : memref<2x128x64xf32, #tpu.memory_space<vmem>>, vector<16xf32>,
        tpu.vector_store %arg7[%parallel_loop3A_994, %parallel_loop3A_995, %parallel_loop3A_996], %parallel_loop3A_992 {strides = array<i32>} : memref<2x128x64xf32, #tpu.memory_space<vmem>>, vector<16xf32>,
        %parallel_loop3A_998 = arith.constant 48 : i32
        %parallel_loop3A_999 = arith.addi %parallel_loop3A_961, %parallel_loop3A_998 : i32
        %parallel_loop3A_1000 = arith.constant 1 : i32
        %parallel_loop3A_1001 = arith.index_cast %parallel_loop3A_1000 : i32 to index
        %parallel_loop3A_1002 = arith.index_cast %parallel_loop3A_959 : i32 to index
        %parallel_loop3A_1003 = arith.index_cast %parallel_loop3A_999 : i32 to index
        %parallel_loop3A_1004 = tpu.vector_load %arg6[%parallel_loop3A_1001, %parallel_loop3A_1002, %parallel_loop3A_1003] {strides = array<i32>} : memref<2x128x128xf32, #tpu.memory_space<vmem>>, vector<16xf32>,
        %parallel_loop3A_1005 = arith.constant 1 : i32
        %parallel_loop3A_1006 = arith.index_cast %parallel_loop3A_1005 : i32 to index
        %parallel_loop3A_1007 = arith.index_cast %parallel_loop3A_959 : i32 to index
        %parallel_loop3A_1008 = arith.constant 48 : index
        %parallel_loop3A_1009 = tpu.vector_load %arg7[%parallel_loop3A_1006, %parallel_loop3A_1007, %parallel_loop3A_1008] {strides = array<i32>} : memref<2x128x64xf32, #tpu.memory_space<vmem>>, vector<16xf32>,
        tpu.vector_store %arg7[%parallel_loop3A_1006, %parallel_loop3A_1007, %parallel_loop3A_1008], %parallel_loop3A_1004 {strides = array<i32>} : memref<2x128x64xf32, #tpu.memory_space<vmem>>, vector<16xf32>,
        %parallel_loop3A_1010 = arith.constant 16 : i32
        %parallel_loop3A_1011 = arith.muli %parallel_loop3A_376, %parallel_loop3A_1010 : i32
        %parallel_loop3A_1012 = arith.constant 11 : i32
        %parallel_loop3A_1013 = arith.addi %parallel_loop3A_1011, %parallel_loop3A_1012 : i32
        %parallel_loop3A_1014 = vector.extract_strided_slice %parallel_loop3A_415 {offsets = [11], sizes = [1], strides = [1]} : vector<16xi32> to vector<1xi32>
        %parallel_loop3A_1015 = vector.extract %parallel_loop3A_1014[0] : i32 from vector<1xi32>
        %parallel_loop3A_1016 = arith.constant 0 : i32
        %parallel_loop3A_1017 = arith.addi %parallel_loop3A_1015, %parallel_loop3A_1016 : i32
        %parallel_loop3A_1018 = arith.constant 1 : i32
        %parallel_loop3A_1019 = arith.index_cast %parallel_loop3A_1018 : i32 to index
        %parallel_loop3A_1020 = arith.index_cast %parallel_loop3A_1013 : i32 to index
        %parallel_loop3A_1021 = arith.index_cast %parallel_loop3A_1017 : i32 to index
        %parallel_loop3A_1022 = tpu.vector_load %arg6[%parallel_loop3A_1019, %parallel_loop3A_1020, %parallel_loop3A_1021] {strides = array<i32>} : memref<2x128x128xf32, #tpu.memory_space<vmem>>, vector<16xf32>,
        %parallel_loop3A_1023 = arith.constant 1 : i32
        %parallel_loop3A_1024 = arith.index_cast %parallel_loop3A_1023 : i32 to index
        %parallel_loop3A_1025 = arith.index_cast %parallel_loop3A_1013 : i32 to index
        %parallel_loop3A_1026 = arith.constant 0 : index
        %parallel_loop3A_1027 = tpu.vector_load %arg7[%parallel_loop3A_1024, %parallel_loop3A_1025, %parallel_loop3A_1026] {strides = array<i32>} : memref<2x128x64xf32, #tpu.memory_space<vmem>>, vector<16xf32>,
        tpu.vector_store %arg7[%parallel_loop3A_1024, %parallel_loop3A_1025, %parallel_loop3A_1026], %parallel_loop3A_1022 {strides = array<i32>} : memref<2x128x64xf32, #tpu.memory_space<vmem>>, vector<16xf32>,
        %parallel_loop3A_1028 = arith.constant 16 : i32
        %parallel_loop3A_1029 = arith.addi %parallel_loop3A_1015, %parallel_loop3A_1028 : i32
        %parallel_loop3A_1030 = arith.constant 1 : i32
        %parallel_loop3A_1031 = arith.index_cast %parallel_loop3A_1030 : i32 to index
        %parallel_loop3A_1032 = arith.index_cast %parallel_loop3A_1013 : i32 to index
        %parallel_loop3A_1033 = arith.index_cast %parallel_loop3A_1029 : i32 to index
        %parallel_loop3A_1034 = tpu.vector_load %arg6[%parallel_loop3A_1031, %parallel_loop3A_1032, %parallel_loop3A_1033] {strides = array<i32>} : memref<2x128x128xf32, #tpu.memory_space<vmem>>, vector<16xf32>,
        %parallel_loop3A_1035 = arith.constant 1 : i32
        %parallel_loop3A_1036 = arith.index_cast %parallel_loop3A_1035 : i32 to index
        %parallel_loop3A_1037 = arith.index_cast %parallel_loop3A_1013 : i32 to index
        %parallel_loop3A_1038 = arith.constant 16 : index
        %parallel_loop3A_1039 = tpu.vector_load %arg7[%parallel_loop3A_1036, %parallel_loop3A_1037, %parallel_loop3A_1038] {strides = array<i32>} : memref<2x128x64xf32, #tpu.memory_space<vmem>>, vector<16xf32>,
        tpu.vector_store %arg7[%parallel_loop3A_1036, %parallel_loop3A_1037, %parallel_loop3A_1038], %parallel_loop3A_1034 {strides = array<i32>} : memref<2x128x64xf32, #tpu.memory_space<vmem>>, vector<16xf32>,
        %parallel_loop3A_1040 = arith.constant 32 : i32
        %parallel_loop3A_1041 = arith.addi %parallel_loop3A_1015, %parallel_loop3A_1040 : i32
        %parallel_loop3A_1042 = arith.constant 1 : i32
        %parallel_loop3A_1043 = arith.index_cast %parallel_loop3A_1042 : i32 to index
        %parallel_loop3A_1044 = arith.index_cast %parallel_loop3A_1013 : i32 to index
        %parallel_loop3A_1045 = arith.index_cast %parallel_loop3A_1041 : i32 to index
        %parallel_loop3A_1046 = tpu.vector_load %arg6[%parallel_loop3A_1043, %parallel_loop3A_1044, %parallel_loop3A_1045] {strides = array<i32>} : memref<2x128x128xf32, #tpu.memory_space<vmem>>, vector<16xf32>,
        %parallel_loop3A_1047 = arith.constant 1 : i32
        %parallel_loop3A_1048 = arith.index_cast %parallel_loop3A_1047 : i32 to index
        %parallel_loop3A_1049 = arith.index_cast %parallel_loop3A_1013 : i32 to index
        %parallel_loop3A_1050 = arith.constant 32 : index
        %parallel_loop3A_1051 = tpu.vector_load %arg7[%parallel_loop3A_1048, %parallel_loop3A_1049, %parallel_loop3A_1050] {strides = array<i32>} : memref<2x128x64xf32, #tpu.memory_space<vmem>>, vector<16xf32>,
        tpu.vector_store %arg7[%parallel_loop3A_1048, %parallel_loop3A_1049, %parallel_loop3A_1050], %parallel_loop3A_1046 {strides = array<i32>} : memref<2x128x64xf32, #tpu.memory_space<vmem>>, vector<16xf32>,
        %parallel_loop3A_1052 = arith.constant 48 : i32
        %parallel_loop3A_1053 = arith.addi %parallel_loop3A_1015, %parallel_loop3A_1052 : i32
        %parallel_loop3A_1054 = arith.constant 1 : i32
        %parallel_loop3A_1055 = arith.index_cast %parallel_loop3A_1054 : i32 to index
        %parallel_loop3A_1056 = arith.index_cast %parallel_loop3A_1013 : i32 to index
        %parallel_loop3A_1057 = arith.index_cast %parallel_loop3A_1053 : i32 to index
        %parallel_loop3A_1058 = tpu.vector_load %arg6[%parallel_loop3A_1055, %parallel_loop3A_1056, %parallel_loop3A_1057] {strides = array<i32>} : memref<2x128x128xf32, #tpu.memory_space<vmem>>, vector<16xf32>,
        %parallel_loop3A_1059 = arith.constant 1 : i32
        %parallel_loop3A_1060 = arith.index_cast %parallel_loop3A_1059 : i32 to index
        %parallel_loop3A_1061 = arith.index_cast %parallel_loop3A_1013 : i32 to index
        %parallel_loop3A_1062 = arith.constant 48 : index
        %parallel_loop3A_1063 = tpu.vector_load %arg7[%parallel_loop3A_1060, %parallel_loop3A_1061, %parallel_loop3A_1062] {strides = array<i32>} : memref<2x128x64xf32, #tpu.memory_space<vmem>>, vector<16xf32>,
        tpu.vector_store %arg7[%parallel_loop3A_1060, %parallel_loop3A_1061, %parallel_loop3A_1062], %parallel_loop3A_1058 {strides = array<i32>} : memref<2x128x64xf32, #tpu.memory_space<vmem>>, vector<16xf32>,
        %parallel_loop3A_1064 = arith.constant 16 : i32
        %parallel_loop3A_1065 = arith.muli %parallel_loop3A_376, %parallel_loop3A_1064 : i32
        %parallel_loop3A_1066 = arith.constant 12 : i32
        %parallel_loop3A_1067 = arith.addi %parallel_loop3A_1065, %parallel_loop3A_1066 : i32
        %parallel_loop3A_1068 = vector.extract_strided_slice %parallel_loop3A_415 {offsets = [12], sizes = [1], strides = [1]} : vector<16xi32> to vector<1xi32>
        %parallel_loop3A_1069 = vector.extract %parallel_loop3A_1068[0] : i32 from vector<1xi32>
        %parallel_loop3A_1070 = arith.constant 0 : i32
        %parallel_loop3A_1071 = arith.addi %parallel_loop3A_1069, %parallel_loop3A_1070 : i32
        %parallel_loop3A_1072 = arith.constant 1 : i32
        %parallel_loop3A_1073 = arith.index_cast %parallel_loop3A_1072 : i32 to index
        %parallel_loop3A_1074 = arith.index_cast %parallel_loop3A_1067 : i32 to index
        %parallel_loop3A_1075 = arith.index_cast %parallel_loop3A_1071 : i32 to index
        %parallel_loop3A_1076 = tpu.vector_load %arg6[%parallel_loop3A_1073, %parallel_loop3A_1074, %parallel_loop3A_1075] {strides = array<i32>} : memref<2x128x128xf32, #tpu.memory_space<vmem>>, vector<16xf32>,
        %parallel_loop3A_1077 = arith.constant 1 : i32
        %parallel_loop3A_1078 = arith.index_cast %parallel_loop3A_1077 : i32 to index
        %parallel_loop3A_1079 = arith.index_cast %parallel_loop3A_1067 : i32 to index
        %parallel_loop3A_1080 = arith.constant 0 : index
        %parallel_loop3A_1081 = tpu.vector_load %arg7[%parallel_loop3A_1078, %parallel_loop3A_1079, %parallel_loop3A_1080] {strides = array<i32>} : memref<2x128x64xf32, #tpu.memory_space<vmem>>, vector<16xf32>,
        tpu.vector_store %arg7[%parallel_loop3A_1078, %parallel_loop3A_1079, %parallel_loop3A_1080], %parallel_loop3A_1076 {strides = array<i32>} : memref<2x128x64xf32, #tpu.memory_space<vmem>>, vector<16xf32>,
        %parallel_loop3A_1082 = arith.constant 16 : i32
        %parallel_loop3A_1083 = arith.addi %parallel_loop3A_1069, %parallel_loop3A_1082 : i32
        %parallel_loop3A_1084 = arith.constant 1 : i32
        %parallel_loop3A_1085 = arith.index_cast %parallel_loop3A_1084 : i32 to index
        %parallel_loop3A_1086 = arith.index_cast %parallel_loop3A_1067 : i32 to index
        %parallel_loop3A_1087 = arith.index_cast %parallel_loop3A_1083 : i32 to index
        %parallel_loop3A_1088 = tpu.vector_load %arg6[%parallel_loop3A_1085, %parallel_loop3A_1086, %parallel_loop3A_1087] {strides = array<i32>} : memref<2x128x128xf32, #tpu.memory_space<vmem>>, vector<16xf32>,
        %parallel_loop3A_1089 = arith.constant 1 : i32
        %parallel_loop3A_1090 = arith.index_cast %parallel_loop3A_1089 : i32 to index
        %parallel_loop3A_1091 = arith.index_cast %parallel_loop3A_1067 : i32 to index
        %parallel_loop3A_1092 = arith.constant 16 : index
        %parallel_loop3A_1093 = tpu.vector_load %arg7[%parallel_loop3A_1090, %parallel_loop3A_1091, %parallel_loop3A_1092] {strides = array<i32>} : memref<2x128x64xf32, #tpu.memory_space<vmem>>, vector<16xf32>,
        tpu.vector_store %arg7[%parallel_loop3A_1090, %parallel_loop3A_1091, %parallel_loop3A_1092], %parallel_loop3A_1088 {strides = array<i32>} : memref<2x128x64xf32, #tpu.memory_space<vmem>>, vector<16xf32>,
        %parallel_loop3A_1094 = arith.constant 32 : i32
        %parallel_loop3A_1095 = arith.addi %parallel_loop3A_1069, %parallel_loop3A_1094 : i32
        %parallel_loop3A_1096 = arith.constant 1 : i32
        %parallel_loop3A_1097 = arith.index_cast %parallel_loop3A_1096 : i32 to index
        %parallel_loop3A_1098 = arith.index_cast %parallel_loop3A_1067 : i32 to index
        %parallel_loop3A_1099 = arith.index_cast %parallel_loop3A_1095 : i32 to index
        %parallel_loop3A_1100 = tpu.vector_load %arg6[%parallel_loop3A_1097, %parallel_loop3A_1098, %parallel_loop3A_1099] {strides = array<i32>} : memref<2x128x128xf32, #tpu.memory_space<vmem>>, vector<16xf32>,
        %parallel_loop3A_1101 = arith.constant 1 : i32
        %parallel_loop3A_1102 = arith.index_cast %parallel_loop3A_1101 : i32 to index
        %parallel_loop3A_1103 = arith.index_cast %parallel_loop3A_1067 : i32 to index
        %parallel_loop3A_1104 = arith.constant 32 : index
        %parallel_loop3A_1105 = tpu.vector_load %arg7[%parallel_loop3A_1102, %parallel_loop3A_1103, %parallel_loop3A_1104] {strides = array<i32>} : memref<2x128x64xf32, #tpu.memory_space<vmem>>, vector<16xf32>,
        tpu.vector_store %arg7[%parallel_loop3A_1102, %parallel_loop3A_1103, %parallel_loop3A_1104], %parallel_loop3A_1100 {strides = array<i32>} : memref<2x128x64xf32, #tpu.memory_space<vmem>>, vector<16xf32>,
        %parallel_loop3A_1106 = arith.constant 48 : i32
        %parallel_loop3A_1107 = arith.addi %parallel_loop3A_1069, %parallel_loop3A_1106 : i32
        %parallel_loop3A_1108 = arith.constant 1 : i32
        %parallel_loop3A_1109 = arith.index_cast %parallel_loop3A_1108 : i32 to index
        %parallel_loop3A_1110 = arith.index_cast %parallel_loop3A_1067 : i32 to index
        %parallel_loop3A_1111 = arith.index_cast %parallel_loop3A_1107 : i32 to index
        %parallel_loop3A_1112 = tpu.vector_load %arg6[%parallel_loop3A_1109, %parallel_loop3A_1110, %parallel_loop3A_1111] {strides = array<i32>} : memref<2x128x128xf32, #tpu.memory_space<vmem>>, vector<16xf32>,
        %parallel_loop3A_1113 = arith.constant 1 : i32
        %parallel_loop3A_1114 = arith.index_cast %parallel_loop3A_1113 : i32 to index
        %parallel_loop3A_1115 = arith.index_cast %parallel_loop3A_1067 : i32 to index
        %parallel_loop3A_1116 = arith.constant 48 : index
        %parallel_loop3A_1117 = tpu.vector_load %arg7[%parallel_loop3A_1114, %parallel_loop3A_1115, %parallel_loop3A_1116] {strides = array<i32>} : memref<2x128x64xf32, #tpu.memory_space<vmem>>, vector<16xf32>,
        tpu.vector_store %arg7[%parallel_loop3A_1114, %parallel_loop3A_1115, %parallel_loop3A_1116], %parallel_loop3A_1112 {strides = array<i32>} : memref<2x128x64xf32, #tpu.memory_space<vmem>>, vector<16xf32>,
        %parallel_loop3A_1118 = arith.constant 16 : i32
        %parallel_loop3A_1119 = arith.muli %parallel_loop3A_376, %parallel_loop3A_1118 : i32
        %parallel_loop3A_1120 = arith.constant 13 : i32
        %parallel_loop3A_1121 = arith.addi %parallel_loop3A_1119, %parallel_loop3A_1120 : i32
        %parallel_loop3A_1122 = vector.extract_strided_slice %parallel_loop3A_415 {offsets = [13], sizes = [1], strides = [1]} : vector<16xi32> to vector<1xi32>
        %parallel_loop3A_1123 = vector.extract %parallel_loop3A_1122[0] : i32 from vector<1xi32>
        %parallel_loop3A_1124 = arith.constant 0 : i32
        %parallel_loop3A_1125 = arith.addi %parallel_loop3A_1123, %parallel_loop3A_1124 : i32
        %parallel_loop3A_1126 = arith.constant 1 : i32
        %parallel_loop3A_1127 = arith.index_cast %parallel_loop3A_1126 : i32 to index
        %parallel_loop3A_1128 = arith.index_cast %parallel_loop3A_1121 : i32 to index
        %parallel_loop3A_1129 = arith.index_cast %parallel_loop3A_1125 : i32 to index
        %parallel_loop3A_1130 = tpu.vector_load %arg6[%parallel_loop3A_1127, %parallel_loop3A_1128, %parallel_loop3A_1129] {strides = array<i32>} : memref<2x128x128xf32, #tpu.memory_space<vmem>>, vector<16xf32>,
        %parallel_loop3A_1131 = arith.constant 1 : i32
        %parallel_loop3A_1132 = arith.index_cast %parallel_loop3A_1131 : i32 to index
        %parallel_loop3A_1133 = arith.index_cast %parallel_loop3A_1121 : i32 to index
        %parallel_loop3A_1134 = arith.constant 0 : index
        %parallel_loop3A_1135 = tpu.vector_load %arg7[%parallel_loop3A_1132, %parallel_loop3A_1133, %parallel_loop3A_1134] {strides = array<i32>} : memref<2x128x64xf32, #tpu.memory_space<vmem>>, vector<16xf32>,
        tpu.vector_store %arg7[%parallel_loop3A_1132, %parallel_loop3A_1133, %parallel_loop3A_1134], %parallel_loop3A_1130 {strides = array<i32>} : memref<2x128x64xf32, #tpu.memory_space<vmem>>, vector<16xf32>,
        %parallel_loop3A_1136 = arith.constant 16 : i32
        %parallel_loop3A_1137 = arith.addi %parallel_loop3A_1123, %parallel_loop3A_1136 : i32
        %parallel_loop3A_1138 = arith.constant 1 : i32
        %parallel_loop3A_1139 = arith.index_cast %parallel_loop3A_1138 : i32 to index
        %parallel_loop3A_1140 = arith.index_cast %parallel_loop3A_1121 : i32 to index
        %parallel_loop3A_1141 = arith.index_cast %parallel_loop3A_1137 : i32 to index
        %parallel_loop3A_1142 = tpu.vector_load %arg6[%parallel_loop3A_1139, %parallel_loop3A_1140, %parallel_loop3A_1141] {strides = array<i32>} : memref<2x128x128xf32, #tpu.memory_space<vmem>>, vector<16xf32>,
        %parallel_loop3A_1143 = arith.constant 1 : i32
        %parallel_loop3A_1144 = arith.index_cast %parallel_loop3A_1143 : i32 to index
        %parallel_loop3A_1145 = arith.index_cast %parallel_loop3A_1121 : i32 to index
        %parallel_loop3A_1146 = arith.constant 16 : index
        %parallel_loop3A_1147 = tpu.vector_load %arg7[%parallel_loop3A_1144, %parallel_loop3A_1145, %parallel_loop3A_1146] {strides = array<i32>} : memref<2x128x64xf32, #tpu.memory_space<vmem>>, vector<16xf32>,
        tpu.vector_store %arg7[%parallel_loop3A_1144, %parallel_loop3A_1145, %parallel_loop3A_1146], %parallel_loop3A_1142 {strides = array<i32>} : memref<2x128x64xf32, #tpu.memory_space<vmem>>, vector<16xf32>,
        %parallel_loop3A_1148 = arith.constant 32 : i32
        %parallel_loop3A_1149 = arith.addi %parallel_loop3A_1123, %parallel_loop3A_1148 : i32
        %parallel_loop3A_1150 = arith.constant 1 : i32
        %parallel_loop3A_1151 = arith.index_cast %parallel_loop3A_1150 : i32 to index
        %parallel_loop3A_1152 = arith.index_cast %parallel_loop3A_1121 : i32 to index
        %parallel_loop3A_1153 = arith.index_cast %parallel_loop3A_1149 : i32 to index
        %parallel_loop3A_1154 = tpu.vector_load %arg6[%parallel_loop3A_1151, %parallel_loop3A_1152, %parallel_loop3A_1153] {strides = array<i32>} : memref<2x128x128xf32, #tpu.memory_space<vmem>>, vector<16xf32>,
        %parallel_loop3A_1155 = arith.constant 1 : i32
        %parallel_loop3A_1156 = arith.index_cast %parallel_loop3A_1155 : i32 to index
        %parallel_loop3A_1157 = arith.index_cast %parallel_loop3A_1121 : i32 to index
        %parallel_loop3A_1158 = arith.constant 32 : index
        %parallel_loop3A_1159 = tpu.vector_load %arg7[%parallel_loop3A_1156, %parallel_loop3A_1157, %parallel_loop3A_1158] {strides = array<i32>} : memref<2x128x64xf32, #tpu.memory_space<vmem>>, vector<16xf32>,
        tpu.vector_store %arg7[%parallel_loop3A_1156, %parallel_loop3A_1157, %parallel_loop3A_1158], %parallel_loop3A_1154 {strides = array<i32>} : memref<2x128x64xf32, #tpu.memory_space<vmem>>, vector<16xf32>,
        %parallel_loop3A_1160 = arith.constant 48 : i32
        %parallel_loop3A_1161 = arith.addi %parallel_loop3A_1123, %parallel_loop3A_1160 : i32
        %parallel_loop3A_1162 = arith.constant 1 : i32
        %parallel_loop3A_1163 = arith.index_cast %parallel_loop3A_1162 : i32 to index
        %parallel_loop3A_1164 = arith.index_cast %parallel_loop3A_1121 : i32 to index
        %parallel_loop3A_1165 = arith.index_cast %parallel_loop3A_1161 : i32 to index
        %parallel_loop3A_1166 = tpu.vector_load %arg6[%parallel_loop3A_1163, %parallel_loop3A_1164, %parallel_loop3A_1165] {strides = array<i32>} : memref<2x128x128xf32, #tpu.memory_space<vmem>>, vector<16xf32>,
        %parallel_loop3A_1167 = arith.constant 1 : i32
        %parallel_loop3A_1168 = arith.index_cast %parallel_loop3A_1167 : i32 to index
        %parallel_loop3A_1169 = arith.index_cast %parallel_loop3A_1121 : i32 to index
        %parallel_loop3A_1170 = arith.constant 48 : index
        %parallel_loop3A_1171 = tpu.vector_load %arg7[%parallel_loop3A_1168, %parallel_loop3A_1169, %parallel_loop3A_1170] {strides = array<i32>} : memref<2x128x64xf32, #tpu.memory_space<vmem>>, vector<16xf32>,
        tpu.vector_store %arg7[%parallel_loop3A_1168, %parallel_loop3A_1169, %parallel_loop3A_1170], %parallel_loop3A_1166 {strides = array<i32>} : memref<2x128x64xf32, #tpu.memory_space<vmem>>, vector<16xf32>,
        %parallel_loop3A_1172 = arith.constant 16 : i32
        %parallel_loop3A_1173 = arith.muli %parallel_loop3A_376, %parallel_loop3A_1172 : i32
        %parallel_loop3A_1174 = arith.constant 14 : i32
        %parallel_loop3A_1175 = arith.addi %parallel_loop3A_1173, %parallel_loop3A_1174 : i32
        %parallel_loop3A_1176 = vector.extract_strided_slice %parallel_loop3A_415 {offsets = [14], sizes = [1], strides = [1]} : vector<16xi32> to vector<1xi32>
        %parallel_loop3A_1177 = vector.extract %parallel_loop3A_1176[0] : i32 from vector<1xi32>
        %parallel_loop3A_1178 = arith.constant 0 : i32
        %parallel_loop3A_1179 = arith.addi %parallel_loop3A_1177, %parallel_loop3A_1178 : i32
        %parallel_loop3A_1180 = arith.constant 1 : i32
        %parallel_loop3A_1181 = arith.index_cast %parallel_loop3A_1180 : i32 to index
        %parallel_loop3A_1182 = arith.index_cast %parallel_loop3A_1175 : i32 to index
        %parallel_loop3A_1183 = arith.index_cast %parallel_loop3A_1179 : i32 to index
        %parallel_loop3A_1184 = tpu.vector_load %arg6[%parallel_loop3A_1181, %parallel_loop3A_1182, %parallel_loop3A_1183] {strides = array<i32>} : memref<2x128x128xf32, #tpu.memory_space<vmem>>, vector<16xf32>,
        %parallel_loop3A_1185 = arith.constant 1 : i32
        %parallel_loop3A_1186 = arith.index_cast %parallel_loop3A_1185 : i32 to index
        %parallel_loop3A_1187 = arith.index_cast %parallel_loop3A_1175 : i32 to index
        %parallel_loop3A_1188 = arith.constant 0 : index
        %parallel_loop3A_1189 = tpu.vector_load %arg7[%parallel_loop3A_1186, %parallel_loop3A_1187, %parallel_loop3A_1188] {strides = array<i32>} : memref<2x128x64xf32, #tpu.memory_space<vmem>>, vector<16xf32>,
        tpu.vector_store %arg7[%parallel_loop3A_1186, %parallel_loop3A_1187, %parallel_loop3A_1188], %parallel_loop3A_1184 {strides = array<i32>} : memref<2x128x64xf32, #tpu.memory_space<vmem>>, vector<16xf32>,
        %parallel_loop3A_1190 = arith.constant 16 : i32
        %parallel_loop3A_1191 = arith.addi %parallel_loop3A_1177, %parallel_loop3A_1190 : i32
        %parallel_loop3A_1192 = arith.constant 1 : i32
        %parallel_loop3A_1193 = arith.index_cast %parallel_loop3A_1192 : i32 to index
        %parallel_loop3A_1194 = arith.index_cast %parallel_loop3A_1175 : i32 to index
        %parallel_loop3A_1195 = arith.index_cast %parallel_loop3A_1191 : i32 to index
        %parallel_loop3A_1196 = tpu.vector_load %arg6[%parallel_loop3A_1193, %parallel_loop3A_1194, %parallel_loop3A_1195] {strides = array<i32>} : memref<2x128x128xf32, #tpu.memory_space<vmem>>, vector<16xf32>,
        %parallel_loop3A_1197 = arith.constant 1 : i32
        %parallel_loop3A_1198 = arith.index_cast %parallel_loop3A_1197 : i32 to index
        %parallel_loop3A_1199 = arith.index_cast %parallel_loop3A_1175 : i32 to index
        %parallel_loop3A_1200 = arith.constant 16 : index
        %parallel_loop3A_1201 = tpu.vector_load %arg7[%parallel_loop3A_1198, %parallel_loop3A_1199, %parallel_loop3A_1200] {strides = array<i32>} : memref<2x128x64xf32, #tpu.memory_space<vmem>>, vector<16xf32>,
        tpu.vector_store %arg7[%parallel_loop3A_1198, %parallel_loop3A_1199, %parallel_loop3A_1200], %parallel_loop3A_1196 {strides = array<i32>} : memref<2x128x64xf32, #tpu.memory_space<vmem>>, vector<16xf32>,
        %parallel_loop3A_1202 = arith.constant 32 : i32
        %parallel_loop3A_1203 = arith.addi %parallel_loop3A_1177, %parallel_loop3A_1202 : i32
        %parallel_loop3A_1204 = arith.constant 1 : i32
        %parallel_loop3A_1205 = arith.index_cast %parallel_loop3A_1204 : i32 to index
        %parallel_loop3A_1206 = arith.index_cast %parallel_loop3A_1175 : i32 to index
        %parallel_loop3A_1207 = arith.index_cast %parallel_loop3A_1203 : i32 to index
        %parallel_loop3A_1208 = tpu.vector_load %arg6[%parallel_loop3A_1205, %parallel_loop3A_1206, %parallel_loop3A_1207] {strides = array<i32>} : memref<2x128x128xf32, #tpu.memory_space<vmem>>, vector<16xf32>,
        %parallel_loop3A_1209 = arith.constant 1 : i32
        %parallel_loop3A_1210 = arith.index_cast %parallel_loop3A_1209 : i32 to index
        %parallel_loop3A_1211 = arith.index_cast %parallel_loop3A_1175 : i32 to index
        %parallel_loop3A_1212 = arith.constant 32 : index
        %parallel_loop3A_1213 = tpu.vector_load %arg7[%parallel_loop3A_1210, %parallel_loop3A_1211, %parallel_loop3A_1212] {strides = array<i32>} : memref<2x128x64xf32, #tpu.memory_space<vmem>>, vector<16xf32>,
        tpu.vector_store %arg7[%parallel_loop3A_1210, %parallel_loop3A_1211, %parallel_loop3A_1212], %parallel_loop3A_1208 {strides = array<i32>} : memref<2x128x64xf32, #tpu.memory_space<vmem>>, vector<16xf32>,
        %parallel_loop3A_1214 = arith.constant 48 : i32
        %parallel_loop3A_1215 = arith.addi %parallel_loop3A_1177, %parallel_loop3A_1214 : i32
        %parallel_loop3A_1216 = arith.constant 1 : i32
        %parallel_loop3A_1217 = arith.index_cast %parallel_loop3A_1216 : i32 to index
        %parallel_loop3A_1218 = arith.index_cast %parallel_loop3A_1175 : i32 to index
        %parallel_loop3A_1219 = arith.index_cast %parallel_loop3A_1215 : i32 to index
        %parallel_loop3A_1220 = tpu.vector_load %arg6[%parallel_loop3A_1217, %parallel_loop3A_1218, %parallel_loop3A_1219] {strides = array<i32>} : memref<2x128x128xf32, #tpu.memory_space<vmem>>, vector<16xf32>,
        %parallel_loop3A_1221 = arith.constant 1 : i32
        %parallel_loop3A_1222 = arith.index_cast %parallel_loop3A_1221 : i32 to index
        %parallel_loop3A_1223 = arith.index_cast %parallel_loop3A_1175 : i32 to index
        %parallel_loop3A_1224 = arith.constant 48 : index
        %parallel_loop3A_1225 = tpu.vector_load %arg7[%parallel_loop3A_1222, %parallel_loop3A_1223, %parallel_loop3A_1224] {strides = array<i32>} : memref<2x128x64xf32, #tpu.memory_space<vmem>>, vector<16xf32>,
        tpu.vector_store %arg7[%parallel_loop3A_1222, %parallel_loop3A_1223, %parallel_loop3A_1224], %parallel_loop3A_1220 {strides = array<i32>} : memref<2x128x64xf32, #tpu.memory_space<vmem>>, vector<16xf32>,
        %parallel_loop3A_1226 = arith.constant 16 : i32
        %parallel_loop3A_1227 = arith.muli %parallel_loop3A_376, %parallel_loop3A_1226 : i32
        %parallel_loop3A_1228 = arith.constant 15 : i32
        %parallel_loop3A_1229 = arith.addi %parallel_loop3A_1227, %parallel_loop3A_1228 : i32
        %parallel_loop3A_1230 = vector.extract_strided_slice %parallel_loop3A_415 {offsets = [15], sizes = [1], strides = [1]} : vector<16xi32> to vector<1xi32>
        %parallel_loop3A_1231 = vector.extract %parallel_loop3A_1230[0] : i32 from vector<1xi32>
        %parallel_loop3A_1232 = arith.constant 0 : i32
        %parallel_loop3A_1233 = arith.addi %parallel_loop3A_1231, %parallel_loop3A_1232 : i32
        %parallel_loop3A_1234 = arith.constant 1 : i32
        %parallel_loop3A_1235 = arith.index_cast %parallel_loop3A_1234 : i32 to index
        %parallel_loop3A_1236 = arith.index_cast %parallel_loop3A_1229 : i32 to index
        %parallel_loop3A_1237 = arith.index_cast %parallel_loop3A_1233 : i32 to index
        %parallel_loop3A_1238 = tpu.vector_load %arg6[%parallel_loop3A_1235, %parallel_loop3A_1236, %parallel_loop3A_1237] {strides = array<i32>} : memref<2x128x128xf32, #tpu.memory_space<vmem>>, vector<16xf32>,
        %parallel_loop3A_1239 = arith.constant 1 : i32
        %parallel_loop3A_1240 = arith.index_cast %parallel_loop3A_1239 : i32 to index
        %parallel_loop3A_1241 = arith.index_cast %parallel_loop3A_1229 : i32 to index
        %parallel_loop3A_1242 = arith.constant 0 : index
        %parallel_loop3A_1243 = tpu.vector_load %arg7[%parallel_loop3A_1240, %parallel_loop3A_1241, %parallel_loop3A_1242] {strides = array<i32>} : memref<2x128x64xf32, #tpu.memory_space<vmem>>, vector<16xf32>,
        tpu.vector_store %arg7[%parallel_loop3A_1240, %parallel_loop3A_1241, %parallel_loop3A_1242], %parallel_loop3A_1238 {strides = array<i32>} : memref<2x128x64xf32, #tpu.memory_space<vmem>>, vector<16xf32>,
        %parallel_loop3A_1244 = arith.constant 16 : i32
        %parallel_loop3A_1245 = arith.addi %parallel_loop3A_1231, %parallel_loop3A_1244 : i32
        %parallel_loop3A_1246 = arith.constant 1 : i32
        %parallel_loop3A_1247 = arith.index_cast %parallel_loop3A_1246 : i32 to index
        %parallel_loop3A_1248 = arith.index_cast %parallel_loop3A_1229 : i32 to index
        %parallel_loop3A_1249 = arith.index_cast %parallel_loop3A_1245 : i32 to index
        %parallel_loop3A_1250 = tpu.vector_load %arg6[%parallel_loop3A_1247, %parallel_loop3A_1248, %parallel_loop3A_1249] {strides = array<i32>} : memref<2x128x128xf32, #tpu.memory_space<vmem>>, vector<16xf32>,
        %parallel_loop3A_1251 = arith.constant 1 : i32
        %parallel_loop3A_1252 = arith.index_cast %parallel_loop3A_1251 : i32 to index
        %parallel_loop3A_1253 = arith.index_cast %parallel_loop3A_1229 : i32 to index
        %parallel_loop3A_1254 = arith.constant 16 : index
        %parallel_loop3A_1255 = tpu.vector_load %arg7[%parallel_loop3A_1252, %parallel_loop3A_1253, %parallel_loop3A_1254] {strides = array<i32>} : memref<2x128x64xf32, #tpu.memory_space<vmem>>, vector<16xf32>,
        tpu.vector_store %arg7[%parallel_loop3A_1252, %parallel_loop3A_1253, %parallel_loop3A_1254], %parallel_loop3A_1250 {strides = array<i32>} : memref<2x128x64xf32, #tpu.memory_space<vmem>>, vector<16xf32>,
        %parallel_loop3A_1256 = arith.constant 32 : i32
        %parallel_loop3A_1257 = arith.addi %parallel_loop3A_1231, %parallel_loop3A_1256 : i32
        %parallel_loop3A_1258 = arith.constant 1 : i32
        %parallel_loop3A_1259 = arith.index_cast %parallel_loop3A_1258 : i32 to index
        %parallel_loop3A_1260 = arith.index_cast %parallel_loop3A_1229 : i32 to index
        %parallel_loop3A_1261 = arith.index_cast %parallel_loop3A_1257 : i32 to index
        %parallel_loop3A_1262 = tpu.vector_load %arg6[%parallel_loop3A_1259, %parallel_loop3A_1260, %parallel_loop3A_1261] {strides = array<i32>} : memref<2x128x128xf32, #tpu.memory_space<vmem>>, vector<16xf32>,
        %parallel_loop3A_1263 = arith.constant 1 : i32
        %parallel_loop3A_1264 = arith.index_cast %parallel_loop3A_1263 : i32 to index
        %parallel_loop3A_1265 = arith.index_cast %parallel_loop3A_1229 : i32 to index
        %parallel_loop3A_1266 = arith.constant 32 : index
        %parallel_loop3A_1267 = tpu.vector_load %arg7[%parallel_loop3A_1264, %parallel_loop3A_1265, %parallel_loop3A_1266] {strides = array<i32>} : memref<2x128x64xf32, #tpu.memory_space<vmem>>, vector<16xf32>,
        tpu.vector_store %arg7[%parallel_loop3A_1264, %parallel_loop3A_1265, %parallel_loop3A_1266], %parallel_loop3A_1262 {strides = array<i32>} : memref<2x128x64xf32, #tpu.memory_space<vmem>>, vector<16xf32>,
        %parallel_loop3A_1268 = arith.constant 48 : i32
        %parallel_loop3A_1269 = arith.addi %parallel_loop3A_1231, %parallel_loop3A_1268 : i32
        %parallel_loop3A_1270 = arith.constant 1 : i32
        %parallel_loop3A_1271 = arith.index_cast %parallel_loop3A_1270 : i32 to index
        %parallel_loop3A_1272 = arith.index_cast %parallel_loop3A_1229 : i32 to index
        %parallel_loop3A_1273 = arith.index_cast %parallel_loop3A_1269 : i32 to index
        %parallel_loop3A_1274 = tpu.vector_load %arg6[%parallel_loop3A_1271, %parallel_loop3A_1272, %parallel_loop3A_1273] {strides = array<i32>} : memref<2x128x128xf32, #tpu.memory_space<vmem>>, vector<16xf32>,
        %parallel_loop3A_1275 = arith.constant 1 : i32
        %parallel_loop3A_1276 = arith.index_cast %parallel_loop3A_1275 : i32 to index
        %parallel_loop3A_1277 = arith.index_cast %parallel_loop3A_1229 : i32 to index
        %parallel_loop3A_1278 = arith.constant 48 : index
        %parallel_loop3A_1279 = tpu.vector_load %arg7[%parallel_loop3A_1276, %parallel_loop3A_1277, %parallel_loop3A_1278] {strides = array<i32>} : memref<2x128x64xf32, #tpu.memory_space<vmem>>, vector<16xf32>,
        tpu.vector_store %arg7[%parallel_loop3A_1276, %parallel_loop3A_1277, %parallel_loop3A_1278], %parallel_loop3A_1274 {strides = array<i32>} : memref<2x128x64xf32, #tpu.memory_space<vmem>>, vector<16xf32>,
      } {sc.loop_unroll_factor = 2 : i64, sc.parallel_access}
      %mul3A_308 = arith.constant 200 : i32
      %mul3A_309 = arith.muli %add3A, %mul3A_308 : i32
      %add3A_310 = arith.addi %mul3A_309, %add3A_279 : i32
      %jit3A_311 = arith.constant 32 : i32
      %div3A_312 = arith.divsi %add3A_310, %jit3A_311 : i32
      %sign3A_313 = arith.constant 0 : i32
      %sign3A_314 = arith.cmpi sgt, %add3A_310, %sign3A_313 : i32
      %sign3A_315 = arith.extui %sign3A_314 : i1 to i32
      %sign3A_316 = arith.constant 0 : i32
      %sign3A_317 = arith.cmpi slt, %add3A_310, %sign3A_316 : i32
      %sign3A_318 = arith.extui %sign3A_317 : i1 to i32
      %sign3A_319 = arith.subi %sign3A_315, %sign3A_318 : i32
      %sign3A_320 = arith.constant 0 : i32
      %sign3A_321 = arith.cmpi sgt, %jit3A_311, %sign3A_320 : i32
      %sign3A_322 = arith.extui %sign3A_321 : i1 to i32
      %sign3A_323 = arith.constant 0 : i32
      %sign3A_324 = arith.cmpi slt, %jit3A_311, %sign3A_323 : i32
      %sign3A_325 = arith.extui %sign3A_324 : i1 to i32
      %sign3A_326 = arith.subi %sign3A_322, %sign3A_325 : i32
      %ne3A_327 = arith.cmpi ne, %sign3A_319, %sign3A_326 : i32
      %rem3A_328 = arith.remsi %add3A_310, %jit3A_311 : i32
      %ne3A_329 = arith.constant 0 : i32
      %ne3A_330 = arith.cmpi ne, %rem3A_328, %ne3A_329 : i32
      %and3A_331 = arith.andi %ne3A_327, %ne3A_330 : i1
      %sub3A_332 = arith.constant 1 : i32
      %sub3A_333 = arith.subi %div3A_312, %sub3A_332 : i32
      %select_n3A_334 = arith.select %and3A_331, %sub3A_333, %div3A_312 : i32
      %jit3A_335 = arith.constant 32 : i32
      %eq3A_336 = arith.constant 0 : i32
      %eq3A_337 = arith.cmpi eq, %jit3A_335, %eq3A_336 : i32
      %jit3A_338 = arith.constant 1 : i32
      %select_n3A_339 = arith.select %eq3A_337, %jit3A_338, %jit3A_335 : i32
      %rem3A_340 = arith.remsi %add3A_310, %select_n3A_339 : i32
      %ne3A_341 = arith.constant 0 : i32
      %ne3A_342 = arith.cmpi ne, %rem3A_340, %ne3A_341 : i32
      %lt3A_343 = arith.constant 0 : i32
      %lt3A_344 = arith.cmpi slt, %rem3A_340, %lt3A_343 : i32
      %lt3A_345 = arith.constant 0 : i32
      %lt3A_346 = arith.cmpi slt, %select_n3A_339, %lt3A_345 : i32
      %ne3A_347 = arith.xori %lt3A_344, %lt3A_346 : i1
      %and3A_348 = arith.andi %ne3A_347, %ne3A_342 : i1
      %add3A_349 = arith.addi %rem3A_340, %select_n3A_339 : i32
      %select_n3A_350 = arith.select %and3A_348, %add3A_349, %rem3A_340 : i32
      %mul3A_351 = arith.constant 128 : i32
      %mul3A_352 = arith.muli %select_n3A_350, %mul3A_351 : i32
      %dma_start3A_353 = arith.constant 1 : i32
      %dma_start3A_354 = arith.constant 0 : i32
      %dma_start3A_355 = arith.constant 0 : i32
      %dma_start3A_356 = tpu.memref_slice %arg7[%dma_start3A_353, %dma_start3A_354, %dma_start3A_355] : memref<2x128x64xf32, #tpu.memory_space<vmem>> -> memref<1x128x64xf32, #tpu.memory_space<vmem>>
      %dma_start3A_357 = tpu.memref_squeeze %dma_start3A_356 : memref<1x128x64xf32, #tpu.memory_space<vmem>> -> memref<128x64xf32, #tpu.memory_space<vmem>>
      %dma_start3A_358 = arith.constant 0 : i32
      %dma_start3A_359 = tpu.memref_slice %arg4[%select_n3A_334, %mul3A_352, %dma_start3A_358] : memref<200x4096x64xf32, #tpu.memory_space<hbm>> -> memref<1x128x64xf32, #tpu.memory_space<hbm>>
      %dma_start3A_360 = tpu.memref_squeeze %dma_start3A_359 : memref<1x128x64xf32, #tpu.memory_space<hbm>> -> memref<128x64xf32, #tpu.memory_space<hbm>>
      %dma_start3A_361 = arith.constant 0 : i32
      %dma_start3A_362 = tpu.memref_slice %arg4[%select_n3A_334, %mul3A_352, %dma_start3A_361] : memref<200x4096x64xf32, #tpu.memory_space<hbm>> -> memref<1x128x64xf32, #tpu.memory_space<hbm>>
      %dma_start3A_363 = tpu.memref_squeeze %dma_start3A_362 : memref<1x128x64xf32, #tpu.memory_space<hbm>> -> memref<128x64xf32, #tpu.memory_space<hbm>>
      %dma_start3A_364 = arith.constant 0 : i32
      %dma_start3A_365 = arith.constant 0 : i32
      %dma_start3A_366 = tpu.memref_slice %arg7[%dma_start3A_353, %dma_start3A_364, %dma_start3A_365] : memref<2x128x64xf32, #tpu.memory_space<vmem>> -> memref<1x128x64xf32, #tpu.memory_space<vmem>>
      %dma_start3A_367 = tpu.memref_squeeze %dma_start3A_366 : memref<1x128x64xf32, #tpu.memory_space<vmem>> -> memref<128x64xf32, #tpu.memory_space<vmem>>
      tpu.enqueue_dma source(%dma_start3A_367 : memref<128x64xf32, #tpu.memory_space<vmem>>) target(%dma_start3A_363 : memref<128x64xf32, #tpu.memory_space<hbm>>) target_semaphore(%arg13 : memref<!tpu.dma_semaphore, #tpu.memory_space<semaphore_mem>>)
      %add3A_368 = arith.constant 2 : i32
      %add3A_369 = arith.addi %add3A_279, %add3A_368 : i32
      %lt3A_370 = arith.constant 200 : i32
      %lt3A_371 = arith.cmpi slt, %add3A_369, %lt3A_370 : i32
      %convert_element_type3A_372 = arith.extui %lt3A_371 : i1 to i32
      %cond3A_373 = arith.constant 0 : i32
      %cond3A_374 = arith.cmpi ne, %convert_element_type3A_372, %cond3A_373 : i32
      scf.if %cond3A_374 {
        %add3A_376 = arith.constant 2 : i32
        %add3A_377 = arith.addi %add3A_279, %add3A_376 : i32
        %mul3A_378 = arith.constant 200 : i32
        %mul3A_379 = arith.muli %add3A, %mul3A_378 : i32
        %add3A_380 = arith.addi %mul3A_379, %add3A_377 : i32
        %jit3A_381 = arith.constant 32 : i32
        %div3A_382 = arith.divsi %add3A_380, %jit3A_381 : i32
        %sign3A_383 = arith.constant 0 : i32
        %sign3A_384 = arith.cmpi sgt, %add3A_380, %sign3A_383 : i32
        %sign3A_385 = arith.extui %sign3A_384 : i1 to i32
        %sign3A_386 = arith.constant 0 : i32
        %sign3A_387 = arith.cmpi slt, %add3A_380, %sign3A_386 : i32
        %sign3A_388 = arith.extui %sign3A_387 : i1 to i32
        %sign3A_389 = arith.subi %sign3A_385, %sign3A_388 : i32
        %sign3A_390 = arith.constant 0 : i32
        %sign3A_391 = arith.cmpi sgt, %jit3A_381, %sign3A_390 : i32
        %sign3A_392 = arith.extui %sign3A_391 : i1 to i32
        %sign3A_393 = arith.constant 0 : i32
        %sign3A_394 = arith.cmpi slt, %jit3A_381, %sign3A_393 : i32
        %sign3A_395 = arith.extui %sign3A_394 : i1 to i32
        %sign3A_396 = arith.subi %sign3A_392, %sign3A_395 : i32
        %ne3A_397 = arith.cmpi ne, %sign3A_389, %sign3A_396 : i32
        %rem3A_398 = arith.remsi %add3A_380, %jit3A_381 : i32
        %ne3A_399 = arith.constant 0 : i32
        %ne3A_400 = arith.cmpi ne, %rem3A_398, %ne3A_399 : i32
        %and3A_401 = arith.andi %ne3A_397, %ne3A_400 : i1
        %sub3A_402 = arith.constant 1 : i32
        %sub3A_403 = arith.subi %div3A_382, %sub3A_402 : i32
        %select_n3A_404 = arith.select %and3A_401, %sub3A_403, %div3A_382 : i32
        %jit3A_405 = arith.constant 32 : i32
        %eq3A_406 = arith.constant 0 : i32
        %eq3A_407 = arith.cmpi eq, %jit3A_405, %eq3A_406 : i32
        %jit3A_408 = arith.constant 1 : i32
        %select_n3A_409 = arith.select %eq3A_407, %jit3A_408, %jit3A_405 : i32
        %rem3A_410 = arith.remsi %add3A_380, %select_n3A_409 : i32
        %ne3A_411 = arith.constant 0 : i32
        %ne3A_412 = arith.cmpi ne, %rem3A_410, %ne3A_411 : i32
        %lt3A_413 = arith.constant 0 : i32
        %lt3A_414 = arith.cmpi slt, %rem3A_410, %lt3A_413 : i32
        %lt3A_415 = arith.constant 0 : i32
        %lt3A_416 = arith.cmpi slt, %select_n3A_409, %lt3A_415 : i32
        %ne3A_417 = arith.xori %lt3A_414, %lt3A_416 : i1
        %and3A_418 = arith.andi %ne3A_417, %ne3A_412 : i1
        %add3A_419 = arith.addi %rem3A_410, %select_n3A_409 : i32
        %select_n3A_420 = arith.select %and3A_418, %add3A_419, %rem3A_410 : i32
        %mul3A_421 = arith.constant 128 : i32
        %mul3A_422 = arith.muli %select_n3A_420, %mul3A_421 : i32
        %add3A_423 = arith.constant 0 : i32
        %add3A_424 = arith.addi %mul3A_422, %add3A_423 : i32
        %dma_start3A_425 = arith.constant 1 : i32
        %dma_start3A_426 = arith.constant 0 : i32
        %dma_start3A_427 = arith.constant 0 : i32
        %dma_start3A_428 = tpu.memref_slice %arg5[%dma_start3A_425, %dma_start3A_426, %dma_start3A_427] : memref<2x1x128xi32, #tpu.memory_space<vmem>> -> memref<1x1x128xi32, #tpu.memory_space<vmem>>
        %dma_start3A_429 = tpu.memref_squeeze %dma_start3A_428 : memref<1x1x128xi32, #tpu.memory_space<vmem>> -> memref<128xi32, #tpu.memory_space<vmem>>
        %dma_start3A_430 = tpu.memref_slice %arg3[%select_n3A_404, %add3A_424] : memref<200x4096xi32, #tpu.memory_space<hbm>> -> memref<1x128xi32, #tpu.memory_space<hbm>>
        %dma_start3A_431 = tpu.memref_squeeze %dma_start3A_430 : memref<1x128xi32, #tpu.memory_space<hbm>> -> memref<128xi32, #tpu.memory_space<hbm>>
        %dma_start3A_432 = arith.constant 0 : i32
        %dma_start3A_433 = tpu.memref_slice %arg5[%dma_start3A_425, %dma_start3A_426, %dma_start3A_432] : memref<2x1x128xi32, #tpu.memory_space<vmem>> -> memref<1x1x128xi32, #tpu.memory_space<vmem>>
        %dma_start3A_434 = tpu.memref_squeeze %dma_start3A_433 : memref<1x1x128xi32, #tpu.memory_space<vmem>> -> memref<128xi32, #tpu.memory_space<vmem>>
        %dma_start3A_435 = tpu.memref_slice %arg3[%select_n3A_404, %add3A_424] : memref<200x4096xi32, #tpu.memory_space<hbm>> -> memref<1x128xi32, #tpu.memory_space<hbm>>
        %dma_start3A_436 = tpu.memref_squeeze %dma_start3A_435 : memref<1x128xi32, #tpu.memory_space<hbm>> -> memref<128xi32, #tpu.memory_space<hbm>>
        tpu.enqueue_dma source(%dma_start3A_436 : memref<128xi32, #tpu.memory_space<hbm>>) target(%dma_start3A_434 : memref<128xi32, #tpu.memory_space<vmem>>) target_semaphore(%arg9 : memref<!tpu.dma_semaphore, #tpu.memory_space<semaphore_mem>>)
      } else {
      }
      %scan3A_375 = arith.constant 0 : i32
      scf.yield %scan3A_375 : i32
    }
    %scan3A_142 = arith.constant 100 : i32
    %dma_wait3A_143 = arith.constant 0 : i32
    %dma_wait3A_144 = arith.constant 0 : i32
    %dma_wait3A_145 = arith.constant 0 : i32
    %dma_wait3A_146 = arith.constant 0 : i32
    %dma_wait3A_147 = tpu.memref_slice %arg7[%dma_wait3A_143, %dma_wait3A_145, %dma_wait3A_146] : memref<2x128x64xf32, #tpu.memory_space<vmem>> -> memref<1x128x64xf32, #tpu.memory_space<vmem>>
    %dma_wait3A_148 = tpu.memref_squeeze %dma_wait3A_147 : memref<1x128x64xf32, #tpu.memory_space<vmem>> -> memref<128x64xf32, #tpu.memory_space<vmem>>
    %dma_wait3A_149 = arith.constant 0 : i32
    %dma_wait3A_150 = arith.constant 0 : i32
    %dma_wait3A_151 = tpu.memref_slice %arg4[%dma_wait3A_144, %dma_wait3A_149, %dma_wait3A_150] : memref<200x4096x64xf32, #tpu.memory_space<hbm>> -> memref<1x128x64xf32, #tpu.memory_space<hbm>>
    %dma_wait3A_152 = tpu.memref_squeeze %dma_wait3A_151 : memref<1x128x64xf32, #tpu.memory_space<hbm>> -> memref<128x64xf32, #tpu.memory_space<hbm>>
    %dma_wait3A_153 = arith.constant 0 : i32
    %dma_wait3A_154 = arith.constant 0 : i32
    %dma_wait3A_155 = tpu.memref_slice %arg4[%dma_wait3A_144, %dma_wait3A_153, %dma_wait3A_154] : memref<200x4096x64xf32, #tpu.memory_space<hbm>> -> memref<1x128x64xf32, #tpu.memory_space<hbm>>
    %dma_wait3A_156 = tpu.memref_squeeze %dma_wait3A_155 : memref<1x128x64xf32, #tpu.memory_space<hbm>> -> memref<128x64xf32, #tpu.memory_space<hbm>>
    %dma_wait3A_157 = arith.constant 0 : i32
    %dma_wait3A_158 = arith.constant 0 : i32
    %dma_wait3A_159 = tpu.memref_slice %arg7[%dma_wait3A_143, %dma_wait3A_157, %dma_wait3A_158] : memref<2x128x64xf32, #tpu.memory_space<vmem>> -> memref<1x128x64xf32, #tpu.memory_space<vmem>>
    %dma_wait3A_160 = tpu.memref_squeeze %dma_wait3A_159 : memref<1x128x64xf32, #tpu.memory_space<vmem>> -> memref<128x64xf32, #tpu.memory_space<vmem>>
    tpu.wait_dma2 semaphore(%arg12 : memref<!tpu.dma_semaphore, #tpu.memory_space<semaphore_mem>>) src(%dma_wait3A_160 : memref<128x64xf32, #tpu.memory_space<vmem>>) dst(%dma_wait3A_156 : memref<128x64xf32, #tpu.memory_space<hbm>>)
    %dma_wait3A_161 = arith.constant 1 : i32
    %dma_wait3A_162 = arith.constant 0 : i32
    %dma_wait3A_163 = arith.constant 0 : i32
    %dma_wait3A_164 = arith.constant 0 : i32
    %dma_wait3A_165 = tpu.memref_slice %arg7[%dma_wait3A_161, %dma_wait3A_163, %dma_wait3A_164] : memref<2x128x64xf32, #tpu.memory_space<vmem>> -> memref<1x128x64xf32, #tpu.memory_space<vmem>>
    %dma_wait3A_166 = tpu.memref_squeeze %dma_wait3A_165 : memref<1x128x64xf32, #tpu.memory_space<vmem>> -> memref<128x64xf32, #tpu.memory_space<vmem>>
    %dma_wait3A_167 = arith.constant 0 : i32
    %dma_wait3A_168 = arith.constant 0 : i32
    %dma_wait3A_169 = tpu.memref_slice %arg4[%dma_wait3A_162, %dma_wait3A_167, %dma_wait3A_168] : memref<200x4096x64xf32, #tpu.memory_space<hbm>> -> memref<1x128x64xf32, #tpu.memory_space<hbm>>
    %dma_wait3A_170 = tpu.memref_squeeze %dma_wait3A_169 : memref<1x128x64xf32, #tpu.memory_space<hbm>> -> memref<128x64xf32, #tpu.memory_space<hbm>>
    %dma_wait3A_171 = arith.constant 0 : i32
    %dma_wait3A_172 = arith.constant 0 : i32
    %dma_wait3A_173 = tpu.memref_slice %arg4[%dma_wait3A_162, %dma_wait3A_171, %dma_wait3A_172] : memref<200x4096x64xf32, #tpu.memory_space<hbm>> -> memref<1x128x64xf32, #tpu.memory_space<hbm>>
    %dma_wait3A_174 = tpu.memref_squeeze %dma_wait3A_173 : memref<1x128x64xf32, #tpu.memory_space<hbm>> -> memref<128x64xf32, #tpu.memory_space<hbm>>
    %dma_wait3A_175 = arith.constant 0 : i32
    %dma_wait3A_176 = arith.constant 0 : i32
    %dma_wait3A_177 = tpu.memref_slice %arg7[%dma_wait3A_161, %dma_wait3A_175, %dma_wait3A_176] : memref<2x128x64xf32, #tpu.memory_space<vmem>> -> memref<1x128x64xf32, #tpu.memory_space<vmem>>
    %dma_wait3A_178 = tpu.memref_squeeze %dma_wait3A_177 : memref<1x128x64xf32, #tpu.memory_space<vmem>> -> memref<128x64xf32, #tpu.memory_space<vmem>>
    tpu.wait_dma2 semaphore(%arg13 : memref<!tpu.dma_semaphore, #tpu.memory_space<semaphore_mem>>) src(%dma_wait3A_178 : memref<128x64xf32, #tpu.memory_space<vmem>>) dst(%dma_wait3A_174 : memref<128x64xf32, #tpu.memory_space<hbm>>)
    return
  }
}

</mosaic_0001>

<sc_bundles>
// kernel: _embed.3.cloned.1.call-start
scs
__scs_entry_jumppad:
0x0: {  	(pc) =	sbr.rel $0x88, $3  }
0x1: {  	(tag) =	ssettag $0x0;
	lr =	simm.s32 $0x1  }
0x2: {  	[smem:$0x3F9F] =	sst lr;
	_ =	strace $0xD0000000  }
0x3: {  	_ = 	snop  }
0x4: {  	_ = 	snop  }
0x5: {  	_ = 	snop  }
0x6: {  	_ = 	snop  }
0x7: {  	_ = 	snop  }
__scs_overlays_trampoline_lowered:
0x8: {  	[smem:$0x3FAE] =	sst s0  }
0x9: {  	[smem:$0x3FAF] =	sst s1  }
0xa: {  	[smem:$0x3FB0] =	sst s2  }
0xb: {  	[smem:$0x3FB1] =	sst s3  }
0xc: {  	[smem:$0x3FB2] =	sst s4  }
0xd: {  	[smem:$0x3FB3] =	sst s5  }
0xe: {  	[smem:$0x3FB4] =	sst s6  }
0xf: {  	[smem:$0x3FB5] =	sst s7  }
0x10: {  	[smem:$0x3FB6] =	sst s8  }
0x11: {  	[smem:$0x3FB7] =	sst s9;
	s0 =	simm.s32 @!p0 $0x0  }
0x12: {  	s1 =	sld [smem:$0x3F9D];
	s0 =	simm.s32 @p0 $0x1  }
0x13: {  	[smem:$0x3FB8] =	sst s0;
	s0 =	simm.s32 @!p1 $0x0  }
0x14: {  	s2 =	sld [smem:$0x3F9C];
	s0 =	simm.s32 @p1 $0x1  }
0x15: {  	[smem:$0x3FB9] =	sst s0;
	s0 =	simm.s32 @!p2 $0x0  }
0x16: {  	s3 =	sld [smem:$0x3FDB];
	s0 =	simm.s32 @p2 $0x1  }
0x17: {  	s4 =	simm.s32 $0x1BF5;
	[smem:$0x3FBB] =	sst s0  }
0x18: {  	s0 =	sld [smem:$0x3F9E];
	_ =	swait.ge [sflag:s4], $0x0  }
0x19: {  	s7 =	sld [smem:$0x3F9F]  }
0x1a: {  	s8 =	sadd.s32 $0xFFFFE003, lr  }
0x1b: {  	s9 =	sadd.s32 $0xFFFFFEF7, lr;
	s5 =	simm.s32 $0xFFFFFFFF;
	p2 =	slt.u32 s8, $0xFFFFF086  }
0x1c: {  	p1 =	slt.u32 s9, $0xF7A;
	s5 =	simm.s32 @!p2 $0x0  }
0x1d: {  	s5 =	simm.s32 @p1 $0x1;
	p0 =	seq.s32 s7, s2  }
0x1e: {  	s7 =	smul.u32 @!p0 $0xF7A, s2;
	p2 =	seq.s32 @!p0 s5, $0x0  }
0x1f: {  	s9 =	smul.u32 $0xF7A, s1;
	s8 =	simm.s32 @!p0 $0x1BF5;
	p2 =	por !p2, p0  }
0x20: {  	[sflag:s8] =	ssyncset.s32 @!p0 $0xFFFFF086;
	s6 =	sadd.s32 @!p0 s3, s7;
	s7 =	simm.s32 @!p0 $0x108  }
0x21: {  	s3 =	sadd.s32 s3, s9;
	s6 =	sadd.s32 @!p0 $0x88, s6;
	s7 =	simm.s32 @p2 $0x1082  }
0x22: {  	[simem:s7], [sflag:s8] =	dma.local @!p0 [hbm:s6], $0xF7A  }
0x23: {  	s9 =	sor.u32 $0xD0000000, s2;
	s6 =	simm.s32 $0x108;
	_ =	swait.ge @!p0 [sflag:s8], $0x0  }
0x24: {  	s3 =	sadd.s32 $0x88, s3;
	s6 =	simm.s32 @!p1 $0x1082;
	[sflag:s4] =	ssyncset.s32 $0xFFFFF086  }
0x25: {  	[simem:s6], [sflag:s4] =	dma.local [hbm:s3], $0xF7A  }
0x26: {  	[smem:$0x3F9F] =	sst s1;
	(tag) =	ssettag s2;
	_ =	strace s9  }
0x27: {  	s1 =	sld [smem:$0x3FAF]  }
0x28: {  	s2 =	sld [smem:$0x3FB0]  }
0x29: {  	s4 =	sld [smem:$0x3FB2]  }
0x2a: {  	p0 =	seq.s32 s5, $0x0;
	s5 =	sld [smem:$0x3FB3]  }
0x2b: {  	s6 =	sld [smem:$0x3FB4]  }
0x2c: {  	s7 =	sld [smem:$0x3FB5]  }
0x2d: {  	s3 =	simm.s32 $0x108;
	s8 =	sld [smem:$0x3FB6]  }
0x2e: {  	s3 =	simm.s32 @!p0 $0x1082;
	s9 =	sld [smem:$0x3FB7]  }
0x2f: {  	lr =	sadd.s32 s0, s3;
	s0 =	sld [smem:$0x3FAE]  }
0x30: {  	s3 =	sld [smem:$0x3FB1]  }
0x31: {  	[smem:$0x3FBA] =	sst s10  }
0x32: {  	s10 =	sld [smem:$0x3FB8];
	_ =	sdelay $0x3  }
0x33: {  	p0 =	seq.s32 s10, $0x1;
	s10 =	sld [smem:$0x3FBA];
	_ =	sdelay $0x3  }
0x34: {  	[smem:$0x3FBA] =	sst s10  }
0x35: {  	s10 =	sld [smem:$0x3FB9];
	_ =	sdelay $0x3  }
0x36: {  	p1 =	seq.s32 s10, $0x1;
	s10 =	sld [smem:$0x3FBA];
	_ =	sdelay $0x3  }
0x37: {  	[smem:$0x3FBA] =	sst s10  }
0x38: {  	s10 =	sld [smem:$0x3FBB]  }
0x39: {  	_ = 	snop;
	(pc) =	sbr.ind lr, $3  }
0x3a: {  	_ = 	snop  }
0x3b: {  	_ = 	snop  }
0x3c: {  	p2 =	seq.s32 s10, $0x1;
	s10 =	sld [smem:$0x3FBA]  }
0x3d: {  	_ =	shalt  }
0x3e: {  	_ =	shalt  }
0x3f: {  	_ =	shalt  }
0x40: {  	_ =	shalt  }
0x41: {  	_ =	shalt  }
0x42: {  	_ =	shalt  }
0x43: {  	_ =	shalt  }
0x44: {  	_ =	shalt  }
0x45: {  	_ =	shalt  }
0x46: {  	_ =	shalt  }
0x47: {  	_ =	shalt  }
0x48: {  	_ =	shalt  }
0x49: {  	_ =	shalt  }
0x4a: {  	_ =	shalt  }
0x4b: {  	_ =	shalt  }
0x4c: {  	_ =	shalt  }
0x4d: {  	_ =	shalt  }
0x4e: {  	_ =	shalt  }
0x4f: {  	_ =	shalt  }
0x50: {  	_ =	shalt  }
0x51: {  	_ =	shalt  }
0x52: {  	_ =	shalt  }
0x53: {  	_ =	shalt  }
0x54: {  	_ =	shalt  }
0x55: {  	_ =	shalt  }
0x56: {  	_ =	shalt  }
0x57: {  	_ =	shalt  }
0x58: {  	_ =	shalt  }
0x59: {  	_ =	shalt  }
0x5a: {  	_ =	shalt  }
0x5b: {  	_ =	shalt  }
0x5c: {  	_ =	shalt  }
0x5d: {  	_ =	shalt  }
0x5e: {  	_ =	shalt  }
0x5f: {  	_ =	shalt  }
0x60: {  	_ =	shalt  }
0x61: {  	_ =	shalt  }
0x62: {  	_ =	shalt  }
0x63: {  	_ =	shalt  }
0x64: {  	_ =	shalt  }
0x65: {  	_ =	shalt  }
0x66: {  	_ =	shalt  }
0x67: {  	_ =	shalt  }
0x68: {  	_ =	shalt  }
0x69: {  	_ =	shalt  }
0x6a: {  	_ =	shalt  }
0x6b: {  	_ =	shalt  }
0x6c: {  	_ =	shalt  }
0x6d: {  	_ =	shalt  }
0x6e: {  	_ =	shalt  }
0x6f: {  	_ =	shalt  }
0x70: {  	_ =	shalt  }
0x71: {  	_ =	shalt  }
0x72: {  	_ =	shalt  }
0x73: {  	_ =	shalt  }
0x74: {  	_ =	shalt  }
0x75: {  	_ =	shalt  }
0x76: {  	_ =	shalt  }
0x77: {  	_ =	shalt  }
0x78: {  	_ =	shalt  }
0x79: {  	_ =	shalt  }
0x7a: {  	_ =	shalt  }
0x7b: {  	_ =	shalt  }
0x7c: {  	_ =	shalt  }
0x7d: {  	_ =	shalt  }
0x7e: {  	_ =	shalt  }
0x7f: {  	_ =	shalt  }
0x80: {  	_ =	shalt  }
0x81: {  	_ =	shalt  }
0x82: {  	_ =	shalt  }
0x83: {  	_ =	shalt  }
0x84: {  	_ =	shalt  }
0x85: {  	_ =	shalt  }
0x86: {  	_ =	shalt  }
0x87: {  	_ =	shalt  }
.Lfunc_end0:
.L_simem_size_0:
called_computation.1_lowered:
.L_overlay_start_0:
0x88: {  	s2 =	sld [smem:$0x3FD9]  }
0x89: {  	s3 =	sld [smem:$0x3FFE];
	_ =	sdelay $0x1  }
0x8a: {  	s1 =	srdreg.scid  }
0x8b: {  	s0 =	sand.u32 $0x1, s1  }
0x8c: {  	s17 =	sshll.u32 s0, $0xA;
	s2 =	sadd.s32 s3, s2  }
0x8d: {  	s2 =	sadd.s32 s2, s17  }
0x8e: {  	[smem:$0x3FC6] =	sst s2  }
0x8f: {  	_ = 	snop  }
0x90: {  	s2 =	sld [smem:$0x3FC9];
	(tm) =	ssettm $0x1  }
0x91: {  	s18 =	sld [smem:$0x3FFB];
	_ =	sdelay $0x3  }
0x92: {  	_ =	strace s18  }
0x93: {  	s3 =	sld [smem:$0x3FFC];
	_ =	sdelay $0x3  }
0x94: {  	_ =	strace s3  }
0x95: {  	s3 =	sld [smem:$0x3FFD];
	_ =	sdelay $0x3  }
0x96: {  	_ =	strace s3  }
0x97: {  	_ =	strace $0x8FFFFFFF  }
0x98: {  	s19 =	sld [smem:$0x3FDB];
	_ =	sdelay $0x1  }
0x99: {  	s4 =	simm.s32 $_scs_section_size  }
0x9a: {  	s5 =	simm.s32 $_size__tile_overlayer_lowered;
	s6 =	simm.s32 $_tile_overlayer_lowered  }
0x9b: {  	s22 =	simm.s32 $0x1BFF;
	s21 =	sshll.u32 s6, $0x1;
	s3 =	sadd.s32 s4, s19  }
0x9c: {  	s7 =	simm.s32 $0x0;
	s20 =	sshll.u32 s5, $0x1;
	s5 =	sadd.s32 s21, s3  }
0x9d: {  	[timem:s7], [sflag:s22] =	dma.local [hbm:s5], s20  }
0x9e: {  	_ =	swait.ge [sflag:s22], s20  }
0x9f: {  	s4 =	ssub.s32 $0x0, s20;
	[sflag:s22] =	ssyncset.done $0x0  }
0xa0: {  	[sflag:s22] =	ssyncadd.s32 s4;
	_ =	sdelay $0x1  }
0xa1: {  	s23 =	simm.s32 $0x1B8B  }
0xa2: {  	_ =	swait.ge [sflag:s23], $0x1  }
0xa3: {  	[sflag:s23] =	ssyncset.done $0x0  }
0xa4: {  	s25 =	simm.s32 $0x1B8E;
	s24 =	sld [smem:$0x3FFE];
	[sflag:s23] =	ssyncadd.s32 $0xFFFFFFFF  }
0xa5: {  	s26 =	simm.s32 $execute0_lowered;
	[smem:$0x3FD2] =	sst s25  }
0xa6: {  	s5 =	sshll.u32 s26, $0x1;
	_ =	strace $0x80000046;
	[dreg:$0x1] =	wrdreg $0xFFFFFFFF  }
0xa7: {  	s28 =	simm.s32 $_size_execute0_lowered;
	s3 =	sadd.s32 s3, s5;
	[dreg:$0x0] =	wrdreg $0x0  }
0xa8: {  	s5 =	sshll.u32 s28, $0x1;
	[dreg:$0x2] =	wrdreg s3  }
0xa9: {  	[dreg:$0x3] =	wrdreg s5  }
0xaa: {  	[dreg:$0x4] =	wrdreg $0xC0  }
0xab: {  	_ =	task [dreg:s7], $0x5FFFF  }
0xac: {  	[dreg:$0x1] =	wrdreg $0xFFFFFFFF  }
0xad: {  	[dreg:$0x0] =	wrdreg $0x60  }
0xae: {  	[dreg:$0x2] =	wrdreg s24  }
0xaf: {  	[dreg:$0x3] =	wrdreg s2  }
0xb0: {  	[dreg:$0x4] =	wrdreg $0x9  }
0xb1: {  	_ =	task.clear_ibuf [dreg:s7], $0x5FFFF;
	_ =	strace $0x90000046  }
0xb2: {  	s29 =	simm.s32 $0x9;
	_ =	strace $0x80000048  }
0xb3: {  	_ =	swait.ge [sflag:s29], $0x1  }
0xb4: {  	[sflag:s29] =	ssyncadd.s32 $0xFFFFFFFF  }
0xb5: {  	_ =	strace $0x90000048  }
0xb6: {  	_ =	sfence  }
0xb7: {  	s30 =	sld [smem:$0x0];
	_ =	sdelay $0x2  }
0xb8: {  	s31 =	sshll.u32 s1, $0xD;
	s1 =	sshrl.u32 s1, $0x2  }
0xb9: {  	s3 =	sand.u32 $0x4000, s31;
	s1 =	sadd.s32 s1, s30  }
0xba: {  	s0 =	sor.u32 s3, s0;
	s1 =	sshll.u32 s1, $0x11  }
0xbb: {  	s0 =	sor.u32 s1, s0  }
0xbc: {  	s0 =	sadd.s32 $0x8F2B, s0  }
0xbd: {  	[sflag:s0] =	ssyncadd.remote.s32 $0x1  }
0xbe: {  	_ =	sfence.sel $0xFFFF  }
0xbf: {  	[dreg:$0x0] =	wrdreg $0xFFFFFFFF;
	(pc) =	sbr.abs _section_cstart, $3  }
0xc0: {  	[dreg:$0x1] =	wrdreg $0xFFFFFFFF  }
0xc1: {  	_ =	task.clear_ibuf [dreg:s7], $0x2FFFF;
	_ =	strace $0x9FFFFFFF  }
0xc2: {  	(tm) =	ssettm $0x7FFFFFFF  }
0xc3: {  	_ =	shalt  }
tec
execute0_lowered:
.L_overlay_start_1:
0x0: {  	(tag) =	ssettag $0x1  }
0x1: {  	s0 =	srdreg.scid;
	s2 =	rddreg [dreg:$0x0]  }
0x2: {  	s1 =	stileid.u32;
	s5 =	rddreg [dreg:$0x1];
	s7 =	simm.s32 $0x0  }
0x3: {  	s0 =	sand.u32 $0x1, s0;
	s1 =	sshll.u32 s1, $0x1;
	[smem:$0x7FF] =	sst s7  }
0x4: {  	s26 =	sadd.s32 $0xF42C00, s2;
	s2 =	sadd.s32 $0x800, s2;
	s1 =	sor.u32 s0, s1  }
0x5: {  	_ =	strace $0x80000047;
	[smem:$0x7F5] =	sst s26;
	s0 =	ssub.s32 $0x2, s0  }
0x6: {  	s6 =	smul.u32 $0xC8, s1;
	s1 =	sshll.u32 s1, $0xA;
	s28 =	sshrl.u32 s0, $0x1  }
0x7: {  	[smem:$0x7F6] =	sst s2;
	s1 =	sand.u32 $0xC00, s1;
	s0 =	ssub.s32 s0, s28  }
0x8: {  	s3 =	sshll.u32 s6, $0x4;
	s4 =	sshrl.u32 s6, $0x1;
	s29 =	sor.u32 $0x2, s6  }
0x9: {  	s30 =	sor.u32 $0x1, s6;
	[smem:$0x7FB] =	sst s6;
	s31 =	sor.u32 $0x3, s6  }
0xa: {  	s3 =	sand.u32 $0x1F000, s3;
	s25 =	sand.u32 $0x70, s4;
	[smem:$0x7F9] =	sst s29  }
.Ltmp0:
0xb: {  	[smem:$0x7FA] =	sst s30;
	s1 =	sor.u32 s1, s3;
	(pc) =	sbr.rel .LBB2_1-.Ltmp0, $4  }
0xc: {  	s0 =	smax.u32 s0, $0x1;
	[smem:$0x7FC] =	sst s31;
	s1 =	sor.u32 s25, s1  }
0xd: {  	[smem:$0x7FD] =	sst s0;
	s1 =	sadd.s32 s5, s1  }
0xe: {  	[smem:$0x7F7] =	sst s1;
	s1 =	sadd.s32 $0x80, s1  }
0xf: {  	s2 =	simm.s32 $0x0;
	[smem:$0x7F8] =	sst s1;
	s1 =	simm.s32 $0x80  }
.LBB2_12:
0x10: {  	s0 =	simm.s32 $0x5  }
0x11: {  	_ =	swait.ge [sflag:s0], $0x4000  }
0x12: {  	[sflag:s0] =	ssyncset.done $0x0  }
0x13: {  	s1 =	simm.s32 $0x6;
	[sflag:s0] =	ssyncadd.s32 $0xFFFFC000  }
0x14: {  	_ =	swait.ge [sflag:s1], $0x4000  }
0x15: {  	s2 =	sld [smem:$0x7F4]  }
0x16: {  	s31 =	sld [smem:$0x7FD];
	_ =	sdelay $0x1  }
0x17: {  	s2 =	sadd.s32 $0x1, s2  }
0x18: {  	p0 =	sne.s32 s2, s31  }
.Ltmp1:
0x19: {  	_ = 	snop;
	(pc) =	sbr.rel @!p0 .LBB2_13-.Ltmp1, $3  }
0x1a: {  	_ =	sdelay $0x1  }
0x1b: {  	[sflag:s1] =	ssyncset.done $0x0  }
0x1c: {  	[sflag:s1] =	ssyncadd.s32 $0xFFFFC000;
	s1 =	simm.s32 $0x80  }
.LBB2_1:
0x1d: {  	s0 =	sld [smem:$0x7F7];
	_ =	sdelay $0x1  }
0x1e: {  	s28 =	sld [smem:$0x7F8]  }
0x1f: {  	[tilespmem:s7], [sflag:$0x1] =	stream.linear.gather [hbm4b:s0+s7], $0x80, $0x38;
	[tilespmem:$0x10100] =	vst v63  }
0x20: {  	[smem:$0x7F4] =	sst s2;
	s29 =	simm.s32 $0x1  }
0x21: {  	[tilespmem:s1], [sflag:$0x2] =	stream.linear.gather [hbm4b:s28+s7], $0x80, $0x38;
	[tilespmem:$0x10100] =	vst v63  }
0x22: {  	_ =	swait.ge [sflag:s29], $0x80  }
0x23: {  	s30 =	sld [smem:$0x7F5]  }
0x24: {  	[sflag:s29] =	ssyncset.done $0x0  }
0x25: {  	s31 =	simm.s32 $0x100;
	s15 =	simm.s32 $0x0;
	[sflag:s29] =	ssyncadd.s32 $0xFFFFFF80  }
0x26: {  	[tilespmem:s31], [sflag:$0x3] =	stream.indirect.gather [hbm4b:s30+s1], $0x80, s7, s1, $0xb8;
	[tilespmem:$0x10100] =	vst v63  }
.LBB2_2:
0x27: {  	s0 =	simm.s32 $0x2  }
0x28: {  	_ =	swait.ge [sflag:s0], $0x80  }
0x29: {  	s26 =	sld [smem:$0x7F5]  }
0x2a: {  	[sflag:s0] =	ssyncset.done $0x0  }
0x2b: {  	s2 =	simm.s32 $0x4100;
	s3 =	simm.s32 $0x3;
	[sflag:s0] =	ssyncadd.s32 $0xFFFFFF80  }
0x2c: {  	[tilespmem:s2], [sflag:$0x4] =	stream.indirect.gather [hbm4b:s26+s1], $0x80, s1, s1, $0xb8;
	[tilespmem:$0x10100] =	vst v63  }
0x2d: {  	_ =	swait.ge [sflag:s3], $0x4000  }
0x2e: {  	p0 =	seq.s32 s15, $0x0;
	[sflag:s3] =	ssyncset.done $0x0  }
0x2f: {  	s4 =	simm.s32 $0x0;
	s0 =	simm.s32 @!p0 $0x5;
	[sflag:s3] =	ssyncadd.s32 $0xFFFFC000  }
0x30: {  	s1 =	sor.u32 $0x1, s4;
	_ =	swait.ge @!p0 [sflag:s0], $0x4000  }
0x31: {  	s5 =	sshll.u32 s1, $0x4;
	[sflag:s0] =	ssyncset.done @!p0 $0x0  }
0x32: {  	s6 =	sand.u32 $0x3FFFFFF0, s5;
	[sflag:s0] =	ssyncadd.s32 @!p0 $0xFFFFC000  }
0x33: {  	v0 =	vld [tilespmem:s6+$0x0]  }
0x34: {  	s7 =	simm.s32 $0x0  }
0x35: {  	s0 =	sand.u32 $0x3FFFFFF0, s7  }
0x36: {  	v1 =	vld [tilespmem:s0+$0x0];
	_ =	sdelay $0x1  }
0x37: {  	v0 =	vshll.u32 v0, $0x6  }
0x38: {  	v0 =	vand.u32 $0x40, v0  }
0x39: {  	(v2sf) =	vpush v0, $0x0  }
0x3a: {  	v1 =	vshll.u32 v1, $0x6  }
0x3b: {  	v1 =	vand.u32 $0x40, v1  }
0x3c: {  	(v2sf) =	vpush v1, $0x0;
	_ =	sdelay $0xa  }
0x3d: {  	s28 =	sshll.u32 s1, $0xB  }
0x3e: {  	s8 =	sor.u32 $0x100, s28;
	s9 =	spop (v2sf)  }
0x3f: {  	s1 =	sor.u32 s9, s8  }
0x40: {  	s29 =	simm.s32 $0x0;
	v2 =	vld [tilespmem:s1+$0x0]  }
0x41: {  	s10 =	sor.u32 $0x100, s29;
	s3 =	spop (v2sf)  }
0x42: {  	s3 =	sor.u32 s3, s10  }
0x43: {  	v3 =	vld [tilespmem:s3+$0x0];
	_ =	sdelay $0x1  }
0x44: {  	[tilespmem:s28+$0x8100] =	vst v2  }
0x45: {  	v2 =	vld [tilespmem:s1+$0x10]  }
0x46: {  	(v2sf) =	vpush v0, $0x1  }
0x47: {  	[tilespmem:s29+$0x8100] =	vst v3  }
0x48: {  	v3 =	vld [tilespmem:s3+$0x10]  }
0x49: {  	(v2sf) =	vpush v1, $0x1  }
0x4a: {  	[tilespmem:s28+$0x8110] =	vst v2  }
0x4b: {  	v2 =	vld [tilespmem:s1+$0x20];
	_ =	sdelay $0x1  }
0x4c: {  	[tilespmem:s29+$0x8110] =	vst v3  }
0x4d: {  	v3 =	vld [tilespmem:s3+$0x20];
	_ =	sdelay $0x1  }
0x4e: {  	[tilespmem:s28+$0x8120] =	vst v2  }
0x4f: {  	v2 =	vld [tilespmem:s1+$0x30];
	_ =	sdelay $0x1  }
0x50: {  	[tilespmem:s29+$0x8120] =	vst v3  }
0x51: {  	v3 =	vld [tilespmem:s3+$0x30]  }
0x52: {  	s11 =	spop (v2sf)  }
0x53: {  	s1 =	sor.u32 s11, s28;
	[tilespmem:s28+$0x8130] =	vst v2  }
0x54: {  	v2 =	vld [tilespmem:s1+$0x180]  }
0x55: {  	s12 =	spop (v2sf)  }
0x56: {  	s3 =	sor.u32 s12, s29;
	[tilespmem:s29+$0x8130] =	vst v3  }
0x57: {  	v3 =	vld [tilespmem:s3+$0x180];
	_ =	sdelay $0x1  }
0x58: {  	[tilespmem:s28+$0x8180] =	vst v2  }
0x59: {  	v2 =	vld [tilespmem:s1+$0x190]  }
0x5a: {  	(v2sf) =	vpush v0, $0x2  }
0x5b: {  	[tilespmem:s29+$0x8180] =	vst v3  }
0x5c: {  	v3 =	vld [tilespmem:s3+$0x190]  }
0x5d: {  	(v2sf) =	vpush v1, $0x2  }
0x5e: {  	[tilespmem:s28+$0x8190] =	vst v2  }
0x5f: {  	v2 =	vld [tilespmem:s1+$0x1A0];
	_ =	sdelay $0x1  }
0x60: {  	[tilespmem:s29+$0x8190] =	vst v3  }
0x61: {  	v3 =	vld [tilespmem:s3+$0x1A0];
	_ =	sdelay $0x1  }
0x62: {  	[tilespmem:s28+$0x81A0] =	vst v2  }
0x63: {  	v2 =	vld [tilespmem:s1+$0x1B0];
	_ =	sdelay $0x1  }
0x64: {  	[tilespmem:s29+$0x81A0] =	vst v3  }
0x65: {  	v3 =	vld [tilespmem:s3+$0x1B0]  }
0x66: {  	s13 =	spop (v2sf)  }
0x67: {  	s0 =	sor.u32 s13, s8;
	[tilespmem:s28+$0x81B0] =	vst v2  }
0x68: {  	v2 =	vld [tilespmem:s0+$0x100]  }
0x69: {  	s14 =	spop (v2sf)  }
0x6a: {  	s1 =	sor.u32 s14, s10;
	[tilespmem:s29+$0x81B0] =	vst v3  }
0x6b: {  	v3 =	vld [tilespmem:s1+$0x100];
	_ =	sdelay $0x1  }
0x6c: {  	[tilespmem:s28+$0x8200] =	vst v2  }
0x6d: {  	v2 =	vld [tilespmem:s0+$0x110]  }
0x6e: {  	(v2sf) =	vpush v0, $0x3  }
0x6f: {  	[tilespmem:s29+$0x8200] =	vst v3  }
0x70: {  	v3 =	vld [tilespmem:s1+$0x110]  }
0x71: {  	(v2sf) =	vpush v1, $0x3  }
0x72: {  	[tilespmem:s28+$0x8210] =	vst v2  }
0x73: {  	v2 =	vld [tilespmem:s0+$0x120];
	_ =	sdelay $0x1  }
0x74: {  	[tilespmem:s29+$0x8210] =	vst v3  }
0x75: {  	v3 =	vld [tilespmem:s1+$0x120];
	_ =	sdelay $0x1  }
0x76: {  	[tilespmem:s28+$0x8220] =	vst v2  }
0x77: {  	v2 =	vld [tilespmem:s0+$0x130];
	_ =	sdelay $0x1  }
0x78: {  	[tilespmem:s29+$0x8220] =	vst v3  }
0x79: {  	v3 =	vld [tilespmem:s1+$0x130]  }
0x7a: {  	s16 =	spop (v2sf)  }
0x7b: {  	s0 =	sor.u32 s16, s28;
	[tilespmem:s28+$0x8230] =	vst v2  }
0x7c: {  	v2 =	vld [tilespmem:s0+$0x280]  }
0x7d: {  	s17 =	spop (v2sf)  }
0x7e: {  	s1 =	sor.u32 s17, s29;
	[tilespmem:s29+$0x8230] =	vst v3  }
0x7f: {  	v3 =	vld [tilespmem:s1+$0x280];
	_ =	sdelay $0x1  }
0x80: {  	[tilespmem:s28+$0x8280] =	vst v2  }
0x81: {  	v2 =	vld [tilespmem:s0+$0x290]  }
0x82: {  	(v2sf) =	vpush v0, $0x4  }
0x83: {  	[tilespmem:s29+$0x8280] =	vst v3  }
0x84: {  	v3 =	vld [tilespmem:s1+$0x290]  }
0x85: {  	(v2sf) =	vpush v1, $0x4  }
0x86: {  	[tilespmem:s28+$0x8290] =	vst v2  }
0x87: {  	v2 =	vld [tilespmem:s0+$0x2A0];
	_ =	sdelay $0x1  }
0x88: {  	[tilespmem:s29+$0x8290] =	vst v3  }
0x89: {  	v3 =	vld [tilespmem:s1+$0x2A0];
	_ =	sdelay $0x1  }
0x8a: {  	[tilespmem:s28+$0x82A0] =	vst v2  }
0x8b: {  	v2 =	vld [tilespmem:s0+$0x2B0];
	_ =	sdelay $0x1  }
0x8c: {  	[tilespmem:s29+$0x82A0] =	vst v3  }
0x8d: {  	v3 =	vld [tilespmem:s1+$0x2B0]  }
0x8e: {  	s18 =	spop (v2sf)  }
0x8f: {  	s0 =	sor.u32 s18, s28;
	[tilespmem:s28+$0x82B0] =	vst v2  }
0x90: {  	v2 =	vld [tilespmem:s0+$0x300]  }
0x91: {  	s19 =	spop (v2sf)  }
0x92: {  	(v2sf) =	vpush v0, $0x5;
	s1 =	sor.u32 s19, s29;
	[tilespmem:s29+$0x82B0] =	vst v3  }
0x93: {  	(v2sf) =	vpush v1, $0x5;
	v3 =	vld [tilespmem:s1+$0x300]  }
0x94: {  	(v2sf) =	vpush v0, $0x6  }
0x95: {  	(v2sf) =	vpush v1, $0x6;
	[tilespmem:s28+$0x8300] =	vst v2  }
0x96: {  	(v2sf) =	vpush v0, $0x7;
	v2 =	vld [tilespmem:s0+$0x310]  }
0x97: {  	(v2sf) =	vpush v1, $0x7  }
0x98: {  	(v2sf) =	vpush v0, $0x8;
	[tilespmem:s29+$0x8300] =	vst v3  }
0x99: {  	(v2sf) =	vpush v1, $0x8;
	v3 =	vld [tilespmem:s1+$0x310]  }
0x9a: {  	(v2sf) =	vpush v0, $0x9  }
0x9b: {  	(v2sf) =	vpush v1, $0x9;
	[tilespmem:s28+$0x8310] =	vst v2  }
0x9c: {  	(v2sf) =	vpush v0, $0xA;
	v2 =	vld [tilespmem:s0+$0x320]  }
0x9d: {  	(v2sf) =	vpush v1, $0xA  }
0x9e: {  	(v2sf) =	vpush v1, $0xB;
	[tilespmem:s29+$0x8310] =	vst v3  }
0x9f: {  	s20 =	simm.s32 $0x2;
	(v2sf) =	vpush v0, $0xB;
	v3 =	vld [tilespmem:s1+$0x320]  }
0xa0: {  	s8 =	sor.u32 $0x1, s20;
	(v2sf) =	vpush v1, $0xC  }
0xa1: {  	s2 =	sshll.u32 s8, $0x4;
	s22 =	spop (v2sf);
	(v2sf) =	vpush v0, $0xC;
	[tilespmem:s28+$0x8320] =	vst v2  }
0xa2: {  	s21 =	simm.s32 $0x20;
	s2 =	sand.u32 $0x3FFFFFF0, s2;
	s4 =	spop (v2sf);
	(v2sf) =	vpush v1, $0xD;
	v2 =	vld [tilespmem:s0+$0x330]  }
0xa3: {  	v4 =	vld [tilespmem:s2+$0x0];
	s11 =	spop (v2sf);
	s3 =	sand.u32 $0x3FFFFFF0, s21  }
0xa4: {  	s10 =	spop (v2sf);
	[tilespmem:s29+$0x8320] =	vst v3;
	v3 =	vld [tilespmem:s3+$0x0]  }
0xa5: {  	s7 =	spop (v2sf);
	v5 =	vld [tilespmem:s1+$0x330]  }
0xa6: {  	(v2sf) =	vpush v0, $0xD;
	s6 =	spop (v2sf)  }
0xa7: {  	s9 =	sor.u32 s22, s28;
	(v2sf) =	vpush v1, $0xE;
	s5 =	spop (v2sf);
	[tilespmem:s28+$0x8330] =	vst v2  }
0xa8: {  	(v2sf) =	vpush v0, $0xE;
	s2 =	spop (v2sf);
	v2 =	vld [tilespmem:s9+$0x380]  }
0xa9: {  	(v2sf) =	vpush v1, $0xF;
	v1 =	vshll.u32 v4, $0x6;
	s3 =	spop (v2sf)  }
0xaa: {  	s12 =	sor.u32 s4, s29;
	(v2sf) =	vpush v0, $0xF;
	v0 =	vand.u32 $0x40, v1;
	s1 =	spop (v2sf);
	v3 =	vshll.u32 v3, $0x6;
	[tilespmem:s29+$0x8330] =	vst v5  }
0xab: {  	(v2sf) =	vpush v0, $0x0;
	s0 =	spop (v2sf);
	v1 =	vand.u32 $0x40, v3;
	v3 =	vld [tilespmem:s12+$0x380]  }
0xac: {  	s4 =	spop (v2sf)  }
0xad: {  	s21 =	spop (v2sf);
	(v2sf) =	vpush v1, $0x0;
	[tilespmem:s28+$0x8380] =	vst v2  }
0xae: {  	s20 =	spop (v2sf);
	v2 =	vld [tilespmem:s9+$0x390]  }
0xaf: {  	s13 =	spop (v2sf)  }
0xb0: {  	s22 =	spop (v2sf);
	[tilespmem:s29+$0x8380] =	vst v3  }
0xb1: {  	s23 =	spop (v2sf);
	[dreg:$0x5] =	wrdreg s13  }
0xb2: {  	v3 =	vld [tilespmem:s12+$0x390];
	[dreg:$0x3] =	wrdreg s23  }
0xb3: {  	[tilespmem:s28+$0x8390] =	vst v2  }
0xb4: {  	v2 =	vld [tilespmem:s9+$0x3A0]  }
0xb5: {  	s26 =	spop (v2sf)  }
0xb6: {  	s19 =	spop (v2sf)  }
0xb7: {  	s18 =	spop (v2sf)  }
0xb8: {  	s17 =	spop (v2sf);
	[tilespmem:s29+$0x8390] =	vst v3  }
0xb9: {  	s30 =	sshll.u32 s8, $0xB;
	s16 =	spop (v2sf);
	v3 =	vld [tilespmem:s12+$0x3A0];
	[tilespmem:s28+$0x83A0] =	vst v2  }
0xba: {  	s8 =	sor.u32 $0x100, s30;
	s24 =	spop (v2sf);
	v2 =	vld [tilespmem:s9+$0x3B0]  }
0xbb: {  	s31 =	simm.s32 $0x1000;
	s13 =	sor.u32 s24, s8  }
0xbc: {  	v4 =	vld [tilespmem:s13+$0x0];
	s14 =	spop (v2sf);
	s9 =	sor.u32 $0x100, s31  }
0xbd: {  	s14 =	sor.u32 s14, s9  }
0xbe: {  	[tilespmem:s29+$0x83A0] =	vst v3;
	v5 =	vld [tilespmem:s14+$0x0]  }
0xbf: {  	s11 =	sor.u32 s11, s28;
	v3 =	vld [tilespmem:s12+$0x3B0];
	[tilespmem:s28+$0x83B0] =	vst v2  }
0xc0: {  	v2 =	vld [tilespmem:s11+$0x400]  }
0xc1: {  	[tilespmem:s30+$0x8100] =	vst v4  }
0xc2: {  	v4 =	vld [tilespmem:s13+$0x10]  }
0xc3: {  	(v2sf) =	vpush v0, $0x1;
	[tilespmem:s31+$0x8100] =	vst v5  }
0xc4: {  	s10 =	sor.u32 s10, s29;
	[tilespmem:s29+$0x83B0] =	vst v3;
	v5 =	vld [tilespmem:s14+$0x10]  }
0xc5: {  	(v2sf) =	vpush v1, $0x1;
	v3 =	vld [tilespmem:s10+$0x400];
	[tilespmem:s28+$0x8400] =	vst v2  }
0xc6: {  	v2 =	vld [tilespmem:s11+$0x410]  }
0xc7: {  	[tilespmem:s30+$0x8110] =	vst v4  }
0xc8: {  	v4 =	vld [tilespmem:s13+$0x20]  }
0xc9: {  	[tilespmem:s31+$0x8110] =	vst v5  }
0xca: {  	[tilespmem:s29+$0x8400] =	vst v3;
	v5 =	vld [tilespmem:s14+$0x20]  }
0xcb: {  	v3 =	vld [tilespmem:s10+$0x410];
	[tilespmem:s28+$0x8410] =	vst v2  }
0xcc: {  	v2 =	vld [tilespmem:s11+$0x420]  }
0xcd: {  	[tilespmem:s30+$0x8120] =	vst v4  }
0xce: {  	v4 =	vld [tilespmem:s13+$0x30]  }
0xcf: {  	[tilespmem:s31+$0x8120] =	vst v5  }
0xd0: {  	[tilespmem:s29+$0x8410] =	vst v3;
	v5 =	vld [tilespmem:s14+$0x30]  }
0xd1: {  	v3 =	vld [tilespmem:s10+$0x420];
	[tilespmem:s28+$0x8420] =	vst v2  }
0xd2: {  	s25 =	spop (v2sf);
	v2 =	vld [tilespmem:s11+$0x430]  }
0xd3: {  	s13 =	sor.u32 s25, s30;
	[tilespmem:s30+$0x8130] =	vst v4  }
0xd4: {  	v4 =	vld [tilespmem:s13+$0x180];
	s14 =	spop (v2sf)  }
0xd5: {  	s12 =	sor.u32 s14, s31;
	[tilespmem:s31+$0x8130] =	vst v5  }
0xd6: {  	[tilespmem:s29+$0x8420] =	vst v3;
	v5 =	vld [tilespmem:s12+$0x180]  }
0xd7: {  	s7 =	sor.u32 s7, s28;
	v3 =	vld [tilespmem:s10+$0x430];
	[tilespmem:s28+$0x8430] =	vst v2  }
0xd8: {  	v2 =	vld [tilespmem:s7+$0x480]  }
0xd9: {  	[tilespmem:s30+$0x8180] =	vst v4  }
0xda: {  	v4 =	vld [tilespmem:s13+$0x190]  }
0xdb: {  	(v2sf) =	vpush v0, $0x2;
	[tilespmem:s31+$0x8180] =	vst v5  }
0xdc: {  	s6 =	sor.u32 s6, s29;
	[tilespmem:s29+$0x8430] =	vst v3;
	v5 =	vld [tilespmem:s12+$0x190]  }
0xdd: {  	(v2sf) =	vpush v1, $0x2;
	v3 =	vld [tilespmem:s6+$0x480];
	[tilespmem:s28+$0x8480] =	vst v2  }
0xde: {  	v2 =	vld [tilespmem:s7+$0x490]  }
0xdf: {  	[tilespmem:s30+$0x8190] =	vst v4  }
0xe0: {  	v4 =	vld [tilespmem:s13+$0x1A0]  }
0xe1: {  	[tilespmem:s31+$0x8190] =	vst v5  }
0xe2: {  	[tilespmem:s29+$0x8480] =	vst v3;
	v5 =	vld [tilespmem:s12+$0x1A0]  }
0xe3: {  	v3 =	vld [tilespmem:s6+$0x490];
	[tilespmem:s28+$0x8490] =	vst v2  }
0xe4: {  	v2 =	vld [tilespmem:s7+$0x4A0]  }
0xe5: {  	[tilespmem:s30+$0x81A0] =	vst v4  }
0xe6: {  	v4 =	vld [tilespmem:s13+$0x1B0]  }
0xe7: {  	[tilespmem:s31+$0x81A0] =	vst v5  }
0xe8: {  	[tilespmem:s29+$0x8490] =	vst v3;
	v5 =	vld [tilespmem:s12+$0x1B0]  }
0xe9: {  	v3 =	vld [tilespmem:s6+$0x4A0];
	[tilespmem:s28+$0x84A0] =	vst v2  }
0xea: {  	s23 =	spop (v2sf);
	v2 =	vld [tilespmem:s7+$0x4B0]  }
0xeb: {  	s8 =	sor.u32 s23, s8;
	[tilespmem:s30+$0x81B0] =	vst v4  }
0xec: {  	s24 =	spop (v2sf);
	v4 =	vld [tilespmem:s8+$0x100]  }
0xed: {  	s25 =	sor.u32 s24, s9;
	[tilespmem:s31+$0x81B0] =	vst v5  }
0xee: {  	[tilespmem:s29+$0x84A0] =	vst v3;
	v5 =	vld [tilespmem:s25+$0x100]  }
0xef: {  	s5 =	sor.u32 s5, s28;
	v3 =	vld [tilespmem:s6+$0x4B0];
	[tilespmem:s28+$0x84B0] =	vst v2  }
0xf0: {  	v2 =	vld [tilespmem:s5+$0x500]  }
0xf1: {  	[tilespmem:s30+$0x8200] =	vst v4  }
0xf2: {  	v4 =	vld [tilespmem:s8+$0x110]  }
0xf3: {  	(v2sf) =	vpush v0, $0x3;
	[tilespmem:s31+$0x8200] =	vst v5  }
0xf4: {  	s2 =	sor.u32 s2, s29;
	[tilespmem:s29+$0x84B0] =	vst v3;
	v5 =	vld [tilespmem:s25+$0x110]  }
0xf5: {  	(v2sf) =	vpush v1, $0x3;
	v3 =	vld [tilespmem:s2+$0x500];
	[tilespmem:s28+$0x8500] =	vst v2  }
0xf6: {  	v2 =	vld [tilespmem:s5+$0x510]  }
0xf7: {  	[tilespmem:s30+$0x8210] =	vst v4  }
0xf8: {  	v4 =	vld [tilespmem:s8+$0x120]  }
0xf9: {  	[tilespmem:s31+$0x8210] =	vst v5  }
0xfa: {  	[tilespmem:s29+$0x8500] =	vst v3;
	v5 =	vld [tilespmem:s25+$0x120]  }
0xfb: {  	v3 =	vld [tilespmem:s2+$0x510];
	[tilespmem:s28+$0x8510] =	vst v2  }
0xfc: {  	v2 =	vld [tilespmem:s5+$0x520]  }
0xfd: {  	[tilespmem:s30+$0x8220] =	vst v4  }
0xfe: {  	v4 =	vld [tilespmem:s8+$0x130]  }
0xff: {  	[tilespmem:s31+$0x8220] =	vst v5  }
0x100: {  	[tilespmem:s29+$0x8510] =	vst v3;
	v5 =	vld [tilespmem:s25+$0x130]  }
0x101: {  	v3 =	vld [tilespmem:s2+$0x520];
	[tilespmem:s28+$0x8520] =	vst v2  }
0x102: {  	(v2sf) =	vpush v0, $0x4;
	s7 =	spop (v2sf);
	v2 =	vld [tilespmem:s5+$0x530]  }
0x103: {  	(v2sf) =	vpush v1, $0x4;
	s6 =	sor.u32 s7, s30;
	[tilespmem:s30+$0x8230] =	vst v4  }
0x104: {  	(v2sf) =	vpush v0, $0x5;
	s8 =	spop (v2sf);
	v4 =	vld [tilespmem:s6+$0x280]  }
0x105: {  	s9 =	sor.u32 s8, s31;
	[tilespmem:s31+$0x8230] =	vst v5  }
0x106: {  	(v2sf) =	vpush v1, $0x5;
	[tilespmem:s29+$0x8520] =	vst v3;
	v5 =	vld [tilespmem:s9+$0x280]  }
0x107: {  	s10 =	sor.u32 s3, s28;
	v3 =	vld [tilespmem:s2+$0x530];
	[tilespmem:s28+$0x8530] =	vst v2  }
0x108: {  	(v2sf) =	vpush v0, $0x6;
	v2 =	vld [tilespmem:s10+$0x580]  }
0x109: {  	[tilespmem:s30+$0x8280] =	vst v4  }
0x10a: {  	(v2sf) =	vpush v1, $0x6;
	v4 =	vld [tilespmem:s6+$0x290]  }
0x10b: {  	(v2sf) =	vpush v0, $0x7;
	[tilespmem:s31+$0x8280] =	vst v5  }
0x10c: {  	s1 =	sor.u32 s1, s29;
	(v2sf) =	vpush v1, $0x7;
	[tilespmem:s29+$0x8530] =	vst v3;
	v5 =	vld [tilespmem:s9+$0x290]  }
0x10d: {  	v3 =	vld [tilespmem:s1+$0x580];
	[tilespmem:s28+$0x8580] =	vst v2  }
0x10e: {  	(v2sf) =	vpush v0, $0x8;
	v2 =	vld [tilespmem:s10+$0x590]  }
0x10f: {  	[tilespmem:s30+$0x8290] =	vst v4  }
0x110: {  	v4 =	vld [tilespmem:s6+$0x2A0]  }
0x111: {  	(v2sf) =	vpush v1, $0x8;
	s11 =	spop (v2sf);
	[tilespmem:s31+$0x8290] =	vst v5  }
0x112: {  	(v2sf) =	vpush v0, $0x9;
	s12 =	spop (v2sf);
	[tilespmem:s29+$0x8580] =	vst v3;
	v5 =	vld [tilespmem:s9+$0x2A0]  }
0x113: {  	(v2sf) =	vpush v1, $0x9;
	s13 =	spop (v2sf);
	[tilespmem:s28+$0x8590] =	vst v2  }
0x114: {  	(v2sf) =	vpush v0, $0xA;
	v3 =	vld [tilespmem:s1+$0x590];
	[dreg:$0x1f] =	wrdreg s13  }
0x115: {  	(v2sf) =	vpush v1, $0xA;
	s14 =	spop (v2sf);
	[tilespmem:s30+$0x82A0] =	vst v4  }
0x116: {  	(v2sf) =	vpush v1, $0xB;
	v2 =	vld [tilespmem:s10+$0x5A0];
	[dreg:$0x1e] =	wrdreg s14  }
0x117: {  	(v2sf) =	vpush v0, $0xB;
	s23 =	spop (v2sf);
	[tilespmem:s31+$0x82A0] =	vst v5  }
0x118: {  	(v2sf) =	vpush v1, $0xC;
	v4 =	vld [tilespmem:s6+$0x2B0];
	[dreg:$0x1a] =	wrdreg s23  }
0x119: {  	(v2sf) =	vpush v0, $0xC;
	s24 =	spop (v2sf);
	[tilespmem:s29+$0x8590] =	vst v3  }
0x11a: {  	(v2sf) =	vpush v1, $0xD;
	s25 =	spop (v2sf);
	v5 =	vld [tilespmem:s9+$0x2B0];
	[dreg:$0x19] =	wrdreg s24  }
0x11b: {  	(v2sf) =	vpush v0, $0xD;
	s6 =	spop (v2sf);
	v3 =	vld [tilespmem:s1+$0x5A0];
	[dreg:$0x16] =	wrdreg s25  }
0x11c: {  	(v2sf) =	vpush v1, $0xE;
	[dreg:$0x17] =	wrdreg s6  }
0x11d: {  	(v2sf) =	vpush v0, $0xE;
	s7 =	spop (v2sf);
	[tilespmem:s28+$0x85A0] =	vst v2  }
0x11e: {  	(v2sf) =	vpush v1, $0xF;
	v1 =	vld [tilespmem:s10+$0x5B0];
	[dreg:$0x14] =	wrdreg s7  }
0x11f: {  	[tilespmem:s30+$0x82B0] =	vst v4  }
0x120: {  	s5 =	sor.u32 s11, s30;
	s9 =	spop (v2sf);
	[tilespmem:s31+$0x82B0] =	vst v5  }
0x121: {  	(v2sf) =	vpush v0, $0xF;
	v0 =	vld [tilespmem:s5+$0x300];
	[dreg:$0x15] =	wrdreg s9  }
0x122: {  	s6 =	sor.u32 s12, s31;
	s10 =	spop (v2sf);
	[tilespmem:s29+$0x85A0] =	vst v3  }
0x123: {  	s11 =	spop (v2sf);
	v2 =	vld [tilespmem:s6+$0x300];
	[dreg:$0x11] =	wrdreg s10  }
0x124: {  	s2 =	spop (v2sf);
	v3 =	vld [tilespmem:s1+$0x5B0];
	[dreg:$0x12] =	wrdreg s11  }
0x125: {  	s25 =	spop (v2sf);
	[tilespmem:s28+$0x85B0] =	vst v1  }
0x126: {  	s9 =	sor.u32 s0, s28;
	s12 =	spop (v2sf);
	[tilespmem:s30+$0x8300] =	vst v0  }
0x127: {  	s24 =	spop (v2sf);
	v0 =	vld [tilespmem:s9+$0x600];
	[dreg:$0x1c] =	wrdreg s12  }
0x128: {  	s14 =	spop (v2sf);
	[tilespmem:s31+$0x8300] =	vst v2;
	v1 =	vld [tilespmem:s5+$0x310]  }
0x129: {  	s3 =	sor.u32 s4, s29;
	s10 =	spop (v2sf);
	v2 =	vld [tilespmem:s6+$0x310];
	[tilespmem:s29+$0x85B0] =	vst v3  }
0x12a: {  	s13 =	spop (v2sf);
	v4 =	vld [tilespmem:s3+$0x600]  }
0x12b: {  	[dreg:$0xc] =	wrdreg s13  }
0x12c: {  	[tilespmem:s28+$0x8600] =	vst v0  }
0x12d: {  	s23 =	spop (v2sf);
	v0 =	vld [tilespmem:s9+$0x610];
	[tilespmem:s30+$0x8310] =	vst v1  }
0x12e: {  	s11 =	spop (v2sf);
	[tilespmem:s31+$0x8310] =	vst v2;
	v2 =	vld [tilespmem:s5+$0x320]  }
0x12f: {  	s13 =	spop (v2sf);
	v3 =	vld [tilespmem:s6+$0x320];
	[tilespmem:s29+$0x8600] =	vst v4  }
0x130: {  	s7 =	spop (v2sf);
	v1 =	vld [tilespmem:s3+$0x610];
	[smem:$0x7F2] =	sst s15;
	s15 =	sshll.u32 s15, $0x1  }
0x131: {  	s12 =	simm.s32 $0x4;
	s8 =	spop (v2sf);
	[smem:$0x7F3] =	sst s15  }
.LBB2_3:
0x132: {  	_ =	sdelay $0x3  }
0x133: {  	[smem:$0x7E6] =	sst s17;
	s17 =	sor.u32 $0x1, s12;
	[tilespmem:s30+$0x8320] =	vst v2  }
0x134: {  	s4 =	smov.u32 s12;
	s0 =	sshll.u32 s17, $0x4;
	v2 =	vld [tilespmem:s5+$0x330]  }
0x135: {  	s1 =	sshll.u32 s4, $0x4;
	s0 =	sand.u32 $0x3FFFFFF0, s0;
	[tilespmem:s31+$0x8320] =	vst v3  }
0x136: {  	s1 =	sand.u32 $0x3FFFFFF0, s1;
	[tilespmem:s29+$0x8610] =	vst v1;
	v3 =	vld [tilespmem:s0+$0x0]  }
0x137: {  	v1 =	vld [tilespmem:s1+$0x0]  }
0x138: {  	[smem:$0x7E7] =	sst s7;
	v4 =	vld [tilespmem:s6+$0x330];
	[tilespmem:s28+$0x8610] =	vst v0  }
0x139: {  	s7 =	rddreg [dreg:$0x1f];
	v5 =	vld [tilespmem:s3+$0x620];
	[tilespmem:s30+$0x8330] =	vst v2  }
0x13a: {  	[smem:$0x7EA] =	sst s8;
	s8 =	sor.u32 s7, s30;
	v2 =	vld [tilespmem:s9+$0x620]  }
0x13b: {  	[smem:$0x7DF] =	sst s18;
	v0 =	vshll.u32 v3, $0x6;
	v3 =	vld [tilespmem:s8+$0x380]  }
0x13c: {  	s18 =	rddreg [dreg:$0x1e]  }
0x13d: {  	[smem:$0x7EE] =	sst s25;
	s25 =	sor.u32 s18, s31;
	[tilespmem:s31+$0x8330] =	vst v4  }
0x13e: {  	v4 =	vld [tilespmem:s25+$0x380];
	[tilespmem:s29+$0x8620] =	vst v5  }
0x13f: {  	v1 =	vshll.u32 v1, $0x6;
	v0 =	vand.u32 $0x40, v0;
	[tilespmem:s28+$0x8620] =	vst v2  }
0x140: {  	v1 =	vand.u32 $0x40, v1;
	(v2sf) =	vpush v0, $0x0;
	v5 =	vld [tilespmem:s3+$0x630];
	[tilespmem:s30+$0x8380] =	vst v3  }
0x141: {  	(v2sf) =	vpush v1, $0x0;
	v2 =	vld [tilespmem:s9+$0x630]  }
0x142: {  	(v2sf) =	vpush v0, $0x1;
	v3 =	vld [tilespmem:s8+$0x390]  }
0x143: {  	(v2sf) =	vpush v1, $0x1  }
0x144: {  	(v2sf) =	vpush v0, $0x2;
	[tilespmem:s31+$0x8380] =	vst v4  }
0x145: {  	(v2sf) =	vpush v1, $0x2;
	v4 =	vld [tilespmem:s25+$0x390];
	[tilespmem:s29+$0x8630] =	vst v5;
	s9 =	rddreg [dreg:$0x1c]  }
0x146: {  	[smem:$0x7E0] =	sst s13;
	s3 =	sor.u32 s21, s29;
	(v2sf) =	vpush v0, $0x3;
	s13 =	smov.u32 s9;
	[tilespmem:s28+$0x8630] =	vst v2  }
0x147: {  	v5 =	vld [tilespmem:s3+$0x680];
	[smem:$0x7E1] =	sst s13;
	s13 =	sor.u32 s20, s28;
	[tilespmem:s30+$0x8390] =	vst v3  }
0x148: {  	v2 =	vld [tilespmem:s13+$0x680]  }
0x149: {  	(v2sf) =	vpush v1, $0x3;
	v3 =	vld [tilespmem:s8+$0x3A0];
	_ =	sdelay $0x1  }
0x14a: {  	[tilespmem:s31+$0x8390] =	vst v4  }
0x14b: {  	(v2sf) =	vpush v0, $0x4;
	v4 =	vld [tilespmem:s25+$0x3A0];
	[tilespmem:s29+$0x8680] =	vst v5  }
0x14c: {  	[smem:$0x7E9] =	sst s16;
	s15 =	smov.u32 s24;
	(v2sf) =	vpush v1, $0x4;
	[tilespmem:s28+$0x8680] =	vst v2  }
0x14d: {  	s24 =	sshll.u32 s17, $0xB;
	[smem:$0x7DE] =	sst s15;
	(v2sf) =	vpush v0, $0x5;
	v5 =	vld [tilespmem:s3+$0x690];
	[tilespmem:s30+$0x83A0] =	vst v3  }
0x14e: {  	s15 =	sshll.u32 s4, $0xB;
	s9 =	sor.u32 $0x100, s24;
	(v2sf) =	vpush v1, $0x5;
	s16 =	spop (v2sf);
	v2 =	vld [tilespmem:s13+$0x690]  }
0x14f: {  	s17 =	sor.u32 $0x100, s15;
	(v2sf) =	vpush v0, $0x6;
	s0 =	sor.u32 s16, s9;
	s18 =	spop (v2sf);
	v3 =	vld [tilespmem:s8+$0x3B0]  }
0x150: {  	(v2sf) =	vpush v1, $0x6;
	s6 =	spop (v2sf);
	s8 =	sor.u32 s18, s17;
	v6 =	vld [tilespmem:s0+$0x0]  }
0x151: {  	(v2sf) =	vpush v0, $0x7;
	s5 =	spop (v2sf);
	v7 =	vld [tilespmem:s8+$0x0];
	[tilespmem:s31+$0x83A0] =	vst v4  }
0x152: {  	(v2sf) =	vpush v1, $0x7;
	s18 =	spop (v2sf);
	v4 =	vld [tilespmem:s25+$0x3B0];
	[tilespmem:s29+$0x8690] =	vst v5  }
0x153: {  	(v2sf) =	vpush v0, $0x8;
	s20 =	spop (v2sf);
	[tilespmem:s28+$0x8690] =	vst v2  }
0x154: {  	(v2sf) =	vpush v1, $0x8;
	s21 =	spop (v2sf);
	s25 =	rddreg [dreg:$0x1a];
	v5 =	vld [tilespmem:s3+$0x6A0];
	[tilespmem:s30+$0x83B0] =	vst v3  }
0x155: {  	(v2sf) =	vpush v0, $0x9;
	[smem:$0x7E2] =	sst s21;
	s21 =	sor.u32 s25, s30;
	v2 =	vld [tilespmem:s13+$0x6A0];
	[tilespmem:s24+$0x8100] =	vst v6  }
0x156: {  	[dreg:$0x1d] =	wrdreg s2;
	(v2sf) =	vpush v1, $0x9;
	v3 =	vld [tilespmem:s21+$0x400]  }
0x157: {  	s16 =	rddreg [dreg:$0x19];
	(v2sf) =	vpush v0, $0xA;
	s2 =	spop (v2sf);
	[tilespmem:s15+$0x8100] =	vst v7;
	v6 =	vld [tilespmem:s0+$0x10]  }
0x158: {  	(v2sf) =	vpush v1, $0xA;
	[smem:$0x7E3] =	sst s2;
	s2 =	sor.u32 s16, s31;
	v7 =	vld [tilespmem:s8+$0x10];
	[tilespmem:s31+$0x83B0] =	vst v4  }
0x159: {  	(v2sf) =	vpush v1, $0xB;
	v4 =	vld [tilespmem:s2+$0x400];
	[tilespmem:s29+$0x86A0] =	vst v5  }
0x15a: {  	s4 =	spop (v2sf);
	(v2sf) =	vpush v0, $0xB;
	[tilespmem:s28+$0x86A0] =	vst v2  }
0x15b: {  	s7 =	spop (v2sf);
	(v2sf) =	vpush v1, $0xC;
	v5 =	vld [tilespmem:s3+$0x6B0];
	[tilespmem:s30+$0x8400] =	vst v3  }
0x15c: {  	[smem:$0x7DD] =	sst s20;
	s20 =	spop (v2sf);
	(v2sf) =	vpush v0, $0xC;
	v2 =	vld [tilespmem:s13+$0x6B0];
	[tilespmem:s24+$0x8110] =	vst v6  }
0x15d: {  	s25 =	spop (v2sf);
	(v2sf) =	vpush v1, $0xD;
	v3 =	vld [tilespmem:s21+$0x410]  }
0x15e: {  	[smem:$0x7EB] =	sst s4;
	s3 =	spop (v2sf);
	(v2sf) =	vpush v0, $0xD;
	v6 =	vld [tilespmem:s0+$0x20]  }
0x15f: {  	[smem:$0x7EC] =	sst s7;
	s4 =	spop (v2sf);
	(v2sf) =	vpush v1, $0xE;
	[tilespmem:s15+$0x8110] =	vst v7  }
0x160: {  	[dreg:$0x1a] =	wrdreg s3;
	s3 =	spop (v2sf);
	(v2sf) =	vpush v0, $0xE;
	v7 =	vld [tilespmem:s8+$0x20];
	[tilespmem:s31+$0x8400] =	vst v4  }
0x161: {  	[dreg:$0x1e] =	wrdreg s25;
	s25 =	spop (v2sf);
	(v2sf) =	vpush v1, $0xF;
	[tilespmem:s28+$0x86B0] =	vst v2  }
0x162: {  	s1 =	sor.u32 s22, s28;
	[dreg:$0x1f] =	wrdreg s20;
	s20 =	spop (v2sf);
	(v2sf) =	vpush v0, $0xF;
	v0 =	vld [tilespmem:s2+$0x410];
	[tilespmem:s30+$0x8410] =	vst v3  }
0x163: {  	s7 =	rddreg [dreg:$0x5];
	v2 =	vld [tilespmem:s1+$0x700];
	[tilespmem:s24+$0x8120] =	vst v6  }
0x164: {  	[dreg:$0x19] =	wrdreg s4;
	v3 =	vld [tilespmem:s21+$0x420]  }
0x165: {  	s4 =	smov.u32 s23;
	s23 =	smov.u32 s26;
	s26 =	sor.u32 s7, s29;
	[tilespmem:s29+$0x86B0] =	vst v5;
	v4 =	vld [tilespmem:s0+$0x30]  }
0x166: {  	v1 =	vld [tilespmem:s26+$0x700];
	[tilespmem:s15+$0x8120] =	vst v7  }
0x167: {  	s16 =	smov.u32 s19;
	s19 =	spop (v2sf);
	v5 =	vld [tilespmem:s8+$0x30];
	[tilespmem:s31+$0x8410] =	vst v0  }
0x168: {  	s13 =	smov.u32 s14;
	s14 =	spop (v2sf);
	[tilespmem:s28+$0x8700] =	vst v2  }
0x169: {  	s22 =	spop (v2sf);
	v0 =	vld [tilespmem:s2+$0x420];
	[tilespmem:s30+$0x8420] =	vst v3  }
0x16a: {  	s7 =	spop (v2sf);
	v2 =	vld [tilespmem:s1+$0x710];
	[tilespmem:s24+$0x8130] =	vst v4  }
0x16b: {  	s8 =	spop (v2sf);
	s0 =	sor.u32 s6, s24;
	v3 =	vld [tilespmem:s21+$0x430]  }
0x16c: {  	[dreg:$0x5] =	wrdreg s13;
	s13 =	smov.u32 s10;
	s10 =	spop (v2sf);
	[tilespmem:s29+$0x8700] =	vst v1;
	v4 =	vld [tilespmem:s0+$0x180]  }
0x16d: {  	[dreg:$0x1c] =	wrdreg s10;
	v1 =	vld [tilespmem:s26+$0x710];
	s10 =	sor.u32 s5, s15;
	[tilespmem:s15+$0x8130] =	vst v5  }
0x16e: {  	v5 =	vld [tilespmem:s10+$0x180];
	[tilespmem:s31+$0x8420] =	vst v0  }
0x16f: {  	[tilespmem:s28+$0x8710] =	vst v2  }
0x170: {  	s5 =	rddreg [dreg:$0x16];
	v0 =	vld [tilespmem:s2+$0x430];
	[tilespmem:s30+$0x8430] =	vst v3  }
0x171: {  	s2 =	sor.u32 s5, s30;
	v2 =	vld [tilespmem:s1+$0x720];
	[tilespmem:s24+$0x8180] =	vst v4  }
0x172: {  	v3 =	vld [tilespmem:s2+$0x480]  }
0x173: {  	[tilespmem:s29+$0x8710] =	vst v1;
	v4 =	vld [tilespmem:s0+$0x190]  }
0x174: {  	[smem:$0x7E4] =	sst s14;
	v1 =	vld [tilespmem:s26+$0x720];
	[tilespmem:s15+$0x8180] =	vst v5  }
0x175: {  	s14 =	spop (v2sf);
	s5 =	smov.u32 s11;
	s11 =	rddreg [dreg:$0x17];
	v5 =	vld [tilespmem:s10+$0x190];
	[tilespmem:s31+$0x8430] =	vst v0  }
0x176: {  	[smem:$0x7F1] =	sst s14;
	s14 =	spop (v2sf);
	s11 =	sor.u32 s11, s31;
	[tilespmem:s28+$0x8720] =	vst v2  }
0x177: {  	[smem:$0x7E5] =	sst s22;
	s22 =	spop (v2sf);
	v0 =	vld [tilespmem:s11+$0x480];
	[tilespmem:s30+$0x8480] =	vst v3  }
0x178: {  	[smem:$0x7EF] =	sst s8;
	s8 =	spop (v2sf);
	v2 =	vld [tilespmem:s1+$0x730];
	[tilespmem:s24+$0x8190] =	vst v4  }
0x179: {  	[smem:$0x7ED] =	sst s7;
	s7 =	spop (v2sf);
	v3 =	vld [tilespmem:s2+$0x490]  }
0x17a: {  	[smem:$0x7F0] =	sst s22;
	s22 =	spop (v2sf);
	[tilespmem:s29+$0x8720] =	vst v1;
	v4 =	vld [tilespmem:s0+$0x1A0]  }
0x17b: {  	s21 =	spop (v2sf);
	v1 =	vld [tilespmem:s26+$0x730];
	[tilespmem:s15+$0x8190] =	vst v5  }
0x17c: {  	s6 =	spop (v2sf);
	v5 =	vld [tilespmem:s10+$0x1A0];
	[tilespmem:s31+$0x8480] =	vst v0  }
0x17d: {  	[smem:$0x7E8] =	sst s6;
	[tilespmem:s28+$0x8730] =	vst v2  }
0x17e: {  	s6 =	smov.u32 s3;
	s3 =	smov.u32 s25;
	s25 =	sor.u32 s23, s28;
	v0 =	vld [tilespmem:s11+$0x490];
	[tilespmem:s30+$0x8490] =	vst v3  }
0x17f: {  	v2 =	vld [tilespmem:s25+$0x780];
	[tilespmem:s24+$0x81A0] =	vst v4  }
0x180: {  	s26 =	rddreg [dreg:$0x3];
	v3 =	vld [tilespmem:s2+$0x4A0]  }
0x181: {  	[dreg:$0x17] =	wrdreg s3;
	s3 =	sor.u32 s26, s29;
	[tilespmem:s29+$0x8730] =	vst v1;
	v4 =	vld [tilespmem:s0+$0x1B0]  }
0x182: {  	v1 =	vld [tilespmem:s3+$0x780];
	[tilespmem:s15+$0x81A0] =	vst v5  }
0x183: {  	s1 =	rddreg [dreg:$0xc];
	v5 =	vld [tilespmem:s10+$0x1B0];
	[tilespmem:s31+$0x8490] =	vst v0  }
0x184: {  	s26 =	smov.u32 s1;
	[tilespmem:s28+$0x8780] =	vst v2  }
0x185: {  	[dreg:$0x3] =	wrdreg s26;
	v0 =	vld [tilespmem:s11+$0x4A0];
	[tilespmem:s30+$0x84A0] =	vst v3  }
0x186: {  	s26 =	smov.u32 s8;
	s8 =	sld [smem:$0x7DD];
	v2 =	vld [tilespmem:s25+$0x790];
	[tilespmem:s24+$0x81B0] =	vst v4  }
0x187: {  	s0 =	sor.u32 s18, s9;
	v3 =	vld [tilespmem:s2+$0x4B0]  }
0x188: {  	[tilespmem:s29+$0x8780] =	vst v1;
	v4 =	vld [tilespmem:s0+$0x100]  }
0x189: {  	v1 =	vld [tilespmem:s3+$0x790];
	[tilespmem:s15+$0x81B0] =	vst v5;
	s9 =	sor.u32 s8, s17  }
0x18a: {  	v5 =	vld [tilespmem:s9+$0x100];
	[tilespmem:s31+$0x84A0] =	vst v0  }
0x18b: {  	[tilespmem:s28+$0x8790] =	vst v2  }
0x18c: {  	s10 =	rddreg [dreg:$0x14];
	v0 =	vld [tilespmem:s11+$0x4B0];
	[tilespmem:s30+$0x84B0] =	vst v3  }
0x18d: {  	s1 =	sor.u32 s10, s30;
	v2 =	vld [tilespmem:s25+$0x7A0];
	[tilespmem:s24+$0x8200] =	vst v4  }
0x18e: {  	v3 =	vld [tilespmem:s1+$0x500]  }
0x18f: {  	[tilespmem:s29+$0x8790] =	vst v1;
	v4 =	vld [tilespmem:s0+$0x110]  }
0x190: {  	v1 =	vld [tilespmem:s3+$0x7A0];
	[tilespmem:s15+$0x8200] =	vst v5  }
0x191: {  	s17 =	rddreg [dreg:$0x15];
	v5 =	vld [tilespmem:s9+$0x110];
	[tilespmem:s31+$0x84B0] =	vst v0  }
0x192: {  	[dreg:$0xc] =	wrdreg s26;
	s26 =	smov.u32 s4;
	s4 =	sor.u32 s17, s31;
	[tilespmem:s28+$0x87A0] =	vst v2  }
0x193: {  	v0 =	vld [tilespmem:s4+$0x500];
	[tilespmem:s30+$0x8500] =	vst v3  }
0x194: {  	v2 =	vld [tilespmem:s25+$0x7B0];
	[tilespmem:s24+$0x8210] =	vst v4  }
0x195: {  	v3 =	vld [tilespmem:s1+$0x510]  }
0x196: {  	[tilespmem:s29+$0x87A0] =	vst v1;
	v4 =	vld [tilespmem:s0+$0x120]  }
0x197: {  	v1 =	vld [tilespmem:s3+$0x7B0];
	[tilespmem:s15+$0x8210] =	vst v5;
	s25 =	sld [smem:$0x7DF]  }
0x198: {  	v5 =	vld [tilespmem:s9+$0x120];
	[tilespmem:s31+$0x8500] =	vst v0  }
0x199: {  	[tilespmem:s28+$0x87B0] =	vst v2  }
0x19a: {  	v0 =	vld [tilespmem:s4+$0x510];
	s10 =	sor.u32 s25, s28;
	[tilespmem:s30+$0x8510] =	vst v3  }
0x19b: {  	v2 =	vld [tilespmem:s10+$0x800];
	[tilespmem:s24+$0x8220] =	vst v4  }
0x19c: {  	v3 =	vld [tilespmem:s1+$0x520]  }
0x19d: {  	s3 =	sor.u32 s16, s29;
	[tilespmem:s29+$0x87B0] =	vst v1;
	v4 =	vld [tilespmem:s0+$0x130]  }
0x19e: {  	v1 =	vld [tilespmem:s3+$0x800];
	[tilespmem:s15+$0x8220] =	vst v5  }
0x19f: {  	v5 =	vld [tilespmem:s9+$0x130];
	[tilespmem:s31+$0x8510] =	vst v0  }
0x1a0: {  	s8 =	sld [smem:$0x7E2];
	[tilespmem:s28+$0x8800] =	vst v2  }
0x1a1: {  	v0 =	vld [tilespmem:s4+$0x520];
	[tilespmem:s30+$0x8520] =	vst v3  }
0x1a2: {  	s9 =	sld [smem:$0x7E3];
	v2 =	vld [tilespmem:s10+$0x810];
	[tilespmem:s24+$0x8230] =	vst v4  }
0x1a3: {  	s0 =	sor.u32 s8, s24;
	v3 =	vld [tilespmem:s1+$0x530]  }
0x1a4: {  	[tilespmem:s29+$0x8800] =	vst v1;
	v4 =	vld [tilespmem:s0+$0x280]  }
0x1a5: {  	v1 =	vld [tilespmem:s3+$0x810];
	s2 =	sor.u32 s9, s15;
	[tilespmem:s15+$0x8230] =	vst v5  }
0x1a6: {  	v5 =	vld [tilespmem:s2+$0x280];
	[tilespmem:s31+$0x8520] =	vst v0  }
0x1a7: {  	[tilespmem:s28+$0x8810] =	vst v2  }
0x1a8: {  	s16 =	rddreg [dreg:$0x11];
	v0 =	vld [tilespmem:s4+$0x530];
	[tilespmem:s30+$0x8530] =	vst v3  }
0x1a9: {  	s1 =	sor.u32 s16, s30;
	v2 =	vld [tilespmem:s10+$0x820];
	[tilespmem:s24+$0x8280] =	vst v4  }
0x1aa: {  	v3 =	vld [tilespmem:s1+$0x580]  }
0x1ab: {  	[tilespmem:s29+$0x8810] =	vst v1;
	v4 =	vld [tilespmem:s0+$0x290]  }
0x1ac: {  	v1 =	vld [tilespmem:s3+$0x820];
	[tilespmem:s15+$0x8280] =	vst v5  }
0x1ad: {  	s18 =	smov.u32 s19;
	s19 =	smov.u32 s5;
	s5 =	rddreg [dreg:$0x12];
	v5 =	vld [tilespmem:s2+$0x290];
	[tilespmem:s31+$0x8530] =	vst v0  }
0x1ae: {  	s9 =	sor.u32 s5, s31;
	[tilespmem:s28+$0x8820] =	vst v2  }
0x1af: {  	v0 =	vld [tilespmem:s9+$0x580];
	[tilespmem:s30+$0x8580] =	vst v3  }
0x1b0: {  	s23 =	smov.u32 s7;
	s7 =	sld [smem:$0x7E0];
	v2 =	vld [tilespmem:s10+$0x830];
	[tilespmem:s24+$0x8290] =	vst v4  }
0x1b1: {  	s17 =	sld [smem:$0x7E4];
	v3 =	vld [tilespmem:s1+$0x590]  }
0x1b2: {  	s5 =	sld [smem:$0x7E9];
	[tilespmem:s29+$0x8820] =	vst v1;
	v4 =	vld [tilespmem:s0+$0x2A0]  }
0x1b3: {  	v1 =	vld [tilespmem:s3+$0x830];
	[tilespmem:s15+$0x8290] =	vst v5;
	s10 =	sld [smem:$0x7E6]  }
0x1b4: {  	[dreg:$0x15] =	wrdreg s18;
	v5 =	vld [tilespmem:s2+$0x2A0];
	[tilespmem:s31+$0x8580] =	vst v0  }
0x1b5: {  	s18 =	smov.u32 s7;
	s7 =	sld [smem:$0x7E5];
	[tilespmem:s28+$0x8830] =	vst v2  }
0x1b6: {  	s25 =	smov.u32 s17;
	v0 =	vld [tilespmem:s9+$0x590];
	s4 =	sor.u32 s10, s29;
	s10 =	sor.u32 s5, s28;
	[tilespmem:s30+$0x8590] =	vst v3  }
0x1b7: {  	[dreg:$0x11] =	wrdreg s25;
	v2 =	vld [tilespmem:s10+$0x880];
	[tilespmem:s24+$0x82A0] =	vst v4  }
0x1b8: {  	s25 =	sld [smem:$0x7E8];
	v3 =	vld [tilespmem:s1+$0x5A0]  }
0x1b9: {  	[tilespmem:s29+$0x8830] =	vst v1;
	v4 =	vld [tilespmem:s0+$0x2B0]  }
0x1ba: {  	v1 =	vld [tilespmem:s4+$0x880];
	[tilespmem:s15+$0x82A0] =	vst v5  }
0x1bb: {  	s8 =	smov.u32 s7;
	s7 =	smov.u32 s25;
	s25 =	sld [smem:$0x7EB];
	v5 =	vld [tilespmem:s2+$0x2B0];
	[tilespmem:s31+$0x8590] =	vst v0  }
0x1bc: {  	[dreg:$0x12] =	wrdreg s8;
	[tilespmem:s28+$0x8880] =	vst v2  }
0x1bd: {  	s8 =	sld [smem:$0x7EA];
	v0 =	vld [tilespmem:s9+$0x5A0];
	[tilespmem:s30+$0x85A0] =	vst v3  }
0x1be: {  	s16 =	sld [smem:$0x7E7];
	v2 =	vld [tilespmem:s10+$0x890];
	[tilespmem:s24+$0x82B0] =	vst v4  }
0x1bf: {  	[tilespmem:s29+$0x8880] =	vst v1;
	v3 =	vld [tilespmem:s1+$0x5B0];
	s1 =	sld [smem:$0x7EC]  }
0x1c0: {  	[dreg:$0x16] =	wrdreg s6;
	v1 =	vld [tilespmem:s4+$0x890]  }
0x1c1: {  	s6 =	spop (v2sf);
	s17 =	smov.u32 s16;
	s5 =	sor.u32 s25, s24  }
0x1c2: {  	s16 =	smov.u32 s8;
	s8 =	smov.u32 s6;
	[tilespmem:s15+$0x82B0] =	vst v5;
	v4 =	vld [tilespmem:s5+$0x300];
	s6 =	sor.u32 s1, s15  }
0x1c3: {  	v5 =	vld [tilespmem:s6+$0x300];
	[tilespmem:s31+$0x85A0] =	vst v0  }
0x1c4: {  	[tilespmem:s28+$0x8890] =	vst v2  }
0x1c5: {  	s3 =	sld [smem:$0x7ED];
	v0 =	vld [tilespmem:s9+$0x5B0];
	[tilespmem:s29+$0x8890] =	vst v1  }
0x1c6: {  	s2 =	rddreg [dreg:$0x1d];
	[tilespmem:s30+$0x85B0] =	vst v3;
	v1 =	vld [tilespmem:s4+$0x8A0]  }
0x1c7: {  	s25 =	sld [smem:$0x7EE];
	s9 =	sor.u32 s2, s30;
	v2 =	vld [tilespmem:s10+$0x8A0];
	[tilespmem:s24+$0x8300] =	vst v4  }
0x1c8: {  	v3 =	vld [tilespmem:s9+$0x600]  }
0x1c9: {  	v4 =	vld [tilespmem:s5+$0x310];
	[tilespmem:s15+$0x8300] =	vst v5  }
0x1ca: {  	s2 =	smov.u32 s3;
	s3 =	sor.u32 s25, s31;
	v5 =	vld [tilespmem:s6+$0x310];
	[tilespmem:s31+$0x85B0] =	vst v0  }
0x1cb: {  	v63 =	vld [tilespmem:s3+$0x600];
	[tilespmem:s29+$0x88A0] =	vst v1  }
0x1cc: {  	[tilespmem:s28+$0x88A0] =	vst v2  }
0x1cd: {  	v7 =	vld [tilespmem:s4+$0x8B0];
	[tilespmem:s30+$0x8600] =	vst v3  }
0x1ce: {  	p1 =	slt.u32 s12, $0x6;
	s12 =	sadd.s32 $0x2, s12;
	s1 =	sld [smem:$0x7EF];
	v8 =	vld [tilespmem:s10+$0x8B0]  }
.Ltmp2:
0x1cf: {  	s11 =	smov.u32 s20;
	s20 =	sld [smem:$0x7DE];
	[tilespmem:s24+$0x8310] =	vst v4;
	(pc) =	sbr.rel @p1 .LBB2_3-.Ltmp2, $4  }
0x1d0: {  	[dreg:$0x14] =	wrdreg s11;
	s11 =	smov.u32 s22;
	s22 =	smov.u32 s13;
	v0 =	vld [tilespmem:s9+$0x610];
	[tilespmem:s15+$0x8310] =	vst v5  }
0x1d1: {  	s13 =	smov.u32 s21;
	s21 =	sld [smem:$0x7E1];
	s25 =	smov.u32 s1;
	v3 =	vld [tilespmem:s6+$0x320];
	[tilespmem:s31+$0x8600] =	vst v63  }
0x1d2: {  	s10 =	sld [smem:$0x7F0];
	v1 =	vld [tilespmem:s3+$0x610];
	[tilespmem:s29+$0x88B0] =	vst v7;
	s29 =	smov.u32 s31;
	s31 =	smov.u32 s15  }
0x1d3: {  	v2 =	vld [tilespmem:s5+$0x320];
	[tilespmem:s28+$0x88B0] =	vst v8;
	s28 =	smov.u32 s30;
	s30 =	smov.u32 s24;
	s24 =	sld [smem:$0x7F1]  }
0x1d4: {  	_ =	sdelay $0x1  }
0x1d5: {  	[tilespmem:s31+$0x8320] =	vst v3  }
0x1d6: {  	v3 =	vld [tilespmem:s6+$0x330];
	_ =	sdelay $0x1  }
0x1d7: {  	[tilespmem:s30+$0x8320] =	vst v2  }
0x1d8: {  	v2 =	vld [tilespmem:s5+$0x330];
	_ =	sdelay $0x1  }
0x1d9: {  	[tilespmem:s31+$0x8330] =	vst v3  }
0x1da: {  	s0 =	rddreg [dreg:$0x1e]  }
0x1db: {  	s0 =	sor.u32 s0, s31  }
0x1dc: {  	[tilespmem:s30+$0x8330] =	vst v2;
	v62 =	vld [tilespmem:s0+$0x380]  }
0x1dd: {  	s1 =	rddreg [dreg:$0x1f]  }
0x1de: {  	s1 =	sor.u32 s1, s30  }
0x1df: {  	v63 =	vld [tilespmem:s1+$0x380];
	_ =	sdelay $0x1  }
0x1e0: {  	[tilespmem:s31+$0x8380] =	vst v62  }
0x1e1: {  	v2 =	vld [tilespmem:s0+$0x390];
	_ =	sdelay $0x1  }
0x1e2: {  	[tilespmem:s30+$0x8380] =	vst v63  }
0x1e3: {  	v3 =	vld [tilespmem:s1+$0x390];
	_ =	sdelay $0x1  }
0x1e4: {  	[tilespmem:s31+$0x8390] =	vst v2  }
0x1e5: {  	v2 =	vld [tilespmem:s0+$0x3A0];
	_ =	sdelay $0x1  }
0x1e6: {  	[tilespmem:s30+$0x8390] =	vst v3  }
0x1e7: {  	v3 =	vld [tilespmem:s1+$0x3A0];
	_ =	sdelay $0x1  }
0x1e8: {  	[tilespmem:s31+$0x83A0] =	vst v2  }
0x1e9: {  	v2 =	vld [tilespmem:s0+$0x3B0];
	_ =	sdelay $0x1  }
0x1ea: {  	[tilespmem:s30+$0x83A0] =	vst v3  }
0x1eb: {  	v3 =	vld [tilespmem:s1+$0x3B0];
	_ =	sdelay $0x1  }
0x1ec: {  	[tilespmem:s31+$0x83B0] =	vst v2  }
0x1ed: {  	s1 =	rddreg [dreg:$0x19]  }
0x1ee: {  	s0 =	sor.u32 s1, s31  }
0x1ef: {  	[tilespmem:s30+$0x83B0] =	vst v3;
	v2 =	vld [tilespmem:s0+$0x400]  }
0x1f0: {  	s4 =	rddreg [dreg:$0x1a]  }
0x1f1: {  	s1 =	sor.u32 s4, s30  }
0x1f2: {  	v3 =	vld [tilespmem:s1+$0x400];
	_ =	sdelay $0x1  }
0x1f3: {  	[tilespmem:s31+$0x8400] =	vst v2  }
0x1f4: {  	v2 =	vld [tilespmem:s0+$0x410];
	_ =	sdelay $0x1  }
0x1f5: {  	[tilespmem:s30+$0x8400] =	vst v3  }
0x1f6: {  	v3 =	vld [tilespmem:s1+$0x410];
	_ =	sdelay $0x1  }
0x1f7: {  	[tilespmem:s31+$0x8410] =	vst v2  }
0x1f8: {  	v2 =	vld [tilespmem:s0+$0x420];
	_ =	sdelay $0x1  }
0x1f9: {  	[tilespmem:s30+$0x8410] =	vst v3  }
0x1fa: {  	v3 =	vld [tilespmem:s1+$0x420];
	_ =	sdelay $0x1  }
0x1fb: {  	[tilespmem:s31+$0x8420] =	vst v2  }
0x1fc: {  	v2 =	vld [tilespmem:s0+$0x430];
	_ =	sdelay $0x1  }
0x1fd: {  	[tilespmem:s30+$0x8420] =	vst v3  }
0x1fe: {  	v3 =	vld [tilespmem:s1+$0x430];
	_ =	sdelay $0x1  }
0x1ff: {  	[tilespmem:s31+$0x8430] =	vst v2  }
0x200: {  	s5 =	rddreg [dreg:$0x17]  }
0x201: {  	s0 =	sor.u32 s5, s31  }
0x202: {  	[tilespmem:s30+$0x8430] =	vst v3;
	v2 =	vld [tilespmem:s0+$0x480]  }
0x203: {  	s6 =	rddreg [dreg:$0x16]  }
0x204: {  	s1 =	sor.u32 s6, s30  }
0x205: {  	v3 =	vld [tilespmem:s1+$0x480];
	_ =	sdelay $0x1  }
0x206: {  	[tilespmem:s31+$0x8480] =	vst v2  }
0x207: {  	v2 =	vld [tilespmem:s0+$0x490];
	_ =	sdelay $0x1  }
0x208: {  	[tilespmem:s30+$0x8480] =	vst v3  }
0x209: {  	v3 =	vld [tilespmem:s1+$0x490];
	_ =	sdelay $0x1  }
0x20a: {  	[tilespmem:s31+$0x8490] =	vst v2  }
0x20b: {  	v2 =	vld [tilespmem:s0+$0x4A0];
	_ =	sdelay $0x1  }
0x20c: {  	[tilespmem:s30+$0x8490] =	vst v3  }
0x20d: {  	v3 =	vld [tilespmem:s1+$0x4A0];
	_ =	sdelay $0x1  }
0x20e: {  	[tilespmem:s31+$0x84A0] =	vst v2  }
0x20f: {  	v2 =	vld [tilespmem:s0+$0x4B0];
	_ =	sdelay $0x1  }
0x210: {  	[tilespmem:s30+$0x84A0] =	vst v3  }
0x211: {  	v3 =	vld [tilespmem:s1+$0x4B0];
	_ =	sdelay $0x1  }
0x212: {  	[tilespmem:s31+$0x84B0] =	vst v2  }
0x213: {  	s12 =	rddreg [dreg:$0x15]  }
0x214: {  	s0 =	sor.u32 s12, s31  }
0x215: {  	[tilespmem:s30+$0x84B0] =	vst v3;
	v2 =	vld [tilespmem:s0+$0x500]  }
0x216: {  	s15 =	rddreg [dreg:$0x14]  }
0x217: {  	s1 =	sor.u32 s15, s30  }
0x218: {  	v3 =	vld [tilespmem:s1+$0x500];
	_ =	sdelay $0x1  }
0x219: {  	[tilespmem:s31+$0x8500] =	vst v2  }
0x21a: {  	v2 =	vld [tilespmem:s0+$0x510];
	_ =	sdelay $0x1  }
0x21b: {  	[tilespmem:s30+$0x8500] =	vst v3  }
0x21c: {  	v3 =	vld [tilespmem:s1+$0x510];
	_ =	sdelay $0x1  }
0x21d: {  	[tilespmem:s31+$0x8510] =	vst v2  }
0x21e: {  	v2 =	vld [tilespmem:s0+$0x520];
	_ =	sdelay $0x1  }
0x21f: {  	[tilespmem:s30+$0x8510] =	vst v3  }
0x220: {  	v3 =	vld [tilespmem:s1+$0x520];
	_ =	sdelay $0x1  }
0x221: {  	[tilespmem:s31+$0x8520] =	vst v2  }
0x222: {  	v2 =	vld [tilespmem:s0+$0x530];
	_ =	sdelay $0x1  }
0x223: {  	[tilespmem:s30+$0x8520] =	vst v3  }
0x224: {  	v3 =	vld [tilespmem:s1+$0x530];
	_ =	sdelay $0x1  }
0x225: {  	[tilespmem:s31+$0x8530] =	vst v2  }
0x226: {  	s4 =	rddreg [dreg:$0x12]  }
0x227: {  	s0 =	sor.u32 s4, s31  }
0x228: {  	[tilespmem:s30+$0x8530] =	vst v3;
	v2 =	vld [tilespmem:s0+$0x580]  }
0x229: {  	s5 =	rddreg [dreg:$0x11]  }
0x22a: {  	s1 =	sor.u32 s5, s30  }
0x22b: {  	v3 =	vld [tilespmem:s1+$0x580];
	_ =	sdelay $0x1  }
0x22c: {  	[tilespmem:s31+$0x8580] =	vst v2  }
0x22d: {  	v2 =	vld [tilespmem:s0+$0x590];
	_ =	sdelay $0x1  }
0x22e: {  	[tilespmem:s30+$0x8580] =	vst v3  }
0x22f: {  	v3 =	vld [tilespmem:s1+$0x590];
	_ =	sdelay $0x1  }
0x230: {  	[tilespmem:s31+$0x8590] =	vst v2  }
0x231: {  	v2 =	vld [tilespmem:s0+$0x5A0];
	_ =	sdelay $0x1  }
0x232: {  	[tilespmem:s30+$0x8590] =	vst v3  }
0x233: {  	v3 =	vld [tilespmem:s1+$0x5A0];
	_ =	sdelay $0x1  }
0x234: {  	[tilespmem:s31+$0x85A0] =	vst v2  }
0x235: {  	v2 =	vld [tilespmem:s0+$0x5B0];
	_ =	sdelay $0x1  }
0x236: {  	[tilespmem:s30+$0x85A0] =	vst v3  }
0x237: {  	v3 =	vld [tilespmem:s1+$0x5B0];
	_ =	sdelay $0x1  }
0x238: {  	s6 =	sor.u32 s25, s31;
	[tilespmem:s31+$0x85B0] =	vst v2  }
0x239: {  	v2 =	vld [tilespmem:s6+$0x600];
	_ =	sdelay $0x1  }
0x23a: {  	s12 =	sor.u32 s2, s30;
	[tilespmem:s30+$0x85B0] =	vst v3  }
0x23b: {  	v3 =	vld [tilespmem:s12+$0x600];
	_ =	sdelay $0x1  }
0x23c: {  	[tilespmem:s31+$0x8600] =	vst v2  }
0x23d: {  	[tilespmem:s29+$0x8610] =	vst v1;
	v2 =	vld [tilespmem:s6+$0x610]  }
0x23e: {  	v1 =	vld [tilespmem:s3+$0x620]  }
0x23f: {  	[tilespmem:s30+$0x8600] =	vst v3  }
0x240: {  	v3 =	vld [tilespmem:s12+$0x610]  }
0x241: {  	[tilespmem:s28+$0x8610] =	vst v0  }
0x242: {  	v0 =	vld [tilespmem:s9+$0x620];
	[tilespmem:s31+$0x8610] =	vst v2  }
0x243: {  	[tilespmem:s29+$0x8620] =	vst v1;
	v2 =	vld [tilespmem:s6+$0x620]  }
0x244: {  	v1 =	vld [tilespmem:s3+$0x630]  }
0x245: {  	[tilespmem:s30+$0x8610] =	vst v3  }
0x246: {  	v3 =	vld [tilespmem:s12+$0x620]  }
0x247: {  	[tilespmem:s28+$0x8620] =	vst v0  }
0x248: {  	v0 =	vld [tilespmem:s9+$0x630];
	[tilespmem:s31+$0x8620] =	vst v2  }
0x249: {  	s15 =	sor.u32 s21, s29;
	[tilespmem:s29+$0x8630] =	vst v1;
	v2 =	vld [tilespmem:s6+$0x630]  }
0x24a: {  	v1 =	vld [tilespmem:s15+$0x680]  }
0x24b: {  	[tilespmem:s30+$0x8620] =	vst v3  }
0x24c: {  	v3 =	vld [tilespmem:s12+$0x630]  }
0x24d: {  	[tilespmem:s28+$0x8630] =	vst v0  }
0x24e: {  	s20 =	sor.u32 s20, s28;
	[tilespmem:s31+$0x8630] =	vst v2  }
0x24f: {  	v0 =	vld [tilespmem:s20+$0x680];
	s21 =	rddreg [dreg:$0x1c];
	[tilespmem:s29+$0x8680] =	vst v1  }
0x250: {  	s2 =	sor.u32 s21, s31;
	v1 =	vld [tilespmem:s15+$0x690]  }
0x251: {  	s25 =	sor.u32 s24, s30;
	[tilespmem:s30+$0x8630] =	vst v3;
	v2 =	vld [tilespmem:s2+$0x680]  }
0x252: {  	v3 =	vld [tilespmem:s25+$0x680];
	_ =	sdelay $0x1  }
0x253: {  	[tilespmem:s28+$0x8680] =	vst v0  }
0x254: {  	v0 =	vld [tilespmem:s20+$0x690];
	[tilespmem:s29+$0x8690] =	vst v1  }
0x255: {  	[tilespmem:s31+$0x8680] =	vst v2;
	v1 =	vld [tilespmem:s15+$0x6A0]  }
0x256: {  	[tilespmem:s30+$0x8680] =	vst v3;
	v2 =	vld [tilespmem:s2+$0x690]  }
0x257: {  	v3 =	vld [tilespmem:s25+$0x690];
	_ =	sdelay $0x1  }
0x258: {  	[tilespmem:s28+$0x8690] =	vst v0  }
0x259: {  	v0 =	vld [tilespmem:s20+$0x6A0];
	[tilespmem:s29+$0x86A0] =	vst v1  }
0x25a: {  	[tilespmem:s31+$0x8690] =	vst v2;
	v1 =	vld [tilespmem:s15+$0x6B0]  }
0x25b: {  	[tilespmem:s30+$0x8690] =	vst v3;
	v2 =	vld [tilespmem:s2+$0x6A0]  }
0x25c: {  	v3 =	vld [tilespmem:s25+$0x6A0];
	_ =	sdelay $0x1  }
0x25d: {  	[tilespmem:s28+$0x86A0] =	vst v0  }
0x25e: {  	v0 =	vld [tilespmem:s20+$0x6B0];
	[tilespmem:s29+$0x86B0] =	vst v1  }
0x25f: {  	[tilespmem:s31+$0x86A0] =	vst v2  }
0x260: {  	[tilespmem:s30+$0x86A0] =	vst v3;
	v2 =	vld [tilespmem:s2+$0x6B0]  }
0x261: {  	v3 =	vld [tilespmem:s25+$0x6B0];
	s4 =	rddreg [dreg:$0x5]  }
0x262: {  	s0 =	sor.u32 s4, s29  }
0x263: {  	s5 =	sor.u32 s22, s28;
	[tilespmem:s28+$0x86B0] =	vst v0;
	v1 =	vld [tilespmem:s0+$0x700]  }
0x264: {  	v0 =	vld [tilespmem:s5+$0x700]  }
0x265: {  	s6 =	sor.u32 s14, s31;
	[tilespmem:s31+$0x86B0] =	vst v2  }
0x266: {  	s9 =	sor.u32 s10, s30;
	[tilespmem:s30+$0x86B0] =	vst v3;
	v2 =	vld [tilespmem:s6+$0x700]  }
0x267: {  	v3 =	vld [tilespmem:s9+$0x700]  }
0x268: {  	[tilespmem:s29+$0x8700] =	vst v1  }
0x269: {  	[tilespmem:s28+$0x8700] =	vst v0;
	v1 =	vld [tilespmem:s0+$0x710]  }
0x26a: {  	v0 =	vld [tilespmem:s5+$0x710]  }
0x26b: {  	[tilespmem:s31+$0x8700] =	vst v2  }
0x26c: {  	[tilespmem:s30+$0x8700] =	vst v3;
	v2 =	vld [tilespmem:s6+$0x710]  }
0x26d: {  	v3 =	vld [tilespmem:s9+$0x710]  }
0x26e: {  	[tilespmem:s29+$0x8710] =	vst v1  }
0x26f: {  	[tilespmem:s28+$0x8710] =	vst v0;
	v1 =	vld [tilespmem:s0+$0x720]  }
0x270: {  	v0 =	vld [tilespmem:s5+$0x720]  }
0x271: {  	[tilespmem:s31+$0x8710] =	vst v2  }
0x272: {  	[tilespmem:s30+$0x8710] =	vst v3;
	v2 =	vld [tilespmem:s6+$0x720]  }
0x273: {  	v3 =	vld [tilespmem:s9+$0x720]  }
0x274: {  	[tilespmem:s29+$0x8720] =	vst v1  }
0x275: {  	[tilespmem:s28+$0x8720] =	vst v0;
	v1 =	vld [tilespmem:s0+$0x730]  }
0x276: {  	v0 =	vld [tilespmem:s5+$0x730]  }
0x277: {  	[tilespmem:s31+$0x8720] =	vst v2  }
0x278: {  	[tilespmem:s30+$0x8720] =	vst v3;
	v2 =	vld [tilespmem:s6+$0x730]  }
0x279: {  	v3 =	vld [tilespmem:s9+$0x730]  }
0x27a: {  	[tilespmem:s29+$0x8730] =	vst v1  }
0x27b: {  	s12 =	sor.u32 s26, s28;
	s10 =	rddreg [dreg:$0x3];
	[tilespmem:s28+$0x8730] =	vst v0  }
0x27c: {  	s0 =	sor.u32 s10, s29;
	v0 =	vld [tilespmem:s12+$0x780]  }
0x27d: {  	v1 =	vld [tilespmem:s0+$0x780];
	[tilespmem:s31+$0x8730] =	vst v2  }
0x27e: {  	s15 =	sor.u32 s23, s30;
	s14 =	rddreg [dreg:$0xc];
	[tilespmem:s30+$0x8730] =	vst v3  }
0x27f: {  	s2 =	sor.u32 s14, s31;
	v3 =	vld [tilespmem:s15+$0x780]  }
0x280: {  	v2 =	vld [tilespmem:s2+$0x780]  }
0x281: {  	[tilespmem:s28+$0x8780] =	vst v0  }
0x282: {  	[tilespmem:s29+$0x8780] =	vst v1;
	v0 =	vld [tilespmem:s12+$0x790]  }
0x283: {  	v1 =	vld [tilespmem:s0+$0x790]  }
0x284: {  	[tilespmem:s30+$0x8780] =	vst v3  }
0x285: {  	[tilespmem:s31+$0x8780] =	vst v2;
	v3 =	vld [tilespmem:s15+$0x790]  }
0x286: {  	v2 =	vld [tilespmem:s2+$0x790]  }
0x287: {  	[tilespmem:s28+$0x8790] =	vst v0  }
0x288: {  	[tilespmem:s29+$0x8790] =	vst v1;
	v0 =	vld [tilespmem:s12+$0x7A0]  }
0x289: {  	v1 =	vld [tilespmem:s0+$0x7A0]  }
0x28a: {  	[tilespmem:s30+$0x8790] =	vst v3  }
0x28b: {  	[tilespmem:s31+$0x8790] =	vst v2;
	v3 =	vld [tilespmem:s15+$0x7A0]  }
0x28c: {  	v2 =	vld [tilespmem:s2+$0x7A0]  }
0x28d: {  	[tilespmem:s28+$0x87A0] =	vst v0  }
0x28e: {  	[tilespmem:s29+$0x87A0] =	vst v1;
	v0 =	vld [tilespmem:s12+$0x7B0]  }
0x28f: {  	v1 =	vld [tilespmem:s0+$0x7B0]  }
0x290: {  	[tilespmem:s30+$0x87A0] =	vst v3  }
0x291: {  	[tilespmem:s31+$0x87A0] =	vst v2;
	v3 =	vld [tilespmem:s15+$0x7B0]  }
0x292: {  	v2 =	vld [tilespmem:s2+$0x7B0]  }
0x293: {  	s20 =	sor.u32 s18, s28;
	[tilespmem:s28+$0x87B0] =	vst v0  }
0x294: {  	s19 =	sor.u32 s19, s29;
	[tilespmem:s29+$0x87B0] =	vst v1;
	v0 =	vld [tilespmem:s20+$0x800]  }
0x295: {  	v1 =	vld [tilespmem:s19+$0x800]  }
0x296: {  	s22 =	sor.u32 s13, s30;
	[tilespmem:s30+$0x87B0] =	vst v3  }
0x297: {  	s21 =	sor.u32 s11, s31;
	[tilespmem:s31+$0x87B0] =	vst v2;
	v3 =	vld [tilespmem:s22+$0x800]  }
0x298: {  	v2 =	vld [tilespmem:s21+$0x800]  }
0x299: {  	[tilespmem:s28+$0x8800] =	vst v0  }
0x29a: {  	[tilespmem:s29+$0x8800] =	vst v1;
	v0 =	vld [tilespmem:s20+$0x810]  }
0x29b: {  	v1 =	vld [tilespmem:s19+$0x810]  }
0x29c: {  	[tilespmem:s30+$0x8800] =	vst v3  }
0x29d: {  	[tilespmem:s31+$0x8800] =	vst v2;
	v3 =	vld [tilespmem:s22+$0x810]  }
0x29e: {  	v2 =	vld [tilespmem:s21+$0x810]  }
0x29f: {  	[tilespmem:s28+$0x8810] =	vst v0  }
0x2a0: {  	[tilespmem:s29+$0x8810] =	vst v1;
	v0 =	vld [tilespmem:s20+$0x820]  }
0x2a1: {  	v1 =	vld [tilespmem:s19+$0x820]  }
0x2a2: {  	[tilespmem:s30+$0x8810] =	vst v3  }
0x2a3: {  	[tilespmem:s31+$0x8810] =	vst v2;
	v3 =	vld [tilespmem:s22+$0x820]  }
0x2a4: {  	v2 =	vld [tilespmem:s21+$0x820]  }
0x2a5: {  	[tilespmem:s28+$0x8820] =	vst v0  }
0x2a6: {  	[tilespmem:s29+$0x8820] =	vst v1;
	v0 =	vld [tilespmem:s20+$0x830]  }
0x2a7: {  	v1 =	vld [tilespmem:s19+$0x830]  }
0x2a8: {  	[tilespmem:s30+$0x8820] =	vst v3  }
0x2a9: {  	[tilespmem:s31+$0x8820] =	vst v2;
	v3 =	vld [tilespmem:s22+$0x830]  }
0x2aa: {  	v2 =	vld [tilespmem:s21+$0x830]  }
0x2ab: {  	s24 =	sor.u32 s16, s28;
	[tilespmem:s28+$0x8830] =	vst v0  }
0x2ac: {  	s23 =	sor.u32 s17, s29;
	[tilespmem:s29+$0x8830] =	vst v1;
	v0 =	vld [tilespmem:s24+$0x880]  }
0x2ad: {  	v1 =	vld [tilespmem:s23+$0x880]  }
0x2ae: {  	s26 =	sor.u32 s8, s30;
	[tilespmem:s30+$0x8830] =	vst v3  }
0x2af: {  	s25 =	sor.u32 s7, s31;
	[tilespmem:s31+$0x8830] =	vst v2;
	v3 =	vld [tilespmem:s26+$0x880]  }
0x2b0: {  	v2 =	vld [tilespmem:s25+$0x880]  }
0x2b1: {  	[tilespmem:s28+$0x8880] =	vst v0  }
0x2b2: {  	[tilespmem:s29+$0x8880] =	vst v1;
	v0 =	vld [tilespmem:s24+$0x890]  }
0x2b3: {  	v1 =	vld [tilespmem:s23+$0x890]  }
0x2b4: {  	[tilespmem:s30+$0x8880] =	vst v3  }
0x2b5: {  	[tilespmem:s31+$0x8880] =	vst v2;
	v3 =	vld [tilespmem:s26+$0x890]  }
0x2b6: {  	v2 =	vld [tilespmem:s25+$0x890]  }
0x2b7: {  	[tilespmem:s28+$0x8890] =	vst v0  }
0x2b8: {  	[tilespmem:s29+$0x8890] =	vst v1;
	v0 =	vld [tilespmem:s24+$0x8A0]  }
0x2b9: {  	v1 =	vld [tilespmem:s23+$0x8A0]  }
0x2ba: {  	[tilespmem:s30+$0x8890] =	vst v3  }
0x2bb: {  	[tilespmem:s31+$0x8890] =	vst v2;
	v3 =	vld [tilespmem:s26+$0x8A0]  }
0x2bc: {  	v2 =	vld [tilespmem:s25+$0x8A0]  }
0x2bd: {  	[tilespmem:s28+$0x88A0] =	vst v0  }
0x2be: {  	[tilespmem:s29+$0x88A0] =	vst v1;
	v0 =	vld [tilespmem:s24+$0x8B0]  }
0x2bf: {  	v1 =	vld [tilespmem:s23+$0x8B0]  }
0x2c0: {  	[tilespmem:s30+$0x88A0] =	vst v3  }
0x2c1: {  	[tilespmem:s31+$0x88A0] =	vst v2;
	v3 =	vld [tilespmem:s26+$0x8B0]  }
0x2c2: {  	v2 =	vld [tilespmem:s25+$0x8B0]  }
0x2c3: {  	[tilespmem:s28+$0x88B0] =	vst v0  }
0x2c4: {  	[tilespmem:s29+$0x88B0] =	vst v1  }
0x2c5: {  	s28 =	sld [smem:$0x7FB]  }
0x2c6: {  	s2 =	sld [smem:$0x7F3];
	[tilespmem:s30+$0x88B0] =	vst v3  }
0x2c7: {  	[tilespmem:s31+$0x88B0] =	vst v2  }
0x2c8: {  	s31 =	sld [smem:$0x7F2];
	_ =	sdelay $0x2  }
0x2c9: {  	p1 =	sne.s32 s31, $0x63  }
.Ltmp3:
0x2ca: {  	s29 =	sld [smem:$0x7F6];
	(pc) =	sbr.rel @p1 .LBB2_6-.Ltmp3, $4  }
0x2cb: {  	s0 =	sadd.s32 s28, s2  }
0x2cc: {  	s0 =	sshll.u32 s0, $0xB  }
0x2cd: {  	s3 =	simm.s32 $0x0;
	s30 =	simm.s32 $0x8100;
	s0 =	sadd.s32 s29, s0  }
0x2ce: {  	[hbm4b:s0+s3] =	stream.linear.scatter [tilespmem:s30], [sflag:$0x5], $0x4000, $0x38;
	[tilespmem:$0x10100] =	vst v63  }
.Ltmp4:
0x2cf: {  	(pc) =	sbr.rel .LBB2_7-.Ltmp4, $4  }
0x2d0: {  	s0 =	simm.s32 $0x4  }
0x2d1: {  	_ =	swait.ge [sflag:s0], $0x4000  }
0x2d2: {  	[sflag:s0] =	ssyncset.done $0x0  }
0x2d3: {  	[sflag:s0] =	ssyncadd.s32 $0xFFFFC000  }
.LBB2_6:
0x2d4: {  	s0 =	sld [smem:$0x7F9];
	_ =	sdelay $0x2  }
0x2d5: {  	s25 =	rddreg [dreg:$0x1];
	s0 =	sadd.s32 s2, s0  }
0x2d6: {  	s1 =	sshll.u32 s0, $0x4;
	s2 =	sshll.u32 s0, $0x7;
	s0 =	sshrl.u32 s0, $0x1  }
0x2d7: {  	s1 =	sand.u32 $0xFFFF000, s1;
	s2 =	sand.u32 $0xF00, s2;
	s0 =	sand.u32 $0x70, s0  }
0x2d8: {  	s1 =	sor.u32 s1, s2;
	s0 =	sadd.s32 s25, s0  }
0x2d9: {  	s26 =	simm.s32 $0x1;
	s0 =	sadd.s32 s1, s0  }
0x2da: {  	[tilespmem:s3], [sflag:$0x1] =	stream.linear.gather [hbm4b:s0+s3], $0x80, $0x38;
	[tilespmem:$0x10100] =	vst v63  }
0x2db: {  	_ =	swait.ge [sflag:s26], $0x80  }
0x2dc: {  	s28 =	sld [smem:$0x7F5]  }
0x2dd: {  	s29 =	simm.s32 $0x80;
	s30 =	simm.s32 $0x100;
	[sflag:s26] =	ssyncset.done $0x0  }
.Ltmp5:
0x2de: {  	s31 =	simm.s32 $0x4;
	[sflag:s26] =	ssyncadd.s32 $0xFFFFFF80;
	(pc) =	sbr.rel @p0 .LBB2_8-.Ltmp5, $4  }
0x2df: {  	[tilespmem:s30], [sflag:$0x3] =	stream.indirect.gather [hbm4b:s28+s29], $0x80, s3, s29, $0xb8;
	[tilespmem:$0x10100] =	vst v63  }
0x2e0: {  	_ =	swait.ge [sflag:s31], $0x4000  }
0x2e1: {  	[sflag:s31] =	ssyncset.done $0x0  }
0x2e2: {  	[sflag:s31] =	ssyncadd.s32 $0xFFFFC000  }
.LBB2_7:
0x2e3: {  	s0 =	simm.s32 $0x6  }
0x2e4: {  	_ =	swait.ge [sflag:s0], $0x4000  }
0x2e5: {  	[sflag:s0] =	ssyncset.done $0x0  }
0x2e6: {  	[sflag:s0] =	ssyncadd.s32 $0xFFFFC000  }
.LBB2_8:
0x2e7: {  	s0 =	simm.s32 $0x0  }
0x2e8: {  	s1 =	simm.s32 $0x0;
	s0 =	sor.u32 $0x1, s0  }
0x2e9: {  	s1 =	sand.u32 $0x3FFFFFF0, s1;
	s2 =	sshll.u32 s0, $0x4  }
0x2ea: {  	v0 =	vld [tilespmem:s1+$0x80];
	s12 =	sand.u32 $0x3FFFFFF0, s2  }
0x2eb: {  	v1 =	vld [tilespmem:s12+$0x80];
	_ =	sdelay $0x3  }
0x2ec: {  	v0 =	vshll.u32 v0, $0x6  }
0x2ed: {  	v0 =	vand.u32 $0x40, v0;
	v1 =	vshll.u32 v1, $0x6  }
0x2ee: {  	(v2sf) =	vpush v0, $0x0;
	v1 =	vand.u32 $0x40, v1  }
0x2ef: {  	(v2sf) =	vpush v1, $0x0;
	_ =	sdelay $0xd  }
0x2f0: {  	s13 =	spop (v2sf)  }
0x2f1: {  	s28 =	sshll.u32 s0, $0xB;
	s14 =	spop (v2sf)  }
0x2f2: {  	s0 =	sor.u32 s14, s28  }
0x2f3: {  	s15 =	sor.u32 $0x4100, s0  }
0x2f4: {  	v2 =	vld [tilespmem:s15+$0x0];
	_ =	sdelay $0x1  }
0x2f5: {  	s29 =	simm.s32 $0x0  }
0x2f6: {  	s1 =	sor.u32 s13, s29  }
0x2f7: {  	s3 =	sor.u32 $0x4100, s1  }
0x2f8: {  	(v2sf) =	vpush v0, $0x1;
	v3 =	vld [tilespmem:s3+$0x0];
	s16 =	sor.u32 $0x4110, s0;
	[tilespmem:s28+$0xC100] =	vst v2  }
0x2f9: {  	(v2sf) =	vpush v1, $0x1;
	v2 =	vld [tilespmem:s16+$0x0];
	_ =	sdelay $0x3  }
0x2fa: {  	s18 =	sor.u32 $0x4110, s1;
	[tilespmem:s29+$0xC100] =	vst v3  }
0x2fb: {  	s17 =	sor.u32 $0x4120, s0;
	v3 =	vld [tilespmem:s18+$0x0];
	[tilespmem:s28+$0xC110] =	vst v2  }
0x2fc: {  	v2 =	vld [tilespmem:s17+$0x0];
	_ =	sdelay $0x3  }
0x2fd: {  	s19 =	sor.u32 $0x4120, s1;
	[tilespmem:s29+$0xC110] =	vst v3  }
0x2fe: {  	s0 =	sor.u32 $0x4130, s0;
	v3 =	vld [tilespmem:s19+$0x0];
	[tilespmem:s28+$0xC120] =	vst v2  }
0x2ff: {  	v2 =	vld [tilespmem:s0+$0x0];
	_ =	sdelay $0x1  }
0x300: {  	s20 =	spop (v2sf)  }
0x301: {  	s21 =	spop (v2sf)  }
0x302: {  	s1 =	sor.u32 $0x4130, s1;
	s2 =	sor.u32 s21, s28;
	[tilespmem:s29+$0xC120] =	vst v3  }
0x303: {  	s22 =	sor.u32 $0x4180, s2;
	v3 =	vld [tilespmem:s1+$0x0];
	[tilespmem:s28+$0xC130] =	vst v2  }
0x304: {  	v2 =	vld [tilespmem:s22+$0x0];
	_ =	sdelay $0x2  }
0x305: {  	s0 =	sor.u32 s20, s29  }
0x306: {  	s24 =	sor.u32 $0x4180, s0;
	[tilespmem:s29+$0xC130] =	vst v3  }
0x307: {  	(v2sf) =	vpush v0, $0x2;
	s23 =	sor.u32 $0x4190, s2;
	v3 =	vld [tilespmem:s24+$0x0];
	[tilespmem:s28+$0xC180] =	vst v2  }
0x308: {  	(v2sf) =	vpush v1, $0x2;
	v2 =	vld [tilespmem:s23+$0x0];
	_ =	sdelay $0x3  }
0x309: {  	s26 =	sor.u32 $0x4190, s0;
	[tilespmem:s29+$0xC180] =	vst v3  }
0x30a: {  	s25 =	sor.u32 $0x41A0, s2;
	v3 =	vld [tilespmem:s26+$0x0];
	[tilespmem:s28+$0xC190] =	vst v2  }
0x30b: {  	v2 =	vld [tilespmem:s25+$0x0];
	_ =	sdelay $0x3  }
0x30c: {  	s4 =	sor.u32 $0x41A0, s0;
	[tilespmem:s29+$0xC190] =	vst v3  }
0x30d: {  	s3 =	sor.u32 $0x41B0, s2;
	v3 =	vld [tilespmem:s4+$0x0];
	[tilespmem:s28+$0xC1A0] =	vst v2  }
0x30e: {  	v2 =	vld [tilespmem:s3+$0x0];
	_ =	sdelay $0x1  }
0x30f: {  	s5 =	spop (v2sf)  }
0x310: {  	s6 =	spop (v2sf)  }
0x311: {  	s2 =	sor.u32 s6, s28;
	s0 =	sor.u32 $0x41B0, s0;
	[tilespmem:s29+$0xC1A0] =	vst v3  }
0x312: {  	s2 =	sor.u32 $0x4100, s2;
	v3 =	vld [tilespmem:s0+$0x0];
	[tilespmem:s28+$0xC1B0] =	vst v2  }
0x313: {  	v2 =	vld [tilespmem:s2+$0x100];
	_ =	sdelay $0x2  }
0x314: {  	s7 =	sor.u32 s5, s29  }
0x315: {  	s0 =	sor.u32 $0x4100, s7;
	[tilespmem:s29+$0xC1B0] =	vst v3  }
0x316: {  	(v2sf) =	vpush v0, $0x3;
	v3 =	vld [tilespmem:s0+$0x100];
	[tilespmem:s28+$0xC200] =	vst v2  }
0x317: {  	(v2sf) =	vpush v1, $0x3;
	v2 =	vld [tilespmem:s2+$0x110];
	_ =	sdelay $0x3  }
0x318: {  	[tilespmem:s29+$0xC200] =	vst v3  }
0x319: {  	v3 =	vld [tilespmem:s0+$0x110];
	[tilespmem:s28+$0xC210] =	vst v2  }
0x31a: {  	v2 =	vld [tilespmem:s2+$0x120];
	_ =	sdelay $0x3  }
0x31b: {  	[tilespmem:s29+$0xC210] =	vst v3  }
0x31c: {  	v3 =	vld [tilespmem:s0+$0x120];
	[tilespmem:s28+$0xC220] =	vst v2  }
0x31d: {  	v2 =	vld [tilespmem:s2+$0x130];
	_ =	sdelay $0x1  }
0x31e: {  	s8 =	spop (v2sf)  }
0x31f: {  	s9 =	spop (v2sf)  }
0x320: {  	[tilespmem:s29+$0xC220] =	vst v3;
	s2 =	sor.u32 s9, s28  }
0x321: {  	v3 =	vld [tilespmem:s0+$0x130];
	s2 =	sor.u32 $0x4180, s2;
	[tilespmem:s28+$0xC230] =	vst v2  }
0x322: {  	v2 =	vld [tilespmem:s2+$0x100];
	_ =	sdelay $0x2  }
0x323: {  	s10 =	sor.u32 s8, s29  }
0x324: {  	s0 =	sor.u32 $0x4180, s10;
	[tilespmem:s29+$0xC230] =	vst v3  }
0x325: {  	(v2sf) =	vpush v0, $0x4;
	v3 =	vld [tilespmem:s0+$0x100];
	[tilespmem:s28+$0xC280] =	vst v2  }
0x326: {  	(v2sf) =	vpush v1, $0x4;
	v2 =	vld [tilespmem:s2+$0x110];
	_ =	sdelay $0x3  }
0x327: {  	[tilespmem:s29+$0xC280] =	vst v3  }
0x328: {  	v3 =	vld [tilespmem:s0+$0x110];
	[tilespmem:s28+$0xC290] =	vst v2  }
0x329: {  	v2 =	vld [tilespmem:s2+$0x120];
	_ =	sdelay $0x3  }
0x32a: {  	[tilespmem:s29+$0xC290] =	vst v3  }
0x32b: {  	v3 =	vld [tilespmem:s0+$0x120];
	[tilespmem:s28+$0xC2A0] =	vst v2  }
0x32c: {  	v2 =	vld [tilespmem:s2+$0x130];
	_ =	sdelay $0x1  }
0x32d: {  	s11 =	spop (v2sf)  }
0x32e: {  	s12 =	spop (v2sf)  }
0x32f: {  	[tilespmem:s29+$0xC2A0] =	vst v3;
	s2 =	sor.u32 s12, s28  }
0x330: {  	v3 =	vld [tilespmem:s0+$0x130];
	s13 =	sor.u32 $0x4300, s2;
	[tilespmem:s28+$0xC2B0] =	vst v2  }
0x331: {  	v2 =	vld [tilespmem:s13+$0x0];
	_ =	sdelay $0x2  }
0x332: {  	s14 =	sor.u32 s11, s29  }
0x333: {  	s16 =	sor.u32 $0x4300, s14;
	[tilespmem:s29+$0xC2B0] =	vst v3  }
0x334: {  	(v2sf) =	vpush v1, $0x5;
	s15 =	sor.u32 $0x4310, s2;
	v3 =	vld [tilespmem:s16+$0x0];
	[tilespmem:s28+$0xC300] =	vst v2  }
0x335: {  	(v2sf) =	vpush v0, $0x5;
	v2 =	vld [tilespmem:s15+$0x0]  }
0x336: {  	(v2sf) =	vpush v1, $0x6  }
0x337: {  	(v2sf) =	vpush v0, $0x6  }
0x338: {  	(v2sf) =	vpush v1, $0x7  }
0x339: {  	(v2sf) =	vpush v0, $0x7;
	s18 =	sor.u32 $0x4310, s14;
	[tilespmem:s29+$0xC300] =	vst v3  }
0x33a: {  	(v2sf) =	vpush v1, $0x8;
	s17 =	sor.u32 $0x4320, s2;
	v3 =	vld [tilespmem:s18+$0x0];
	[tilespmem:s28+$0xC310] =	vst v2  }
0x33b: {  	(v2sf) =	vpush v0, $0x8;
	v2 =	vld [tilespmem:s17+$0x0]  }
0x33c: {  	(v2sf) =	vpush v1, $0x9  }
0x33d: {  	(v2sf) =	vpush v0, $0x9  }
0x33e: {  	(v2sf) =	vpush v1, $0xA  }
0x33f: {  	s21 =	sor.u32 $0x4320, s14;
	(v2sf) =	vpush v0, $0xA;
	[tilespmem:s29+$0xC310] =	vst v3  }
0x340: {  	s20 =	simm.s32 $0x2;
	(v2sf) =	vpush v1, $0xB;
	s19 =	sor.u32 $0x4330, s2;
	v3 =	vld [tilespmem:s21+$0x0];
	[tilespmem:s28+$0xC320] =	vst v2  }
0x341: {  	(v2sf) =	vpush v0, $0xB;
	s22 =	simm.s32 $0x20;
	v2 =	vld [tilespmem:s19+$0x0];
	s19 =	sor.u32 $0x1, s20  }
0x342: {  	(v2sf) =	vpush v1, $0xC;
	s1 =	sand.u32 $0x3FFFFFF0, s22;
	s2 =	sshll.u32 s19, $0x4  }
0x343: {  	(v2sf) =	vpush v0, $0xC;
	v4 =	vld [tilespmem:s1+$0x80];
	s23 =	spop (v2sf);
	s24 =	sand.u32 $0x3FFFFFF0, s2  }
0x344: {  	(v2sf) =	vpush v1, $0xD;
	s26 =	spop (v2sf);
	v5 =	vld [tilespmem:s24+$0x80]  }
0x345: {  	(v2sf) =	vpush v0, $0xD;
	s25 =	sor.u32 s23, s28;
	s0 =	sor.u32 $0x4330, s14;
	[tilespmem:s29+$0xC320] =	vst v3;
	s20 =	spop (v2sf)  }
0x346: {  	s5 =	sor.u32 $0x4380, s25;
	v3 =	vld [tilespmem:s0+$0x0];
	(v2sf) =	vpush v1, $0xE;
	s4 =	spop (v2sf);
	[tilespmem:s28+$0xC330] =	vst v2  }
0x347: {  	(v2sf) =	vpush v0, $0xE;
	s17 =	spop (v2sf);
	v2 =	vld [tilespmem:s5+$0x0]  }
0x348: {  	(v2sf) =	vpush v1, $0xF;
	v1 =	vshll.u32 v4, $0x6;
	s16 =	spop (v2sf)  }
0x349: {  	(v2sf) =	vpush v0, $0xF;
	v0 =	vand.u32 $0x40, v1;
	s15 =	spop (v2sf);
	v1 =	vshll.u32 v5, $0x6  }
0x34a: {  	s21 =	sor.u32 s26, s29;
	s14 =	spop (v2sf);
	(v2sf) =	vpush v0, $0x0;
	v1 =	vand.u32 $0x40, v1  }
0x34b: {  	s7 =	sor.u32 $0x4380, s21;
	[tilespmem:s29+$0xC330] =	vst v3;
	s13 =	spop (v2sf);
	(v2sf) =	vpush v1, $0x0  }
0x34c: {  	s6 =	sor.u32 $0x4390, s25;
	v3 =	vld [tilespmem:s7+$0x0];
	s12 =	spop (v2sf);
	[tilespmem:s28+$0xC380] =	vst v2  }
0x34d: {  	s11 =	spop (v2sf);
	v2 =	vld [tilespmem:s6+$0x0]  }
0x34e: {  	s10 =	spop (v2sf)  }
0x34f: {  	s9 =	spop (v2sf)  }
0x350: {  	s5 =	spop (v2sf)  }
0x351: {  	s22 =	sor.u32 $0x4390, s21;
	[tilespmem:s29+$0xC380] =	vst v3;
	s6 =	spop (v2sf)  }
0x352: {  	s8 =	sor.u32 $0x43A0, s25;
	v3 =	vld [tilespmem:s22+$0x0];
	s18 =	spop (v2sf);
	[tilespmem:s28+$0xC390] =	vst v2  }
0x353: {  	v2 =	vld [tilespmem:s8+$0x0];
	s8 =	spop (v2sf)  }
0x354: {  	s7 =	spop (v2sf)  }
0x355: {  	s3 =	spop (v2sf)  }
0x356: {  	s0 =	spop (v2sf)  }
0x357: {  	s23 =	sor.u32 $0x43A0, s21;
	[tilespmem:s29+$0xC390] =	vst v3;
	s1 =	spop (v2sf)  }
0x358: {  	s22 =	sor.u32 $0x43B0, s25;
	v3 =	vld [tilespmem:s23+$0x0];
	[tilespmem:s28+$0xC3A0] =	vst v2;
	s2 =	spop (v2sf)  }
0x359: {  	s30 =	simm.s32 $0x1000;
	v2 =	vld [tilespmem:s22+$0x0];
	s23 =	spop (v2sf)  }
0x35a: {  	s31 =	sshll.u32 s19, $0xB;
	s22 =	sor.u32 s23, s30;
	s24 =	spop (v2sf)  }
0x35b: {  	s19 =	sor.u32 s24, s31;
	s25 =	sor.u32 $0x4100, s22  }
0x35c: {  	v4 =	vld [tilespmem:s25+$0x0];
	s26 =	sor.u32 $0x4100, s19  }
0x35d: {  	s21 =	sor.u32 $0x43B0, s21;
	s20 =	sor.u32 s20, s28;
	[tilespmem:s29+$0xC3A0] =	vst v3;
	v5 =	vld [tilespmem:s26+$0x0]  }
0x35e: {  	s20 =	sor.u32 $0x4300, s20;
	v3 =	vld [tilespmem:s21+$0x0];
	[tilespmem:s28+$0xC3B0] =	vst v2  }
0x35f: {  	v2 =	vld [tilespmem:s20+$0x100];
	_ =	sdelay $0x1  }
0x360: {  	s23 =	sor.u32 $0x4110, s22;
	[tilespmem:s30+$0xC100] =	vst v4  }
0x361: {  	s4 =	sor.u32 s4, s29;
	(v2sf) =	vpush v0, $0x1;
	s24 =	sor.u32 $0x4110, s19;
	v4 =	vld [tilespmem:s23+$0x0];
	[tilespmem:s31+$0xC100] =	vst v5  }
0x362: {  	s4 =	sor.u32 $0x4300, s4;
	(v2sf) =	vpush v1, $0x1;
	[tilespmem:s29+$0xC3B0] =	vst v3;
	v5 =	vld [tilespmem:s24+$0x0]  }
0x363: {  	v3 =	vld [tilespmem:s4+$0x100];
	[tilespmem:s28+$0xC400] =	vst v2  }
0x364: {  	v2 =	vld [tilespmem:s20+$0x110];
	_ =	sdelay $0x1  }
0x365: {  	s25 =	sor.u32 $0x4120, s22;
	[tilespmem:s30+$0xC110] =	vst v4  }
0x366: {  	s26 =	sor.u32 $0x4120, s19;
	v4 =	vld [tilespmem:s25+$0x0];
	[tilespmem:s31+$0xC110] =	vst v5  }
0x367: {  	[tilespmem:s29+$0xC400] =	vst v3;
	v5 =	vld [tilespmem:s26+$0x0]  }
0x368: {  	v3 =	vld [tilespmem:s4+$0x110];
	[tilespmem:s28+$0xC410] =	vst v2  }
0x369: {  	v2 =	vld [tilespmem:s20+$0x120];
	_ =	sdelay $0x1  }
0x36a: {  	s23 =	sor.u32 $0x4130, s22;
	[tilespmem:s30+$0xC120] =	vst v4  }
0x36b: {  	s19 =	sor.u32 $0x4130, s19;
	v4 =	vld [tilespmem:s23+$0x0];
	[tilespmem:s31+$0xC120] =	vst v5  }
0x36c: {  	[tilespmem:s29+$0xC410] =	vst v3;
	v5 =	vld [tilespmem:s19+$0x0]  }
0x36d: {  	v3 =	vld [tilespmem:s4+$0x120];
	[tilespmem:s28+$0xC420] =	vst v2  }
0x36e: {  	s24 =	spop (v2sf);
	v2 =	vld [tilespmem:s20+$0x130]  }
0x36f: {  	s25 =	spop (v2sf);
	s19 =	sor.u32 s24, s30  }
0x370: {  	s26 =	sor.u32 $0x4180, s19;
	s20 =	sor.u32 s25, s31;
	[tilespmem:s30+$0xC130] =	vst v4  }
0x371: {  	s22 =	sor.u32 $0x4180, s20;
	v4 =	vld [tilespmem:s26+$0x0];
	[tilespmem:s31+$0xC130] =	vst v5  }
0x372: {  	s17 =	sor.u32 s17, s28;
	[tilespmem:s29+$0xC420] =	vst v3;
	v5 =	vld [tilespmem:s22+$0x0]  }
0x373: {  	s17 =	sor.u32 $0x4380, s17;
	v3 =	vld [tilespmem:s4+$0x130];
	[tilespmem:s28+$0xC430] =	vst v2  }
0x374: {  	v2 =	vld [tilespmem:s17+$0x100];
	_ =	sdelay $0x1  }
0x375: {  	s23 =	sor.u32 $0x4190, s19;
	[tilespmem:s30+$0xC180] =	vst v4  }
0x376: {  	s16 =	sor.u32 s16, s29;
	(v2sf) =	vpush v0, $0x2;
	s24 =	sor.u32 $0x4190, s20;
	v4 =	vld [tilespmem:s23+$0x0];
	[tilespmem:s31+$0xC180] =	vst v5  }
0x377: {  	(v2sf) =	vpush v1, $0x2;
	s4 =	sor.u32 $0x4380, s16;
	[tilespmem:s29+$0xC430] =	vst v3;
	v5 =	vld [tilespmem:s24+$0x0]  }
0x378: {  	v3 =	vld [tilespmem:s4+$0x100];
	[tilespmem:s28+$0xC480] =	vst v2  }
0x379: {  	v2 =	vld [tilespmem:s17+$0x110];
	_ =	sdelay $0x1  }
0x37a: {  	s25 =	sor.u32 $0x41A0, s19;
	[tilespmem:s30+$0xC190] =	vst v4  }
0x37b: {  	s26 =	sor.u32 $0x41A0, s20;
	v4 =	vld [tilespmem:s25+$0x0];
	[tilespmem:s31+$0xC190] =	vst v5  }
0x37c: {  	[tilespmem:s29+$0xC480] =	vst v3;
	v5 =	vld [tilespmem:s26+$0x0]  }
0x37d: {  	v3 =	vld [tilespmem:s4+$0x110];
	[tilespmem:s28+$0xC490] =	vst v2  }
0x37e: {  	v2 =	vld [tilespmem:s17+$0x120];
	_ =	sdelay $0x1  }
0x37f: {  	s19 =	sor.u32 $0x41B0, s19;
	[tilespmem:s30+$0xC1A0] =	vst v4  }
0x380: {  	s21 =	sor.u32 $0x41B0, s20;
	v4 =	vld [tilespmem:s19+$0x0];
	[tilespmem:s31+$0xC1A0] =	vst v5  }
0x381: {  	[tilespmem:s29+$0xC490] =	vst v3;
	v5 =	vld [tilespmem:s21+$0x0]  }
0x382: {  	v3 =	vld [tilespmem:s4+$0x120];
	[tilespmem:s28+$0xC4A0] =	vst v2  }
0x383: {  	s22 =	spop (v2sf);
	v2 =	vld [tilespmem:s17+$0x130]  }
0x384: {  	s16 =	sor.u32 s22, s30;
	s23 =	spop (v2sf)  }
0x385: {  	s16 =	sor.u32 $0x4100, s16;
	s17 =	sor.u32 s23, s31;
	[tilespmem:s30+$0xC1B0] =	vst v4  }
0x386: {  	s17 =	sor.u32 $0x4100, s17;
	v4 =	vld [tilespmem:s16+$0x100];
	[tilespmem:s31+$0xC1B0] =	vst v5  }
0x387: {  	s15 =	sor.u32 s15, s28;
	[tilespmem:s29+$0xC4A0] =	vst v3;
	v5 =	vld [tilespmem:s17+$0x100]  }
0x388: {  	s24 =	sor.u32 $0x4500, s15;
	v3 =	vld [tilespmem:s4+$0x130];
	[tilespmem:s28+$0xC4B0] =	vst v2  }
0x389: {  	v2 =	vld [tilespmem:s24+$0x0];
	_ =	sdelay $0x1  }
0x38a: {  	[tilespmem:s30+$0xC200] =	vst v4  }
0x38b: {  	(v2sf) =	vpush v0, $0x3;
	s4 =	sor.u32 s14, s29;
	v4 =	vld [tilespmem:s16+$0x110];
	[tilespmem:s31+$0xC200] =	vst v5  }
0x38c: {  	(v2sf) =	vpush v1, $0x3;
	s26 =	sor.u32 $0x4500, s4;
	[tilespmem:s29+$0xC4B0] =	vst v3;
	v5 =	vld [tilespmem:s17+$0x110]  }
0x38d: {  	s25 =	sor.u32 $0x4510, s15;
	v3 =	vld [tilespmem:s26+$0x0];
	[tilespmem:s28+$0xC500] =	vst v2  }
0x38e: {  	v2 =	vld [tilespmem:s25+$0x0];
	_ =	sdelay $0x1  }
0x38f: {  	[tilespmem:s30+$0xC210] =	vst v4  }
0x390: {  	v4 =	vld [tilespmem:s16+$0x120];
	[tilespmem:s31+$0xC210] =	vst v5  }
0x391: {  	s21 =	sor.u32 $0x4510, s4;
	[tilespmem:s29+$0xC500] =	vst v3;
	v5 =	vld [tilespmem:s17+$0x120]  }
0x392: {  	s20 =	sor.u32 $0x4520, s15;
	v3 =	vld [tilespmem:s21+$0x0];
	[tilespmem:s28+$0xC510] =	vst v2  }
0x393: {  	v2 =	vld [tilespmem:s20+$0x0];
	_ =	sdelay $0x1  }
0x394: {  	[tilespmem:s30+$0xC220] =	vst v4  }
0x395: {  	v4 =	vld [tilespmem:s16+$0x130];
	[tilespmem:s31+$0xC220] =	vst v5  }
0x396: {  	s23 =	sor.u32 $0x4520, s4;
	[tilespmem:s29+$0xC510] =	vst v3;
	v5 =	vld [tilespmem:s17+$0x130]  }
0x397: {  	s22 =	sor.u32 $0x4530, s15;
	v3 =	vld [tilespmem:s23+$0x0];
	[tilespmem:s28+$0xC520] =	vst v2  }
0x398: {  	s24 =	spop (v2sf);
	v2 =	vld [tilespmem:s22+$0x0]  }
0x399: {  	s14 =	sor.u32 s24, s30;
	s25 =	spop (v2sf)  }
0x39a: {  	s14 =	sor.u32 $0x4180, s14;
	s15 =	sor.u32 s25, s31;
	[tilespmem:s30+$0xC230] =	vst v4  }
0x39b: {  	s15 =	sor.u32 $0x4180, s15;
	v4 =	vld [tilespmem:s14+$0x100];
	[tilespmem:s31+$0xC230] =	vst v5  }
0x39c: {  	s13 =	sor.u32 s13, s28;
	s4 =	sor.u32 $0x4530, s4;
	[tilespmem:s29+$0xC520] =	vst v3;
	v5 =	vld [tilespmem:s15+$0x100]  }
0x39d: {  	s26 =	sor.u32 $0x4580, s13;
	v3 =	vld [tilespmem:s4+$0x0];
	[tilespmem:s28+$0xC530] =	vst v2  }
0x39e: {  	v2 =	vld [tilespmem:s26+$0x0];
	_ =	sdelay $0x1  }
0x39f: {  	[tilespmem:s30+$0xC280] =	vst v4  }
0x3a0: {  	(v2sf) =	vpush v0, $0x4;
	s4 =	sor.u32 s12, s29;
	v4 =	vld [tilespmem:s14+$0x110];
	[tilespmem:s31+$0xC280] =	vst v5  }
0x3a1: {  	(v2sf) =	vpush v1, $0x4;
	s19 =	sor.u32 $0x4580, s4;
	[tilespmem:s29+$0xC530] =	vst v3;
	v5 =	vld [tilespmem:s15+$0x110]  }
0x3a2: {  	s17 =	sor.u32 $0x4590, s13;
	v3 =	vld [tilespmem:s19+$0x0];
	[tilespmem:s28+$0xC580] =	vst v2  }
0x3a3: {  	(v2sf) =	vpush v1, $0x5;
	v2 =	vld [tilespmem:s17+$0x0]  }
0x3a4: {  	(v2sf) =	vpush v0, $0x5  }
0x3a5: {  	(v2sf) =	vpush v1, $0x6;
	[tilespmem:s30+$0xC290] =	vst v4  }
0x3a6: {  	(v2sf) =	vpush v0, $0x6;
	v4 =	vld [tilespmem:s14+$0x120];
	[tilespmem:s31+$0xC290] =	vst v5  }
0x3a7: {  	(v2sf) =	vpush v1, $0x7;
	s21 =	sor.u32 $0x4590, s4;
	[tilespmem:s29+$0xC580] =	vst v3;
	v5 =	vld [tilespmem:s15+$0x120]  }
0x3a8: {  	(v2sf) =	vpush v0, $0x7;
	s20 =	sor.u32 $0x45A0, s13;
	v3 =	vld [tilespmem:s21+$0x0];
	[tilespmem:s28+$0xC590] =	vst v2  }
0x3a9: {  	(v2sf) =	vpush v1, $0x8;
	v2 =	vld [tilespmem:s20+$0x0]  }
0x3aa: {  	(v2sf) =	vpush v0, $0x8  }
0x3ab: {  	(v2sf) =	vpush v1, $0x9;
	[tilespmem:s30+$0xC2A0] =	vst v4  }
0x3ac: {  	(v2sf) =	vpush v0, $0x9;
	v4 =	vld [tilespmem:s14+$0x130];
	[tilespmem:s31+$0xC2A0] =	vst v5  }
0x3ad: {  	(v2sf) =	vpush v1, $0xA;
	s23 =	sor.u32 $0x45A0, s4;
	[tilespmem:s29+$0xC590] =	vst v3;
	v5 =	vld [tilespmem:s15+$0x130]  }
0x3ae: {  	(v2sf) =	vpush v0, $0xA;
	s22 =	sor.u32 $0x45B0, s13;
	v3 =	vld [tilespmem:s23+$0x0];
	[tilespmem:s28+$0xC5A0] =	vst v2  }
0x3af: {  	s24 =	spop (v2sf);
	(v2sf) =	vpush v1, $0xB;
	v2 =	vld [tilespmem:s22+$0x0]  }
0x3b0: {  	s13 =	sor.u32 s24, s30;
	(v2sf) =	vpush v0, $0xB;
	s25 =	spop (v2sf)  }
0x3b1: {  	(v2sf) =	vpush v1, $0xC;
	s12 =	sor.u32 s25, s31;
	s26 =	sor.u32 $0x4300, s13;
	[tilespmem:s30+$0xC2B0] =	vst v4  }
0x3b2: {  	(v2sf) =	vpush v0, $0xC;
	s16 =	sor.u32 $0x4300, s12;
	v4 =	vld [tilespmem:s26+$0x0];
	[tilespmem:s31+$0xC2B0] =	vst v5  }
0x3b3: {  	s11 =	sor.u32 s11, s28;
	s21 =	sor.u32 s5, s29;
	[tilespmem:s29+$0xC5A0] =	vst v3;
	s15 =	spop (v2sf);
	(v2sf) =	vpush v1, $0xD;
	v5 =	vld [tilespmem:s16+$0x0]  }
0x3b4: {  	s17 =	sor.u32 s10, s29;
	s10 =	sor.u32 $0x4500, s11;
	s20 =	spop (v2sf);
	(v2sf) =	vpush v0, $0xD;
	[tilespmem:s28+$0xC5B0] =	vst v2  }
0x3b5: {  	s19 =	sor.u32 $0x45B0, s4;
	s22 =	spop (v2sf);
	(v2sf) =	vpush v1, $0xE;
	v2 =	vld [tilespmem:s10+$0x100];
	[dreg:$0x8] =	wrdreg s21  }
0x3b6: {  	s0 =	sor.u32 s0, s29;
	s24 =	sor.u32 s9, s28;
	s9 =	spop (v2sf);
	(v2sf) =	vpush v0, $0xE;
	v3 =	vld [tilespmem:s19+$0x0]  }
0x3b7: {  	s4 =	sor.u32 s6, s28;
	s23 =	sor.u32 $0x4310, s13;
	s5 =	spop (v2sf);
	(v2sf) =	vpush v1, $0xF;
	[tilespmem:s30+$0xC300] =	vst v4  }
0x3b8: {  	s25 =	sor.u32 s7, s29;
	s7 =	sor.u32 $0x4310, s12;
	s6 =	spop (v2sf);
	(v2sf) =	vpush v0, $0xF;
	v0 =	vld [tilespmem:s23+$0x0];
	[tilespmem:s31+$0xC300] =	vst v5  }
0x3b9: {  	v1 =	vld [tilespmem:s7+$0x0];
	[dreg:$0x4] =	wrdreg s0  }
0x3ba: {  	s14 =	sor.u32 s18, s29;
	[tilespmem:s28+$0xC600] =	vst v2  }
0x3bb: {  	s18 =	sor.u32 s22, s31;
	s16 =	sor.u32 s3, s28;
	s3 =	sor.u32 $0x4500, s17;
	[tilespmem:s29+$0xC5B0] =	vst v3;
	v2 =	vld [tilespmem:s10+$0x110]  }
0x3bc: {  	s19 =	sor.u32 s20, s30;
	s20 =	sor.u32 s5, s31;
	v3 =	vld [tilespmem:s3+$0x100];
	[dreg:$0x13] =	wrdreg s18  }
0x3bd: {  	s22 =	sor.u32 s9, s30;
	[dreg:$0x10] =	wrdreg s20  }
0x3be: {  	s21 =	sor.u32 s1, s28;
	s1 =	sor.u32 $0x4320, s13;
	s5 =	sor.u32 s6, s30;
	[tilespmem:s30+$0xC310] =	vst v0  }
0x3bf: {  	s26 =	sor.u32 s8, s28;
	s8 =	spop (v2sf);
	v0 =	vld [tilespmem:s1+$0x0];
	[dreg:$0xf] =	wrdreg s5  }
0x3c0: {  	s11 =	spop (v2sf);
	s8 =	sor.u32 s8, s31;
	s6 =	sor.u32 $0x4320, s12;
	[tilespmem:s31+$0xC310] =	vst v1  }
0x3c1: {  	s0 =	spop (v2sf);
	s20 =	sor.u32 s11, s30;
	v1 =	vld [tilespmem:s6+$0x0];
	[dreg:$0xe] =	wrdreg s8  }
0x3c2: {  	s23 =	sor.u32 s2, s29;
	s2 =	spop (v2sf);
	[dreg:$0xd] =	wrdreg s20  }
0x3c3: {  	s7 =	sor.u32 s15, s31;
	s0 =	sor.u32 s0, s31;
	s15 =	spop (v2sf);
	[tilespmem:s28+$0xC610] =	vst v2  }
0x3c4: {  	s9 =	spop (v2sf);
	s1 =	sor.u32 s2, s30;
	[dreg:$0xb] =	wrdreg s0  }
0x3c5: {  	s17 =	spop (v2sf);
	[dreg:$0x9] =	wrdreg s1  }
0x3c6: {  	s18 =	spop (v2sf);
	s6 =	sor.u32 s15, s31;
	[tilespmem:s29+$0xC600] =	vst v3  }
0x3c7: {  	s8 =	spop (v2sf);
	v4 =	vld [tilespmem:s10+$0x120];
	[dreg:$0xa] =	wrdreg s6  }
0x3c8: {  	s2 =	spop (v2sf);
	v5 =	vld [tilespmem:s3+$0x110]  }
0x3c9: {  	s13 =	sor.u32 $0x4330, s13;
	s0 =	sor.u32 s2, s30;
	[tilespmem:s30+$0xC320] =	vst v0  }
0x3ca: {  	s20 =	sor.u32 s9, s30;
	s9 =	spop (v2sf);
	v2 =	vld [tilespmem:s13+$0x0];
	[dreg:$0x7] =	wrdreg s0  }
0x3cb: {  	s5 =	sor.u32 s18, s30;
	s18 =	sor.u32 $0x4330, s12;
	s2 =	sor.u32 s9, s31;
	[tilespmem:s31+$0xC320] =	vst v1  }
0x3cc: {  	s11 =	spop (v2sf);
	v3 =	vld [tilespmem:s18+$0x0];
	[dreg:$0x6] =	wrdreg s2  }
0x3cd: {  	s15 =	spop (v2sf);
	[tilespmem:s29+$0xC610] =	vst v5  }
0x3ce: {  	s17 =	sor.u32 s17, s31;
	s1 =	spop (v2sf);
	v1 =	vld [tilespmem:s3+$0x120]  }
0x3cf: {  	s6 =	sor.u32 s8, s31;
	s8 =	simm.s32 $0x4;
	s9 =	spop (v2sf)  }
0x3d0: {  	s15 =	sor.u32 s15, s31;
	s12 =	sor.u32 s1, s30;
	s13 =	spop (v2sf);
	[tilespmem:s28+$0xC620] =	vst v4  }
0x3d1: {  	s18 =	sor.u32 s11, s30;
	s11 =	sor.u32 s9, s31;
	s9 =	sor.u32 s13, s30;
	v0 =	vld [tilespmem:s10+$0x130]  }
.LBB2_9:
0x3d2: {  	_ = 	snop  }
0x3d3: {  	[smem:$0x7CA] =	sst s15;
	s15 =	sshll.u32 s8, $0x4;
	s0 =	sor.u32 $0x1, s8;
	[tilespmem:s29+$0xC620] =	vst v1  }
0x3d4: {  	[smem:$0x7D3] =	sst s9;
	s9 =	sand.u32 $0x3FFFFFF0, s15;
	s10 =	sshll.u32 s0, $0x4;
	v1 =	vld [tilespmem:s3+$0x130]  }
0x3d5: {  	[smem:$0x7D9] =	sst s20;
	s20 =	sand.u32 $0x3FFFFFF0, s10;
	v4 =	vld [tilespmem:s9+$0x80]  }
0x3d6: {  	[smem:$0x7D0] =	sst s21;
	s1 =	sadd.s32 $0x2, s8;
	s21 =	sor.u32 $0x4380, s7;
	v5 =	vld [tilespmem:s20+$0x80];
	[tilespmem:s31+$0xC330] =	vst v3  }
0x3d7: {  	[dreg:$0x18] =	wrdreg s1;
	s1 =	sor.u32 $0x4380, s19;
	v3 =	vld [tilespmem:s21+$0x0];
	[tilespmem:s30+$0xC330] =	vst v2  }
0x3d8: {  	[smem:$0x7D2] =	sst s23;
	s23 =	sor.u32 $0x4580, s24;
	[tilespmem:s28+$0xC630] =	vst v0;
	v6 =	vld [tilespmem:s1+$0x0]  }
0x3d9: {  	s9 =	rddreg [dreg:$0x8];
	v2 =	vld [tilespmem:s23+$0x100]  }
0x3da: {  	s10 =	sor.u32 $0x4580, s9;
	[tilespmem:s29+$0xC630] =	vst v1;
	v0 =	vshll.u32 v4, $0x6  }
0x3db: {  	v1 =	vshll.u32 v5, $0x6;
	v4 =	vld [tilespmem:s10+$0x100];
	v0 =	vand.u32 $0x40, v0  }
0x3dc: {  	[smem:$0x7CB] =	sst s12;
	s12 =	sor.u32 $0x4390, s7;
	[tilespmem:s31+$0xC380] =	vst v3;
	v1 =	vand.u32 $0x40, v1;
	(v2sf) =	vpush v0, $0x0  }
0x3dd: {  	s13 =	sor.u32 $0x4390, s19;
	v3 =	vld [tilespmem:s12+$0x0];
	[tilespmem:s30+$0xC380] =	vst v6;
	(v2sf) =	vpush v1, $0x0  }
0x3de: {  	[tilespmem:s28+$0xC680] =	vst v2;
	v5 =	vld [tilespmem:s13+$0x0]  }
0x3df: {  	v2 =	vld [tilespmem:s23+$0x110]  }
0x3e0: {  	(v2sf) =	vpush v0, $0x1;
	[tilespmem:s29+$0xC680] =	vst v4  }
0x3e1: {  	(v2sf) =	vpush v1, $0x1;
	v4 =	vld [tilespmem:s10+$0x110]  }
0x3e2: {  	s15 =	sor.u32 $0x43A0, s7;
	(v2sf) =	vpush v0, $0x2;
	[tilespmem:s31+$0xC390] =	vst v3  }
0x3e3: {  	s24 =	smov.u32 s17;
	s17 =	sor.u32 $0x43A0, s19;
	(v2sf) =	vpush v1, $0x2;
	v3 =	vld [tilespmem:s15+$0x0];
	[tilespmem:s30+$0xC390] =	vst v5  }
0x3e4: {  	[tilespmem:s28+$0xC690] =	vst v2;
	(v2sf) =	vpush v0, $0x3;
	v5 =	vld [tilespmem:s17+$0x0]  }
0x3e5: {  	v2 =	vld [tilespmem:s23+$0x120];
	(v2sf) =	vpush v1, $0x3  }
0x3e6: {  	(v2sf) =	vpush v0, $0x4;
	[tilespmem:s29+$0xC690] =	vst v4  }
0x3e7: {  	(v2sf) =	vpush v1, $0x4;
	v4 =	vld [tilespmem:s10+$0x120]  }
0x3e8: {  	s20 =	sor.u32 $0x43B0, s7;
	(v2sf) =	vpush v1, $0x5;
	[tilespmem:s31+$0xC3A0] =	vst v3  }
0x3e9: {  	s21 =	sor.u32 $0x43B0, s19;
	(v2sf) =	vpush v0, $0x5;
	v3 =	vld [tilespmem:s20+$0x0];
	[tilespmem:s30+$0xC3A0] =	vst v5  }
0x3ea: {  	[smem:$0x7D1] =	sst s11;
	s2 =	smov.u32 s8;
	p0 =	slt.u32 s8, $0x6;
	[tilespmem:s28+$0xC6A0] =	vst v2;
	(v2sf) =	vpush v1, $0x6;
	v5 =	vld [tilespmem:s21+$0x0]  }
0x3eb: {  	[dreg:$0x1b] =	wrdreg s24;
	s24 =	sshll.u32 s2, $0xB;
	v2 =	vld [tilespmem:s23+$0x130];
	(v2sf) =	vpush v0, $0x6;
	s23 =	spop (v2sf)  }
0x3ec: {  	s17 =	sshll.u32 s0, $0xB;
	(v2sf) =	vpush v1, $0x7;
	[tilespmem:s29+$0xC6A0] =	vst v4;
	s8 =	sor.u32 s23, s24;
	s2 =	spop (v2sf)  }
0x3ed: {  	s11 =	smov.u32 s5;
	(v2sf) =	vpush v0, $0x7;
	v4 =	vld [tilespmem:s10+$0x130];
	s5 =	sor.u32 $0x4100, s8;
	s10 =	sor.u32 s2, s17  }
0x3ee: {  	(v2sf) =	vpush v1, $0x8;
	v6 =	vld [tilespmem:s5+$0x0];
	s9 =	sor.u32 $0x4100, s10  }
0x3ef: {  	s13 =	rddreg [dreg:$0x13];
	s21 =	sor.u32 $0x4300, s22;
	s7 =	spop (v2sf);
	(v2sf) =	vpush v0, $0x8;
	[tilespmem:s30+$0xC3B0] =	vst v5;
	v7 =	vld [tilespmem:s9+$0x0]  }
0x3f0: {  	[dreg:$0x8] =	wrdreg s11;
	s13 =	sor.u32 $0x4300, s13;
	s11 =	spop (v2sf);
	(v2sf) =	vpush v1, $0x9;
	[tilespmem:s31+$0xC3B0] =	vst v3;
	v5 =	vld [tilespmem:s21+$0x100]  }
0x3f1: {  	s19 =	sor.u32 $0x4700, s4;
	s23 =	sor.u32 $0x4700, s14;
	s12 =	spop (v2sf);
	(v2sf) =	vpush v0, $0x9;
	v3 =	vld [tilespmem:s13+$0x100];
	[tilespmem:s28+$0xC6B0] =	vst v2  }
0x3f2: {  	s2 =	sor.u32 s7, s24;
	s5 =	sor.u32 $0x4110, s8;
	s15 =	spop (v2sf);
	(v2sf) =	vpush v1, $0xA;
	[tilespmem:s29+$0xC6B0] =	vst v4  }
0x3f3: {  	s0 =	sor.u32 s12, s24;
	s12 =	sor.u32 $0x4110, s10;
	s20 =	spop (v2sf);
	(v2sf) =	vpush v0, $0xA;
	v2 =	vld [tilespmem:s19+$0x0];
	[tilespmem:s24+$0xC100] =	vst v6  }
0x3f4: {  	[smem:$0x7C9] =	sst s0;
	s0 =	sor.u32 s20, s24;
	s22 =	spop (v2sf);
	(v2sf) =	vpush v1, $0xB;
	v4 =	vld [tilespmem:s23+$0x0]  }
0x3f5: {  	[smem:$0x7CE] =	sst s0;
	s0 =	sor.u32 s22, s17;
	s9 =	spop (v2sf);
	(v2sf) =	vpush v0, $0xB;
	v6 =	vld [tilespmem:s5+$0x0];
	[tilespmem:s17+$0xC100] =	vst v7  }
0x3f6: {  	s3 =	sor.u32 s15, s17;
	[smem:$0x7CF] =	sst s0;
	s15 =	spop (v2sf);
	(v2sf) =	vpush v1, $0xC;
	[tilespmem:s30+$0xC400] =	vst v5;
	v7 =	vld [tilespmem:s12+$0x0]  }
0x3f7: {  	s5 =	sor.u32 s9, s24;
	s23 =	sor.u32 $0x4710, s4;
	(v2sf) =	vpush v0, $0xC;
	s19 =	spop (v2sf);
	[tilespmem:s31+$0xC400] =	vst v3  }
0x3f8: {  	s22 =	sor.u32 s15, s17;
	s12 =	sor.u32 $0x4710, s14;
	s20 =	spop (v2sf);
	(v2sf) =	vpush v1, $0xD;
	v3 =	vld [tilespmem:s13+$0x110];
	[tilespmem:s28+$0xC700] =	vst v2  }
0x3f9: {  	v5 =	vld [tilespmem:s21+$0x110];
	s7 =	sor.u32 s19, s17;
	s19 =	sor.u32 s20, s24;
	(v2sf) =	vpush v0, $0xD;
	s1 =	spop (v2sf);
	[tilespmem:s29+$0xC700] =	vst v4  }
0x3fa: {  	v2 =	vld [tilespmem:s23+$0x0];
	s23 =	sor.u32 $0x4120, s10;
	s0 =	sor.u32 s1, s17;
	s9 =	spop (v2sf);
	(v2sf) =	vpush v1, $0xE;
	[tilespmem:s24+$0xC110] =	vst v6  }
0x3fb: {  	[dreg:$0x13] =	wrdreg s0;
	s0 =	sor.u32 s9, s24;
	(v2sf) =	vpush v0, $0xE;
	s20 =	spop (v2sf);
	[tilespmem:s17+$0xC110] =	vst v7;
	v4 =	vld [tilespmem:s12+$0x0]  }
0x3fc: {  	s15 =	sor.u32 $0x4120, s8;
	[smem:$0x7DC] =	sst s0;
	s1 =	spop (v2sf);
	(v2sf) =	vpush v1, $0xF;
	v1 =	vld [tilespmem:s23+$0x0]  }
0x3fd: {  	v6 =	vld [tilespmem:s15+$0x0];
	s12 =	sor.u32 s20, s17;
	s15 =	sor.u32 s1, s24;
	s9 =	spop (v2sf);
	[tilespmem:s31+$0xC410] =	vst v3  }
0x3fe: {  	s23 =	sor.u32 $0x4720, s4;
	[tilespmem:s30+$0xC410] =	vst v5;
	s0 =	sor.u32 s9, s17;
	s20 =	spop (v2sf)  }
0x3ff: {  	(v2sf) =	vpush v0, $0xF;
	v0 =	vld [tilespmem:s13+$0x120];
	[tilespmem:s28+$0xC710] =	vst v2;
	[smem:$0x7CC] =	sst s0;
	s0 =	sor.u32 s20, s24;
	s1 =	spop (v2sf)  }
0x400: {  	v3 =	vld [tilespmem:s21+$0x120];
	[smem:$0x7CD] =	sst s0;
	s0 =	sor.u32 s1, s17;
	s20 =	spop (v2sf);
	[tilespmem:s29+$0xC710] =	vst v4  }
0x401: {  	v2 =	vld [tilespmem:s23+$0x0];
	[smem:$0x7D5] =	sst s0;
	s0 =	sor.u32 s20, s24;
	s20 =	sor.u32 $0x4130, s10;
	[tilespmem:s17+$0xC120] =	vst v1  }
0x402: {  	s23 =	sor.u32 $0x4720, s14;
	[tilespmem:s24+$0xC120] =	vst v6;
	v1 =	vld [tilespmem:s20+$0x0]  }
0x403: {  	s11 =	sor.u32 s11, s17;
	s8 =	sor.u32 $0x4130, s8;
	s1 =	spop (v2sf);
	v4 =	vld [tilespmem:s23+$0x0]  }
0x404: {  	s9 =	sor.u32 $0x4730, s4;
	[smem:$0x7D6] =	sst s0;
	s0 =	sor.u32 s1, s17;
	[tilespmem:s31+$0xC420] =	vst v0;
	v5 =	vld [tilespmem:s8+$0x0]  }
0x405: {  	[smem:$0x7D7] =	sst s0;
	s23 =	spop (v2sf);
	v0 =	vld [tilespmem:s13+$0x130];
	s13 =	smov.u32 s6  }
0x406: {  	[tilespmem:s30+$0xC420] =	vst v3;
	s0 =	sor.u32 s23, s24;
	s1 =	spop (v2sf);
	[smem:$0x7D4] =	sst s13  }
0x407: {  	[tilespmem:s28+$0xC720] =	vst v2;
	v3 =	vld [tilespmem:s21+$0x130];
	s21 =	sor.u32 $0x4730, s14;
	s23 =	sor.u32 $0x4180, s2;
	s8 =	spop (v2sf)  }
0x408: {  	[smem:$0x7DA] =	sst s0;
	s0 =	sor.u32 s1, s17;
	s10 =	spop (v2sf);
	[tilespmem:s29+$0xC720] =	vst v4  }
0x409: {  	v2 =	vld [tilespmem:s9+$0x0];
	[smem:$0x7D8] =	sst s0;
	s0 =	sor.u32 s8, s24;
	s20 =	spop (v2sf);
	[tilespmem:s24+$0xC130] =	vst v5  }
0x40a: {  	s1 =	sor.u32 s10, s17;
	s4 =	sor.u32 s20, s24;
	s20 =	rddreg [dreg:$0x10];
	v4 =	vld [tilespmem:s21+$0x0]  }
0x40b: {  	[tilespmem:s17+$0xC130] =	vst v1;
	s10 =	sor.u32 $0x4180, s11;
	s6 =	spop (v2sf);
	s9 =	sor.u32 $0x4380, s20;
	v5 =	vld [tilespmem:s23+$0x0]  }
0x40c: {  	v1 =	vld [tilespmem:s10+$0x0];
	[tilespmem:s31+$0xC430] =	vst v0;
	s23 =	sor.u32 s6, s17;
	s6 =	smov.u32 s18;
	s18 =	rddreg [dreg:$0xf]  }
0x40d: {  	[smem:$0x7DB] =	sst s0;
	s13 =	spop (v2sf);
	v0 =	vld [tilespmem:s9+$0x100];
	[tilespmem:s30+$0xC430] =	vst v3;
	s18 =	sor.u32 $0x4380, s18  }
0x40e: {  	s20 =	smov.u32 s25;
	s25 =	smov.u32 s26;
	s14 =	spop (v2sf);
	[tilespmem:s28+$0xC730] =	vst v2;
	v3 =	vld [tilespmem:s18+$0x100]  }
0x40f: {  	s8 =	sor.u32 s13, s24;
	s13 =	sor.u32 $0x4780, s26;
	s21 =	spop (v2sf);
	[tilespmem:s29+$0xC730] =	vst v4  }
0x410: {  	s0 =	sor.u32 s14, s17;
	v2 =	vld [tilespmem:s13+$0x0];
	s14 =	sor.u32 $0x4780, s20;
	s26 =	spop (v2sf);
	[tilespmem:s24+$0xC180] =	vst v5  }
0x411: {  	s13 =	sor.u32 s26, s17;
	s26 =	sor.u32 $0x4190, s2;
	v4 =	vld [tilespmem:s14+$0x0]  }
0x412: {  	[tilespmem:s17+$0xC180] =	vst v1;
	s14 =	smov.u32 s12;
	v5 =	vld [tilespmem:s26+$0x0];
	s12 =	sor.u32 $0x4190, s11  }
0x413: {  	[tilespmem:s30+$0xC480] =	vst v3;
	v1 =	vld [tilespmem:s12+$0x0]  }
0x414: {  	s26 =	smov.u32 s15;
	[tilespmem:s31+$0xC480] =	vst v0;
	v3 =	vld [tilespmem:s18+$0x110]  }
0x415: {  	[dreg:$0xf] =	wrdreg s26;
	v0 =	vld [tilespmem:s9+$0x110];
	[tilespmem:s28+$0xC780] =	vst v2  }
0x416: {  	s15 =	sor.u32 $0x4790, s20;
	s26 =	rddreg [dreg:$0x7];
	s12 =	sor.u32 $0x4790, s25;
	[tilespmem:s29+$0xC780] =	vst v4  }
0x417: {  	[dreg:$0x10] =	wrdreg s14;
	s14 =	smov.u32 s26;
	s26 =	smov.u32 s4;
	v2 =	vld [tilespmem:s12+$0x0];
	[tilespmem:s24+$0xC190] =	vst v5  }
0x418: {  	[dreg:$0x7] =	wrdreg s26;
	s26 =	sor.u32 $0x41A0, s2;
	v4 =	vld [tilespmem:s15+$0x0]  }
0x419: {  	[tilespmem:s17+$0xC190] =	vst v1;
	v5 =	vld [tilespmem:s26+$0x0]  }
0x41a: {  	s15 =	sor.u32 $0x41A0, s11;
	[tilespmem:s30+$0xC490] =	vst v3  }
0x41b: {  	v1 =	vld [tilespmem:s15+$0x0];
	[tilespmem:s31+$0xC490] =	vst v0  }
0x41c: {  	v0 =	vld [tilespmem:s9+$0x120];
	[tilespmem:s28+$0xC790] =	vst v2  }
0x41d: {  	s26 =	sor.u32 $0x47A0, s25;
	v3 =	vld [tilespmem:s18+$0x120];
	[tilespmem:s29+$0xC790] =	vst v4  }
0x41e: {  	s12 =	sor.u32 $0x47A0, s20;
	v2 =	vld [tilespmem:s26+$0x0];
	[tilespmem:s24+$0xC1A0] =	vst v5  }
0x41f: {  	s2 =	sor.u32 $0x41B0, s2;
	v4 =	vld [tilespmem:s12+$0x0]  }
0x420: {  	s15 =	sor.u32 $0x41B0, s11;
	[tilespmem:s17+$0xC1A0] =	vst v1;
	v5 =	vld [tilespmem:s2+$0x0]  }
0x421: {  	v1 =	vld [tilespmem:s15+$0x0];
	[tilespmem:s31+$0xC4A0] =	vst v0  }
0x422: {  	[tilespmem:s30+$0xC4A0] =	vst v3;
	v0 =	vld [tilespmem:s9+$0x130]  }
0x423: {  	s25 =	sor.u32 $0x47B0, s25;
	s15 =	sld [smem:$0x7C9];
	[tilespmem:s28+$0xC7A0] =	vst v2;
	v3 =	vld [tilespmem:s18+$0x130]  }
0x424: {  	v2 =	vld [tilespmem:s25+$0x0];
	[tilespmem:s29+$0xC7A0] =	vst v4  }
0x425: {  	s12 =	sor.u32 $0x47B0, s20;
	[tilespmem:s24+$0xC1B0] =	vst v5  }
0x426: {  	s9 =	rddreg [dreg:$0x6];
	s2 =	sor.u32 $0x4100, s15;
	v4 =	vld [tilespmem:s12+$0x0]  }
0x427: {  	s4 =	rddreg [dreg:$0xe];
	s26 =	smov.u32 s9;
	s9 =	sor.u32 $0x4100, s3;
	[tilespmem:s17+$0xC1B0] =	vst v1;
	v5 =	vld [tilespmem:s2+$0x100]  }
0x428: {  	s11 =	smov.u32 s23;
	s20 =	sor.u32 $0x4500, s4;
	s25 =	smov.u32 s6;
	v1 =	vld [tilespmem:s9+$0x100];
	[tilespmem:s31+$0xC4B0] =	vst v0  }
0x429: {  	s6 =	smov.u32 s1;
	s3 =	sor.u32 $0x4700, s16;
	s1 =	rddreg [dreg:$0xd];
	v0 =	vld [tilespmem:s20+$0x0];
	[tilespmem:s28+$0xC7B0] =	vst v2  }
0x42a: {  	[dreg:$0x6] =	wrdreg s11;
	s18 =	smov.u32 s8;
	s8 =	sor.u32 $0x4500, s1;
	[tilespmem:s30+$0xC4B0] =	vst v3;
	v2 =	vld [tilespmem:s3+$0x100]  }
0x42b: {  	s11 =	rddreg [dreg:$0x4];
	v3 =	vld [tilespmem:s8+$0x0];
	[tilespmem:s29+$0xC7B0] =	vst v4  }
0x42c: {  	s23 =	sld [smem:$0x7CA];
	s8 =	sor.u32 $0x4700, s11;
	[tilespmem:s24+$0xC200] =	vst v5  }
0x42d: {  	v4 =	vld [tilespmem:s8+$0x100]  }
0x42e: {  	[tilespmem:s17+$0xC200] =	vst v1;
	v5 =	vld [tilespmem:s2+$0x110]  }
0x42f: {  	s16 =	smov.u32 s23;
	s23 =	sor.u32 $0x4510, s4;
	v1 =	vld [tilespmem:s9+$0x110];
	[tilespmem:s31+$0xC500] =	vst v0  }
0x430: {  	v0 =	vld [tilespmem:s23+$0x0];
	[tilespmem:s28+$0xC800] =	vst v2  }
0x431: {  	s11 =	sor.u32 $0x4510, s1;
	[tilespmem:s30+$0xC500] =	vst v3;
	v2 =	vld [tilespmem:s3+$0x110]  }
0x432: {  	s12 =	sld [smem:$0x7CB];
	v3 =	vld [tilespmem:s11+$0x0];
	[tilespmem:s29+$0xC800] =	vst v4  }
0x433: {  	[tilespmem:s24+$0xC210] =	vst v5  }
0x434: {  	v4 =	vld [tilespmem:s8+$0x110]  }
0x435: {  	s20 =	smov.u32 s12;
	[tilespmem:s17+$0xC210] =	vst v1;
	v5 =	vld [tilespmem:s2+$0x120]  }
0x436: {  	[dreg:$0x4] =	wrdreg s20;
	s20 =	sor.u32 $0x4520, s4;
	v1 =	vld [tilespmem:s9+$0x120];
	[tilespmem:s31+$0xC510] =	vst v0  }
0x437: {  	s21 =	sor.u32 s21, s24;
	v0 =	vld [tilespmem:s20+$0x0];
	[tilespmem:s28+$0xC810] =	vst v2  }
0x438: {  	s12 =	smov.u32 s21;
	s21 =	sor.u32 $0x4520, s1;
	v2 =	vld [tilespmem:s3+$0x120];
	[tilespmem:s30+$0xC510] =	vst v3  }
0x439: {  	v3 =	vld [tilespmem:s21+$0x0];
	[tilespmem:s29+$0xC810] =	vst v4  }
0x43a: {  	[tilespmem:s24+$0xC220] =	vst v5  }
0x43b: {  	v4 =	vld [tilespmem:s8+$0x120]  }
0x43c: {  	[tilespmem:s17+$0xC220] =	vst v1;
	v5 =	vld [tilespmem:s2+$0x130]  }
0x43d: {  	s23 =	sor.u32 $0x4530, s4;
	v1 =	vld [tilespmem:s9+$0x130];
	[tilespmem:s31+$0xC520] =	vst v0  }
0x43e: {  	s20 =	sor.u32 $0x4530, s1;
	s1 =	rddreg [dreg:$0x9];
	v0 =	vld [tilespmem:s23+$0x0];
	[tilespmem:s28+$0xC820] =	vst v2  }
0x43f: {  	v2 =	vld [tilespmem:s3+$0x130];
	[tilespmem:s30+$0xC520] =	vst v3;
	s2 =	sld [smem:$0x7CE]  }
0x440: {  	s3 =	sld [smem:$0x7CF];
	v3 =	vld [tilespmem:s20+$0x0];
	[tilespmem:s29+$0xC820] =	vst v4  }
0x441: {  	s9 =	sld [smem:$0x7CC];
	[tilespmem:s24+$0xC230] =	vst v5  }
0x442: {  	s15 =	smov.u32 s0;
	s21 =	sld [smem:$0x7CD];
	s0 =	sor.u32 $0x4180, s2;
	v4 =	vld [tilespmem:s8+$0x130]  }
0x443: {  	[tilespmem:s17+$0xC230] =	vst v1;
	s20 =	rddreg [dreg:$0xb];
	v5 =	vld [tilespmem:s0+$0x100];
	s8 =	sor.u32 $0x4180, s3  }
0x444: {  	s11 =	smov.u32 s9;
	s9 =	sld [smem:$0x7D0];
	s4 =	sor.u32 $0x4580, s20;
	v1 =	vld [tilespmem:s8+$0x100];
	[tilespmem:s31+$0xC530] =	vst v0  }
0x445: {  	s23 =	smov.u32 s21;
	[tilespmem:s30+$0xC530] =	vst v3;
	v0 =	vld [tilespmem:s4+$0x0];
	s4 =	sld [smem:$0x7D2]  }
0x446: {  	[dreg:$0xd] =	wrdreg s23;
	s23 =	sor.u32 $0x4580, s1;
	[tilespmem:s28+$0xC830] =	vst v2  }
0x447: {  	[dreg:$0xe] =	wrdreg s11;
	s2 =	sor.u32 $0x4780, s9;
	v3 =	vld [tilespmem:s23+$0x0];
	[tilespmem:s29+$0xC830] =	vst v4  }
0x448: {  	s11 =	sld [smem:$0x7D1];
	v2 =	vld [tilespmem:s2+$0x100];
	s3 =	sor.u32 $0x4780, s4;
	[tilespmem:s24+$0xC280] =	vst v5  }
0x449: {  	s10 =	spop (v2sf);
	s9 =	sld [smem:$0x7D3];
	[tilespmem:s17+$0xC280] =	vst v1;
	v4 =	vld [tilespmem:s3+$0x100]  }
0x44a: {  	s10 =	sor.u32 s10, s24;
	v1 =	vld [tilespmem:s8+$0x110]  }
0x44b: {  	s21 =	smov.u32 s11;
	s11 =	smov.u32 s13;
	s13 =	sor.u32 $0x4590, s20;
	v5 =	vld [tilespmem:s0+$0x110];
	[tilespmem:s31+$0xC580] =	vst v0  }
0x44c: {  	s23 =	smov.u32 s9;
	s9 =	smov.u32 s10;
	s10 =	sor.u32 $0x4590, s1;
	[tilespmem:s30+$0xC580] =	vst v3;
	v0 =	vld [tilespmem:s13+$0x0]  }
0x44d: {  	[tilespmem:s28+$0xC880] =	vst v2;
	v3 =	vld [tilespmem:s10+$0x0]  }
0x44e: {  	v2 =	vld [tilespmem:s2+$0x110];
	[tilespmem:s29+$0xC880] =	vst v4  }
0x44f: {  	[tilespmem:s17+$0xC290] =	vst v1  }
0x450: {  	[tilespmem:s24+$0xC290] =	vst v5;
	v1 =	vld [tilespmem:s8+$0x120]  }
0x451: {  	v4 =	vld [tilespmem:s3+$0x110]  }
0x452: {  	s13 =	sor.u32 $0x45A0, s20;
	[tilespmem:s31+$0xC590] =	vst v0;
	v5 =	vld [tilespmem:s0+$0x120]  }
0x453: {  	v0 =	vld [tilespmem:s13+$0x0];
	[tilespmem:s28+$0xC890] =	vst v2  }
0x454: {  	s10 =	sor.u32 $0x45A0, s1;
	[tilespmem:s30+$0xC590] =	vst v3;
	v2 =	vld [tilespmem:s2+$0x120]  }
0x455: {  	v3 =	vld [tilespmem:s10+$0x0];
	[tilespmem:s17+$0xC2A0] =	vst v1  }
0x456: {  	[tilespmem:s29+$0xC890] =	vst v4  }
0x457: {  	v1 =	vld [tilespmem:s8+$0x130];
	[tilespmem:s24+$0xC2A0] =	vst v5  }
0x458: {  	v4 =	vld [tilespmem:s3+$0x120]  }
0x459: {  	s13 =	sld [smem:$0x7D5];
	[tilespmem:s31+$0xC5A0] =	vst v0;
	v5 =	vld [tilespmem:s0+$0x130]  }
0x45a: {  	s0 =	sor.u32 $0x45B0, s20;
	[tilespmem:s30+$0xC5A0] =	vst v3  }
0x45b: {  	v0 =	vld [tilespmem:s0+$0x0];
	[tilespmem:s28+$0xC8A0] =	vst v2  }
0x45c: {  	s10 =	sor.u32 $0x45B0, s1;
	s20 =	smov.u32 s13;
	s13 =	sld [smem:$0x7D6];
	v2 =	vld [tilespmem:s2+$0x130];
	[tilespmem:s17+$0xC2B0] =	vst v1  }
0x45d: {  	s8 =	sor.u32 $0x4300, s22;
	[dreg:$0xb] =	wrdreg s20;
	v3 =	vld [tilespmem:s10+$0x0];
	[tilespmem:s29+$0xC8A0] =	vst v4  }
0x45e: {  	s10 =	rddreg [dreg:$0xa];
	v1 =	vld [tilespmem:s8+$0x0];
	[tilespmem:s24+$0xC2B0] =	vst v5  }
0x45f: {  	s2 =	sor.u32 $0x4300, s5;
	s20 =	smov.u32 s13;
	s13 =	sld [smem:$0x7D7];
	v4 =	vld [tilespmem:s3+$0x130]  }
0x460: {  	s0 =	sor.u32 $0x4500, s10;
	[tilespmem:s31+$0xC5B0] =	vst v0;
	v5 =	vld [tilespmem:s2+$0x0];
	s3 =	sld [smem:$0x7D9]  }
0x461: {  	v0 =	vld [tilespmem:s0+$0x100];
	[tilespmem:s28+$0xC8B0] =	vst v2  }
0x462: {  	s28 =	smov.u32 s31;
	s31 =	smov.u32 s17;
	[tilespmem:s30+$0xC5B0] =	vst v3  }
0x463: {  	[dreg:$0x9] =	wrdreg s20;
	s20 =	smov.u32 s13;
	[tilespmem:s31+$0xC300] =	vst v1;
	s3 =	sor.u32 $0x4500, s3  }
0x464: {  	s13 =	sor.u32 $0x4310, s22;
	v2 =	vld [tilespmem:s3+$0x100];
	[tilespmem:s29+$0xC8B0] =	vst v4;
	s29 =	smov.u32 s30;
	s30 =	smov.u32 s24  }
0x465: {  	s10 =	sor.u32 $0x4310, s5;
	v1 =	vld [tilespmem:s13+$0x0];
	[tilespmem:s30+$0xC300] =	vst v5  }
0x466: {  	[tilespmem:s28+$0xC600] =	vst v0;
	v3 =	vld [tilespmem:s10+$0x0]  }
0x467: {  	s8 =	sld [smem:$0x7DA];
	v0 =	vld [tilespmem:s0+$0x110];
	_ =	sdelay $0x1  }
0x468: {  	[tilespmem:s29+$0xC600] =	vst v2  }
0x469: {  	[dreg:$0xa] =	wrdreg s20;
	s20 =	smov.u32 s8;
	s8 =	sor.u32 $0x4320, s22;
	[tilespmem:s31+$0xC310] =	vst v1;
	v2 =	vld [tilespmem:s3+$0x110]  }
0x46a: {  	s1 =	sor.u32 $0x4320, s5;
	v4 =	vld [tilespmem:s8+$0x0];
	[tilespmem:s30+$0xC310] =	vst v3  }
0x46b: {  	[tilespmem:s28+$0xC610] =	vst v0;
	v3 =	vld [tilespmem:s1+$0x0]  }
0x46c: {  	v0 =	vld [tilespmem:s0+$0x120]  }
0x46d: {  	s4 =	sld [smem:$0x7D4]  }
.Ltmp6:
0x46e: {  	s17 =	sld [smem:$0x7D8];
	[tilespmem:s29+$0xC610] =	vst v2;
	(pc) =	sbr.rel @p0 .LBB2_9-.Ltmp6, $4  }
0x46f: {  	s13 =	sor.u32 $0x4330, s22;
	s22 =	sld [smem:$0x7DC];
	[tilespmem:s31+$0xC320] =	vst v4;
	v1 =	vld [tilespmem:s3+$0x120]  }
0x470: {  	s24 =	rddreg [dreg:$0x1b];
	s10 =	sor.u32 $0x4330, s5;
	[tilespmem:s30+$0xC320] =	vst v3;
	v3 =	vld [tilespmem:s13+$0x0]  }
0x471: {  	s5 =	sld [smem:$0x7DB];
	[tilespmem:s28+$0xC620] =	vst v0;
	v2 =	vld [tilespmem:s10+$0x0]  }
0x472: {  	s8 =	rddreg [dreg:$0x18];
	v0 =	vld [tilespmem:s0+$0x130]  }
0x473: {  	_ =	sdelay $0x1  }
0x474: {  	s0 =	sor.u32 $0x4380, s7;
	[tilespmem:s31+$0xC330] =	vst v3  }
0x475: {  	v3 =	vld [tilespmem:s0+$0x0];
	_ =	sdelay $0x3  }
0x476: {  	s8 =	sor.u32 $0x4380, s19;
	[tilespmem:s30+$0xC330] =	vst v2  }
0x477: {  	s10 =	sor.u32 $0x4390, s7;
	v2 =	vld [tilespmem:s8+$0x0];
	[tilespmem:s31+$0xC380] =	vst v3  }
0x478: {  	v3 =	vld [tilespmem:s10+$0x0];
	_ =	sdelay $0x3  }
0x479: {  	s13 =	sor.u32 $0x4390, s19;
	[tilespmem:s30+$0xC380] =	vst v2  }
0x47a: {  	s1 =	sor.u32 $0x43A0, s7;
	v2 =	vld [tilespmem:s13+$0x0];
	[tilespmem:s31+$0xC390] =	vst v3  }
0x47b: {  	v3 =	vld [tilespmem:s1+$0x0];
	_ =	sdelay $0x3  }
0x47c: {  	s2 =	sor.u32 $0x43A0, s19;
	[tilespmem:s30+$0xC390] =	vst v2  }
0x47d: {  	s8 =	sor.u32 $0x43B0, s7;
	v2 =	vld [tilespmem:s2+$0x0];
	[tilespmem:s31+$0xC3A0] =	vst v3  }
0x47e: {  	v3 =	vld [tilespmem:s8+$0x0];
	_ =	sdelay $0x3  }
0x47f: {  	s10 =	sor.u32 $0x43B0, s19;
	[tilespmem:s30+$0xC3A0] =	vst v2  }
0x480: {  	v2 =	vld [tilespmem:s10+$0x0];
	[tilespmem:s31+$0xC3B0] =	vst v3  }
0x481: {  	s13 =	rddreg [dreg:$0x13]  }
0x482: {  	s0 =	sor.u32 $0x4300, s13  }
0x483: {  	v3 =	vld [tilespmem:s0+$0x100];
	_ =	sdelay $0x1  }
0x484: {  	s1 =	sor.u32 $0x4300, s22;
	[tilespmem:s30+$0xC3B0] =	vst v2  }
0x485: {  	v2 =	vld [tilespmem:s1+$0x100];
	_ =	sdelay $0x1  }
0x486: {  	[tilespmem:s31+$0xC400] =	vst v3  }
0x487: {  	v3 =	vld [tilespmem:s0+$0x110];
	_ =	sdelay $0x1  }
0x488: {  	[tilespmem:s30+$0xC400] =	vst v2  }
0x489: {  	v2 =	vld [tilespmem:s1+$0x110];
	_ =	sdelay $0x1  }
0x48a: {  	[tilespmem:s31+$0xC410] =	vst v3  }
0x48b: {  	v3 =	vld [tilespmem:s0+$0x120];
	_ =	sdelay $0x1  }
0x48c: {  	[tilespmem:s30+$0xC410] =	vst v2  }
0x48d: {  	v2 =	vld [tilespmem:s1+$0x120];
	_ =	sdelay $0x1  }
0x48e: {  	[tilespmem:s31+$0xC420] =	vst v3  }
0x48f: {  	v3 =	vld [tilespmem:s0+$0x130];
	_ =	sdelay $0x1  }
0x490: {  	[tilespmem:s30+$0xC420] =	vst v2  }
0x491: {  	v2 =	vld [tilespmem:s1+$0x130];
	_ =	sdelay $0x1  }
0x492: {  	[tilespmem:s31+$0xC430] =	vst v3  }
0x493: {  	s19 =	rddreg [dreg:$0x10]  }
0x494: {  	s0 =	sor.u32 $0x4380, s19  }
0x495: {  	[tilespmem:s30+$0xC430] =	vst v2;
	v3 =	vld [tilespmem:s0+$0x100]  }
0x496: {  	s22 =	rddreg [dreg:$0xf]  }
0x497: {  	s1 =	sor.u32 $0x4380, s22  }
0x498: {  	v2 =	vld [tilespmem:s1+$0x100];
	_ =	sdelay $0x1  }
0x499: {  	[tilespmem:s31+$0xC480] =	vst v3  }
0x49a: {  	v3 =	vld [tilespmem:s0+$0x110];
	_ =	sdelay $0x1  }
0x49b: {  	[tilespmem:s30+$0xC480] =	vst v2  }
0x49c: {  	v2 =	vld [tilespmem:s1+$0x110];
	_ =	sdelay $0x1  }
0x49d: {  	[tilespmem:s31+$0xC490] =	vst v3  }
0x49e: {  	v3 =	vld [tilespmem:s0+$0x120];
	_ =	sdelay $0x1  }
0x49f: {  	[tilespmem:s30+$0xC490] =	vst v2  }
0x4a0: {  	v2 =	vld [tilespmem:s1+$0x120];
	_ =	sdelay $0x1  }
0x4a1: {  	[tilespmem:s31+$0xC4A0] =	vst v3  }
0x4a2: {  	v3 =	vld [tilespmem:s0+$0x130];
	_ =	sdelay $0x1  }
0x4a3: {  	[tilespmem:s30+$0xC4A0] =	vst v2  }
0x4a4: {  	v2 =	vld [tilespmem:s1+$0x130];
	_ =	sdelay $0x1  }
0x4a5: {  	[tilespmem:s31+$0xC4B0] =	vst v3  }
0x4a6: {  	s2 =	rddreg [dreg:$0xe]  }
0x4a7: {  	s1 =	sor.u32 $0x4500, s2  }
0x4a8: {  	[tilespmem:s30+$0xC4B0] =	vst v2;
	v3 =	vld [tilespmem:s1+$0x0]  }
0x4a9: {  	s1 =	rddreg [dreg:$0xd]  }
0x4aa: {  	s7 =	sor.u32 $0x4500, s1  }
0x4ab: {  	v2 =	vld [tilespmem:s7+$0x0];
	_ =	sdelay $0x1  }
0x4ac: {  	s8 =	sor.u32 $0x4510, s2;
	[tilespmem:s31+$0xC500] =	vst v3  }
0x4ad: {  	v3 =	vld [tilespmem:s8+$0x0];
	_ =	sdelay $0x1  }
0x4ae: {  	s10 =	sor.u32 $0x4510, s1;
	[tilespmem:s30+$0xC500] =	vst v2  }
0x4af: {  	v2 =	vld [tilespmem:s10+$0x0];
	_ =	sdelay $0x1  }
0x4b0: {  	s13 =	sor.u32 $0x4520, s2;
	[tilespmem:s31+$0xC510] =	vst v3  }
0x4b1: {  	v3 =	vld [tilespmem:s13+$0x0];
	_ =	sdelay $0x1  }
0x4b2: {  	s19 =	sor.u32 $0x4520, s1;
	[tilespmem:s30+$0xC510] =	vst v2  }
0x4b3: {  	v2 =	vld [tilespmem:s19+$0x0];
	_ =	sdelay $0x1  }
0x4b4: {  	s22 =	sor.u32 $0x4530, s2;
	[tilespmem:s31+$0xC520] =	vst v3  }
0x4b5: {  	v3 =	vld [tilespmem:s22+$0x0];
	_ =	sdelay $0x1  }
0x4b6: {  	s2 =	sor.u32 $0x4530, s1;
	[tilespmem:s30+$0xC520] =	vst v2  }
0x4b7: {  	v2 =	vld [tilespmem:s2+$0x0];
	_ =	sdelay $0x1  }
0x4b8: {  	[tilespmem:s31+$0xC530] =	vst v3  }
0x4b9: {  	s2 =	rddreg [dreg:$0xb]  }
0x4ba: {  	s7 =	sor.u32 $0x4580, s2  }
0x4bb: {  	[tilespmem:s30+$0xC530] =	vst v2;
	v3 =	vld [tilespmem:s7+$0x0]  }
0x4bc: {  	s1 =	rddreg [dreg:$0x9]  }
0x4bd: {  	s8 =	sor.u32 $0x4580, s1  }
0x4be: {  	v2 =	vld [tilespmem:s8+$0x0];
	_ =	sdelay $0x1  }
0x4bf: {  	s10 =	sor.u32 $0x4590, s2;
	[tilespmem:s31+$0xC580] =	vst v3  }
0x4c0: {  	v3 =	vld [tilespmem:s10+$0x0];
	_ =	sdelay $0x1  }
0x4c1: {  	s13 =	sor.u32 $0x4590, s1;
	[tilespmem:s30+$0xC580] =	vst v2  }
0x4c2: {  	v2 =	vld [tilespmem:s13+$0x0];
	_ =	sdelay $0x1  }
0x4c3: {  	s19 =	sor.u32 $0x45A0, s2;
	[tilespmem:s31+$0xC590] =	vst v3  }
0x4c4: {  	v3 =	vld [tilespmem:s19+$0x0];
	_ =	sdelay $0x1  }
0x4c5: {  	s22 =	sor.u32 $0x45A0, s1;
	[tilespmem:s30+$0xC590] =	vst v2  }
0x4c6: {  	v2 =	vld [tilespmem:s22+$0x0];
	_ =	sdelay $0x1  }
0x4c7: {  	s7 =	sor.u32 $0x45B0, s2;
	[tilespmem:s31+$0xC5A0] =	vst v3  }
0x4c8: {  	v3 =	vld [tilespmem:s7+$0x0];
	_ =	sdelay $0x1  }
0x4c9: {  	s8 =	sor.u32 $0x45B0, s1;
	[tilespmem:s30+$0xC5A0] =	vst v2  }
0x4ca: {  	v2 =	vld [tilespmem:s8+$0x0];
	_ =	sdelay $0x1  }
0x4cb: {  	[tilespmem:s31+$0xC5B0] =	vst v3  }
0x4cc: {  	s10 =	rddreg [dreg:$0xa]  }
0x4cd: {  	s0 =	sor.u32 $0x4500, s10  }
0x4ce: {  	s13 =	sor.u32 $0x4500, s20;
	[tilespmem:s30+$0xC5B0] =	vst v2;
	v3 =	vld [tilespmem:s0+$0x100]  }
0x4cf: {  	v2 =	vld [tilespmem:s13+$0x100];
	_ =	sdelay $0x3  }
0x4d0: {  	[tilespmem:s31+$0xC600] =	vst v3  }
0x4d1: {  	[tilespmem:s30+$0xC600] =	vst v2;
	v3 =	vld [tilespmem:s0+$0x110]  }
0x4d2: {  	v2 =	vld [tilespmem:s13+$0x110];
	_ =	sdelay $0x3  }
0x4d3: {  	[tilespmem:s31+$0xC610] =	vst v3  }
0x4d4: {  	[tilespmem:s30+$0xC610] =	vst v2;
	v3 =	vld [tilespmem:s0+$0x120]  }
0x4d5: {  	v2 =	vld [tilespmem:s13+$0x120]  }
0x4d6: {  	[tilespmem:s29+$0xC620] =	vst v1  }
0x4d7: {  	v1 =	vld [tilespmem:s3+$0x130];
	_ =	sdelay $0x1  }
0x4d8: {  	[tilespmem:s31+$0xC620] =	vst v3  }
0x4d9: {  	[tilespmem:s30+$0xC620] =	vst v2;
	v3 =	vld [tilespmem:s0+$0x130]  }
0x4da: {  	[tilespmem:s28+$0xC630] =	vst v0;
	v2 =	vld [tilespmem:s13+$0x130]  }
0x4db: {  	[tilespmem:s29+$0xC630] =	vst v1  }
0x4dc: {  	s19 =	sor.u32 $0x4580, s24;
	s20 =	rddreg [dreg:$0x8]  }
0x4dd: {  	v0 =	vld [tilespmem:s19+$0x100];
	s1 =	sor.u32 $0x4580, s20  }
0x4de: {  	s22 =	sor.u32 $0x4580, s17;
	v1 =	vld [tilespmem:s1+$0x100];
	[tilespmem:s31+$0xC630] =	vst v3  }
0x4df: {  	s24 =	sor.u32 $0x4580, s5;
	[tilespmem:s30+$0xC630] =	vst v2;
	v3 =	vld [tilespmem:s22+$0x100]  }
0x4e0: {  	v2 =	vld [tilespmem:s24+$0x100];
	_ =	sdelay $0x1  }
0x4e1: {  	[tilespmem:s28+$0xC680] =	vst v0  }
0x4e2: {  	v0 =	vld [tilespmem:s19+$0x110];
	[tilespmem:s29+$0xC680] =	vst v1  }
0x4e3: {  	v1 =	vld [tilespmem:s1+$0x110];
	[tilespmem:s31+$0xC680] =	vst v3  }
0x4e4: {  	[tilespmem:s30+$0xC680] =	vst v2;
	v3 =	vld [tilespmem:s22+$0x110]  }
0x4e5: {  	v2 =	vld [tilespmem:s24+$0x110];
	_ =	sdelay $0x1  }
0x4e6: {  	[tilespmem:s28+$0xC690] =	vst v0  }
0x4e7: {  	v0 =	vld [tilespmem:s19+$0x120];
	[tilespmem:s29+$0xC690] =	vst v1  }
0x4e8: {  	v1 =	vld [tilespmem:s1+$0x120];
	[tilespmem:s31+$0xC690] =	vst v3  }
0x4e9: {  	[tilespmem:s30+$0xC690] =	vst v2;
	v3 =	vld [tilespmem:s22+$0x120]  }
0x4ea: {  	v2 =	vld [tilespmem:s24+$0x120];
	_ =	sdelay $0x1  }
0x4eb: {  	[tilespmem:s28+$0xC6A0] =	vst v0  }
0x4ec: {  	v0 =	vld [tilespmem:s19+$0x130];
	[tilespmem:s29+$0xC6A0] =	vst v1  }
0x4ed: {  	v1 =	vld [tilespmem:s1+$0x130];
	[tilespmem:s31+$0xC6A0] =	vst v3  }
0x4ee: {  	[tilespmem:s30+$0xC6A0] =	vst v2;
	v3 =	vld [tilespmem:s22+$0x130]  }
0x4ef: {  	v2 =	vld [tilespmem:s24+$0x130];
	_ =	sdelay $0x1  }
0x4f0: {  	s5 =	sor.u32 $0x4700, s4;
	[tilespmem:s28+$0xC6B0] =	vst v0  }
0x4f1: {  	s7 =	sor.u32 $0x4700, s14;
	v0 =	vld [tilespmem:s5+$0x0];
	[tilespmem:s29+$0xC6B0] =	vst v1  }
0x4f2: {  	s8 =	sor.u32 $0x4700, s6;
	v1 =	vld [tilespmem:s7+$0x0];
	[tilespmem:s31+$0xC6B0] =	vst v3  }
0x4f3: {  	[tilespmem:s30+$0xC6B0] =	vst v2;
	v3 =	vld [tilespmem:s8+$0x0]  }
0x4f4: {  	s1 =	rddreg [dreg:$0x7]  }
0x4f5: {  	s10 =	sor.u32 $0x4700, s1  }
0x4f6: {  	s13 =	sor.u32 $0x4710, s4;
	[tilespmem:s28+$0xC700] =	vst v0;
	v2 =	vld [tilespmem:s10+$0x0]  }
0x4f7: {  	s17 =	sor.u32 $0x4710, s14;
	v0 =	vld [tilespmem:s13+$0x0];
	[tilespmem:s29+$0xC700] =	vst v1  }
0x4f8: {  	s19 =	sor.u32 $0x4710, s6;
	v1 =	vld [tilespmem:s17+$0x0];
	[tilespmem:s31+$0xC700] =	vst v3  }
0x4f9: {  	v3 =	vld [tilespmem:s19+$0x0];
	_ =	sdelay $0x1  }
0x4fa: {  	s20 =	sor.u32 $0x4710, s1;
	[tilespmem:s30+$0xC700] =	vst v2  }
0x4fb: {  	s22 =	sor.u32 $0x4720, s4;
	[tilespmem:s28+$0xC710] =	vst v0;
	v2 =	vld [tilespmem:s20+$0x0]  }
0x4fc: {  	s24 =	sor.u32 $0x4720, s14;
	v0 =	vld [tilespmem:s22+$0x0];
	[tilespmem:s29+$0xC710] =	vst v1  }
0x4fd: {  	s2 =	sor.u32 $0x4720, s6;
	v1 =	vld [tilespmem:s24+$0x0];
	[tilespmem:s31+$0xC710] =	vst v3  }
0x4fe: {  	v3 =	vld [tilespmem:s2+$0x0];
	_ =	sdelay $0x1  }
0x4ff: {  	s3 =	sor.u32 $0x4720, s1;
	[tilespmem:s30+$0xC710] =	vst v2  }
0x500: {  	s5 =	sor.u32 $0x4730, s4;
	[tilespmem:s28+$0xC720] =	vst v0;
	v2 =	vld [tilespmem:s3+$0x0]  }
0x501: {  	s7 =	sor.u32 $0x4730, s14;
	v0 =	vld [tilespmem:s5+$0x0];
	[tilespmem:s29+$0xC720] =	vst v1  }
0x502: {  	s8 =	sor.u32 $0x4730, s6;
	v1 =	vld [tilespmem:s7+$0x0];
	[tilespmem:s31+$0xC720] =	vst v3  }
0x503: {  	v3 =	vld [tilespmem:s8+$0x0];
	_ =	sdelay $0x1  }
0x504: {  	s10 =	sor.u32 $0x4730, s1;
	[tilespmem:s30+$0xC720] =	vst v2  }
0x505: {  	s13 =	sor.u32 $0x4780, s26;
	[tilespmem:s28+$0xC730] =	vst v0;
	v2 =	vld [tilespmem:s10+$0x0]  }
0x506: {  	s14 =	sor.u32 $0x4780, s25;
	v0 =	vld [tilespmem:s13+$0x0];
	[tilespmem:s29+$0xC730] =	vst v1  }
0x507: {  	v1 =	vld [tilespmem:s14+$0x0];
	[tilespmem:s31+$0xC730] =	vst v3  }
0x508: {  	s17 =	rddreg [dreg:$0x6]  }
0x509: {  	s19 =	sor.u32 $0x4780, s17  }
0x50a: {  	s20 =	sor.u32 $0x4780, s18;
	[tilespmem:s30+$0xC730] =	vst v2;
	v3 =	vld [tilespmem:s19+$0x0]  }
0x50b: {  	s22 =	sor.u32 $0x4790, s26;
	[tilespmem:s28+$0xC780] =	vst v0;
	v2 =	vld [tilespmem:s20+$0x0]  }
0x50c: {  	s24 =	sor.u32 $0x4790, s25;
	v0 =	vld [tilespmem:s22+$0x0];
	[tilespmem:s29+$0xC780] =	vst v1  }
0x50d: {  	v1 =	vld [tilespmem:s24+$0x0];
	_ =	sdelay $0x1  }
0x50e: {  	s2 =	sor.u32 $0x4790, s17;
	[tilespmem:s31+$0xC780] =	vst v3  }
0x50f: {  	s3 =	sor.u32 $0x4790, s18;
	[tilespmem:s30+$0xC780] =	vst v2;
	v3 =	vld [tilespmem:s2+$0x0]  }
0x510: {  	s4 =	sor.u32 $0x47A0, s26;
	[tilespmem:s28+$0xC790] =	vst v0;
	v2 =	vld [tilespmem:s3+$0x0]  }
0x511: {  	s5 =	sor.u32 $0x47A0, s25;
	v0 =	vld [tilespmem:s4+$0x0];
	[tilespmem:s29+$0xC790] =	vst v1  }
0x512: {  	v1 =	vld [tilespmem:s5+$0x0];
	_ =	sdelay $0x1  }
0x513: {  	s6 =	sor.u32 $0x47A0, s17;
	[tilespmem:s31+$0xC790] =	vst v3  }
0x514: {  	s7 =	sor.u32 $0x47A0, s18;
	[tilespmem:s30+$0xC790] =	vst v2;
	v3 =	vld [tilespmem:s6+$0x0]  }
0x515: {  	s8 =	sor.u32 $0x47B0, s26;
	[tilespmem:s28+$0xC7A0] =	vst v0;
	v2 =	vld [tilespmem:s7+$0x0]  }
0x516: {  	s10 =	sor.u32 $0x47B0, s25;
	v0 =	vld [tilespmem:s8+$0x0];
	[tilespmem:s29+$0xC7A0] =	vst v1  }
0x517: {  	v1 =	vld [tilespmem:s10+$0x0];
	_ =	sdelay $0x1  }
0x518: {  	s13 =	sor.u32 $0x47B0, s17;
	[tilespmem:s31+$0xC7A0] =	vst v3  }
0x519: {  	s14 =	sor.u32 $0x47B0, s18;
	[tilespmem:s30+$0xC7A0] =	vst v2;
	v3 =	vld [tilespmem:s13+$0x0]  }
0x51a: {  	[tilespmem:s28+$0xC7B0] =	vst v0;
	v2 =	vld [tilespmem:s14+$0x0]  }
0x51b: {  	s17 =	sor.u32 $0x4700, s16;
	[tilespmem:s29+$0xC7B0] =	vst v1  }
0x51c: {  	v0 =	vld [tilespmem:s17+$0x100];
	s18 =	rddreg [dreg:$0x4]  }
0x51d: {  	s1 =	sor.u32 $0x4700, s18  }
0x51e: {  	s19 =	sor.u32 $0x4700, s15;
	v1 =	vld [tilespmem:s1+$0x100];
	[tilespmem:s31+$0xC7B0] =	vst v3  }
0x51f: {  	s20 =	sor.u32 $0x4700, s12;
	[tilespmem:s30+$0xC7B0] =	vst v2;
	v3 =	vld [tilespmem:s19+$0x100]  }
0x520: {  	v2 =	vld [tilespmem:s20+$0x100]  }
0x521: {  	[tilespmem:s28+$0xC800] =	vst v0  }
0x522: {  	v0 =	vld [tilespmem:s17+$0x110]  }
0x523: {  	[tilespmem:s29+$0xC800] =	vst v1  }
0x524: {  	v1 =	vld [tilespmem:s1+$0x110];
	[tilespmem:s31+$0xC800] =	vst v3  }
0x525: {  	[tilespmem:s30+$0xC800] =	vst v2;
	v3 =	vld [tilespmem:s19+$0x110]  }
0x526: {  	v2 =	vld [tilespmem:s20+$0x110]  }
0x527: {  	[tilespmem:s28+$0xC810] =	vst v0  }
0x528: {  	v0 =	vld [tilespmem:s17+$0x120]  }
0x529: {  	[tilespmem:s29+$0xC810] =	vst v1  }
0x52a: {  	v1 =	vld [tilespmem:s1+$0x120];
	[tilespmem:s31+$0xC810] =	vst v3  }
0x52b: {  	[tilespmem:s30+$0xC810] =	vst v2;
	v3 =	vld [tilespmem:s19+$0x120]  }
0x52c: {  	v2 =	vld [tilespmem:s20+$0x120]  }
0x52d: {  	[tilespmem:s28+$0xC820] =	vst v0  }
0x52e: {  	v0 =	vld [tilespmem:s17+$0x130]  }
0x52f: {  	[tilespmem:s29+$0xC820] =	vst v1  }
0x530: {  	v1 =	vld [tilespmem:s1+$0x130];
	[tilespmem:s31+$0xC820] =	vst v3  }
0x531: {  	[tilespmem:s30+$0xC820] =	vst v2;
	v3 =	vld [tilespmem:s19+$0x130]  }
0x532: {  	v2 =	vld [tilespmem:s20+$0x130]  }
0x533: {  	s22 =	sor.u32 $0x4780, s21;
	[tilespmem:s28+$0xC830] =	vst v0  }
0x534: {  	v0 =	vld [tilespmem:s22+$0x100]  }
0x535: {  	s24 =	sor.u32 $0x4780, s23;
	[tilespmem:s29+$0xC830] =	vst v1  }
0x536: {  	s25 =	sor.u32 $0x4780, s11;
	v1 =	vld [tilespmem:s24+$0x100];
	[tilespmem:s31+$0xC830] =	vst v3  }
0x537: {  	s26 =	sor.u32 $0x4780, s9;
	[tilespmem:s30+$0xC830] =	vst v2;
	v3 =	vld [tilespmem:s25+$0x100]  }
0x538: {  	v2 =	vld [tilespmem:s26+$0x100]  }
0x539: {  	[tilespmem:s28+$0xC880] =	vst v0  }
0x53a: {  	v0 =	vld [tilespmem:s22+$0x110]  }
0x53b: {  	[tilespmem:s29+$0xC880] =	vst v1  }
0x53c: {  	v1 =	vld [tilespmem:s24+$0x110];
	[tilespmem:s31+$0xC880] =	vst v3  }
0x53d: {  	[tilespmem:s30+$0xC880] =	vst v2;
	v3 =	vld [tilespmem:s25+$0x110]  }
0x53e: {  	v2 =	vld [tilespmem:s26+$0x110]  }
0x53f: {  	[tilespmem:s28+$0xC890] =	vst v0  }
0x540: {  	v0 =	vld [tilespmem:s22+$0x120]  }
0x541: {  	[tilespmem:s29+$0xC890] =	vst v1  }
0x542: {  	v1 =	vld [tilespmem:s24+$0x120];
	[tilespmem:s31+$0xC890] =	vst v3  }
0x543: {  	[tilespmem:s30+$0xC890] =	vst v2;
	v3 =	vld [tilespmem:s25+$0x120]  }
0x544: {  	v2 =	vld [tilespmem:s26+$0x120]  }
0x545: {  	[tilespmem:s28+$0xC8A0] =	vst v0  }
0x546: {  	v0 =	vld [tilespmem:s22+$0x130]  }
0x547: {  	[tilespmem:s29+$0xC8A0] =	vst v1  }
0x548: {  	v1 =	vld [tilespmem:s24+$0x130];
	[tilespmem:s31+$0xC8A0] =	vst v3  }
0x549: {  	[tilespmem:s30+$0xC8A0] =	vst v2;
	v3 =	vld [tilespmem:s25+$0x130]  }
0x54a: {  	v2 =	vld [tilespmem:s26+$0x130]  }
0x54b: {  	[tilespmem:s28+$0xC8B0] =	vst v0  }
0x54c: {  	s28 =	sld [smem:$0x7FA]  }
0x54d: {  	s2 =	sld [smem:$0x7F3];
	[tilespmem:s29+$0xC8B0] =	vst v1  }
0x54e: {  	[tilespmem:s31+$0xC8B0] =	vst v3  }
0x54f: {  	[tilespmem:s30+$0xC8B0] =	vst v2  }
0x550: {  	s15 =	sld [smem:$0x7F2];
	_ =	sdelay $0x2  }
0x551: {  	p0 =	seq.s32 s15, $0x63  }
.Ltmp7:
0x552: {  	s0 =	sadd.s32 s2, s28;
	s30 =	sld [smem:$0x7F6];
	(pc) =	sbr.rel @p0 .LBB2_12-.Ltmp7, $4  }
0x553: {  	s0 =	sshll.u32 s0, $0xB  }
0x554: {  	s0 =	sand.u32 $0xFFFF800, s0  }
0x555: {  	s7 =	simm.s32 $0x0;
	s31 =	simm.s32 $0xC100;
	s0 =	sadd.s32 s30, s0  }
0x556: {  	[hbm4b:s0+s7] =	stream.linear.scatter [tilespmem:s31], [sflag:$0x6], $0x4000, $0x38;
	[tilespmem:$0x10100] =	vst v63  }
0x557: {  	s0 =	sld [smem:$0x7FC];
	_ =	sdelay $0x2  }
0x558: {  	s0 =	sadd.s32 s2, s0  }
0x559: {  	s31 =	rddreg [dreg:$0x1];
	s1 =	sshll.u32 s0, $0x4  }
.Ltmp8:
0x55a: {  	s2 =	sshll.u32 s0, $0x7;
	s0 =	sshrl.u32 s0, $0x1;
	(pc) =	sbr.rel .LBB2_2-.Ltmp8, $4  }
0x55b: {  	s1 =	sand.u32 $0xFFFF000, s1;
	s2 =	sand.u32 $0xF80, s2;
	s0 =	sand.u32 $0x70, s0  }
0x55c: {  	s1 =	sor.u32 s1, s2;
	s0 =	sadd.s32 s31, s0  }
0x55d: {  	s15 =	sadd.s32 $0x1, s15;
	s0 =	sadd.s32 s1, s0;
	s1 =	simm.s32 $0x80  }
0x55e: {  	[tilespmem:s1], [sflag:$0x2] =	stream.linear.gather [hbm4b:s0+s7], $0x80, $0x38;
	[tilespmem:$0x10100] =	vst v63  }
.LBB2_13:
0x55f: {  	_ =	sfence.sel $0x180000  }
0x560: {  	[bflag:$0x0] =	sbarrier.arrive $0xFFFF  }
0x561: {  	_ =	strace $0x90000047  }
0x562: {  	s0 =	stileid.u32;
	[bflag:$0x2] =	sbarrier.arrive $0xFFFF  }
0x563: {  	p0 =	sne.s32 s0, $0x0;
	s0 =	rddreg [dreg:$0x2]  }
0x564: {  	s0 =	sadd.s32 @!p0 $0x100000, s0  }
0x565: {  	[sflag:s0] =	ssyncadd.tile.s32 @!p0 $0x1;
	_ =	shalt  }
.Lfunc_end2:
_tile_overlayer_lowered:
.L_overlay_start_2:
0x566: {  	(tag) =	ssettag $0x2  }
0x567: {  	s0 =	rddreg [dreg:$0x0];
	s2 =	stileid.u32  }
0x568: {  	s1 =	rddreg [dreg:$0x1];
	p0 =	sne.s32 s2, $0x0  }
0x569: {  	s3 =	rddreg [dreg:$0x2];
	[bflag:$0x3] =	sbarrier.arrive $0xFFFF;
	s2 =	simm.s32 @!p0 $0x1C07  }
0x56a: {  	[timem:s3], [sflag:s2] =	dma.local @!p0 [hbm:s0], s1  }
0x56b: {  	s0 =	simm.s32 @!p0 $0x7  }
0x56c: {  	_ =	swait.ge @!p0 [sflag:s0], s1  }
0x56d: {  	s1 =	ssub.s32 @!p0 $0x0, s1;
	[sflag:s0] =	ssyncset.done @!p0 $0x0  }
0x56e: {  	[sflag:s0] =	ssyncadd.s32 @!p0 s1  }
0x56f: {  	[bflag:$0x3] =	sbarrier.arrive $0xFFFF  }
0x570: {  	_ =	shalt  }

// kernel: sparse-core-data-format-call.cloned.1.call-start
scs
called_computation_lowered:
.L_overlay_start_0:
0x0: {  	s2 =	sld [smem:$0x3FD9]  }
0x1: {  	s3 =	sld [smem:$0x3FFE];
	_ =	sdelay $0x1  }
0x2: {  	s1 =	srdreg.scid  }
0x3: {  	s0 =	sand.u32 $0x1, s1  }
0x4: {  	s18 =	sshll.u32 s0, $0xA;
	s2 =	sadd.s32 s3, s2  }
0x5: {  	s2 =	sadd.s32 s2, s18  }
0x6: {  	[smem:$0x3FC6] =	sst s2  }
0x7: {  	_ = 	snop  }
0x8: {  	s2 =	sld [smem:$0x3FD0];
	(tm) =	ssettm $0x1  }
0x9: {  	s19 =	sld [smem:$0x3FFB];
	_ =	sdelay $0x3  }
0xa: {  	_ =	strace s19  }
0xb: {  	s3 =	sld [smem:$0x3FFC];
	_ =	sdelay $0x3  }
0xc: {  	_ =	strace s3  }
0xd: {  	s3 =	sld [smem:$0x3FFD];
	_ =	sdelay $0x3  }
0xe: {  	_ =	strace s3  }
0xf: {  	_ =	strace $0x8FFFFFFF  }
0x10: {  	s20 =	sld [smem:$0x3FDB];
	_ =	sdelay $0x1  }
0x11: {  	s4 =	simm.s32 $_scs_section_size  }
0x12: {  	s5 =	simm.s32 $_size__tile_overlayer_lowered;
	s6 =	simm.s32 $_tile_overlayer_lowered  }
0x13: {  	s23 =	simm.s32 $0x1BFF;
	s22 =	sshll.u32 s6, $0x1;
	s3 =	sadd.s32 s4, s20  }
0x14: {  	s7 =	simm.s32 $0x0;
	s21 =	sshll.u32 s5, $0x1;
	s5 =	sadd.s32 s22, s3  }
0x15: {  	[timem:s7], [sflag:s23] =	dma.local [hbm:s5], s21  }
0x16: {  	_ =	swait.ge [sflag:s23], s21  }
0x17: {  	s4 =	ssub.s32 $0x0, s21;
	[sflag:s23] =	ssyncset.done $0x0  }
0x18: {  	[sflag:s23] =	ssyncadd.s32 s4;
	_ =	sdelay $0x1  }
0x19: {  	s24 =	simm.s32 $0x1B8B  }
0x1a: {  	_ =	swait.ge [sflag:s24], $0x1  }
0x1b: {  	[sflag:s24] =	ssyncset.done $0x0  }
0x1c: {  	s26 =	simm.s32 $0x1B8E;
	s25 =	sld [smem:$0x3FFE];
	[sflag:s24] =	ssyncadd.s32 $0xFFFFFFFF  }
0x1d: {  	s27 =	simm.s32 $execute0_lowered;
	[smem:$0x3FD2] =	sst s26  }
0x1e: {  	s5 =	sshll.u32 s27, $0x1;
	_ =	strace $0x80000049;
	[dreg:$0x1] =	wrdreg $0xFFFFFFFF  }
0x1f: {  	s28 =	simm.s32 $_size_execute0_lowered;
	s3 =	sadd.s32 s3, s5;
	[dreg:$0x0] =	wrdreg $0x0  }
0x20: {  	s5 =	sshll.u32 s28, $0x1;
	[dreg:$0x2] =	wrdreg s3  }
0x21: {  	[dreg:$0x3] =	wrdreg s5  }
0x22: {  	[dreg:$0x4] =	wrdreg $0xC0  }
0x23: {  	_ =	task [dreg:s7], $0x5FFFF  }
0x24: {  	[dreg:$0x1] =	wrdreg $0xFFFFFFFF  }
0x25: {  	[dreg:$0x0] =	wrdreg $0x60  }
0x26: {  	[dreg:$0x2] =	wrdreg s25  }
0x27: {  	[dreg:$0x3] =	wrdreg s2  }
0x28: {  	[dreg:$0x4] =	wrdreg $0x9  }
0x29: {  	_ =	task.clear_ibuf [dreg:s7], $0x5FFFF;
	_ =	strace $0x90000049  }
0x2a: {  	s29 =	simm.s32 $0x9;
	_ =	strace $0x8000004B  }
0x2b: {  	_ =	swait.ge [sflag:s29], $0x1  }
0x2c: {  	[sflag:s29] =	ssyncadd.s32 $0xFFFFFFFF  }
0x2d: {  	_ =	strace $0x9000004B  }
0x2e: {  	_ =	sfence  }
0x2f: {  	s30 =	sld [smem:$0x0];
	_ =	sdelay $0x2  }
0x30: {  	s31 =	sshll.u32 s1, $0xD;
	s1 =	sshrl.u32 s1, $0x2  }
0x31: {  	s3 =	sand.u32 $0x4000, s31;
	s1 =	sadd.s32 s1, s30  }
0x32: {  	s0 =	sor.u32 s3, s0;
	s1 =	sshll.u32 s1, $0x11  }
0x33: {  	s0 =	sor.u32 s1, s0  }
0x34: {  	s0 =	sadd.s32 $0x8F2B, s0  }
0x35: {  	[sflag:s0] =	ssyncadd.remote.s32 $0x1  }
0x36: {  	_ =	sfence.sel $0xFFFF  }
0x37: {  	[dreg:$0x0] =	wrdreg $0xFFFFFFFF;
	(pc) =	sbr.abs _section_cstart, $3  }
0x38: {  	[dreg:$0x1] =	wrdreg $0xFFFFFFFF  }
0x39: {  	_ =	task.clear_ibuf [dreg:s7], $0x2FFFF;
	_ =	strace $0x9FFFFFFF  }
0x3a: {  	(tm) =	ssettm $0x7FFFFFFF  }
0x3b: {  	_ =	shalt  }
tec
execute0_lowered:
.L_overlay_start_1:
0x0: {  	(tag) =	ssettag $0x1  }
0x1: {  	s0 =	srdreg.scid  }
0x2: {  	s1 =	sshll.u32 s0, $0x4  }
0x3: {  	s5 =	rddreg [dreg:$0x0];
	s0 =	stileid.u32;
	s1 =	sand.u32 $0x10, s1  }
0x4: {  	s3 =	rddreg [dreg:$0x1];
	s31 =	simm.s32 $0x2;
	s4 =	sor.u32 s0, s1  }
0x5: {  	s13 =	simm.s32 $0x0;
	s9 =	simm.s32 $0x400;
	s2 =	sshll.u32 s4, $0x7  }
0x6: {  	s10 =	simm.s32 $0x8000;
	s14 =	simm.s32 $0x0;
	s6 =	ssub.s32 $0x1000, s2  }
0x7: {  	s1 =	rddreg [dreg:$0x2];
	_ =	strace $0x8000004A;
	s7 =	sand.u32 $0xF80, s6  }
0x8: {  	s4 =	sshll.u32 s4, $0xB;
	p0 =	sne.s32 s7, $0x0;
	s7 =	simm.s32 $0x1  }
.Ltmp0:
0x9: {  	s6 =	sshrl.u32 s6, $0xC;
	s7 =	simm.s32 @!p0 $0x0;
	(pc) =	sbr.rel .LBB1_1-.Ltmp0, $4  }
0xa: {  	s8 =	sadd.s32 s4, s5;
	s4 =	simm.s32 $0x1;
	s30 =	sadd.s32 s7, s6  }
0xb: {  	s11 =	simm.s32 $0x0;
	[sflag:s4] =	ssyncpa.u1 $0x0;
	s5 =	smul.u32 $0x64, s30  }
0xc: {  	s12 =	simm.s32 $0x0;
	[sflag:s31] =	ssyncpa.u1 $0x0;
	p0 =	por $0x0, $0x0  }
0xd: {  	s6 =	sadd.s32 $0x800, s8;
	s7 =	sadd.s32 $0x10800, s8;
	s8 =	sor.u32 $0x1, s5  }
.LBB1_7:
0xe: {  	s15 =	sadd.s32 $0x2, s11  }
0xf: {  	p2 =	sgt.s32 s15, $0xC7  }
0x10: {  	s15 =	simm.s32 @p2 $0x0;
	p2 =	sne.s32 s12, s8  }
.Ltmp1:
0x11: {  	p1 =	slt.u32 s12, $0x2;
	(pc) =	sbr.rel @!p2 .LBB1_8-.Ltmp1, $4  }
0x12: {  	s13 =	simm.s32 @!p1 $0x2  }
0x13: {  	s16 =	sadd.s32 $0x1, s12;
	s14 =	smov.u32 s11;
	_ =	swait.ge @!p1 [sflag:s13], $0x4000  }
0x14: {  	p0 =	por !p0, !p0;
	s12 =	smov.u32 s16;
	[sflag:s13] =	ssyncset.done @!p1 $0x0  }
0x15: {  	s11 =	smov.u32 s15;
	[sflag:s13] =	ssyncadd.s32 @!p1 $0xFFFFC000;
	s13 =	smov.u32 s2  }
.LBB1_1:
0x16: {  	p1 =	sge.u32 s12, s5  }
0x17: {  	s15 =	sxor.u32 @!p1 $0xFFFFFFFF, s12  }
0x18: {  	s16 =	sshll.u32 @!p1 s11, $0x10;
	s18 =	simm.s32 @!p1 $0x40;
	s15 =	sshll.u32 @!p1 s15, $0xE  }
0x19: {  	s19 =	simm.s32 @!p1 $0x80;
	s17 =	sadd.s32 @!p1 s16, s6;
	s15 =	sand.u32 @!p1 $0x4000, s15  }
0x1a: {  	[tilespmem:s15], [sflag:$0x1] =	stream.strided.gather @!p1 [hbm4b:s17+s18], $0x2000, s19, s18, $0x38;
	[tilespmem:$0x10100] =	vst v63  }
0x1b: {  	s31 =	sadd.s32 $0xFFFFFFFF, s12;
	s16 =	sadd.s32 @!p1 s16, s7;
	s15 =	sor.u32 @!p1 $0x2000, s15  }
0x1c: {  	[tilespmem:s15], [sflag:$0x1] =	stream.strided.gather @!p1 [hbm4b:s16+s18], $0x2000, s19, s18, $0x38;
	[tilespmem:$0x10100] =	vst v63  }
0x1d: {  	p1 =	sge.u32 s31, s5  }
.Ltmp2:
0x1e: {  	_ = 	snop;
	(pc) =	sbr.rel @p1 .LBB1_7-.Ltmp2, $1  }
0x1f: {  	_ =	sdelay $0x3  }
0x20: {  	s15 =	simm.s32 $0x1;
	s17 =	sand.u32 $0x1, s12  }
0x21: {  	_ =	swait.ge [sflag:s4], $0x4000;
	s15 =	simm.s32 @!p0 $0x0;
	s17 =	smul.u32 $0x10200, s17  }
0x22: {  	p2 =	por $0x1, $0x1;
	[sflag:s4] =	ssyncset.done $0x0;
	s16 =	smul.u32 $0x10200, s15  }
0x23: {  	s18 =	sshll.u32 s15, $0x10;
	[sflag:s4] =	ssyncadd.s32 $0xFFFFC000;
	s30 =	sshrl.u32 s17, $0x2  }
0x24: {  	s31 =	sshrl.u32 s18, $0x2;
	s18 =	simm.s32 $0x0;
	s16 =	sshrl.u32 s16, $0x2  }
0x25: {  	s15 =	sor.u32 $0x8000, s30;
	s17 =	sadd.s32 $0x20, s31;
	s16 =	sor.u32 $0x8000, s16  }
.LBB1_3:
0x26: {  	s19 =	sshll.u32 s18, $0xD  }
0x27: {  	s19 =	sand.u32 $0x3FFFE000, s19  }
0x28: {  	s21 =	sadd.s32 s19, s17  }
0x29: {  	s31 =	smul.u32 $0x8100, s18;
	v3 =	vld [tilespmem:s21+$0x10]  }
0x2a: {  	v1 =	vld [tilespmem:s21+$0xFFFFFFF0]  }
0x2b: {  	s18 =	sshra.s32 s31, $0x2;
	v0 =	vld [tilespmem:s21+$0x0]  }
0x2c: {  	s18 =	sadd.s32 s18, s16;
	v2 =	vld [tilespmem:s21+$0xFFFFFFE0]  }
0x2d: {  	s19 =	sadd.s32 $0x0, s18  }
0x2e: {  	p1 =	por p2, p2;
	s20 =	simm.s32 $0x4;
	s21 =	sadd.s32 $0x40, s21;
	[tilespmem:s19+$0x1830 ss:$0x81] =	vst.msk $0xffff, v3  }
.LBB1_4:
0x2f: {  	v3 =	vld [tilespmem:s21+$0x10];
	p2 =	sne.s32 s20, $0x1FC;
	[tilespmem:s19+$0x810 ss:$0x81] =	vst.msk $0xffff, v1;
	s22 =	smov.u32 s20;
	s20 =	sadd.s32 $0x4, s20  }
.Ltmp3:
0x30: {  	v1 =	vld [tilespmem:s21+$0xFFFFFFF0];
	[tilespmem:s19+$0x1020 ss:$0x81] =	vst.msk $0xffff, v0;
	(pc) =	sbr.rel @p2 .LBB1_4-.Ltmp3, $4  }
0x31: {  	v0 =	vld [tilespmem:s21+$0x0];
	[tilespmem:s19+$0x0 ss:$0x81] =	vst.msk $0xffff, v2  }
0x32: {  	s19 =	sshra.s32 s22, $0x2;
	v2 =	vld [tilespmem:s21+$0xFFFFFFE0]  }
0x33: {  	s19 =	sadd.s32 s19, s18  }
0x34: {  	s21 =	sadd.s32 $0x40, s21;
	[tilespmem:s19+$0x1830 ss:$0x81] =	vst.msk $0xffff, v3  }
.Ltmp4:
0x35: {  	(pc) =	sbr.rel @p1 .LBB1_3-.Ltmp4, $4  }
0x36: {  	_ = 	snop  }
0x37: {  	[tilespmem:s19+$0x810 ss:$0x81] =	vst.msk $0xffff, v1  }
0x38: {  	[tilespmem:s19+$0x1020 ss:$0x81] =	vst.msk $0xffff, v0  }
0x39: {  	s18 =	simm.s32 $0x1;
	p2 =	por $0x0, $0x0;
	[tilespmem:s19+$0x0 ss:$0x81] =	vst.msk $0xffff, v2  }
.Ltmp5:
0x3a: {  	(pc) =	sbr.rel .LBB1_7-.Ltmp5, $4  }
0x3b: {  	s14 =	sshll.u32 s14, $0xF  }
0x3c: {  	s14 =	sadd.s32 s3, s14  }
0x3d: {  	s13 =	sadd.s32 s13, s14  }
0x3e: {  	[hbm4b:s13+s9] =	stream.strided.scatter [tilespmem:s15], [sflag:$0x2], $0x4000, s10, s9, $0x20;
	[tilespmem:$0x10100] =	vst v63  }
.LBB1_8:
0x3f: {  	_ =	sfence.sel $0x180000  }
0x40: {  	s2 =	simm.s32 $0x1;
	[bflag:$0x0] =	sbarrier.arrive $0xFFFF  }
0x41: {  	s31 =	simm.s32 $0x2;
	[sflag:s2] =	ssyncpa.u1 $0x1  }
0x42: {  	[sflag:s31] =	ssyncpa.u1 $0x1  }
0x43: {  	p0 =	sne.s32 s0, $0x0;
	_ =	strace $0x9000004A  }
0x44: {  	s0 =	sadd.s32 @!p0 $0x100000, s1;
	[bflag:$0x2] =	sbarrier.arrive $0xFFFF  }
0x45: {  	[sflag:s0] =	ssyncadd.tile.s32 @!p0 $0x1;
	_ =	shalt  }
.Lfunc_end1:
_tile_overlayer_lowered:
.L_overlay_start_2:
0x46: {  	(tag) =	ssettag $0x2  }
0x47: {  	s0 =	rddreg [dreg:$0x0];
	s2 =	stileid.u32  }
0x48: {  	s1 =	rddreg [dreg:$0x1];
	p0 =	sne.s32 s2, $0x0  }
0x49: {  	s3 =	rddreg [dreg:$0x2];
	[bflag:$0x3] =	sbarrier.arrive $0xFFFF;
	s2 =	simm.s32 @!p0 $0x1C01  }
0x4a: {  	[timem:s3], [sflag:s2] =	dma.local @!p0 [hbm:s0], s1  }
0x4b: {  	s0 =	simm.s32 @!p0 $0x1  }
0x4c: {  	_ =	swait.ge @!p0 [sflag:s0], s1  }
0x4d: {  	s1 =	ssub.s32 @!p0 $0x0, s1;
	[sflag:s0] =	ssyncset.done @!p0 $0x0  }
0x4e: {  	[sflag:s0] =	ssyncadd.s32 @!p0 s1  }
0x4f: {  	[bflag:$0x3] =	sbarrier.arrive $0xFFFF  }
0x50: {  	_ =	shalt  }

</sc_bundles>
